<compile_context>
chip_gen: v7x
topology: tpu7x:2x2x1
jax: 0.10.2.dev20260603
libtpu: 0.0.44.dev20260713+nightly
codegen_flags: <defaults>
</compile_context>

<pallas_src>
import jax
import jax.numpy as jnp
from jax import lax
from jax.experimental import pallas as pl
from jax.experimental.pallas import tpu as pltpu
from jax.experimental.pallas import tpu_sc as plsc

N = 32768
D = 768
E = 8
L = 16
NW = 32

N_SC = 8192
N_TC = N - N_SC

BLK = 2048
NBLK = N_TC // BLK
NBUF = 4


def _tc_body(x_hbm, w_ref, b_ref, o_ref, *scr):
    xbufs = scr[:NBUF]
    sems = scr[NBUF:]

    def src(i):
        return x_hbm.at[pl.ds(i * BLK, BLK), :]

    for i in range(min(NBUF, NBLK)):
        pltpu.make_async_copy(src(i), xbufs[i], sems[i]).start()

    for i in range(NBLK):
        bi = i % NBUF
        pltpu.make_async_copy(src(i), xbufs[bi], sems[bi]).wait()
        logits = jnp.dot(
            xbufs[bi][...], w_ref[...], preferred_element_type=jnp.float32
        ) + b_ref[...]
        m = jnp.max(logits, axis=-1, keepdims=True)
        ex = jnp.exp(logits - m)
        o_ref[pl.ds(i * BLK, BLK), :] = ex / jnp.sum(ex, axis=-1, keepdims=True)
        if i + NBUF < NBLK:
            pltpu.make_async_copy(src(i + NBUF), xbufs[bi], sems[bi]).start()


def _tc_router(x_tc, Wt, b2):
    return pl.pallas_call(
        _tc_body,
        in_specs=[
            pl.BlockSpec(memory_space=pltpu.MemorySpace.HBM),
            pl.BlockSpec(memory_space=pltpu.VMEM),
            pl.BlockSpec(memory_space=pltpu.VMEM),
        ],
        out_specs=pl.BlockSpec(memory_space=pltpu.VMEM),
        out_shape=jax.ShapeDtypeStruct((N, E), jnp.float32),
        scratch_shapes=(
            [pltpu.VMEM((BLK, D), jnp.float32) for _ in range(NBUF)]
            + [pltpu.SemaphoreType.DMA for _ in range(NBUF)]
        ),
    )(x_tc, Wt, b2)


CHUNK = 64
TG = 4
DC = D // L

_GATHER_DNUMS = lax.GatherDimensionNumbers(
    offset_dims=(), collapsed_slice_dims=(0,), start_index_map=(0,)
)


def _permute(v, idx):
    return lax.gather(
        v, idx[:, None], _GATHER_DNUMS, slice_sizes=(1,),
        mode=lax.GatherScatterMode.PROMISE_IN_BOUNDS,
    )


def _seg8(v, op, idx):
    for s in (4, 2, 1):
        v = op(v, _permute(v, idx ^ s))
    return v


def _transpose_reduce16(vecs, idx, masks):
    for s, m in zip((1, 2, 4, 8), masks):
        nxt = []
        for k in range(len(vecs) // 2):
            a, b = vecs[2 * k], vecs[2 * k + 1]
            pa = _permute(a, idx ^ s)
            pb = _permute(b, idx ^ s)
            nxt.append(jnp.where(m, a, pb) + jnp.where(m, pa, b))
        vecs = nxt
    return vecs[0]


def _make_sc_body(tpw, tok_offset):
    nchunk = tpw // CHUNK

    def _sc_body(x_hbm, b16_hbm, w_hbm, out_hbm, w_v, b_v, x_v0, x_v1, o_v,
                 sem0, sem1):
        wid = lax.axis_index("s") * 2 + lax.axis_index("c")
        base = tok_offset + wid * tpw

        pltpu.sync_copy(w_hbm, w_v)
        pltpu.sync_copy(b16_hbm, b_v)
        b16 = b_v[...]
        idx = lax.iota(jnp.int32, L)
        masks = [(idx & s) == 0 for s in (1, 2, 4, 8)]
        bufs = (x_v0, x_v1)
        sems = (sem0, sem1)

        def src(ci):
            row = pl.multiple_of(base + ci * CHUNK, 8)
            return x_hbm.at[pl.ds(row, CHUNK), :]

        def compute(ci, x_v):
            tok0 = ci * CHUNK

            def tg_body(g, _):
                t0 = g * TG

                def c_body(c, accs):
                    col = c * L
                    xs = [x_v[t0 + t, pl.ds(col, L)] for t in range(TG)]
                    ws = [w_v[e, pl.ds(col, L)] for e in range(E)]
                    return tuple(
                        accs[t * E + e] + xs[t] * ws[e]
                        for t in range(TG)
                        for e in range(E)
                    )

                accs = lax.fori_loop(
                    0, DC, c_body,
                    tuple(jnp.zeros((L,), jnp.float32) for _ in range(TG * E)),
                )

                for pair in range(TG // 2):
                    v = _transpose_reduce16(
                        list(accs[pair * 2 * E:(pair * 2 + 2) * E]), idx, masks
                    ) + b16
                    m = _seg8(v, jnp.maximum, idx)
                    ex = jnp.exp(v - m)
                    s = _seg8(ex, jnp.add, idx)
                    o_v[pl.ds((tok0 + t0 + 2 * pair) * E, 2 * E)] = ex / s
                return 0

            lax.fori_loop(0, CHUNK // TG, tg_body, 0)

        pltpu.async_copy(src(0), bufs[0], sems[0])
        if nchunk > 1:
            pltpu.async_copy(src(1), bufs[1], sems[1])
        for ci in range(nchunk):
            bi = ci % 2
            pltpu.make_async_copy(src(ci), bufs[bi], sems[bi]).wait()
            compute(ci, bufs[bi])
            if ci + 2 < nchunk:
                pltpu.async_copy(src(ci + 2), bufs[bi], sems[bi])

        ooff = pl.multiple_of((base - tok_offset) * E, 8)
        pltpu.sync_copy(o_v, out_hbm.at[pl.ds(ooff, tpw * E)])

    return _sc_body


def _sc_router(x1, b16, w1, n_tok, tok_offset):
    tpw = n_tok // NW
    mesh = plsc.VectorSubcoreMesh(core_axis_name="c", subcore_axis_name="s")
    return pl.kernel(
        _make_sc_body(tpw, tok_offset),
        mesh=mesh,
        out_type=jax.ShapeDtypeStruct((n_tok * E,), jnp.float32),
        scratch_types=[
            pltpu.VMEM((E, D), jnp.float32),
            pltpu.VMEM((L,), jnp.float32),
            pltpu.VMEM((CHUNK, D), jnp.float32),
            pltpu.VMEM((CHUNK, D), jnp.float32),
            pltpu.VMEM((tpw * E,), jnp.float32),
            pltpu.SemaphoreType.DMA,
            pltpu.SemaphoreType.DMA,
        ],
    )(x1, b16, w1)


def kernel(x, W, b):
    Wt = W.T
    b2 = b.reshape(1, E)
    b16 = jnp.tile(b, 2)
    out_sc = _sc_router(x, b16, W, N_SC, N_TC).reshape(N_SC, E)
    out_tc = _tc_router(x, Wt, b2)
    return lax.dynamic_update_slice(out_tc, out_sc, (N_TC, 0))

# --- scband reference (transcript-rebuilt; emitter-appended) ---
"""Pipeline reference for scband-router-37211596653140 (READ-ONLY COPY).

The authoritative reference and input builder live on the scoring server;
editing this copy changes nothing except your own understanding.
"""

import jax, jax.numpy as jnp
import numpy as np

D_MODEL = 768
NUM_EXPERTS = 8
N_TOKENS = 32768

def setup_inputs(seed: int = 0) -> dict:
    key = jax.random.key(seed)
    k1, k2, k3 = jax.random.split(key, 3)
    x = jax.random.normal(k1, (N_TOKENS, D_MODEL), dtype=jnp.float32)
    # nn.Linear(d_model, num_experts): weight [num_experts, d_model], bias [num_experts]
    bound = 1.0 / np.sqrt(D_MODEL)
    W = jax.random.uniform(k2, (NUM_EXPERTS, D_MODEL), dtype=jnp.float32, minval=-bound, maxval=bound)
    b = jax.random.uniform(k3, (NUM_EXPERTS,), dtype=jnp.float32, minval=-bound, maxval=bound)
    return {"x": x, "W": W, "b": b}

def reference(x, W, b):
    logits = x @ W.T + b
    return jax.nn.softmax(logits, axis=-1)

if __name__ == "__main__":
    import jax
    _d = setup_inputs()
    print(jax.jit(kernel)(*tuple(_d.values())))

</pallas_src>

<mosaic_0001>
#map = affine_map<(d0, d1) -> (0, 0)>
#map1 = affine_map<(d0, d1) -> (0)>
module attributes {stable_mosaic.version = 14 : i64} {
  func.func @_sc_body(%arg0: i32, %arg1: i32, %arg2: memref<32768x768xf32, #tpu.memory_space<hbm>>, %arg3: memref<16xf32, #tpu.memory_space<hbm>>, %arg4: memref<8x768xf32, #tpu.memory_space<hbm>>, %arg5: memref<65536xf32, #tpu.memory_space<hbm>>, %arg6: memref<8x768xf32, #tpu.memory_space<vmem>>, %arg7: memref<16xf32, #tpu.memory_space<vmem>>, %arg8: memref<64x768xf32, #tpu.memory_space<vmem>>, %arg9: memref<64x768xf32, #tpu.memory_space<vmem>>, %arg10: memref<2048xf32, #tpu.memory_space<vmem>>, %arg11: memref<!tpu.dma_semaphore, #tpu.memory_space<semaphore_mem>>, %arg12: memref<!tpu.dma_semaphore, #tpu.memory_space<semaphore_mem>>) attributes {dimension_semantics = [#tpu.dimension_semantics<core_parallel>, #tpu.dimension_semantics<subcore_parallel>], iteration_bounds = array<i64: 2, 16>, scalar_prefetch = 0 : i64, scratch_operands = 7 : i64, tpu.core_type = #tpu.core_type<sc_vector_subcore>, window_params = [{transform_indices = #map}, {transform_indices = #map1}, {transform_indices = #map}, {transform_indices = #map1}]} {
    %mul3A = arith.constant 2 : i32
    %mul3A_0 = arith.muli %arg1, %mul3A : i32
    %add3A = arith.addi %mul3A_0, %arg0 : i32
    %mul3A_1 = arith.constant 256 : i32
    %mul3A_2 = arith.muli %add3A, %mul3A_1 : i32
    %add3A_3 = arith.constant 24576 : i32
    %add3A_4 = arith.addi %add3A_3, %mul3A_2 : i32
    "tpu.region"() ({
      %run_scoped3A = tpu.sem_alloc : memref<!tpu.dma_semaphore, #tpu.memory_space<semaphore_mem>>
      tpu.enqueue_dma source(%arg4 : memref<8x768xf32, #tpu.memory_space<hbm>>) target(%arg6 : memref<8x768xf32, #tpu.memory_space<vmem>>) target_semaphore(%run_scoped3A : memref<!tpu.dma_semaphore, #tpu.memory_space<semaphore_mem>>)
      tpu.wait_dma2 semaphore(%run_scoped3A : memref<!tpu.dma_semaphore, #tpu.memory_space<semaphore_mem>>) src(%arg4 : memref<8x768xf32, #tpu.memory_space<hbm>>) dst(%arg6 : memref<8x768xf32, #tpu.memory_space<vmem>>)
      tpu.yield
    }) : () -> ()
    "tpu.region"() ({
      %run_scoped3A = tpu.sem_alloc : memref<!tpu.dma_semaphore, #tpu.memory_space<semaphore_mem>>
      tpu.enqueue_dma source(%arg3 : memref<16xf32, #tpu.memory_space<hbm>>) target(%arg7 : memref<16xf32, #tpu.memory_space<vmem>>) target_semaphore(%run_scoped3A : memref<!tpu.dma_semaphore, #tpu.memory_space<semaphore_mem>>)
      tpu.wait_dma2 semaphore(%run_scoped3A : memref<!tpu.dma_semaphore, #tpu.memory_space<semaphore_mem>>) src(%arg3 : memref<16xf32, #tpu.memory_space<hbm>>) dst(%arg7 : memref<16xf32, #tpu.memory_space<vmem>>)
      tpu.yield
    }) : () -> ()
    %get3A = arith.constant 0 : index
    %get3A_5 = tpu.vector_load %arg7[%get3A] {strides = array<i32>} : memref<16xf32, #tpu.memory_space<vmem>>, vector<16xf32>,
    %get3A_6 = vector.shape_cast %get3A_5 : vector<16xf32> to vector<16xf32>
    %iota3A = tpu.iota {dimensions = array<i32: 0>} : vector<16xi32>
    %and3A = arith.constant 1 : i32
    %and3A_7 = vector.broadcast %and3A : i32 to vector<16xi32>
    %and3A_8 = arith.andi %iota3A, %and3A_7 : vector<16xi32>
    %eq3A = arith.constant 0 : i32
    %eq3A_9 = vector.broadcast %eq3A : i32 to vector<16xi32>
    %eq3A_10 = arith.cmpi eq, %and3A_8, %eq3A_9 : vector<16xi32>
    %and3A_11 = arith.constant 2 : i32
    %and3A_12 = vector.broadcast %and3A_11 : i32 to vector<16xi32>
    %and3A_13 = arith.andi %iota3A, %and3A_12 : vector<16xi32>
    %eq3A_14 = arith.constant 0 : i32
    %eq3A_15 = vector.broadcast %eq3A_14 : i32 to vector<16xi32>
    %eq3A_16 = arith.cmpi eq, %and3A_13, %eq3A_15 : vector<16xi32>
    %and3A_17 = arith.constant 4 : i32
    %and3A_18 = vector.broadcast %and3A_17 : i32 to vector<16xi32>
    %and3A_19 = arith.andi %iota3A, %and3A_18 : vector<16xi32>
    %eq3A_20 = arith.constant 0 : i32
    %eq3A_21 = vector.broadcast %eq3A_20 : i32 to vector<16xi32>
    %eq3A_22 = arith.cmpi eq, %and3A_19, %eq3A_21 : vector<16xi32>
    %and3A_23 = arith.constant 8 : i32
    %and3A_24 = vector.broadcast %and3A_23 : i32 to vector<16xi32>
    %and3A_25 = arith.andi %iota3A, %and3A_24 : vector<16xi32>
    %eq3A_26 = arith.constant 0 : i32
    %eq3A_27 = vector.broadcast %eq3A_26 : i32 to vector<16xi32>
    %eq3A_28 = arith.cmpi eq, %and3A_25, %eq3A_27 : vector<16xi32>
    %add3A_29 = arith.constant 0 : i32
    %add3A_30 = arith.addi %add3A_4, %add3A_29 : i32
    %multiple_of3A = tpu.assume_multiple %add3A_30, 8 : i32
    %dma_start3A = arith.constant 0 : i32
    %dma_start3A_31 = tpu.memref_slice %arg2[%multiple_of3A, %dma_start3A] : memref<32768x768xf32, #tpu.memory_space<hbm>> -> memref<64x768xf32, #tpu.memory_space<hbm>>
    %dma_start3A_32 = arith.constant 0 : i32
    %dma_start3A_33 = tpu.memref_slice %arg2[%multiple_of3A, %dma_start3A_32] : memref<32768x768xf32, #tpu.memory_space<hbm>> -> memref<64x768xf32, #tpu.memory_space<hbm>>
    tpu.enqueue_dma source(%dma_start3A_33 : memref<64x768xf32, #tpu.memory_space<hbm>>) target(%arg8 : memref<64x768xf32, #tpu.memory_space<vmem>>) target_semaphore(%arg11 : memref<!tpu.dma_semaphore, #tpu.memory_space<semaphore_mem>>)
    %add3A_34 = arith.constant 64 : i32
    %add3A_35 = arith.addi %add3A_4, %add3A_34 : i32
    %multiple_of3A_36 = tpu.assume_multiple %add3A_35, 8 : i32
    %dma_start3A_37 = arith.constant 0 : i32
    %dma_start3A_38 = tpu.memref_slice %arg2[%multiple_of3A_36, %dma_start3A_37] : memref<32768x768xf32, #tpu.memory_space<hbm>> -> memref<64x768xf32, #tpu.memory_space<hbm>>
    %dma_start3A_39 = arith.constant 0 : i32
    %dma_start3A_40 = tpu.memref_slice %arg2[%multiple_of3A_36, %dma_start3A_39] : memref<32768x768xf32, #tpu.memory_space<hbm>> -> memref<64x768xf32, #tpu.memory_space<hbm>>
    tpu.enqueue_dma source(%dma_start3A_40 : memref<64x768xf32, #tpu.memory_space<hbm>>) target(%arg9 : memref<64x768xf32, #tpu.memory_space<vmem>>) target_semaphore(%arg12 : memref<!tpu.dma_semaphore, #tpu.memory_space<semaphore_mem>>)
    %add3A_41 = arith.constant 0 : i32
    %add3A_42 = arith.addi %add3A_4, %add3A_41 : i32
    %multiple_of3A_43 = tpu.assume_multiple %add3A_42, 8 : i32
    %dma_wait3A = arith.constant 0 : i32
    %dma_wait3A_44 = tpu.memref_slice %arg2[%multiple_of3A_43, %dma_wait3A] : memref<32768x768xf32, #tpu.memory_space<hbm>> -> memref<64x768xf32, #tpu.memory_space<hbm>>
    %dma_wait3A_45 = arith.constant 0 : i32
    %dma_wait3A_46 = tpu.memref_slice %arg2[%multiple_of3A_43, %dma_wait3A_45] : memref<32768x768xf32, #tpu.memory_space<hbm>> -> memref<64x768xf32, #tpu.memory_space<hbm>>
    tpu.wait_dma2 semaphore(%arg11 : memref<!tpu.dma_semaphore, #tpu.memory_space<semaphore_mem>>) src(%dma_wait3A_46 : memref<64x768xf32, #tpu.memory_space<hbm>>) dst(%arg8 : memref<64x768xf32, #tpu.memory_space<vmem>>)
    %scan3A = arith.constant 0 : i32
    %scan3A_47 = arith.constant 0 : i32
    %scan3A_48 = arith.constant 16 : i32
    %scan3A_49 = arith.addi %scan3A_47, %scan3A_48 : i32
    %scan3A_50 = arith.constant 1 : i32
    %scan3A_51 = scf.for %scan3A_113 = %scan3A_47 to %scan3A_49 step %scan3A_50 iter_args(%scan3A_114 = %scan3A) -> (i32)  : i32 {
      %mul3A_115 = arith.constant 4 : i32
      %mul3A_116 = arith.muli %scan3A_113, %mul3A_115 : i32
      %broadcast_in_dim3A = arith.constant 0.000000e+00 : f32
      %broadcast_in_dim3A_117 = vector.broadcast %broadcast_in_dim3A : f32 to vector<16xf32>
      %broadcast_in_dim3A_118 = arith.constant 0.000000e+00 : f32
      %broadcast_in_dim3A_119 = vector.broadcast %broadcast_in_dim3A_118 : f32 to vector<16xf32>
      %broadcast_in_dim3A_120 = arith.constant 0.000000e+00 : f32
      %broadcast_in_dim3A_121 = vector.broadcast %broadcast_in_dim3A_120 : f32 to vector<16xf32>
      %broadcast_in_dim3A_122 = arith.constant 0.000000e+00 : f32
      %broadcast_in_dim3A_123 = vector.broadcast %broadcast_in_dim3A_122 : f32 to vector<16xf32>
      %broadcast_in_dim3A_124 = arith.constant 0.000000e+00 : f32
      %broadcast_in_dim3A_125 = vector.broadcast %broadcast_in_dim3A_124 : f32 to vector<16xf32>
      %broadcast_in_dim3A_126 = arith.constant 0.000000e+00 : f32
      %broadcast_in_dim3A_127 = vector.broadcast %broadcast_in_dim3A_126 : f32 to vector<16xf32>
      %broadcast_in_dim3A_128 = arith.constant 0.000000e+00 : f32
      %broadcast_in_dim3A_129 = vector.broadcast %broadcast_in_dim3A_128 : f32 to vector<16xf32>
      %broadcast_in_dim3A_130 = arith.constant 0.000000e+00 : f32
      %broadcast_in_dim3A_131 = vector.broadcast %broadcast_in_dim3A_130 : f32 to vector<16xf32>
      %broadcast_in_dim3A_132 = arith.constant 0.000000e+00 : f32
      %broadcast_in_dim3A_133 = vector.broadcast %broadcast_in_dim3A_132 : f32 to vector<16xf32>
      %broadcast_in_dim3A_134 = arith.constant 0.000000e+00 : f32
      %broadcast_in_dim3A_135 = vector.broadcast %broadcast_in_dim3A_134 : f32 to vector<16xf32>
      %broadcast_in_dim3A_136 = arith.constant 0.000000e+00 : f32
      %broadcast_in_dim3A_137 = vector.broadcast %broadcast_in_dim3A_136 : f32 to vector<16xf32>
      %broadcast_in_dim3A_138 = arith.constant 0.000000e+00 : f32
      %broadcast_in_dim3A_139 = vector.broadcast %broadcast_in_dim3A_138 : f32 to vector<16xf32>
      %broadcast_in_dim3A_140 = arith.constant 0.000000e+00 : f32
      %broadcast_in_dim3A_141 = vector.broadcast %broadcast_in_dim3A_140 : f32 to vector<16xf32>
      %broadcast_in_dim3A_142 = arith.constant 0.000000e+00 : f32
      %broadcast_in_dim3A_143 = vector.broadcast %broadcast_in_dim3A_142 : f32 to vector<16xf32>
      %broadcast_in_dim3A_144 = arith.constant 0.000000e+00 : f32
      %broadcast_in_dim3A_145 = vector.broadcast %broadcast_in_dim3A_144 : f32 to vector<16xf32>
      %broadcast_in_dim3A_146 = arith.constant 0.000000e+00 : f32
      %broadcast_in_dim3A_147 = vector.broadcast %broadcast_in_dim3A_146 : f32 to vector<16xf32>
      %broadcast_in_dim3A_148 = arith.constant 0.000000e+00 : f32
      %broadcast_in_dim3A_149 = vector.broadcast %broadcast_in_dim3A_148 : f32 to vector<16xf32>
      %broadcast_in_dim3A_150 = arith.constant 0.000000e+00 : f32
      %broadcast_in_dim3A_151 = vector.broadcast %broadcast_in_dim3A_150 : f32 to vector<16xf32>
      %broadcast_in_dim3A_152 = arith.constant 0.000000e+00 : f32
      %broadcast_in_dim3A_153 = vector.broadcast %broadcast_in_dim3A_152 : f32 to vector<16xf32>
      %broadcast_in_dim3A_154 = arith.constant 0.000000e+00 : f32
      %broadcast_in_dim3A_155 = vector.broadcast %broadcast_in_dim3A_154 : f32 to vector<16xf32>
      %broadcast_in_dim3A_156 = arith.constant 0.000000e+00 : f32
      %broadcast_in_dim3A_157 = vector.broadcast %broadcast_in_dim3A_156 : f32 to vector<16xf32>
      %broadcast_in_dim3A_158 = arith.constant 0.000000e+00 : f32
      %broadcast_in_dim3A_159 = vector.broadcast %broadcast_in_dim3A_158 : f32 to vector<16xf32>
      %broadcast_in_dim3A_160 = arith.constant 0.000000e+00 : f32
      %broadcast_in_dim3A_161 = vector.broadcast %broadcast_in_dim3A_160 : f32 to vector<16xf32>
      %broadcast_in_dim3A_162 = arith.constant 0.000000e+00 : f32
      %broadcast_in_dim3A_163 = vector.broadcast %broadcast_in_dim3A_162 : f32 to vector<16xf32>
      %broadcast_in_dim3A_164 = arith.constant 0.000000e+00 : f32
      %broadcast_in_dim3A_165 = vector.broadcast %broadcast_in_dim3A_164 : f32 to vector<16xf32>
      %broadcast_in_dim3A_166 = arith.constant 0.000000e+00 : f32
      %broadcast_in_dim3A_167 = vector.broadcast %broadcast_in_dim3A_166 : f32 to vector<16xf32>
      %broadcast_in_dim3A_168 = arith.constant 0.000000e+00 : f32
      %broadcast_in_dim3A_169 = vector.broadcast %broadcast_in_dim3A_168 : f32 to vector<16xf32>
      %broadcast_in_dim3A_170 = arith.constant 0.000000e+00 : f32
      %broadcast_in_dim3A_171 = vector.broadcast %broadcast_in_dim3A_170 : f32 to vector<16xf32>
      %broadcast_in_dim3A_172 = arith.constant 0.000000e+00 : f32
      %broadcast_in_dim3A_173 = vector.broadcast %broadcast_in_dim3A_172 : f32 to vector<16xf32>
      %broadcast_in_dim3A_174 = arith.constant 0.000000e+00 : f32
      %broadcast_in_dim3A_175 = vector.broadcast %broadcast_in_dim3A_174 : f32 to vector<16xf32>
      %broadcast_in_dim3A_176 = arith.constant 0.000000e+00 : f32
      %broadcast_in_dim3A_177 = vector.broadcast %broadcast_in_dim3A_176 : f32 to vector<16xf32>
      %broadcast_in_dim3A_178 = arith.constant 0.000000e+00 : f32
      %broadcast_in_dim3A_179 = vector.broadcast %broadcast_in_dim3A_178 : f32 to vector<16xf32>
      %scan3A_180 = arith.constant 0 : i32
      %scan3A_181 = arith.constant 48 : i32
      %scan3A_182 = arith.addi %scan3A_180, %scan3A_181 : i32
      %scan3A_183 = arith.constant 1 : i32
      %scan3A_184:32 = scf.for %scan3A_742 = %scan3A_180 to %scan3A_182 step %scan3A_183 iter_args(%scan3A_743 = %broadcast_in_dim3A_117, %scan3A_744 = %broadcast_in_dim3A_119, %scan3A_745 = %broadcast_in_dim3A_121, %scan3A_746 = %broadcast_in_dim3A_123, %scan3A_747 = %broadcast_in_dim3A_125, %scan3A_748 = %broadcast_in_dim3A_127, %scan3A_749 = %broadcast_in_dim3A_129, %scan3A_750 = %broadcast_in_dim3A_131, %scan3A_751 = %broadcast_in_dim3A_133, %scan3A_752 = %broadcast_in_dim3A_135, %scan3A_753 = %broadcast_in_dim3A_137, %scan3A_754 = %broadcast_in_dim3A_139, %scan3A_755 = %broadcast_in_dim3A_141, %scan3A_756 = %broadcast_in_dim3A_143, %scan3A_757 = %broadcast_in_dim3A_145, %scan3A_758 = %broadcast_in_dim3A_147, %scan3A_759 = %broadcast_in_dim3A_149, %scan3A_760 = %broadcast_in_dim3A_151, %scan3A_761 = %broadcast_in_dim3A_153, %scan3A_762 = %broadcast_in_dim3A_155, %scan3A_763 = %broadcast_in_dim3A_157, %scan3A_764 = %broadcast_in_dim3A_159, %scan3A_765 = %broadcast_in_dim3A_161, %scan3A_766 = %broadcast_in_dim3A_163, %scan3A_767 = %broadcast_in_dim3A_165, %scan3A_768 = %broadcast_in_dim3A_167, %scan3A_769 = %broadcast_in_dim3A_169, %scan3A_770 = %broadcast_in_dim3A_171, %scan3A_771 = %broadcast_in_dim3A_173, %scan3A_772 = %broadcast_in_dim3A_175, %scan3A_773 = %broadcast_in_dim3A_177, %scan3A_774 = %broadcast_in_dim3A_179) -> (vector<16xf32>, vector<16xf32>, vector<16xf32>, vector<16xf32>, vector<16xf32>, vector<16xf32>, vector<16xf32>, vector<16xf32>, vector<16xf32>, vector<16xf32>, vector<16xf32>, vector<16xf32>, vector<16xf32>, vector<16xf32>, vector<16xf32>, vector<16xf32>, vector<16xf32>, vector<16xf32>, vector<16xf32>, vector<16xf32>, vector<16xf32>, vector<16xf32>, vector<16xf32>, vector<16xf32>, vector<16xf32>, vector<16xf32>, vector<16xf32>, vector<16xf32>, vector<16xf32>, vector<16xf32>, vector<16xf32>, vector<16xf32>)  : i32 {
        %mul3A_775 = arith.constant 16 : i32
        %mul3A_776 = arith.muli %scan3A_742, %mul3A_775 : i32
        %add3A_777 = arith.constant 0 : i32
        %add3A_778 = arith.addi %mul3A_116, %add3A_777 : i32
        %get3A_779 = arith.index_cast %add3A_778 : i32 to index
        %get3A_780 = arith.index_cast %mul3A_776 : i32 to index
        %get3A_781 = tpu.vector_load %arg8[%get3A_779, %get3A_780] {strides = array<i32>} : memref<64x768xf32, #tpu.memory_space<vmem>>, vector<1x16xf32>,
        %get3A_782 = vector.shape_cast %get3A_781 : vector<1x16xf32> to vector<16xf32>
        %add3A_783 = arith.constant 1 : i32
        %add3A_784 = arith.addi %mul3A_116, %add3A_783 : i32
        %get3A_785 = arith.index_cast %add3A_784 : i32 to index
        %get3A_786 = arith.index_cast %mul3A_776 : i32 to index
        %get3A_787 = tpu.vector_load %arg8[%get3A_785, %get3A_786] {strides = array<i32>} : memref<64x768xf32, #tpu.memory_space<vmem>>, vector<1x16xf32>,
        %get3A_788 = vector.shape_cast %get3A_787 : vector<1x16xf32> to vector<16xf32>
        %add3A_789 = arith.constant 2 : i32
        %add3A_790 = arith.addi %mul3A_116, %add3A_789 : i32
        %get3A_791 = arith.index_cast %add3A_790 : i32 to index
        %get3A_792 = arith.index_cast %mul3A_776 : i32 to index
        %get3A_793 = tpu.vector_load %arg8[%get3A_791, %get3A_792] {strides = array<i32>} : memref<64x768xf32, #tpu.memory_space<vmem>>, vector<1x16xf32>,
        %get3A_794 = vector.shape_cast %get3A_793 : vector<1x16xf32> to vector<16xf32>
        %add3A_795 = arith.constant 3 : i32
        %add3A_796 = arith.addi %mul3A_116, %add3A_795 : i32
        %get3A_797 = arith.index_cast %add3A_796 : i32 to index
        %get3A_798 = arith.index_cast %mul3A_776 : i32 to index
        %get3A_799 = tpu.vector_load %arg8[%get3A_797, %get3A_798] {strides = array<i32>} : memref<64x768xf32, #tpu.memory_space<vmem>>, vector<1x16xf32>,
        %get3A_800 = vector.shape_cast %get3A_799 : vector<1x16xf32> to vector<16xf32>
        %get3A_801 = arith.constant 0 : i32
        %get3A_802 = arith.index_cast %get3A_801 : i32 to index
        %get3A_803 = arith.index_cast %mul3A_776 : i32 to index
        %get3A_804 = tpu.vector_load %arg6[%get3A_802, %get3A_803] {strides = array<i32>} : memref<8x768xf32, #tpu.memory_space<vmem>>, vector<1x16xf32>,
        %get3A_805 = vector.shape_cast %get3A_804 : vector<1x16xf32> to vector<16xf32>
        %get3A_806 = arith.constant 1 : i32
        %get3A_807 = arith.index_cast %get3A_806 : i32 to index
        %get3A_808 = arith.index_cast %mul3A_776 : i32 to index
        %get3A_809 = tpu.vector_load %arg6[%get3A_807, %get3A_808] {strides = array<i32>} : memref<8x768xf32, #tpu.memory_space<vmem>>, vector<1x16xf32>,
        %get3A_810 = vector.shape_cast %get3A_809 : vector<1x16xf32> to vector<16xf32>
        %get3A_811 = arith.constant 2 : i32
        %get3A_812 = arith.index_cast %get3A_811 : i32 to index
        %get3A_813 = arith.index_cast %mul3A_776 : i32 to index
        %get3A_814 = tpu.vector_load %arg6[%get3A_812, %get3A_813] {strides = array<i32>} : memref<8x768xf32, #tpu.memory_space<vmem>>, vector<1x16xf32>,
        %get3A_815 = vector.shape_cast %get3A_814 : vector<1x16xf32> to vector<16xf32>
        %get3A_816 = arith.constant 3 : i32
        %get3A_817 = arith.index_cast %get3A_816 : i32 to index
        %get3A_818 = arith.index_cast %mul3A_776 : i32 to index
        %get3A_819 = tpu.vector_load %arg6[%get3A_817, %get3A_818] {strides = array<i32>} : memref<8x768xf32, #tpu.memory_space<vmem>>, vector<1x16xf32>,
        %get3A_820 = vector.shape_cast %get3A_819 : vector<1x16xf32> to vector<16xf32>
        %get3A_821 = arith.constant 4 : i32
        %get3A_822 = arith.index_cast %get3A_821 : i32 to index
        %get3A_823 = arith.index_cast %mul3A_776 : i32 to index
        %get3A_824 = tpu.vector_load %arg6[%get3A_822, %get3A_823] {strides = array<i32>} : memref<8x768xf32, #tpu.memory_space<vmem>>, vector<1x16xf32>,
        %get3A_825 = vector.shape_cast %get3A_824 : vector<1x16xf32> to vector<16xf32>
        %get3A_826 = arith.constant 5 : i32
        %get3A_827 = arith.index_cast %get3A_826 : i32 to index
        %get3A_828 = arith.index_cast %mul3A_776 : i32 to index
        %get3A_829 = tpu.vector_load %arg6[%get3A_827, %get3A_828] {strides = array<i32>} : memref<8x768xf32, #tpu.memory_space<vmem>>, vector<1x16xf32>,
        %get3A_830 = vector.shape_cast %get3A_829 : vector<1x16xf32> to vector<16xf32>
        %get3A_831 = arith.constant 6 : i32
        %get3A_832 = arith.index_cast %get3A_831 : i32 to index
        %get3A_833 = arith.index_cast %mul3A_776 : i32 to index
        %get3A_834 = tpu.vector_load %arg6[%get3A_832, %get3A_833] {strides = array<i32>} : memref<8x768xf32, #tpu.memory_space<vmem>>, vector<1x16xf32>,
        %get3A_835 = vector.shape_cast %get3A_834 : vector<1x16xf32> to vector<16xf32>
        %get3A_836 = arith.constant 7 : i32
        %get3A_837 = arith.index_cast %get3A_836 : i32 to index
        %get3A_838 = arith.index_cast %mul3A_776 : i32 to index
        %get3A_839 = tpu.vector_load %arg6[%get3A_837, %get3A_838] {strides = array<i32>} : memref<8x768xf32, #tpu.memory_space<vmem>>, vector<1x16xf32>,
        %get3A_840 = vector.shape_cast %get3A_839 : vector<1x16xf32> to vector<16xf32>
        %mul3A_841 = arith.mulf %get3A_782, %get3A_805 : vector<16xf32>
        %add3A_842 = arith.addf %scan3A_743, %mul3A_841 : vector<16xf32>
        %mul3A_843 = arith.mulf %get3A_782, %get3A_810 : vector<16xf32>
        %add3A_844 = arith.addf %scan3A_744, %mul3A_843 : vector<16xf32>
        %mul3A_845 = arith.mulf %get3A_782, %get3A_815 : vector<16xf32>
        %add3A_846 = arith.addf %scan3A_745, %mul3A_845 : vector<16xf32>
        %mul3A_847 = arith.mulf %get3A_782, %get3A_820 : vector<16xf32>
        %add3A_848 = arith.addf %scan3A_746, %mul3A_847 : vector<16xf32>
        %mul3A_849 = arith.mulf %get3A_782, %get3A_825 : vector<16xf32>
        %add3A_850 = arith.addf %scan3A_747, %mul3A_849 : vector<16xf32>
        %mul3A_851 = arith.mulf %get3A_782, %get3A_830 : vector<16xf32>
        %add3A_852 = arith.addf %scan3A_748, %mul3A_851 : vector<16xf32>
        %mul3A_853 = arith.mulf %get3A_782, %get3A_835 : vector<16xf32>
        %add3A_854 = arith.addf %scan3A_749, %mul3A_853 : vector<16xf32>
        %mul3A_855 = arith.mulf %get3A_782, %get3A_840 : vector<16xf32>
        %add3A_856 = arith.addf %scan3A_750, %mul3A_855 : vector<16xf32>
        %mul3A_857 = arith.mulf %get3A_788, %get3A_805 : vector<16xf32>
        %add3A_858 = arith.addf %scan3A_751, %mul3A_857 : vector<16xf32>
        %mul3A_859 = arith.mulf %get3A_788, %get3A_810 : vector<16xf32>
        %add3A_860 = arith.addf %scan3A_752, %mul3A_859 : vector<16xf32>
        %mul3A_861 = arith.mulf %get3A_788, %get3A_815 : vector<16xf32>
        %add3A_862 = arith.addf %scan3A_753, %mul3A_861 : vector<16xf32>
        %mul3A_863 = arith.mulf %get3A_788, %get3A_820 : vector<16xf32>
        %add3A_864 = arith.addf %scan3A_754, %mul3A_863 : vector<16xf32>
        %mul3A_865 = arith.mulf %get3A_788, %get3A_825 : vector<16xf32>
        %add3A_866 = arith.addf %scan3A_755, %mul3A_865 : vector<16xf32>
        %mul3A_867 = arith.mulf %get3A_788, %get3A_830 : vector<16xf32>
        %add3A_868 = arith.addf %scan3A_756, %mul3A_867 : vector<16xf32>
        %mul3A_869 = arith.mulf %get3A_788, %get3A_835 : vector<16xf32>
        %add3A_870 = arith.addf %scan3A_757, %mul3A_869 : vector<16xf32>
        %mul3A_871 = arith.mulf %get3A_788, %get3A_840 : vector<16xf32>
        %add3A_872 = arith.addf %scan3A_758, %mul3A_871 : vector<16xf32>
        %mul3A_873 = arith.mulf %get3A_794, %get3A_805 : vector<16xf32>
        %add3A_874 = arith.addf %scan3A_759, %mul3A_873 : vector<16xf32>
        %mul3A_875 = arith.mulf %get3A_794, %get3A_810 : vector<16xf32>
        %add3A_876 = arith.addf %scan3A_760, %mul3A_875 : vector<16xf32>
        %mul3A_877 = arith.mulf %get3A_794, %get3A_815 : vector<16xf32>
        %add3A_878 = arith.addf %scan3A_761, %mul3A_877 : vector<16xf32>
        %mul3A_879 = arith.mulf %get3A_794, %get3A_820 : vector<16xf32>
        %add3A_880 = arith.addf %scan3A_762, %mul3A_879 : vector<16xf32>
        %mul3A_881 = arith.mulf %get3A_794, %get3A_825 : vector<16xf32>
        %add3A_882 = arith.addf %scan3A_763, %mul3A_881 : vector<16xf32>
        %mul3A_883 = arith.mulf %get3A_794, %get3A_830 : vector<16xf32>
        %add3A_884 = arith.addf %scan3A_764, %mul3A_883 : vector<16xf32>
        %mul3A_885 = arith.mulf %get3A_794, %get3A_835 : vector<16xf32>
        %add3A_886 = arith.addf %scan3A_765, %mul3A_885 : vector<16xf32>
        %mul3A_887 = arith.mulf %get3A_794, %get3A_840 : vector<16xf32>
        %add3A_888 = arith.addf %scan3A_766, %mul3A_887 : vector<16xf32>
        %mul3A_889 = arith.mulf %get3A_800, %get3A_805 : vector<16xf32>
        %add3A_890 = arith.addf %scan3A_767, %mul3A_889 : vector<16xf32>
        %mul3A_891 = arith.mulf %get3A_800, %get3A_810 : vector<16xf32>
        %add3A_892 = arith.addf %scan3A_768, %mul3A_891 : vector<16xf32>
        %mul3A_893 = arith.mulf %get3A_800, %get3A_815 : vector<16xf32>
        %add3A_894 = arith.addf %scan3A_769, %mul3A_893 : vector<16xf32>
        %mul3A_895 = arith.mulf %get3A_800, %get3A_820 : vector<16xf32>
        %add3A_896 = arith.addf %scan3A_770, %mul3A_895 : vector<16xf32>
        %mul3A_897 = arith.mulf %get3A_800, %get3A_825 : vector<16xf32>
        %add3A_898 = arith.addf %scan3A_771, %mul3A_897 : vector<16xf32>
        %mul3A_899 = arith.mulf %get3A_800, %get3A_830 : vector<16xf32>
        %add3A_900 = arith.addf %scan3A_772, %mul3A_899 : vector<16xf32>
        %mul3A_901 = arith.mulf %get3A_800, %get3A_835 : vector<16xf32>
        %add3A_902 = arith.addf %scan3A_773, %mul3A_901 : vector<16xf32>
        %mul3A_903 = arith.mulf %get3A_800, %get3A_840 : vector<16xf32>
        %add3A_904 = arith.addf %scan3A_774, %mul3A_903 : vector<16xf32>
        scf.yield %add3A_842, %add3A_844, %add3A_846, %add3A_848, %add3A_850, %add3A_852, %add3A_854, %add3A_856, %add3A_858, %add3A_860, %add3A_862, %add3A_864, %add3A_866, %add3A_868, %add3A_870, %add3A_872, %add3A_874, %add3A_876, %add3A_878, %add3A_880, %add3A_882, %add3A_884, %add3A_886, %add3A_888, %add3A_890, %add3A_892, %add3A_894, %add3A_896, %add3A_898, %add3A_900, %add3A_902, %add3A_904 : vector<16xf32>, vector<16xf32>, vector<16xf32>, vector<16xf32>, vector<16xf32>, vector<16xf32>, vector<16xf32>, vector<16xf32>, vector<16xf32>, vector<16xf32>, vector<16xf32>, vector<16xf32>, vector<16xf32>, vector<16xf32>, vector<16xf32>, vector<16xf32>, vector<16xf32>, vector<16xf32>, vector<16xf32>, vector<16xf32>, vector<16xf32>, vector<16xf32>, vector<16xf32>, vector<16xf32>, vector<16xf32>, vector<16xf32>, vector<16xf32>, vector<16xf32>, vector<16xf32>, vector<16xf32>, vector<16xf32>, vector<16xf32>
      }
      %scan3A_185 = arith.constant 48 : i32
      %xor3A = arith.constant 1 : i32
      %xor3A_186 = vector.broadcast %xor3A : i32 to vector<16xi32>
      %xor3A_187 = arith.xori %iota3A, %xor3A_186 : vector<16xi32>
      %broadcast_in_dim3A_188 = vector.shape_cast %xor3A_187 : vector<16xi32> to vector<16x1xi32>
      %gather3A = vector.shape_cast %broadcast_in_dim3A_188 : vector<16x1xi32> to vector<16xi32>
      %gather3A_189 = tpu.dynamic_gather %scan3A_184#0[%gather3A] in [0] : vector<16xf32>, vector<16xi32> -> vector<16xf32>
      %xor3A_190 = arith.constant 1 : i32
      %xor3A_191 = vector.broadcast %xor3A_190 : i32 to vector<16xi32>
      %xor3A_192 = arith.xori %iota3A, %xor3A_191 : vector<16xi32>
      %broadcast_in_dim3A_193 = vector.shape_cast %xor3A_192 : vector<16xi32> to vector<16x1xi32>
      %gather3A_194 = vector.shape_cast %broadcast_in_dim3A_193 : vector<16x1xi32> to vector<16xi32>
      %gather3A_195 = tpu.dynamic_gather %scan3A_184#1[%gather3A_194] in [0] : vector<16xf32>, vector<16xi32> -> vector<16xf32>
      %select_n3A = arith.select %eq3A_10, %scan3A_184#0, %gather3A_195 : vector<16xi1>, vector<16xf32>
      %select_n3A_196 = arith.select %eq3A_10, %gather3A_189, %scan3A_184#1 : vector<16xi1>, vector<16xf32>
      %add3A_197 = arith.addf %select_n3A, %select_n3A_196 : vector<16xf32>
      %xor3A_198 = arith.constant 1 : i32
      %xor3A_199 = vector.broadcast %xor3A_198 : i32 to vector<16xi32>
      %xor3A_200 = arith.xori %iota3A, %xor3A_199 : vector<16xi32>
      %broadcast_in_dim3A_201 = vector.shape_cast %xor3A_200 : vector<16xi32> to vector<16x1xi32>
      %gather3A_202 = vector.shape_cast %broadcast_in_dim3A_201 : vector<16x1xi32> to vector<16xi32>
      %gather3A_203 = tpu.dynamic_gather %scan3A_184#2[%gather3A_202] in [0] : vector<16xf32>, vector<16xi32> -> vector<16xf32>
      %xor3A_204 = arith.constant 1 : i32
      %xor3A_205 = vector.broadcast %xor3A_204 : i32 to vector<16xi32>
      %xor3A_206 = arith.xori %iota3A, %xor3A_205 : vector<16xi32>
      %broadcast_in_dim3A_207 = vector.shape_cast %xor3A_206 : vector<16xi32> to vector<16x1xi32>
      %gather3A_208 = vector.shape_cast %broadcast_in_dim3A_207 : vector<16x1xi32> to vector<16xi32>
      %gather3A_209 = tpu.dynamic_gather %scan3A_184#3[%gather3A_208] in [0] : vector<16xf32>, vector<16xi32> -> vector<16xf32>
      %select_n3A_210 = arith.select %eq3A_10, %scan3A_184#2, %gather3A_209 : vector<16xi1>, vector<16xf32>
      %select_n3A_211 = arith.select %eq3A_10, %gather3A_203, %scan3A_184#3 : vector<16xi1>, vector<16xf32>
      %add3A_212 = arith.addf %select_n3A_210, %select_n3A_211 : vector<16xf32>
      %xor3A_213 = arith.constant 1 : i32
      %xor3A_214 = vector.broadcast %xor3A_213 : i32 to vector<16xi32>
      %xor3A_215 = arith.xori %iota3A, %xor3A_214 : vector<16xi32>
      %broadcast_in_dim3A_216 = vector.shape_cast %xor3A_215 : vector<16xi32> to vector<16x1xi32>
      %gather3A_217 = vector.shape_cast %broadcast_in_dim3A_216 : vector<16x1xi32> to vector<16xi32>
      %gather3A_218 = tpu.dynamic_gather %scan3A_184#4[%gather3A_217] in [0] : vector<16xf32>, vector<16xi32> -> vector<16xf32>
      %xor3A_219 = arith.constant 1 : i32
      %xor3A_220 = vector.broadcast %xor3A_219 : i32 to vector<16xi32>
      %xor3A_221 = arith.xori %iota3A, %xor3A_220 : vector<16xi32>
      %broadcast_in_dim3A_222 = vector.shape_cast %xor3A_221 : vector<16xi32> to vector<16x1xi32>
      %gather3A_223 = vector.shape_cast %broadcast_in_dim3A_222 : vector<16x1xi32> to vector<16xi32>
      %gather3A_224 = tpu.dynamic_gather %scan3A_184#5[%gather3A_223] in [0] : vector<16xf32>, vector<16xi32> -> vector<16xf32>
      %select_n3A_225 = arith.select %eq3A_10, %scan3A_184#4, %gather3A_224 : vector<16xi1>, vector<16xf32>
      %select_n3A_226 = arith.select %eq3A_10, %gather3A_218, %scan3A_184#5 : vector<16xi1>, vector<16xf32>
      %add3A_227 = arith.addf %select_n3A_225, %select_n3A_226 : vector<16xf32>
      %xor3A_228 = arith.constant 1 : i32
      %xor3A_229 = vector.broadcast %xor3A_228 : i32 to vector<16xi32>
      %xor3A_230 = arith.xori %iota3A, %xor3A_229 : vector<16xi32>
      %broadcast_in_dim3A_231 = vector.shape_cast %xor3A_230 : vector<16xi32> to vector<16x1xi32>
      %gather3A_232 = vector.shape_cast %broadcast_in_dim3A_231 : vector<16x1xi32> to vector<16xi32>
      %gather3A_233 = tpu.dynamic_gather %scan3A_184#6[%gather3A_232] in [0] : vector<16xf32>, vector<16xi32> -> vector<16xf32>
      %xor3A_234 = arith.constant 1 : i32
      %xor3A_235 = vector.broadcast %xor3A_234 : i32 to vector<16xi32>
      %xor3A_236 = arith.xori %iota3A, %xor3A_235 : vector<16xi32>
      %broadcast_in_dim3A_237 = vector.shape_cast %xor3A_236 : vector<16xi32> to vector<16x1xi32>
      %gather3A_238 = vector.shape_cast %broadcast_in_dim3A_237 : vector<16x1xi32> to vector<16xi32>
      %gather3A_239 = tpu.dynamic_gather %scan3A_184#7[%gather3A_238] in [0] : vector<16xf32>, vector<16xi32> -> vector<16xf32>
      %select_n3A_240 = arith.select %eq3A_10, %scan3A_184#6, %gather3A_239 : vector<16xi1>, vector<16xf32>
      %select_n3A_241 = arith.select %eq3A_10, %gather3A_233, %scan3A_184#7 : vector<16xi1>, vector<16xf32>
      %add3A_242 = arith.addf %select_n3A_240, %select_n3A_241 : vector<16xf32>
      %xor3A_243 = arith.constant 1 : i32
      %xor3A_244 = vector.broadcast %xor3A_243 : i32 to vector<16xi32>
      %xor3A_245 = arith.xori %iota3A, %xor3A_244 : vector<16xi32>
      %broadcast_in_dim3A_246 = vector.shape_cast %xor3A_245 : vector<16xi32> to vector<16x1xi32>
      %gather3A_247 = vector.shape_cast %broadcast_in_dim3A_246 : vector<16x1xi32> to vector<16xi32>
      %gather3A_248 = tpu.dynamic_gather %scan3A_184#8[%gather3A_247] in [0] : vector<16xf32>, vector<16xi32> -> vector<16xf32>
      %xor3A_249 = arith.constant 1 : i32
      %xor3A_250 = vector.broadcast %xor3A_249 : i32 to vector<16xi32>
      %xor3A_251 = arith.xori %iota3A, %xor3A_250 : vector<16xi32>
      %broadcast_in_dim3A_252 = vector.shape_cast %xor3A_251 : vector<16xi32> to vector<16x1xi32>
      %gather3A_253 = vector.shape_cast %broadcast_in_dim3A_252 : vector<16x1xi32> to vector<16xi32>
      %gather3A_254 = tpu.dynamic_gather %scan3A_184#9[%gather3A_253] in [0] : vector<16xf32>, vector<16xi32> -> vector<16xf32>
      %select_n3A_255 = arith.select %eq3A_10, %scan3A_184#8, %gather3A_254 : vector<16xi1>, vector<16xf32>
      %select_n3A_256 = arith.select %eq3A_10, %gather3A_248, %scan3A_184#9 : vector<16xi1>, vector<16xf32>
      %add3A_257 = arith.addf %select_n3A_255, %select_n3A_256 : vector<16xf32>
      %xor3A_258 = arith.constant 1 : i32
      %xor3A_259 = vector.broadcast %xor3A_258 : i32 to vector<16xi32>
      %xor3A_260 = arith.xori %iota3A, %xor3A_259 : vector<16xi32>
      %broadcast_in_dim3A_261 = vector.shape_cast %xor3A_260 : vector<16xi32> to vector<16x1xi32>
      %gather3A_262 = vector.shape_cast %broadcast_in_dim3A_261 : vector<16x1xi32> to vector<16xi32>
      %gather3A_263 = tpu.dynamic_gather %scan3A_184#10[%gather3A_262] in [0] : vector<16xf32>, vector<16xi32> -> vector<16xf32>
      %xor3A_264 = arith.constant 1 : i32
      %xor3A_265 = vector.broadcast %xor3A_264 : i32 to vector<16xi32>
      %xor3A_266 = arith.xori %iota3A, %xor3A_265 : vector<16xi32>
      %broadcast_in_dim3A_267 = vector.shape_cast %xor3A_266 : vector<16xi32> to vector<16x1xi32>
      %gather3A_268 = vector.shape_cast %broadcast_in_dim3A_267 : vector<16x1xi32> to vector<16xi32>
      %gather3A_269 = tpu.dynamic_gather %scan3A_184#11[%gather3A_268] in [0] : vector<16xf32>, vector<16xi32> -> vector<16xf32>
      %select_n3A_270 = arith.select %eq3A_10, %scan3A_184#10, %gather3A_269 : vector<16xi1>, vector<16xf32>
      %select_n3A_271 = arith.select %eq3A_10, %gather3A_263, %scan3A_184#11 : vector<16xi1>, vector<16xf32>
      %add3A_272 = arith.addf %select_n3A_270, %select_n3A_271 : vector<16xf32>
      %xor3A_273 = arith.constant 1 : i32
      %xor3A_274 = vector.broadcast %xor3A_273 : i32 to vector<16xi32>
      %xor3A_275 = arith.xori %iota3A, %xor3A_274 : vector<16xi32>
      %broadcast_in_dim3A_276 = vector.shape_cast %xor3A_275 : vector<16xi32> to vector<16x1xi32>
      %gather3A_277 = vector.shape_cast %broadcast_in_dim3A_276 : vector<16x1xi32> to vector<16xi32>
      %gather3A_278 = tpu.dynamic_gather %scan3A_184#12[%gather3A_277] in [0] : vector<16xf32>, vector<16xi32> -> vector<16xf32>
      %xor3A_279 = arith.constant 1 : i32
      %xor3A_280 = vector.broadcast %xor3A_279 : i32 to vector<16xi32>
      %xor3A_281 = arith.xori %iota3A, %xor3A_280 : vector<16xi32>
      %broadcast_in_dim3A_282 = vector.shape_cast %xor3A_281 : vector<16xi32> to vector<16x1xi32>
      %gather3A_283 = vector.shape_cast %broadcast_in_dim3A_282 : vector<16x1xi32> to vector<16xi32>
      %gather3A_284 = tpu.dynamic_gather %scan3A_184#13[%gather3A_283] in [0] : vector<16xf32>, vector<16xi32> -> vector<16xf32>
      %select_n3A_285 = arith.select %eq3A_10, %scan3A_184#12, %gather3A_284 : vector<16xi1>, vector<16xf32>
      %select_n3A_286 = arith.select %eq3A_10, %gather3A_278, %scan3A_184#13 : vector<16xi1>, vector<16xf32>
      %add3A_287 = arith.addf %select_n3A_285, %select_n3A_286 : vector<16xf32>
      %xor3A_288 = arith.constant 1 : i32
      %xor3A_289 = vector.broadcast %xor3A_288 : i32 to vector<16xi32>
      %xor3A_290 = arith.xori %iota3A, %xor3A_289 : vector<16xi32>
      %broadcast_in_dim3A_291 = vector.shape_cast %xor3A_290 : vector<16xi32> to vector<16x1xi32>
      %gather3A_292 = vector.shape_cast %broadcast_in_dim3A_291 : vector<16x1xi32> to vector<16xi32>
      %gather3A_293 = tpu.dynamic_gather %scan3A_184#14[%gather3A_292] in [0] : vector<16xf32>, vector<16xi32> -> vector<16xf32>
      %xor3A_294 = arith.constant 1 : i32
      %xor3A_295 = vector.broadcast %xor3A_294 : i32 to vector<16xi32>
      %xor3A_296 = arith.xori %iota3A, %xor3A_295 : vector<16xi32>
      %broadcast_in_dim3A_297 = vector.shape_cast %xor3A_296 : vector<16xi32> to vector<16x1xi32>
      %gather3A_298 = vector.shape_cast %broadcast_in_dim3A_297 : vector<16x1xi32> to vector<16xi32>
      %gather3A_299 = tpu.dynamic_gather %scan3A_184#15[%gather3A_298] in [0] : vector<16xf32>, vector<16xi32> -> vector<16xf32>
      %select_n3A_300 = arith.select %eq3A_10, %scan3A_184#14, %gather3A_299 : vector<16xi1>, vector<16xf32>
      %select_n3A_301 = arith.select %eq3A_10, %gather3A_293, %scan3A_184#15 : vector<16xi1>, vector<16xf32>
      %add3A_302 = arith.addf %select_n3A_300, %select_n3A_301 : vector<16xf32>
      %xor3A_303 = arith.constant 2 : i32
      %xor3A_304 = vector.broadcast %xor3A_303 : i32 to vector<16xi32>
      %xor3A_305 = arith.xori %iota3A, %xor3A_304 : vector<16xi32>
      %broadcast_in_dim3A_306 = vector.shape_cast %xor3A_305 : vector<16xi32> to vector<16x1xi32>
      %gather3A_307 = vector.shape_cast %broadcast_in_dim3A_306 : vector<16x1xi32> to vector<16xi32>
      %gather3A_308 = tpu.dynamic_gather %add3A_197[%gather3A_307] in [0] : vector<16xf32>, vector<16xi32> -> vector<16xf32>
      %xor3A_309 = arith.constant 2 : i32
      %xor3A_310 = vector.broadcast %xor3A_309 : i32 to vector<16xi32>
      %xor3A_311 = arith.xori %iota3A, %xor3A_310 : vector<16xi32>
      %broadcast_in_dim3A_312 = vector.shape_cast %xor3A_311 : vector<16xi32> to vector<16x1xi32>
      %gather3A_313 = vector.shape_cast %broadcast_in_dim3A_312 : vector<16x1xi32> to vector<16xi32>
      %gather3A_314 = tpu.dynamic_gather %add3A_212[%gather3A_313] in [0] : vector<16xf32>, vector<16xi32> -> vector<16xf32>
      %select_n3A_315 = arith.select %eq3A_16, %add3A_197, %gather3A_314 : vector<16xi1>, vector<16xf32>
      %select_n3A_316 = arith.select %eq3A_16, %gather3A_308, %add3A_212 : vector<16xi1>, vector<16xf32>
      %add3A_317 = arith.addf %select_n3A_315, %select_n3A_316 : vector<16xf32>
      %xor3A_318 = arith.constant 2 : i32
      %xor3A_319 = vector.broadcast %xor3A_318 : i32 to vector<16xi32>
      %xor3A_320 = arith.xori %iota3A, %xor3A_319 : vector<16xi32>
      %broadcast_in_dim3A_321 = vector.shape_cast %xor3A_320 : vector<16xi32> to vector<16x1xi32>
      %gather3A_322 = vector.shape_cast %broadcast_in_dim3A_321 : vector<16x1xi32> to vector<16xi32>
      %gather3A_323 = tpu.dynamic_gather %add3A_227[%gather3A_322] in [0] : vector<16xf32>, vector<16xi32> -> vector<16xf32>
      %xor3A_324 = arith.constant 2 : i32
      %xor3A_325 = vector.broadcast %xor3A_324 : i32 to vector<16xi32>
      %xor3A_326 = arith.xori %iota3A, %xor3A_325 : vector<16xi32>
      %broadcast_in_dim3A_327 = vector.shape_cast %xor3A_326 : vector<16xi32> to vector<16x1xi32>
      %gather3A_328 = vector.shape_cast %broadcast_in_dim3A_327 : vector<16x1xi32> to vector<16xi32>
      %gather3A_329 = tpu.dynamic_gather %add3A_242[%gather3A_328] in [0] : vector<16xf32>, vector<16xi32> -> vector<16xf32>
      %select_n3A_330 = arith.select %eq3A_16, %add3A_227, %gather3A_329 : vector<16xi1>, vector<16xf32>
      %select_n3A_331 = arith.select %eq3A_16, %gather3A_323, %add3A_242 : vector<16xi1>, vector<16xf32>
      %add3A_332 = arith.addf %select_n3A_330, %select_n3A_331 : vector<16xf32>
      %xor3A_333 = arith.constant 2 : i32
      %xor3A_334 = vector.broadcast %xor3A_333 : i32 to vector<16xi32>
      %xor3A_335 = arith.xori %iota3A, %xor3A_334 : vector<16xi32>
      %broadcast_in_dim3A_336 = vector.shape_cast %xor3A_335 : vector<16xi32> to vector<16x1xi32>
      %gather3A_337 = vector.shape_cast %broadcast_in_dim3A_336 : vector<16x1xi32> to vector<16xi32>
      %gather3A_338 = tpu.dynamic_gather %add3A_257[%gather3A_337] in [0] : vector<16xf32>, vector<16xi32> -> vector<16xf32>
      %xor3A_339 = arith.constant 2 : i32
      %xor3A_340 = vector.broadcast %xor3A_339 : i32 to vector<16xi32>
      %xor3A_341 = arith.xori %iota3A, %xor3A_340 : vector<16xi32>
      %broadcast_in_dim3A_342 = vector.shape_cast %xor3A_341 : vector<16xi32> to vector<16x1xi32>
      %gather3A_343 = vector.shape_cast %broadcast_in_dim3A_342 : vector<16x1xi32> to vector<16xi32>
      %gather3A_344 = tpu.dynamic_gather %add3A_272[%gather3A_343] in [0] : vector<16xf32>, vector<16xi32> -> vector<16xf32>
      %select_n3A_345 = arith.select %eq3A_16, %add3A_257, %gather3A_344 : vector<16xi1>, vector<16xf32>
      %select_n3A_346 = arith.select %eq3A_16, %gather3A_338, %add3A_272 : vector<16xi1>, vector<16xf32>
      %add3A_347 = arith.addf %select_n3A_345, %select_n3A_346 : vector<16xf32>
      %xor3A_348 = arith.constant 2 : i32
      %xor3A_349 = vector.broadcast %xor3A_348 : i32 to vector<16xi32>
      %xor3A_350 = arith.xori %iota3A, %xor3A_349 : vector<16xi32>
      %broadcast_in_dim3A_351 = vector.shape_cast %xor3A_350 : vector<16xi32> to vector<16x1xi32>
      %gather3A_352 = vector.shape_cast %broadcast_in_dim3A_351 : vector<16x1xi32> to vector<16xi32>
      %gather3A_353 = tpu.dynamic_gather %add3A_287[%gather3A_352] in [0] : vector<16xf32>, vector<16xi32> -> vector<16xf32>
      %xor3A_354 = arith.constant 2 : i32
      %xor3A_355 = vector.broadcast %xor3A_354 : i32 to vector<16xi32>
      %xor3A_356 = arith.xori %iota3A, %xor3A_355 : vector<16xi32>
      %broadcast_in_dim3A_357 = vector.shape_cast %xor3A_356 : vector<16xi32> to vector<16x1xi32>
      %gather3A_358 = vector.shape_cast %broadcast_in_dim3A_357 : vector<16x1xi32> to vector<16xi32>
      %gather3A_359 = tpu.dynamic_gather %add3A_302[%gather3A_358] in [0] : vector<16xf32>, vector<16xi32> -> vector<16xf32>
      %select_n3A_360 = arith.select %eq3A_16, %add3A_287, %gather3A_359 : vector<16xi1>, vector<16xf32>
      %select_n3A_361 = arith.select %eq3A_16, %gather3A_353, %add3A_302 : vector<16xi1>, vector<16xf32>
      %add3A_362 = arith.addf %select_n3A_360, %select_n3A_361 : vector<16xf32>
      %xor3A_363 = arith.constant 4 : i32
      %xor3A_364 = vector.broadcast %xor3A_363 : i32 to vector<16xi32>
      %xor3A_365 = arith.xori %iota3A, %xor3A_364 : vector<16xi32>
      %broadcast_in_dim3A_366 = vector.shape_cast %xor3A_365 : vector<16xi32> to vector<16x1xi32>
      %gather3A_367 = vector.shape_cast %broadcast_in_dim3A_366 : vector<16x1xi32> to vector<16xi32>
      %gather3A_368 = tpu.dynamic_gather %add3A_317[%gather3A_367] in [0] : vector<16xf32>, vector<16xi32> -> vector<16xf32>
      %xor3A_369 = arith.constant 4 : i32
      %xor3A_370 = vector.broadcast %xor3A_369 : i32 to vector<16xi32>
      %xor3A_371 = arith.xori %iota3A, %xor3A_370 : vector<16xi32>
      %broadcast_in_dim3A_372 = vector.shape_cast %xor3A_371 : vector<16xi32> to vector<16x1xi32>
      %gather3A_373 = vector.shape_cast %broadcast_in_dim3A_372 : vector<16x1xi32> to vector<16xi32>
      %gather3A_374 = tpu.dynamic_gather %add3A_332[%gather3A_373] in [0] : vector<16xf32>, vector<16xi32> -> vector<16xf32>
      %select_n3A_375 = arith.select %eq3A_22, %add3A_317, %gather3A_374 : vector<16xi1>, vector<16xf32>
      %select_n3A_376 = arith.select %eq3A_22, %gather3A_368, %add3A_332 : vector<16xi1>, vector<16xf32>
      %add3A_377 = arith.addf %select_n3A_375, %select_n3A_376 : vector<16xf32>
      %xor3A_378 = arith.constant 4 : i32
      %xor3A_379 = vector.broadcast %xor3A_378 : i32 to vector<16xi32>
      %xor3A_380 = arith.xori %iota3A, %xor3A_379 : vector<16xi32>
      %broadcast_in_dim3A_381 = vector.shape_cast %xor3A_380 : vector<16xi32> to vector<16x1xi32>
      %gather3A_382 = vector.shape_cast %broadcast_in_dim3A_381 : vector<16x1xi32> to vector<16xi32>
      %gather3A_383 = tpu.dynamic_gather %add3A_347[%gather3A_382] in [0] : vector<16xf32>, vector<16xi32> -> vector<16xf32>
      %xor3A_384 = arith.constant 4 : i32
      %xor3A_385 = vector.broadcast %xor3A_384 : i32 to vector<16xi32>
      %xor3A_386 = arith.xori %iota3A, %xor3A_385 : vector<16xi32>
      %broadcast_in_dim3A_387 = vector.shape_cast %xor3A_386 : vector<16xi32> to vector<16x1xi32>
      %gather3A_388 = vector.shape_cast %broadcast_in_dim3A_387 : vector<16x1xi32> to vector<16xi32>
      %gather3A_389 = tpu.dynamic_gather %add3A_362[%gather3A_388] in [0] : vector<16xf32>, vector<16xi32> -> vector<16xf32>
      %select_n3A_390 = arith.select %eq3A_22, %add3A_347, %gather3A_389 : vector<16xi1>, vector<16xf32>
      %select_n3A_391 = arith.select %eq3A_22, %gather3A_383, %add3A_362 : vector<16xi1>, vector<16xf32>
      %add3A_392 = arith.addf %select_n3A_390, %select_n3A_391 : vector<16xf32>
      %xor3A_393 = arith.constant 8 : i32
      %xor3A_394 = vector.broadcast %xor3A_393 : i32 to vector<16xi32>
      %xor3A_395 = arith.xori %iota3A, %xor3A_394 : vector<16xi32>
      %broadcast_in_dim3A_396 = vector.shape_cast %xor3A_395 : vector<16xi32> to vector<16x1xi32>
      %gather3A_397 = vector.shape_cast %broadcast_in_dim3A_396 : vector<16x1xi32> to vector<16xi32>
      %gather3A_398 = tpu.dynamic_gather %add3A_377[%gather3A_397] in [0] : vector<16xf32>, vector<16xi32> -> vector<16xf32>
      %xor3A_399 = arith.constant 8 : i32
      %xor3A_400 = vector.broadcast %xor3A_399 : i32 to vector<16xi32>
      %xor3A_401 = arith.xori %iota3A, %xor3A_400 : vector<16xi32>
      %broadcast_in_dim3A_402 = vector.shape_cast %xor3A_401 : vector<16xi32> to vector<16x1xi32>
      %gather3A_403 = vector.shape_cast %broadcast_in_dim3A_402 : vector<16x1xi32> to vector<16xi32>
      %gather3A_404 = tpu.dynamic_gather %add3A_392[%gather3A_403] in [0] : vector<16xf32>, vector<16xi32> -> vector<16xf32>
      %select_n3A_405 = arith.select %eq3A_28, %add3A_377, %gather3A_404 : vector<16xi1>, vector<16xf32>
      %select_n3A_406 = arith.select %eq3A_28, %gather3A_398, %add3A_392 : vector<16xi1>, vector<16xf32>
      %add3A_407 = arith.addf %select_n3A_405, %select_n3A_406 : vector<16xf32>
      %add3A_408 = arith.addf %add3A_407, %get3A_6 : vector<16xf32>
      %xor3A_409 = arith.constant 4 : i32
      %xor3A_410 = vector.broadcast %xor3A_409 : i32 to vector<16xi32>
      %xor3A_411 = arith.xori %iota3A, %xor3A_410 : vector<16xi32>
      %broadcast_in_dim3A_412 = vector.shape_cast %xor3A_411 : vector<16xi32> to vector<16x1xi32>
      %gather3A_413 = vector.shape_cast %broadcast_in_dim3A_412 : vector<16x1xi32> to vector<16xi32>
      %gather3A_414 = tpu.dynamic_gather %add3A_408[%gather3A_413] in [0] : vector<16xf32>, vector<16xi32> -> vector<16xf32>
      %max3A = arith.maximumf %add3A_408, %gather3A_414 : vector<16xf32>
      %xor3A_415 = arith.constant 2 : i32
      %xor3A_416 = vector.broadcast %xor3A_415 : i32 to vector<16xi32>
      %xor3A_417 = arith.xori %iota3A, %xor3A_416 : vector<16xi32>
      %broadcast_in_dim3A_418 = vector.shape_cast %xor3A_417 : vector<16xi32> to vector<16x1xi32>
      %gather3A_419 = vector.shape_cast %broadcast_in_dim3A_418 : vector<16x1xi32> to vector<16xi32>
      %gather3A_420 = tpu.dynamic_gather %max3A[%gather3A_419] in [0] : vector<16xf32>, vector<16xi32> -> vector<16xf32>
      %max3A_421 = arith.maximumf %max3A, %gather3A_420 : vector<16xf32>
      %xor3A_422 = arith.constant 1 : i32
      %xor3A_423 = vector.broadcast %xor3A_422 : i32 to vector<16xi32>
      %xor3A_424 = arith.xori %iota3A, %xor3A_423 : vector<16xi32>
      %broadcast_in_dim3A_425 = vector.shape_cast %xor3A_424 : vector<16xi32> to vector<16x1xi32>
      %gather3A_426 = vector.shape_cast %broadcast_in_dim3A_425 : vector<16x1xi32> to vector<16xi32>
      %gather3A_427 = tpu.dynamic_gather %max3A_421[%gather3A_426] in [0] : vector<16xf32>, vector<16xi32> -> vector<16xf32>
      %max3A_428 = arith.maximumf %max3A_421, %gather3A_427 : vector<16xf32>
      %sub3A_429 = arith.subf %add3A_408, %max3A_428 : vector<16xf32>
      %exp3A = math.exp %sub3A_429 : vector<16xf32>
      %xor3A_430 = arith.constant 4 : i32
      %xor3A_431 = vector.broadcast %xor3A_430 : i32 to vector<16xi32>
      %xor3A_432 = arith.xori %iota3A, %xor3A_431 : vector<16xi32>
      %broadcast_in_dim3A_433 = vector.shape_cast %xor3A_432 : vector<16xi32> to vector<16x1xi32>
      %gather3A_434 = vector.shape_cast %broadcast_in_dim3A_433 : vector<16x1xi32> to vector<16xi32>
      %gather3A_435 = tpu.dynamic_gather %exp3A[%gather3A_434] in [0] : vector<16xf32>, vector<16xi32> -> vector<16xf32>
      %add3A_436 = arith.addf %exp3A, %gather3A_435 : vector<16xf32>
      %xor3A_437 = arith.constant 2 : i32
      %xor3A_438 = vector.broadcast %xor3A_437 : i32 to vector<16xi32>
      %xor3A_439 = arith.xori %iota3A, %xor3A_438 : vector<16xi32>
      %broadcast_in_dim3A_440 = vector.shape_cast %xor3A_439 : vector<16xi32> to vector<16x1xi32>
      %gather3A_441 = vector.shape_cast %broadcast_in_dim3A_440 : vector<16x1xi32> to vector<16xi32>
      %gather3A_442 = tpu.dynamic_gather %add3A_436[%gather3A_441] in [0] : vector<16xf32>, vector<16xi32> -> vector<16xf32>
      %add3A_443 = arith.addf %add3A_436, %gather3A_442 : vector<16xf32>
      %xor3A_444 = arith.constant 1 : i32
      %xor3A_445 = vector.broadcast %xor3A_444 : i32 to vector<16xi32>
      %xor3A_446 = arith.xori %iota3A, %xor3A_445 : vector<16xi32>
      %broadcast_in_dim3A_447 = vector.shape_cast %xor3A_446 : vector<16xi32> to vector<16x1xi32>
      %gather3A_448 = vector.shape_cast %broadcast_in_dim3A_447 : vector<16x1xi32> to vector<16xi32>
      %gather3A_449 = tpu.dynamic_gather %add3A_443[%gather3A_448] in [0] : vector<16xf32>, vector<16xi32> -> vector<16xf32>
      %add3A_450 = arith.addf %add3A_443, %gather3A_449 : vector<16xf32>
      %div3A = arith.divf %exp3A, %add3A_450 : vector<16xf32>
      %add3A_451 = arith.constant 0 : i32
      %add3A_452 = arith.addi %add3A_451, %mul3A_116 : i32
      %add3A_453 = arith.constant 0 : i32
      %add3A_454 = arith.addi %add3A_452, %add3A_453 : i32
      %mul3A_455 = arith.constant 8 : i32
      %mul3A_456 = arith.muli %add3A_454, %mul3A_455 : i32
      %swap3A = arith.index_cast %mul3A_456 : i32 to index
      %swap3A_457 = tpu.vector_load %arg10[%swap3A] {strides = array<i32>} : memref<2048xf32, #tpu.memory_space<vmem>>, vector<16xf32>,
      %swap3A_458 = vector.shape_cast %swap3A_457 : vector<16xf32> to vector<16xf32>
      %swap3A_459 = vector.shape_cast %div3A : vector<16xf32> to vector<16xf32>
      tpu.vector_store %arg10[%swap3A], %swap3A_459 {strides = array<i32>} : memref<2048xf32, #tpu.memory_space<vmem>>, vector<16xf32>,
      %xor3A_460 = arith.constant 1 : i32
      %xor3A_461 = vector.broadcast %xor3A_460 : i32 to vector<16xi32>
      %xor3A_462 = arith.xori %iota3A, %xor3A_461 : vector<16xi32>
      %broadcast_in_dim3A_463 = vector.shape_cast %xor3A_462 : vector<16xi32> to vector<16x1xi32>
      %gather3A_464 = vector.shape_cast %broadcast_in_dim3A_463 : vector<16x1xi32> to vector<16xi32>
      %gather3A_465 = tpu.dynamic_gather %scan3A_184#16[%gather3A_464] in [0] : vector<16xf32>, vector<16xi32> -> vector<16xf32>
      %xor3A_466 = arith.constant 1 : i32
      %xor3A_467 = vector.broadcast %xor3A_466 : i32 to vector<16xi32>
      %xor3A_468 = arith.xori %iota3A, %xor3A_467 : vector<16xi32>
      %broadcast_in_dim3A_469 = vector.shape_cast %xor3A_468 : vector<16xi32> to vector<16x1xi32>
      %gather3A_470 = vector.shape_cast %broadcast_in_dim3A_469 : vector<16x1xi32> to vector<16xi32>
      %gather3A_471 = tpu.dynamic_gather %scan3A_184#17[%gather3A_470] in [0] : vector<16xf32>, vector<16xi32> -> vector<16xf32>
      %select_n3A_472 = arith.select %eq3A_10, %scan3A_184#16, %gather3A_471 : vector<16xi1>, vector<16xf32>
      %select_n3A_473 = arith.select %eq3A_10, %gather3A_465, %scan3A_184#17 : vector<16xi1>, vector<16xf32>
      %add3A_474 = arith.addf %select_n3A_472, %select_n3A_473 : vector<16xf32>
      %xor3A_475 = arith.constant 1 : i32
      %xor3A_476 = vector.broadcast %xor3A_475 : i32 to vector<16xi32>
      %xor3A_477 = arith.xori %iota3A, %xor3A_476 : vector<16xi32>
      %broadcast_in_dim3A_478 = vector.shape_cast %xor3A_477 : vector<16xi32> to vector<16x1xi32>
      %gather3A_479 = vector.shape_cast %broadcast_in_dim3A_478 : vector<16x1xi32> to vector<16xi32>
      %gather3A_480 = tpu.dynamic_gather %scan3A_184#18[%gather3A_479] in [0] : vector<16xf32>, vector<16xi32> -> vector<16xf32>
      %xor3A_481 = arith.constant 1 : i32
      %xor3A_482 = vector.broadcast %xor3A_481 : i32 to vector<16xi32>
      %xor3A_483 = arith.xori %iota3A, %xor3A_482 : vector<16xi32>
      %broadcast_in_dim3A_484 = vector.shape_cast %xor3A_483 : vector<16xi32> to vector<16x1xi32>
      %gather3A_485 = vector.shape_cast %broadcast_in_dim3A_484 : vector<16x1xi32> to vector<16xi32>
      %gather3A_486 = tpu.dynamic_gather %scan3A_184#19[%gather3A_485] in [0] : vector<16xf32>, vector<16xi32> -> vector<16xf32>
      %select_n3A_487 = arith.select %eq3A_10, %scan3A_184#18, %gather3A_486 : vector<16xi1>, vector<16xf32>
      %select_n3A_488 = arith.select %eq3A_10, %gather3A_480, %scan3A_184#19 : vector<16xi1>, vector<16xf32>
      %add3A_489 = arith.addf %select_n3A_487, %select_n3A_488 : vector<16xf32>
      %xor3A_490 = arith.constant 1 : i32
      %xor3A_491 = vector.broadcast %xor3A_490 : i32 to vector<16xi32>
      %xor3A_492 = arith.xori %iota3A, %xor3A_491 : vector<16xi32>
      %broadcast_in_dim3A_493 = vector.shape_cast %xor3A_492 : vector<16xi32> to vector<16x1xi32>
      %gather3A_494 = vector.shape_cast %broadcast_in_dim3A_493 : vector<16x1xi32> to vector<16xi32>
      %gather3A_495 = tpu.dynamic_gather %scan3A_184#20[%gather3A_494] in [0] : vector<16xf32>, vector<16xi32> -> vector<16xf32>
      %xor3A_496 = arith.constant 1 : i32
      %xor3A_497 = vector.broadcast %xor3A_496 : i32 to vector<16xi32>
      %xor3A_498 = arith.xori %iota3A, %xor3A_497 : vector<16xi32>
      %broadcast_in_dim3A_499 = vector.shape_cast %xor3A_498 : vector<16xi32> to vector<16x1xi32>
      %gather3A_500 = vector.shape_cast %broadcast_in_dim3A_499 : vector<16x1xi32> to vector<16xi32>
      %gather3A_501 = tpu.dynamic_gather %scan3A_184#21[%gather3A_500] in [0] : vector<16xf32>, vector<16xi32> -> vector<16xf32>
      %select_n3A_502 = arith.select %eq3A_10, %scan3A_184#20, %gather3A_501 : vector<16xi1>, vector<16xf32>
      %select_n3A_503 = arith.select %eq3A_10, %gather3A_495, %scan3A_184#21 : vector<16xi1>, vector<16xf32>
      %add3A_504 = arith.addf %select_n3A_502, %select_n3A_503 : vector<16xf32>
      %xor3A_505 = arith.constant 1 : i32
      %xor3A_506 = vector.broadcast %xor3A_505 : i32 to vector<16xi32>
      %xor3A_507 = arith.xori %iota3A, %xor3A_506 : vector<16xi32>
      %broadcast_in_dim3A_508 = vector.shape_cast %xor3A_507 : vector<16xi32> to vector<16x1xi32>
      %gather3A_509 = vector.shape_cast %broadcast_in_dim3A_508 : vector<16x1xi32> to vector<16xi32>
      %gather3A_510 = tpu.dynamic_gather %scan3A_184#22[%gather3A_509] in [0] : vector<16xf32>, vector<16xi32> -> vector<16xf32>
      %xor3A_511 = arith.constant 1 : i32
      %xor3A_512 = vector.broadcast %xor3A_511 : i32 to vector<16xi32>
      %xor3A_513 = arith.xori %iota3A, %xor3A_512 : vector<16xi32>
      %broadcast_in_dim3A_514 = vector.shape_cast %xor3A_513 : vector<16xi32> to vector<16x1xi32>
      %gather3A_515 = vector.shape_cast %broadcast_in_dim3A_514 : vector<16x1xi32> to vector<16xi32>
      %gather3A_516 = tpu.dynamic_gather %scan3A_184#23[%gather3A_515] in [0] : vector<16xf32>, vector<16xi32> -> vector<16xf32>
      %select_n3A_517 = arith.select %eq3A_10, %scan3A_184#22, %gather3A_516 : vector<16xi1>, vector<16xf32>
      %select_n3A_518 = arith.select %eq3A_10, %gather3A_510, %scan3A_184#23 : vector<16xi1>, vector<16xf32>
      %add3A_519 = arith.addf %select_n3A_517, %select_n3A_518 : vector<16xf32>
      %xor3A_520 = arith.constant 1 : i32
      %xor3A_521 = vector.broadcast %xor3A_520 : i32 to vector<16xi32>
      %xor3A_522 = arith.xori %iota3A, %xor3A_521 : vector<16xi32>
      %broadcast_in_dim3A_523 = vector.shape_cast %xor3A_522 : vector<16xi32> to vector<16x1xi32>
      %gather3A_524 = vector.shape_cast %broadcast_in_dim3A_523 : vector<16x1xi32> to vector<16xi32>
      %gather3A_525 = tpu.dynamic_gather %scan3A_184#24[%gather3A_524] in [0] : vector<16xf32>, vector<16xi32> -> vector<16xf32>
      %xor3A_526 = arith.constant 1 : i32
      %xor3A_527 = vector.broadcast %xor3A_526 : i32 to vector<16xi32>
      %xor3A_528 = arith.xori %iota3A, %xor3A_527 : vector<16xi32>
      %broadcast_in_dim3A_529 = vector.shape_cast %xor3A_528 : vector<16xi32> to vector<16x1xi32>
      %gather3A_530 = vector.shape_cast %broadcast_in_dim3A_529 : vector<16x1xi32> to vector<16xi32>
      %gather3A_531 = tpu.dynamic_gather %scan3A_184#25[%gather3A_530] in [0] : vector<16xf32>, vector<16xi32> -> vector<16xf32>
      %select_n3A_532 = arith.select %eq3A_10, %scan3A_184#24, %gather3A_531 : vector<16xi1>, vector<16xf32>
      %select_n3A_533 = arith.select %eq3A_10, %gather3A_525, %scan3A_184#25 : vector<16xi1>, vector<16xf32>
      %add3A_534 = arith.addf %select_n3A_532, %select_n3A_533 : vector<16xf32>
      %xor3A_535 = arith.constant 1 : i32
      %xor3A_536 = vector.broadcast %xor3A_535 : i32 to vector<16xi32>
      %xor3A_537 = arith.xori %iota3A, %xor3A_536 : vector<16xi32>
      %broadcast_in_dim3A_538 = vector.shape_cast %xor3A_537 : vector<16xi32> to vector<16x1xi32>
      %gather3A_539 = vector.shape_cast %broadcast_in_dim3A_538 : vector<16x1xi32> to vector<16xi32>
      %gather3A_540 = tpu.dynamic_gather %scan3A_184#26[%gather3A_539] in [0] : vector<16xf32>, vector<16xi32> -> vector<16xf32>
      %xor3A_541 = arith.constant 1 : i32
      %xor3A_542 = vector.broadcast %xor3A_541 : i32 to vector<16xi32>
      %xor3A_543 = arith.xori %iota3A, %xor3A_542 : vector<16xi32>
      %broadcast_in_dim3A_544 = vector.shape_cast %xor3A_543 : vector<16xi32> to vector<16x1xi32>
      %gather3A_545 = vector.shape_cast %broadcast_in_dim3A_544 : vector<16x1xi32> to vector<16xi32>
      %gather3A_546 = tpu.dynamic_gather %scan3A_184#27[%gather3A_545] in [0] : vector<16xf32>, vector<16xi32> -> vector<16xf32>
      %select_n3A_547 = arith.select %eq3A_10, %scan3A_184#26, %gather3A_546 : vector<16xi1>, vector<16xf32>
      %select_n3A_548 = arith.select %eq3A_10, %gather3A_540, %scan3A_184#27 : vector<16xi1>, vector<16xf32>
      %add3A_549 = arith.addf %select_n3A_547, %select_n3A_548 : vector<16xf32>
      %xor3A_550 = arith.constant 1 : i32
      %xor3A_551 = vector.broadcast %xor3A_550 : i32 to vector<16xi32>
      %xor3A_552 = arith.xori %iota3A, %xor3A_551 : vector<16xi32>
      %broadcast_in_dim3A_553 = vector.shape_cast %xor3A_552 : vector<16xi32> to vector<16x1xi32>
      %gather3A_554 = vector.shape_cast %broadcast_in_dim3A_553 : vector<16x1xi32> to vector<16xi32>
      %gather3A_555 = tpu.dynamic_gather %scan3A_184#28[%gather3A_554] in [0] : vector<16xf32>, vector<16xi32> -> vector<16xf32>
      %xor3A_556 = arith.constant 1 : i32
      %xor3A_557 = vector.broadcast %xor3A_556 : i32 to vector<16xi32>
      %xor3A_558 = arith.xori %iota3A, %xor3A_557 : vector<16xi32>
      %broadcast_in_dim3A_559 = vector.shape_cast %xor3A_558 : vector<16xi32> to vector<16x1xi32>
      %gather3A_560 = vector.shape_cast %broadcast_in_dim3A_559 : vector<16x1xi32> to vector<16xi32>
      %gather3A_561 = tpu.dynamic_gather %scan3A_184#29[%gather3A_560] in [0] : vector<16xf32>, vector<16xi32> -> vector<16xf32>
      %select_n3A_562 = arith.select %eq3A_10, %scan3A_184#28, %gather3A_561 : vector<16xi1>, vector<16xf32>
      %select_n3A_563 = arith.select %eq3A_10, %gather3A_555, %scan3A_184#29 : vector<16xi1>, vector<16xf32>
      %add3A_564 = arith.addf %select_n3A_562, %select_n3A_563 : vector<16xf32>
      %xor3A_565 = arith.constant 1 : i32
      %xor3A_566 = vector.broadcast %xor3A_565 : i32 to vector<16xi32>
      %xor3A_567 = arith.xori %iota3A, %xor3A_566 : vector<16xi32>
      %broadcast_in_dim3A_568 = vector.shape_cast %xor3A_567 : vector<16xi32> to vector<16x1xi32>
      %gather3A_569 = vector.shape_cast %broadcast_in_dim3A_568 : vector<16x1xi32> to vector<16xi32>
      %gather3A_570 = tpu.dynamic_gather %scan3A_184#30[%gather3A_569] in [0] : vector<16xf32>, vector<16xi32> -> vector<16xf32>
      %xor3A_571 = arith.constant 1 : i32
      %xor3A_572 = vector.broadcast %xor3A_571 : i32 to vector<16xi32>
      %xor3A_573 = arith.xori %iota3A, %xor3A_572 : vector<16xi32>
      %broadcast_in_dim3A_574 = vector.shape_cast %xor3A_573 : vector<16xi32> to vector<16x1xi32>
      %gather3A_575 = vector.shape_cast %broadcast_in_dim3A_574 : vector<16x1xi32> to vector<16xi32>
      %gather3A_576 = tpu.dynamic_gather %scan3A_184#31[%gather3A_575] in [0] : vector<16xf32>, vector<16xi32> -> vector<16xf32>
      %select_n3A_577 = arith.select %eq3A_10, %scan3A_184#30, %gather3A_576 : vector<16xi1>, vector<16xf32>
      %select_n3A_578 = arith.select %eq3A_10, %gather3A_570, %scan3A_184#31 : vector<16xi1>, vector<16xf32>
      %add3A_579 = arith.addf %select_n3A_577, %select_n3A_578 : vector<16xf32>
      %xor3A_580 = arith.constant 2 : i32
      %xor3A_581 = vector.broadcast %xor3A_580 : i32 to vector<16xi32>
      %xor3A_582 = arith.xori %iota3A, %xor3A_581 : vector<16xi32>
      %broadcast_in_dim3A_583 = vector.shape_cast %xor3A_582 : vector<16xi32> to vector<16x1xi32>
      %gather3A_584 = vector.shape_cast %broadcast_in_dim3A_583 : vector<16x1xi32> to vector<16xi32>
      %gather3A_585 = tpu.dynamic_gather %add3A_474[%gather3A_584] in [0] : vector<16xf32>, vector<16xi32> -> vector<16xf32>
      %xor3A_586 = arith.constant 2 : i32
      %xor3A_587 = vector.broadcast %xor3A_586 : i32 to vector<16xi32>
      %xor3A_588 = arith.xori %iota3A, %xor3A_587 : vector<16xi32>
      %broadcast_in_dim3A_589 = vector.shape_cast %xor3A_588 : vector<16xi32> to vector<16x1xi32>
      %gather3A_590 = vector.shape_cast %broadcast_in_dim3A_589 : vector<16x1xi32> to vector<16xi32>
      %gather3A_591 = tpu.dynamic_gather %add3A_489[%gather3A_590] in [0] : vector<16xf32>, vector<16xi32> -> vector<16xf32>
      %select_n3A_592 = arith.select %eq3A_16, %add3A_474, %gather3A_591 : vector<16xi1>, vector<16xf32>
      %select_n3A_593 = arith.select %eq3A_16, %gather3A_585, %add3A_489 : vector<16xi1>, vector<16xf32>
      %add3A_594 = arith.addf %select_n3A_592, %select_n3A_593 : vector<16xf32>
      %xor3A_595 = arith.constant 2 : i32
      %xor3A_596 = vector.broadcast %xor3A_595 : i32 to vector<16xi32>
      %xor3A_597 = arith.xori %iota3A, %xor3A_596 : vector<16xi32>
      %broadcast_in_dim3A_598 = vector.shape_cast %xor3A_597 : vector<16xi32> to vector<16x1xi32>
      %gather3A_599 = vector.shape_cast %broadcast_in_dim3A_598 : vector<16x1xi32> to vector<16xi32>
      %gather3A_600 = tpu.dynamic_gather %add3A_504[%gather3A_599] in [0] : vector<16xf32>, vector<16xi32> -> vector<16xf32>
      %xor3A_601 = arith.constant 2 : i32
      %xor3A_602 = vector.broadcast %xor3A_601 : i32 to vector<16xi32>
      %xor3A_603 = arith.xori %iota3A, %xor3A_602 : vector<16xi32>
      %broadcast_in_dim3A_604 = vector.shape_cast %xor3A_603 : vector<16xi32> to vector<16x1xi32>
      %gather3A_605 = vector.shape_cast %broadcast_in_dim3A_604 : vector<16x1xi32> to vector<16xi32>
      %gather3A_606 = tpu.dynamic_gather %add3A_519[%gather3A_605] in [0] : vector<16xf32>, vector<16xi32> -> vector<16xf32>
      %select_n3A_607 = arith.select %eq3A_16, %add3A_504, %gather3A_606 : vector<16xi1>, vector<16xf32>
      %select_n3A_608 = arith.select %eq3A_16, %gather3A_600, %add3A_519 : vector<16xi1>, vector<16xf32>
      %add3A_609 = arith.addf %select_n3A_607, %select_n3A_608 : vector<16xf32>
      %xor3A_610 = arith.constant 2 : i32
      %xor3A_611 = vector.broadcast %xor3A_610 : i32 to vector<16xi32>
      %xor3A_612 = arith.xori %iota3A, %xor3A_611 : vector<16xi32>
      %broadcast_in_dim3A_613 = vector.shape_cast %xor3A_612 : vector<16xi32> to vector<16x1xi32>
      %gather3A_614 = vector.shape_cast %broadcast_in_dim3A_613 : vector<16x1xi32> to vector<16xi32>
      %gather3A_615 = tpu.dynamic_gather %add3A_534[%gather3A_614] in [0] : vector<16xf32>, vector<16xi32> -> vector<16xf32>
      %xor3A_616 = arith.constant 2 : i32
      %xor3A_617 = vector.broadcast %xor3A_616 : i32 to vector<16xi32>
      %xor3A_618 = arith.xori %iota3A, %xor3A_617 : vector<16xi32>
      %broadcast_in_dim3A_619 = vector.shape_cast %xor3A_618 : vector<16xi32> to vector<16x1xi32>
      %gather3A_620 = vector.shape_cast %broadcast_in_dim3A_619 : vector<16x1xi32> to vector<16xi32>
      %gather3A_621 = tpu.dynamic_gather %add3A_549[%gather3A_620] in [0] : vector<16xf32>, vector<16xi32> -> vector<16xf32>
      %select_n3A_622 = arith.select %eq3A_16, %add3A_534, %gather3A_621 : vector<16xi1>, vector<16xf32>
      %select_n3A_623 = arith.select %eq3A_16, %gather3A_615, %add3A_549 : vector<16xi1>, vector<16xf32>
      %add3A_624 = arith.addf %select_n3A_622, %select_n3A_623 : vector<16xf32>
      %xor3A_625 = arith.constant 2 : i32
      %xor3A_626 = vector.broadcast %xor3A_625 : i32 to vector<16xi32>
      %xor3A_627 = arith.xori %iota3A, %xor3A_626 : vector<16xi32>
      %broadcast_in_dim3A_628 = vector.shape_cast %xor3A_627 : vector<16xi32> to vector<16x1xi32>
      %gather3A_629 = vector.shape_cast %broadcast_in_dim3A_628 : vector<16x1xi32> to vector<16xi32>
      %gather3A_630 = tpu.dynamic_gather %add3A_564[%gather3A_629] in [0] : vector<16xf32>, vector<16xi32> -> vector<16xf32>
      %xor3A_631 = arith.constant 2 : i32
      %xor3A_632 = vector.broadcast %xor3A_631 : i32 to vector<16xi32>
      %xor3A_633 = arith.xori %iota3A, %xor3A_632 : vector<16xi32>
      %broadcast_in_dim3A_634 = vector.shape_cast %xor3A_633 : vector<16xi32> to vector<16x1xi32>
      %gather3A_635 = vector.shape_cast %broadcast_in_dim3A_634 : vector<16x1xi32> to vector<16xi32>
      %gather3A_636 = tpu.dynamic_gather %add3A_579[%gather3A_635] in [0] : vector<16xf32>, vector<16xi32> -> vector<16xf32>
      %select_n3A_637 = arith.select %eq3A_16, %add3A_564, %gather3A_636 : vector<16xi1>, vector<16xf32>
      %select_n3A_638 = arith.select %eq3A_16, %gather3A_630, %add3A_579 : vector<16xi1>, vector<16xf32>
      %add3A_639 = arith.addf %select_n3A_637, %select_n3A_638 : vector<16xf32>
      %xor3A_640 = arith.constant 4 : i32
      %xor3A_641 = vector.broadcast %xor3A_640 : i32 to vector<16xi32>
      %xor3A_642 = arith.xori %iota3A, %xor3A_641 : vector<16xi32>
      %broadcast_in_dim3A_643 = vector.shape_cast %xor3A_642 : vector<16xi32> to vector<16x1xi32>
      %gather3A_644 = vector.shape_cast %broadcast_in_dim3A_643 : vector<16x1xi32> to vector<16xi32>
      %gather3A_645 = tpu.dynamic_gather %add3A_594[%gather3A_644] in [0] : vector<16xf32>, vector<16xi32> -> vector<16xf32>
      %xor3A_646 = arith.constant 4 : i32
      %xor3A_647 = vector.broadcast %xor3A_646 : i32 to vector<16xi32>
      %xor3A_648 = arith.xori %iota3A, %xor3A_647 : vector<16xi32>
      %broadcast_in_dim3A_649 = vector.shape_cast %xor3A_648 : vector<16xi32> to vector<16x1xi32>
      %gather3A_650 = vector.shape_cast %broadcast_in_dim3A_649 : vector<16x1xi32> to vector<16xi32>
      %gather3A_651 = tpu.dynamic_gather %add3A_609[%gather3A_650] in [0] : vector<16xf32>, vector<16xi32> -> vector<16xf32>
      %select_n3A_652 = arith.select %eq3A_22, %add3A_594, %gather3A_651 : vector<16xi1>, vector<16xf32>
      %select_n3A_653 = arith.select %eq3A_22, %gather3A_645, %add3A_609 : vector<16xi1>, vector<16xf32>
      %add3A_654 = arith.addf %select_n3A_652, %select_n3A_653 : vector<16xf32>
      %xor3A_655 = arith.constant 4 : i32
      %xor3A_656 = vector.broadcast %xor3A_655 : i32 to vector<16xi32>
      %xor3A_657 = arith.xori %iota3A, %xor3A_656 : vector<16xi32>
      %broadcast_in_dim3A_658 = vector.shape_cast %xor3A_657 : vector<16xi32> to vector<16x1xi32>
      %gather3A_659 = vector.shape_cast %broadcast_in_dim3A_658 : vector<16x1xi32> to vector<16xi32>
      %gather3A_660 = tpu.dynamic_gather %add3A_624[%gather3A_659] in [0] : vector<16xf32>, vector<16xi32> -> vector<16xf32>
      %xor3A_661 = arith.constant 4 : i32
      %xor3A_662 = vector.broadcast %xor3A_661 : i32 to vector<16xi32>
      %xor3A_663 = arith.xori %iota3A, %xor3A_662 : vector<16xi32>
      %broadcast_in_dim3A_664 = vector.shape_cast %xor3A_663 : vector<16xi32> to vector<16x1xi32>
      %gather3A_665 = vector.shape_cast %broadcast_in_dim3A_664 : vector<16x1xi32> to vector<16xi32>
      %gather3A_666 = tpu.dynamic_gather %add3A_639[%gather3A_665] in [0] : vector<16xf32>, vector<16xi32> -> vector<16xf32>
      %select_n3A_667 = arith.select %eq3A_22, %add3A_624, %gather3A_666 : vector<16xi1>, vector<16xf32>
      %select_n3A_668 = arith.select %eq3A_22, %gather3A_660, %add3A_639 : vector<16xi1>, vector<16xf32>
      %add3A_669 = arith.addf %select_n3A_667, %select_n3A_668 : vector<16xf32>
      %xor3A_670 = arith.constant 8 : i32
      %xor3A_671 = vector.broadcast %xor3A_670 : i32 to vector<16xi32>
      %xor3A_672 = arith.xori %iota3A, %xor3A_671 : vector<16xi32>
      %broadcast_in_dim3A_673 = vector.shape_cast %xor3A_672 : vector<16xi32> to vector<16x1xi32>
      %gather3A_674 = vector.shape_cast %broadcast_in_dim3A_673 : vector<16x1xi32> to vector<16xi32>
      %gather3A_675 = tpu.dynamic_gather %add3A_654[%gather3A_674] in [0] : vector<16xf32>, vector<16xi32> -> vector<16xf32>
      %xor3A_676 = arith.constant 8 : i32
      %xor3A_677 = vector.broadcast %xor3A_676 : i32 to vector<16xi32>
      %xor3A_678 = arith.xori %iota3A, %xor3A_677 : vector<16xi32>
      %broadcast_in_dim3A_679 = vector.shape_cast %xor3A_678 : vector<16xi32> to vector<16x1xi32>
      %gather3A_680 = vector.shape_cast %broadcast_in_dim3A_679 : vector<16x1xi32> to vector<16xi32>
      %gather3A_681 = tpu.dynamic_gather %add3A_669[%gather3A_680] in [0] : vector<16xf32>, vector<16xi32> -> vector<16xf32>
      %select_n3A_682 = arith.select %eq3A_28, %add3A_654, %gather3A_681 : vector<16xi1>, vector<16xf32>
      %select_n3A_683 = arith.select %eq3A_28, %gather3A_675, %add3A_669 : vector<16xi1>, vector<16xf32>
      %add3A_684 = arith.addf %select_n3A_682, %select_n3A_683 : vector<16xf32>
      %add3A_685 = arith.addf %add3A_684, %get3A_6 : vector<16xf32>
      %xor3A_686 = arith.constant 4 : i32
      %xor3A_687 = vector.broadcast %xor3A_686 : i32 to vector<16xi32>
      %xor3A_688 = arith.xori %iota3A, %xor3A_687 : vector<16xi32>
      %broadcast_in_dim3A_689 = vector.shape_cast %xor3A_688 : vector<16xi32> to vector<16x1xi32>
      %gather3A_690 = vector.shape_cast %broadcast_in_dim3A_689 : vector<16x1xi32> to vector<16xi32>
      %gather3A_691 = tpu.dynamic_gather %add3A_685[%gather3A_690] in [0] : vector<16xf32>, vector<16xi32> -> vector<16xf32>
      %max3A_692 = arith.maximumf %add3A_685, %gather3A_691 : vector<16xf32>
      %xor3A_693 = arith.constant 2 : i32
      %xor3A_694 = vector.broadcast %xor3A_693 : i32 to vector<16xi32>
      %xor3A_695 = arith.xori %iota3A, %xor3A_694 : vector<16xi32>
      %broadcast_in_dim3A_696 = vector.shape_cast %xor3A_695 : vector<16xi32> to vector<16x1xi32>
      %gather3A_697 = vector.shape_cast %broadcast_in_dim3A_696 : vector<16x1xi32> to vector<16xi32>
      %gather3A_698 = tpu.dynamic_gather %max3A_692[%gather3A_697] in [0] : vector<16xf32>, vector<16xi32> -> vector<16xf32>
      %max3A_699 = arith.maximumf %max3A_692, %gather3A_698 : vector<16xf32>
      %xor3A_700 = arith.constant 1 : i32
      %xor3A_701 = vector.broadcast %xor3A_700 : i32 to vector<16xi32>
      %xor3A_702 = arith.xori %iota3A, %xor3A_701 : vector<16xi32>
      %broadcast_in_dim3A_703 = vector.shape_cast %xor3A_702 : vector<16xi32> to vector<16x1xi32>
      %gather3A_704 = vector.shape_cast %broadcast_in_dim3A_703 : vector<16x1xi32> to vector<16xi32>
      %gather3A_705 = tpu.dynamic_gather %max3A_699[%gather3A_704] in [0] : vector<16xf32>, vector<16xi32> -> vector<16xf32>
      %max3A_706 = arith.maximumf %max3A_699, %gather3A_705 : vector<16xf32>
      %sub3A_707 = arith.subf %add3A_685, %max3A_706 : vector<16xf32>
      %exp3A_708 = math.exp %sub3A_707 : vector<16xf32>
      %xor3A_709 = arith.constant 4 : i32
      %xor3A_710 = vector.broadcast %xor3A_709 : i32 to vector<16xi32>
      %xor3A_711 = arith.xori %iota3A, %xor3A_710 : vector<16xi32>
      %broadcast_in_dim3A_712 = vector.shape_cast %xor3A_711 : vector<16xi32> to vector<16x1xi32>
      %gather3A_713 = vector.shape_cast %broadcast_in_dim3A_712 : vector<16x1xi32> to vector<16xi32>
      %gather3A_714 = tpu.dynamic_gather %exp3A_708[%gather3A_713] in [0] : vector<16xf32>, vector<16xi32> -> vector<16xf32>
      %add3A_715 = arith.addf %exp3A_708, %gather3A_714 : vector<16xf32>
      %xor3A_716 = arith.constant 2 : i32
      %xor3A_717 = vector.broadcast %xor3A_716 : i32 to vector<16xi32>
      %xor3A_718 = arith.xori %iota3A, %xor3A_717 : vector<16xi32>
      %broadcast_in_dim3A_719 = vector.shape_cast %xor3A_718 : vector<16xi32> to vector<16x1xi32>
      %gather3A_720 = vector.shape_cast %broadcast_in_dim3A_719 : vector<16x1xi32> to vector<16xi32>
      %gather3A_721 = tpu.dynamic_gather %add3A_715[%gather3A_720] in [0] : vector<16xf32>, vector<16xi32> -> vector<16xf32>
      %add3A_722 = arith.addf %add3A_715, %gather3A_721 : vector<16xf32>
      %xor3A_723 = arith.constant 1 : i32
      %xor3A_724 = vector.broadcast %xor3A_723 : i32 to vector<16xi32>
      %xor3A_725 = arith.xori %iota3A, %xor3A_724 : vector<16xi32>
      %broadcast_in_dim3A_726 = vector.shape_cast %xor3A_725 : vector<16xi32> to vector<16x1xi32>
      %gather3A_727 = vector.shape_cast %broadcast_in_dim3A_726 : vector<16x1xi32> to vector<16xi32>
      %gather3A_728 = tpu.dynamic_gather %add3A_722[%gather3A_727] in [0] : vector<16xf32>, vector<16xi32> -> vector<16xf32>
      %add3A_729 = arith.addf %add3A_722, %gather3A_728 : vector<16xf32>
      %div3A_730 = arith.divf %exp3A_708, %add3A_729 : vector<16xf32>
      %add3A_731 = arith.constant 0 : i32
      %add3A_732 = arith.addi %add3A_731, %mul3A_116 : i32
      %add3A_733 = arith.constant 2 : i32
      %add3A_734 = arith.addi %add3A_732, %add3A_733 : i32
      %mul3A_735 = arith.constant 8 : i32
      %mul3A_736 = arith.muli %add3A_734, %mul3A_735 : i32
      %swap3A_737 = arith.index_cast %mul3A_736 : i32 to index
      %swap3A_738 = tpu.vector_load %arg10[%swap3A_737] {strides = array<i32>} : memref<2048xf32, #tpu.memory_space<vmem>>, vector<16xf32>,
      %swap3A_739 = vector.shape_cast %swap3A_738 : vector<16xf32> to vector<16xf32>
      %swap3A_740 = vector.shape_cast %div3A_730 : vector<16xf32> to vector<16xf32>
      tpu.vector_store %arg10[%swap3A_737], %swap3A_740 {strides = array<i32>} : memref<2048xf32, #tpu.memory_space<vmem>>, vector<16xf32>,
      %scan3A_741 = arith.constant 0 : i32
      scf.yield %scan3A_741 : i32
    }
    %scan3A_52 = arith.constant 16 : i32
    %add3A_53 = arith.constant 128 : i32
    %add3A_54 = arith.addi %add3A_4, %add3A_53 : i32
    %multiple_of3A_55 = tpu.assume_multiple %add3A_54, 8 : i32
    %dma_start3A_56 = arith.constant 0 : i32
    %dma_start3A_57 = tpu.memref_slice %arg2[%multiple_of3A_55, %dma_start3A_56] : memref<32768x768xf32, #tpu.memory_space<hbm>> -> memref<64x768xf32, #tpu.memory_space<hbm>>
    %dma_start3A_58 = arith.constant 0 : i32
    %dma_start3A_59 = tpu.memref_slice %arg2[%multiple_of3A_55, %dma_start3A_58] : memref<32768x768xf32, #tpu.memory_space<hbm>> -> memref<64x768xf32, #tpu.memory_space<hbm>>
    tpu.enqueue_dma source(%dma_start3A_59 : memref<64x768xf32, #tpu.memory_space<hbm>>) target(%arg8 : memref<64x768xf32, #tpu.memory_space<vmem>>) target_semaphore(%arg11 : memref<!tpu.dma_semaphore, #tpu.memory_space<semaphore_mem>>)
    %add3A_60 = arith.constant 64 : i32
    %add3A_61 = arith.addi %add3A_4, %add3A_60 : i32
    %multiple_of3A_62 = tpu.assume_multiple %add3A_61, 8 : i32
    %dma_wait3A_63 = arith.constant 0 : i32
    %dma_wait3A_64 = tpu.memref_slice %arg2[%multiple_of3A_62, %dma_wait3A_63] : memref<32768x768xf32, #tpu.memory_space<hbm>> -> memref<64x768xf32, #tpu.memory_space<hbm>>
    %dma_wait3A_65 = arith.constant 0 : i32
    %dma_wait3A_66 = tpu.memref_slice %arg2[%multiple_of3A_62, %dma_wait3A_65] : memref<32768x768xf32, #tpu.memory_space<hbm>> -> memref<64x768xf32, #tpu.memory_space<hbm>>
    tpu.wait_dma2 semaphore(%arg12 : memref<!tpu.dma_semaphore, #tpu.memory_space<semaphore_mem>>) src(%dma_wait3A_66 : memref<64x768xf32, #tpu.memory_space<hbm>>) dst(%arg9 : memref<64x768xf32, #tpu.memory_space<vmem>>)
    %scan3A_67 = arith.constant 0 : i32
    %scan3A_68 = arith.constant 0 : i32
    %scan3A_69 = arith.constant 16 : i32
    %scan3A_70 = arith.addi %scan3A_68, %scan3A_69 : i32
    %scan3A_71 = arith.constant 1 : i32
    %scan3A_72 = scf.for %scan3A_113 = %scan3A_68 to %scan3A_70 step %scan3A_71 iter_args(%scan3A_114 = %scan3A_67) -> (i32)  : i32 {
      %mul3A_115 = arith.constant 4 : i32
      %mul3A_116 = arith.muli %scan3A_113, %mul3A_115 : i32
      %broadcast_in_dim3A = arith.constant 0.000000e+00 : f32
      %broadcast_in_dim3A_117 = vector.broadcast %broadcast_in_dim3A : f32 to vector<16xf32>
      %broadcast_in_dim3A_118 = arith.constant 0.000000e+00 : f32
      %broadcast_in_dim3A_119 = vector.broadcast %broadcast_in_dim3A_118 : f32 to vector<16xf32>
      %broadcast_in_dim3A_120 = arith.constant 0.000000e+00 : f32
      %broadcast_in_dim3A_121 = vector.broadcast %broadcast_in_dim3A_120 : f32 to vector<16xf32>
      %broadcast_in_dim3A_122 = arith.constant 0.000000e+00 : f32
      %broadcast_in_dim3A_123 = vector.broadcast %broadcast_in_dim3A_122 : f32 to vector<16xf32>
      %broadcast_in_dim3A_124 = arith.constant 0.000000e+00 : f32
      %broadcast_in_dim3A_125 = vector.broadcast %broadcast_in_dim3A_124 : f32 to vector<16xf32>
      %broadcast_in_dim3A_126 = arith.constant 0.000000e+00 : f32
      %broadcast_in_dim3A_127 = vector.broadcast %broadcast_in_dim3A_126 : f32 to vector<16xf32>
      %broadcast_in_dim3A_128 = arith.constant 0.000000e+00 : f32
      %broadcast_in_dim3A_129 = vector.broadcast %broadcast_in_dim3A_128 : f32 to vector<16xf32>
      %broadcast_in_dim3A_130 = arith.constant 0.000000e+00 : f32
      %broadcast_in_dim3A_131 = vector.broadcast %broadcast_in_dim3A_130 : f32 to vector<16xf32>
      %broadcast_in_dim3A_132 = arith.constant 0.000000e+00 : f32
      %broadcast_in_dim3A_133 = vector.broadcast %broadcast_in_dim3A_132 : f32 to vector<16xf32>
      %broadcast_in_dim3A_134 = arith.constant 0.000000e+00 : f32
      %broadcast_in_dim3A_135 = vector.broadcast %broadcast_in_dim3A_134 : f32 to vector<16xf32>
      %broadcast_in_dim3A_136 = arith.constant 0.000000e+00 : f32
      %broadcast_in_dim3A_137 = vector.broadcast %broadcast_in_dim3A_136 : f32 to vector<16xf32>
      %broadcast_in_dim3A_138 = arith.constant 0.000000e+00 : f32
      %broadcast_in_dim3A_139 = vector.broadcast %broadcast_in_dim3A_138 : f32 to vector<16xf32>
      %broadcast_in_dim3A_140 = arith.constant 0.000000e+00 : f32
      %broadcast_in_dim3A_141 = vector.broadcast %broadcast_in_dim3A_140 : f32 to vector<16xf32>
      %broadcast_in_dim3A_142 = arith.constant 0.000000e+00 : f32
      %broadcast_in_dim3A_143 = vector.broadcast %broadcast_in_dim3A_142 : f32 to vector<16xf32>
      %broadcast_in_dim3A_144 = arith.constant 0.000000e+00 : f32
      %broadcast_in_dim3A_145 = vector.broadcast %broadcast_in_dim3A_144 : f32 to vector<16xf32>
      %broadcast_in_dim3A_146 = arith.constant 0.000000e+00 : f32
      %broadcast_in_dim3A_147 = vector.broadcast %broadcast_in_dim3A_146 : f32 to vector<16xf32>
      %broadcast_in_dim3A_148 = arith.constant 0.000000e+00 : f32
      %broadcast_in_dim3A_149 = vector.broadcast %broadcast_in_dim3A_148 : f32 to vector<16xf32>
      %broadcast_in_dim3A_150 = arith.constant 0.000000e+00 : f32
      %broadcast_in_dim3A_151 = vector.broadcast %broadcast_in_dim3A_150 : f32 to vector<16xf32>
      %broadcast_in_dim3A_152 = arith.constant 0.000000e+00 : f32
      %broadcast_in_dim3A_153 = vector.broadcast %broadcast_in_dim3A_152 : f32 to vector<16xf32>
      %broadcast_in_dim3A_154 = arith.constant 0.000000e+00 : f32
      %broadcast_in_dim3A_155 = vector.broadcast %broadcast_in_dim3A_154 : f32 to vector<16xf32>
      %broadcast_in_dim3A_156 = arith.constant 0.000000e+00 : f32
      %broadcast_in_dim3A_157 = vector.broadcast %broadcast_in_dim3A_156 : f32 to vector<16xf32>
      %broadcast_in_dim3A_158 = arith.constant 0.000000e+00 : f32
      %broadcast_in_dim3A_159 = vector.broadcast %broadcast_in_dim3A_158 : f32 to vector<16xf32>
      %broadcast_in_dim3A_160 = arith.constant 0.000000e+00 : f32
      %broadcast_in_dim3A_161 = vector.broadcast %broadcast_in_dim3A_160 : f32 to vector<16xf32>
      %broadcast_in_dim3A_162 = arith.constant 0.000000e+00 : f32
      %broadcast_in_dim3A_163 = vector.broadcast %broadcast_in_dim3A_162 : f32 to vector<16xf32>
      %broadcast_in_dim3A_164 = arith.constant 0.000000e+00 : f32
      %broadcast_in_dim3A_165 = vector.broadcast %broadcast_in_dim3A_164 : f32 to vector<16xf32>
      %broadcast_in_dim3A_166 = arith.constant 0.000000e+00 : f32
      %broadcast_in_dim3A_167 = vector.broadcast %broadcast_in_dim3A_166 : f32 to vector<16xf32>
      %broadcast_in_dim3A_168 = arith.constant 0.000000e+00 : f32
      %broadcast_in_dim3A_169 = vector.broadcast %broadcast_in_dim3A_168 : f32 to vector<16xf32>
      %broadcast_in_dim3A_170 = arith.constant 0.000000e+00 : f32
      %broadcast_in_dim3A_171 = vector.broadcast %broadcast_in_dim3A_170 : f32 to vector<16xf32>
      %broadcast_in_dim3A_172 = arith.constant 0.000000e+00 : f32
      %broadcast_in_dim3A_173 = vector.broadcast %broadcast_in_dim3A_172 : f32 to vector<16xf32>
      %broadcast_in_dim3A_174 = arith.constant 0.000000e+00 : f32
      %broadcast_in_dim3A_175 = vector.broadcast %broadcast_in_dim3A_174 : f32 to vector<16xf32>
      %broadcast_in_dim3A_176 = arith.constant 0.000000e+00 : f32
      %broadcast_in_dim3A_177 = vector.broadcast %broadcast_in_dim3A_176 : f32 to vector<16xf32>
      %broadcast_in_dim3A_178 = arith.constant 0.000000e+00 : f32
      %broadcast_in_dim3A_179 = vector.broadcast %broadcast_in_dim3A_178 : f32 to vector<16xf32>
      %scan3A_180 = arith.constant 0 : i32
      %scan3A_181 = arith.constant 48 : i32
      %scan3A_182 = arith.addi %scan3A_180, %scan3A_181 : i32
      %scan3A_183 = arith.constant 1 : i32
      %scan3A_184:32 = scf.for %scan3A_742 = %scan3A_180 to %scan3A_182 step %scan3A_183 iter_args(%scan3A_743 = %broadcast_in_dim3A_117, %scan3A_744 = %broadcast_in_dim3A_119, %scan3A_745 = %broadcast_in_dim3A_121, %scan3A_746 = %broadcast_in_dim3A_123, %scan3A_747 = %broadcast_in_dim3A_125, %scan3A_748 = %broadcast_in_dim3A_127, %scan3A_749 = %broadcast_in_dim3A_129, %scan3A_750 = %broadcast_in_dim3A_131, %scan3A_751 = %broadcast_in_dim3A_133, %scan3A_752 = %broadcast_in_dim3A_135, %scan3A_753 = %broadcast_in_dim3A_137, %scan3A_754 = %broadcast_in_dim3A_139, %scan3A_755 = %broadcast_in_dim3A_141, %scan3A_756 = %broadcast_in_dim3A_143, %scan3A_757 = %broadcast_in_dim3A_145, %scan3A_758 = %broadcast_in_dim3A_147, %scan3A_759 = %broadcast_in_dim3A_149, %scan3A_760 = %broadcast_in_dim3A_151, %scan3A_761 = %broadcast_in_dim3A_153, %scan3A_762 = %broadcast_in_dim3A_155, %scan3A_763 = %broadcast_in_dim3A_157, %scan3A_764 = %broadcast_in_dim3A_159, %scan3A_765 = %broadcast_in_dim3A_161, %scan3A_766 = %broadcast_in_dim3A_163, %scan3A_767 = %broadcast_in_dim3A_165, %scan3A_768 = %broadcast_in_dim3A_167, %scan3A_769 = %broadcast_in_dim3A_169, %scan3A_770 = %broadcast_in_dim3A_171, %scan3A_771 = %broadcast_in_dim3A_173, %scan3A_772 = %broadcast_in_dim3A_175, %scan3A_773 = %broadcast_in_dim3A_177, %scan3A_774 = %broadcast_in_dim3A_179) -> (vector<16xf32>, vector<16xf32>, vector<16xf32>, vector<16xf32>, vector<16xf32>, vector<16xf32>, vector<16xf32>, vector<16xf32>, vector<16xf32>, vector<16xf32>, vector<16xf32>, vector<16xf32>, vector<16xf32>, vector<16xf32>, vector<16xf32>, vector<16xf32>, vector<16xf32>, vector<16xf32>, vector<16xf32>, vector<16xf32>, vector<16xf32>, vector<16xf32>, vector<16xf32>, vector<16xf32>, vector<16xf32>, vector<16xf32>, vector<16xf32>, vector<16xf32>, vector<16xf32>, vector<16xf32>, vector<16xf32>, vector<16xf32>)  : i32 {
        %mul3A_775 = arith.constant 16 : i32
        %mul3A_776 = arith.muli %scan3A_742, %mul3A_775 : i32
        %add3A_777 = arith.constant 0 : i32
        %add3A_778 = arith.addi %mul3A_116, %add3A_777 : i32
        %get3A_779 = arith.index_cast %add3A_778 : i32 to index
        %get3A_780 = arith.index_cast %mul3A_776 : i32 to index
        %get3A_781 = tpu.vector_load %arg9[%get3A_779, %get3A_780] {strides = array<i32>} : memref<64x768xf32, #tpu.memory_space<vmem>>, vector<1x16xf32>,
        %get3A_782 = vector.shape_cast %get3A_781 : vector<1x16xf32> to vector<16xf32>
        %add3A_783 = arith.constant 1 : i32
        %add3A_784 = arith.addi %mul3A_116, %add3A_783 : i32
        %get3A_785 = arith.index_cast %add3A_784 : i32 to index
        %get3A_786 = arith.index_cast %mul3A_776 : i32 to index
        %get3A_787 = tpu.vector_load %arg9[%get3A_785, %get3A_786] {strides = array<i32>} : memref<64x768xf32, #tpu.memory_space<vmem>>, vector<1x16xf32>,
        %get3A_788 = vector.shape_cast %get3A_787 : vector<1x16xf32> to vector<16xf32>
        %add3A_789 = arith.constant 2 : i32
        %add3A_790 = arith.addi %mul3A_116, %add3A_789 : i32
        %get3A_791 = arith.index_cast %add3A_790 : i32 to index
        %get3A_792 = arith.index_cast %mul3A_776 : i32 to index
        %get3A_793 = tpu.vector_load %arg9[%get3A_791, %get3A_792] {strides = array<i32>} : memref<64x768xf32, #tpu.memory_space<vmem>>, vector<1x16xf32>,
        %get3A_794 = vector.shape_cast %get3A_793 : vector<1x16xf32> to vector<16xf32>
        %add3A_795 = arith.constant 3 : i32
        %add3A_796 = arith.addi %mul3A_116, %add3A_795 : i32
        %get3A_797 = arith.index_cast %add3A_796 : i32 to index
        %get3A_798 = arith.index_cast %mul3A_776 : i32 to index
        %get3A_799 = tpu.vector_load %arg9[%get3A_797, %get3A_798] {strides = array<i32>} : memref<64x768xf32, #tpu.memory_space<vmem>>, vector<1x16xf32>,
        %get3A_800 = vector.shape_cast %get3A_799 : vector<1x16xf32> to vector<16xf32>
        %get3A_801 = arith.constant 0 : i32
        %get3A_802 = arith.index_cast %get3A_801 : i32 to index
        %get3A_803 = arith.index_cast %mul3A_776 : i32 to index
        %get3A_804 = tpu.vector_load %arg6[%get3A_802, %get3A_803] {strides = array<i32>} : memref<8x768xf32, #tpu.memory_space<vmem>>, vector<1x16xf32>,
        %get3A_805 = vector.shape_cast %get3A_804 : vector<1x16xf32> to vector<16xf32>
        %get3A_806 = arith.constant 1 : i32
        %get3A_807 = arith.index_cast %get3A_806 : i32 to index
        %get3A_808 = arith.index_cast %mul3A_776 : i32 to index
        %get3A_809 = tpu.vector_load %arg6[%get3A_807, %get3A_808] {strides = array<i32>} : memref<8x768xf32, #tpu.memory_space<vmem>>, vector<1x16xf32>,
        %get3A_810 = vector.shape_cast %get3A_809 : vector<1x16xf32> to vector<16xf32>
        %get3A_811 = arith.constant 2 : i32
        %get3A_812 = arith.index_cast %get3A_811 : i32 to index
        %get3A_813 = arith.index_cast %mul3A_776 : i32 to index
        %get3A_814 = tpu.vector_load %arg6[%get3A_812, %get3A_813] {strides = array<i32>} : memref<8x768xf32, #tpu.memory_space<vmem>>, vector<1x16xf32>,
        %get3A_815 = vector.shape_cast %get3A_814 : vector<1x16xf32> to vector<16xf32>
        %get3A_816 = arith.constant 3 : i32
        %get3A_817 = arith.index_cast %get3A_816 : i32 to index
        %get3A_818 = arith.index_cast %mul3A_776 : i32 to index
        %get3A_819 = tpu.vector_load %arg6[%get3A_817, %get3A_818] {strides = array<i32>} : memref<8x768xf32, #tpu.memory_space<vmem>>, vector<1x16xf32>,
        %get3A_820 = vector.shape_cast %get3A_819 : vector<1x16xf32> to vector<16xf32>
        %get3A_821 = arith.constant 4 : i32
        %get3A_822 = arith.index_cast %get3A_821 : i32 to index
        %get3A_823 = arith.index_cast %mul3A_776 : i32 to index
        %get3A_824 = tpu.vector_load %arg6[%get3A_822, %get3A_823] {strides = array<i32>} : memref<8x768xf32, #tpu.memory_space<vmem>>, vector<1x16xf32>,
        %get3A_825 = vector.shape_cast %get3A_824 : vector<1x16xf32> to vector<16xf32>
        %get3A_826 = arith.constant 5 : i32
        %get3A_827 = arith.index_cast %get3A_826 : i32 to index
        %get3A_828 = arith.index_cast %mul3A_776 : i32 to index
        %get3A_829 = tpu.vector_load %arg6[%get3A_827, %get3A_828] {strides = array<i32>} : memref<8x768xf32, #tpu.memory_space<vmem>>, vector<1x16xf32>,
        %get3A_830 = vector.shape_cast %get3A_829 : vector<1x16xf32> to vector<16xf32>
        %get3A_831 = arith.constant 6 : i32
        %get3A_832 = arith.index_cast %get3A_831 : i32 to index
        %get3A_833 = arith.index_cast %mul3A_776 : i32 to index
        %get3A_834 = tpu.vector_load %arg6[%get3A_832, %get3A_833] {strides = array<i32>} : memref<8x768xf32, #tpu.memory_space<vmem>>, vector<1x16xf32>,
        %get3A_835 = vector.shape_cast %get3A_834 : vector<1x16xf32> to vector<16xf32>
        %get3A_836 = arith.constant 7 : i32
        %get3A_837 = arith.index_cast %get3A_836 : i32 to index
        %get3A_838 = arith.index_cast %mul3A_776 : i32 to index
        %get3A_839 = tpu.vector_load %arg6[%get3A_837, %get3A_838] {strides = array<i32>} : memref<8x768xf32, #tpu.memory_space<vmem>>, vector<1x16xf32>,
        %get3A_840 = vector.shape_cast %get3A_839 : vector<1x16xf32> to vector<16xf32>
        %mul3A_841 = arith.mulf %get3A_782, %get3A_805 : vector<16xf32>
        %add3A_842 = arith.addf %scan3A_743, %mul3A_841 : vector<16xf32>
        %mul3A_843 = arith.mulf %get3A_782, %get3A_810 : vector<16xf32>
        %add3A_844 = arith.addf %scan3A_744, %mul3A_843 : vector<16xf32>
        %mul3A_845 = arith.mulf %get3A_782, %get3A_815 : vector<16xf32>
        %add3A_846 = arith.addf %scan3A_745, %mul3A_845 : vector<16xf32>
        %mul3A_847 = arith.mulf %get3A_782, %get3A_820 : vector<16xf32>
        %add3A_848 = arith.addf %scan3A_746, %mul3A_847 : vector<16xf32>
        %mul3A_849 = arith.mulf %get3A_782, %get3A_825 : vector<16xf32>
        %add3A_850 = arith.addf %scan3A_747, %mul3A_849 : vector<16xf32>
        %mul3A_851 = arith.mulf %get3A_782, %get3A_830 : vector<16xf32>
        %add3A_852 = arith.addf %scan3A_748, %mul3A_851 : vector<16xf32>
        %mul3A_853 = arith.mulf %get3A_782, %get3A_835 : vector<16xf32>
        %add3A_854 = arith.addf %scan3A_749, %mul3A_853 : vector<16xf32>
        %mul3A_855 = arith.mulf %get3A_782, %get3A_840 : vector<16xf32>
        %add3A_856 = arith.addf %scan3A_750, %mul3A_855 : vector<16xf32>
        %mul3A_857 = arith.mulf %get3A_788, %get3A_805 : vector<16xf32>
        %add3A_858 = arith.addf %scan3A_751, %mul3A_857 : vector<16xf32>
        %mul3A_859 = arith.mulf %get3A_788, %get3A_810 : vector<16xf32>
        %add3A_860 = arith.addf %scan3A_752, %mul3A_859 : vector<16xf32>
        %mul3A_861 = arith.mulf %get3A_788, %get3A_815 : vector<16xf32>
        %add3A_862 = arith.addf %scan3A_753, %mul3A_861 : vector<16xf32>
        %mul3A_863 = arith.mulf %get3A_788, %get3A_820 : vector<16xf32>
        %add3A_864 = arith.addf %scan3A_754, %mul3A_863 : vector<16xf32>
        %mul3A_865 = arith.mulf %get3A_788, %get3A_825 : vector<16xf32>
        %add3A_866 = arith.addf %scan3A_755, %mul3A_865 : vector<16xf32>
        %mul3A_867 = arith.mulf %get3A_788, %get3A_830 : vector<16xf32>
        %add3A_868 = arith.addf %scan3A_756, %mul3A_867 : vector<16xf32>
        %mul3A_869 = arith.mulf %get3A_788, %get3A_835 : vector<16xf32>
        %add3A_870 = arith.addf %scan3A_757, %mul3A_869 : vector<16xf32>
        %mul3A_871 = arith.mulf %get3A_788, %get3A_840 : vector<16xf32>
        %add3A_872 = arith.addf %scan3A_758, %mul3A_871 : vector<16xf32>
        %mul3A_873 = arith.mulf %get3A_794, %get3A_805 : vector<16xf32>
        %add3A_874 = arith.addf %scan3A_759, %mul3A_873 : vector<16xf32>
        %mul3A_875 = arith.mulf %get3A_794, %get3A_810 : vector<16xf32>
        %add3A_876 = arith.addf %scan3A_760, %mul3A_875 : vector<16xf32>
        %mul3A_877 = arith.mulf %get3A_794, %get3A_815 : vector<16xf32>
        %add3A_878 = arith.addf %scan3A_761, %mul3A_877 : vector<16xf32>
        %mul3A_879 = arith.mulf %get3A_794, %get3A_820 : vector<16xf32>
        %add3A_880 = arith.addf %scan3A_762, %mul3A_879 : vector<16xf32>
        %mul3A_881 = arith.mulf %get3A_794, %get3A_825 : vector<16xf32>
        %add3A_882 = arith.addf %scan3A_763, %mul3A_881 : vector<16xf32>
        %mul3A_883 = arith.mulf %get3A_794, %get3A_830 : vector<16xf32>
        %add3A_884 = arith.addf %scan3A_764, %mul3A_883 : vector<16xf32>
        %mul3A_885 = arith.mulf %get3A_794, %get3A_835 : vector<16xf32>
        %add3A_886 = arith.addf %scan3A_765, %mul3A_885 : vector<16xf32>
        %mul3A_887 = arith.mulf %get3A_794, %get3A_840 : vector<16xf32>
        %add3A_888 = arith.addf %scan3A_766, %mul3A_887 : vector<16xf32>
        %mul3A_889 = arith.mulf %get3A_800, %get3A_805 : vector<16xf32>
        %add3A_890 = arith.addf %scan3A_767, %mul3A_889 : vector<16xf32>
        %mul3A_891 = arith.mulf %get3A_800, %get3A_810 : vector<16xf32>
        %add3A_892 = arith.addf %scan3A_768, %mul3A_891 : vector<16xf32>
        %mul3A_893 = arith.mulf %get3A_800, %get3A_815 : vector<16xf32>
        %add3A_894 = arith.addf %scan3A_769, %mul3A_893 : vector<16xf32>
        %mul3A_895 = arith.mulf %get3A_800, %get3A_820 : vector<16xf32>
        %add3A_896 = arith.addf %scan3A_770, %mul3A_895 : vector<16xf32>
        %mul3A_897 = arith.mulf %get3A_800, %get3A_825 : vector<16xf32>
        %add3A_898 = arith.addf %scan3A_771, %mul3A_897 : vector<16xf32>
        %mul3A_899 = arith.mulf %get3A_800, %get3A_830 : vector<16xf32>
        %add3A_900 = arith.addf %scan3A_772, %mul3A_899 : vector<16xf32>
        %mul3A_901 = arith.mulf %get3A_800, %get3A_835 : vector<16xf32>
        %add3A_902 = arith.addf %scan3A_773, %mul3A_901 : vector<16xf32>
        %mul3A_903 = arith.mulf %get3A_800, %get3A_840 : vector<16xf32>
        %add3A_904 = arith.addf %scan3A_774, %mul3A_903 : vector<16xf32>
        scf.yield %add3A_842, %add3A_844, %add3A_846, %add3A_848, %add3A_850, %add3A_852, %add3A_854, %add3A_856, %add3A_858, %add3A_860, %add3A_862, %add3A_864, %add3A_866, %add3A_868, %add3A_870, %add3A_872, %add3A_874, %add3A_876, %add3A_878, %add3A_880, %add3A_882, %add3A_884, %add3A_886, %add3A_888, %add3A_890, %add3A_892, %add3A_894, %add3A_896, %add3A_898, %add3A_900, %add3A_902, %add3A_904 : vector<16xf32>, vector<16xf32>, vector<16xf32>, vector<16xf32>, vector<16xf32>, vector<16xf32>, vector<16xf32>, vector<16xf32>, vector<16xf32>, vector<16xf32>, vector<16xf32>, vector<16xf32>, vector<16xf32>, vector<16xf32>, vector<16xf32>, vector<16xf32>, vector<16xf32>, vector<16xf32>, vector<16xf32>, vector<16xf32>, vector<16xf32>, vector<16xf32>, vector<16xf32>, vector<16xf32>, vector<16xf32>, vector<16xf32>, vector<16xf32>, vector<16xf32>, vector<16xf32>, vector<16xf32>, vector<16xf32>, vector<16xf32>
      }
      %scan3A_185 = arith.constant 48 : i32
      %xor3A = arith.constant 1 : i32
      %xor3A_186 = vector.broadcast %xor3A : i32 to vector<16xi32>
      %xor3A_187 = arith.xori %iota3A, %xor3A_186 : vector<16xi32>
      %broadcast_in_dim3A_188 = vector.shape_cast %xor3A_187 : vector<16xi32> to vector<16x1xi32>
      %gather3A = vector.shape_cast %broadcast_in_dim3A_188 : vector<16x1xi32> to vector<16xi32>
      %gather3A_189 = tpu.dynamic_gather %scan3A_184#0[%gather3A] in [0] : vector<16xf32>, vector<16xi32> -> vector<16xf32>
      %xor3A_190 = arith.constant 1 : i32
      %xor3A_191 = vector.broadcast %xor3A_190 : i32 to vector<16xi32>
      %xor3A_192 = arith.xori %iota3A, %xor3A_191 : vector<16xi32>
      %broadcast_in_dim3A_193 = vector.shape_cast %xor3A_192 : vector<16xi32> to vector<16x1xi32>
      %gather3A_194 = vector.shape_cast %broadcast_in_dim3A_193 : vector<16x1xi32> to vector<16xi32>
      %gather3A_195 = tpu.dynamic_gather %scan3A_184#1[%gather3A_194] in [0] : vector<16xf32>, vector<16xi32> -> vector<16xf32>
      %select_n3A = arith.select %eq3A_10, %scan3A_184#0, %gather3A_195 : vector<16xi1>, vector<16xf32>
      %select_n3A_196 = arith.select %eq3A_10, %gather3A_189, %scan3A_184#1 : vector<16xi1>, vector<16xf32>
      %add3A_197 = arith.addf %select_n3A, %select_n3A_196 : vector<16xf32>
      %xor3A_198 = arith.constant 1 : i32
      %xor3A_199 = vector.broadcast %xor3A_198 : i32 to vector<16xi32>
      %xor3A_200 = arith.xori %iota3A, %xor3A_199 : vector<16xi32>
      %broadcast_in_dim3A_201 = vector.shape_cast %xor3A_200 : vector<16xi32> to vector<16x1xi32>
      %gather3A_202 = vector.shape_cast %broadcast_in_dim3A_201 : vector<16x1xi32> to vector<16xi32>
      %gather3A_203 = tpu.dynamic_gather %scan3A_184#2[%gather3A_202] in [0] : vector<16xf32>, vector<16xi32> -> vector<16xf32>
      %xor3A_204 = arith.constant 1 : i32
      %xor3A_205 = vector.broadcast %xor3A_204 : i32 to vector<16xi32>
      %xor3A_206 = arith.xori %iota3A, %xor3A_205 : vector<16xi32>
      %broadcast_in_dim3A_207 = vector.shape_cast %xor3A_206 : vector<16xi32> to vector<16x1xi32>
      %gather3A_208 = vector.shape_cast %broadcast_in_dim3A_207 : vector<16x1xi32> to vector<16xi32>
      %gather3A_209 = tpu.dynamic_gather %scan3A_184#3[%gather3A_208] in [0] : vector<16xf32>, vector<16xi32> -> vector<16xf32>
      %select_n3A_210 = arith.select %eq3A_10, %scan3A_184#2, %gather3A_209 : vector<16xi1>, vector<16xf32>
      %select_n3A_211 = arith.select %eq3A_10, %gather3A_203, %scan3A_184#3 : vector<16xi1>, vector<16xf32>
      %add3A_212 = arith.addf %select_n3A_210, %select_n3A_211 : vector<16xf32>
      %xor3A_213 = arith.constant 1 : i32
      %xor3A_214 = vector.broadcast %xor3A_213 : i32 to vector<16xi32>
      %xor3A_215 = arith.xori %iota3A, %xor3A_214 : vector<16xi32>
      %broadcast_in_dim3A_216 = vector.shape_cast %xor3A_215 : vector<16xi32> to vector<16x1xi32>
      %gather3A_217 = vector.shape_cast %broadcast_in_dim3A_216 : vector<16x1xi32> to vector<16xi32>
      %gather3A_218 = tpu.dynamic_gather %scan3A_184#4[%gather3A_217] in [0] : vector<16xf32>, vector<16xi32> -> vector<16xf32>
      %xor3A_219 = arith.constant 1 : i32
      %xor3A_220 = vector.broadcast %xor3A_219 : i32 to vector<16xi32>
      %xor3A_221 = arith.xori %iota3A, %xor3A_220 : vector<16xi32>
      %broadcast_in_dim3A_222 = vector.shape_cast %xor3A_221 : vector<16xi32> to vector<16x1xi32>
      %gather3A_223 = vector.shape_cast %broadcast_in_dim3A_222 : vector<16x1xi32> to vector<16xi32>
      %gather3A_224 = tpu.dynamic_gather %scan3A_184#5[%gather3A_223] in [0] : vector<16xf32>, vector<16xi32> -> vector<16xf32>
      %select_n3A_225 = arith.select %eq3A_10, %scan3A_184#4, %gather3A_224 : vector<16xi1>, vector<16xf32>
      %select_n3A_226 = arith.select %eq3A_10, %gather3A_218, %scan3A_184#5 : vector<16xi1>, vector<16xf32>
      %add3A_227 = arith.addf %select_n3A_225, %select_n3A_226 : vector<16xf32>
      %xor3A_228 = arith.constant 1 : i32
      %xor3A_229 = vector.broadcast %xor3A_228 : i32 to vector<16xi32>
      %xor3A_230 = arith.xori %iota3A, %xor3A_229 : vector<16xi32>
      %broadcast_in_dim3A_231 = vector.shape_cast %xor3A_230 : vector<16xi32> to vector<16x1xi32>
      %gather3A_232 = vector.shape_cast %broadcast_in_dim3A_231 : vector<16x1xi32> to vector<16xi32>
      %gather3A_233 = tpu.dynamic_gather %scan3A_184#6[%gather3A_232] in [0] : vector<16xf32>, vector<16xi32> -> vector<16xf32>
      %xor3A_234 = arith.constant 1 : i32
      %xor3A_235 = vector.broadcast %xor3A_234 : i32 to vector<16xi32>
      %xor3A_236 = arith.xori %iota3A, %xor3A_235 : vector<16xi32>
      %broadcast_in_dim3A_237 = vector.shape_cast %xor3A_236 : vector<16xi32> to vector<16x1xi32>
      %gather3A_238 = vector.shape_cast %broadcast_in_dim3A_237 : vector<16x1xi32> to vector<16xi32>
      %gather3A_239 = tpu.dynamic_gather %scan3A_184#7[%gather3A_238] in [0] : vector<16xf32>, vector<16xi32> -> vector<16xf32>
      %select_n3A_240 = arith.select %eq3A_10, %scan3A_184#6, %gather3A_239 : vector<16xi1>, vector<16xf32>
      %select_n3A_241 = arith.select %eq3A_10, %gather3A_233, %scan3A_184#7 : vector<16xi1>, vector<16xf32>
      %add3A_242 = arith.addf %select_n3A_240, %select_n3A_241 : vector<16xf32>
      %xor3A_243 = arith.constant 1 : i32
      %xor3A_244 = vector.broadcast %xor3A_243 : i32 to vector<16xi32>
      %xor3A_245 = arith.xori %iota3A, %xor3A_244 : vector<16xi32>
      %broadcast_in_dim3A_246 = vector.shape_cast %xor3A_245 : vector<16xi32> to vector<16x1xi32>
      %gather3A_247 = vector.shape_cast %broadcast_in_dim3A_246 : vector<16x1xi32> to vector<16xi32>
      %gather3A_248 = tpu.dynamic_gather %scan3A_184#8[%gather3A_247] in [0] : vector<16xf32>, vector<16xi32> -> vector<16xf32>
      %xor3A_249 = arith.constant 1 : i32
      %xor3A_250 = vector.broadcast %xor3A_249 : i32 to vector<16xi32>
      %xor3A_251 = arith.xori %iota3A, %xor3A_250 : vector<16xi32>
      %broadcast_in_dim3A_252 = vector.shape_cast %xor3A_251 : vector<16xi32> to vector<16x1xi32>
      %gather3A_253 = vector.shape_cast %broadcast_in_dim3A_252 : vector<16x1xi32> to vector<16xi32>
      %gather3A_254 = tpu.dynamic_gather %scan3A_184#9[%gather3A_253] in [0] : vector<16xf32>, vector<16xi32> -> vector<16xf32>
      %select_n3A_255 = arith.select %eq3A_10, %scan3A_184#8, %gather3A_254 : vector<16xi1>, vector<16xf32>
      %select_n3A_256 = arith.select %eq3A_10, %gather3A_248, %scan3A_184#9 : vector<16xi1>, vector<16xf32>
      %add3A_257 = arith.addf %select_n3A_255, %select_n3A_256 : vector<16xf32>
      %xor3A_258 = arith.constant 1 : i32
      %xor3A_259 = vector.broadcast %xor3A_258 : i32 to vector<16xi32>
      %xor3A_260 = arith.xori %iota3A, %xor3A_259 : vector<16xi32>
      %broadcast_in_dim3A_261 = vector.shape_cast %xor3A_260 : vector<16xi32> to vector<16x1xi32>
      %gather3A_262 = vector.shape_cast %broadcast_in_dim3A_261 : vector<16x1xi32> to vector<16xi32>
      %gather3A_263 = tpu.dynamic_gather %scan3A_184#10[%gather3A_262] in [0] : vector<16xf32>, vector<16xi32> -> vector<16xf32>
      %xor3A_264 = arith.constant 1 : i32
      %xor3A_265 = vector.broadcast %xor3A_264 : i32 to vector<16xi32>
      %xor3A_266 = arith.xori %iota3A, %xor3A_265 : vector<16xi32>
      %broadcast_in_dim3A_267 = vector.shape_cast %xor3A_266 : vector<16xi32> to vector<16x1xi32>
      %gather3A_268 = vector.shape_cast %broadcast_in_dim3A_267 : vector<16x1xi32> to vector<16xi32>
      %gather3A_269 = tpu.dynamic_gather %scan3A_184#11[%gather3A_268] in [0] : vector<16xf32>, vector<16xi32> -> vector<16xf32>
      %select_n3A_270 = arith.select %eq3A_10, %scan3A_184#10, %gather3A_269 : vector<16xi1>, vector<16xf32>
      %select_n3A_271 = arith.select %eq3A_10, %gather3A_263, %scan3A_184#11 : vector<16xi1>, vector<16xf32>
      %add3A_272 = arith.addf %select_n3A_270, %select_n3A_271 : vector<16xf32>
      %xor3A_273 = arith.constant 1 : i32
      %xor3A_274 = vector.broadcast %xor3A_273 : i32 to vector<16xi32>
      %xor3A_275 = arith.xori %iota3A, %xor3A_274 : vector<16xi32>
      %broadcast_in_dim3A_276 = vector.shape_cast %xor3A_275 : vector<16xi32> to vector<16x1xi32>
      %gather3A_277 = vector.shape_cast %broadcast_in_dim3A_276 : vector<16x1xi32> to vector<16xi32>
      %gather3A_278 = tpu.dynamic_gather %scan3A_184#12[%gather3A_277] in [0] : vector<16xf32>, vector<16xi32> -> vector<16xf32>
      %xor3A_279 = arith.constant 1 : i32
      %xor3A_280 = vector.broadcast %xor3A_279 : i32 to vector<16xi32>
      %xor3A_281 = arith.xori %iota3A, %xor3A_280 : vector<16xi32>
      %broadcast_in_dim3A_282 = vector.shape_cast %xor3A_281 : vector<16xi32> to vector<16x1xi32>
      %gather3A_283 = vector.shape_cast %broadcast_in_dim3A_282 : vector<16x1xi32> to vector<16xi32>
      %gather3A_284 = tpu.dynamic_gather %scan3A_184#13[%gather3A_283] in [0] : vector<16xf32>, vector<16xi32> -> vector<16xf32>
      %select_n3A_285 = arith.select %eq3A_10, %scan3A_184#12, %gather3A_284 : vector<16xi1>, vector<16xf32>
      %select_n3A_286 = arith.select %eq3A_10, %gather3A_278, %scan3A_184#13 : vector<16xi1>, vector<16xf32>
      %add3A_287 = arith.addf %select_n3A_285, %select_n3A_286 : vector<16xf32>
      %xor3A_288 = arith.constant 1 : i32
      %xor3A_289 = vector.broadcast %xor3A_288 : i32 to vector<16xi32>
      %xor3A_290 = arith.xori %iota3A, %xor3A_289 : vector<16xi32>
      %broadcast_in_dim3A_291 = vector.shape_cast %xor3A_290 : vector<16xi32> to vector<16x1xi32>
      %gather3A_292 = vector.shape_cast %broadcast_in_dim3A_291 : vector<16x1xi32> to vector<16xi32>
      %gather3A_293 = tpu.dynamic_gather %scan3A_184#14[%gather3A_292] in [0] : vector<16xf32>, vector<16xi32> -> vector<16xf32>
      %xor3A_294 = arith.constant 1 : i32
      %xor3A_295 = vector.broadcast %xor3A_294 : i32 to vector<16xi32>
      %xor3A_296 = arith.xori %iota3A, %xor3A_295 : vector<16xi32>
      %broadcast_in_dim3A_297 = vector.shape_cast %xor3A_296 : vector<16xi32> to vector<16x1xi32>
      %gather3A_298 = vector.shape_cast %broadcast_in_dim3A_297 : vector<16x1xi32> to vector<16xi32>
      %gather3A_299 = tpu.dynamic_gather %scan3A_184#15[%gather3A_298] in [0] : vector<16xf32>, vector<16xi32> -> vector<16xf32>
      %select_n3A_300 = arith.select %eq3A_10, %scan3A_184#14, %gather3A_299 : vector<16xi1>, vector<16xf32>
      %select_n3A_301 = arith.select %eq3A_10, %gather3A_293, %scan3A_184#15 : vector<16xi1>, vector<16xf32>
      %add3A_302 = arith.addf %select_n3A_300, %select_n3A_301 : vector<16xf32>
      %xor3A_303 = arith.constant 2 : i32
      %xor3A_304 = vector.broadcast %xor3A_303 : i32 to vector<16xi32>
      %xor3A_305 = arith.xori %iota3A, %xor3A_304 : vector<16xi32>
      %broadcast_in_dim3A_306 = vector.shape_cast %xor3A_305 : vector<16xi32> to vector<16x1xi32>
      %gather3A_307 = vector.shape_cast %broadcast_in_dim3A_306 : vector<16x1xi32> to vector<16xi32>
      %gather3A_308 = tpu.dynamic_gather %add3A_197[%gather3A_307] in [0] : vector<16xf32>, vector<16xi32> -> vector<16xf32>
      %xor3A_309 = arith.constant 2 : i32
      %xor3A_310 = vector.broadcast %xor3A_309 : i32 to vector<16xi32>
      %xor3A_311 = arith.xori %iota3A, %xor3A_310 : vector<16xi32>
      %broadcast_in_dim3A_312 = vector.shape_cast %xor3A_311 : vector<16xi32> to vector<16x1xi32>
      %gather3A_313 = vector.shape_cast %broadcast_in_dim3A_312 : vector<16x1xi32> to vector<16xi32>
      %gather3A_314 = tpu.dynamic_gather %add3A_212[%gather3A_313] in [0] : vector<16xf32>, vector<16xi32> -> vector<16xf32>
      %select_n3A_315 = arith.select %eq3A_16, %add3A_197, %gather3A_314 : vector<16xi1>, vector<16xf32>
      %select_n3A_316 = arith.select %eq3A_16, %gather3A_308, %add3A_212 : vector<16xi1>, vector<16xf32>
      %add3A_317 = arith.addf %select_n3A_315, %select_n3A_316 : vector<16xf32>
      %xor3A_318 = arith.constant 2 : i32
      %xor3A_319 = vector.broadcast %xor3A_318 : i32 to vector<16xi32>
      %xor3A_320 = arith.xori %iota3A, %xor3A_319 : vector<16xi32>
      %broadcast_in_dim3A_321 = vector.shape_cast %xor3A_320 : vector<16xi32> to vector<16x1xi32>
      %gather3A_322 = vector.shape_cast %broadcast_in_dim3A_321 : vector<16x1xi32> to vector<16xi32>
      %gather3A_323 = tpu.dynamic_gather %add3A_227[%gather3A_322] in [0] : vector<16xf32>, vector<16xi32> -> vector<16xf32>
      %xor3A_324 = arith.constant 2 : i32
      %xor3A_325 = vector.broadcast %xor3A_324 : i32 to vector<16xi32>
      %xor3A_326 = arith.xori %iota3A, %xor3A_325 : vector<16xi32>
      %broadcast_in_dim3A_327 = vector.shape_cast %xor3A_326 : vector<16xi32> to vector<16x1xi32>
      %gather3A_328 = vector.shape_cast %broadcast_in_dim3A_327 : vector<16x1xi32> to vector<16xi32>
      %gather3A_329 = tpu.dynamic_gather %add3A_242[%gather3A_328] in [0] : vector<16xf32>, vector<16xi32> -> vector<16xf32>
      %select_n3A_330 = arith.select %eq3A_16, %add3A_227, %gather3A_329 : vector<16xi1>, vector<16xf32>
      %select_n3A_331 = arith.select %eq3A_16, %gather3A_323, %add3A_242 : vector<16xi1>, vector<16xf32>
      %add3A_332 = arith.addf %select_n3A_330, %select_n3A_331 : vector<16xf32>
      %xor3A_333 = arith.constant 2 : i32
      %xor3A_334 = vector.broadcast %xor3A_333 : i32 to vector<16xi32>
      %xor3A_335 = arith.xori %iota3A, %xor3A_334 : vector<16xi32>
      %broadcast_in_dim3A_336 = vector.shape_cast %xor3A_335 : vector<16xi32> to vector<16x1xi32>
      %gather3A_337 = vector.shape_cast %broadcast_in_dim3A_336 : vector<16x1xi32> to vector<16xi32>
      %gather3A_338 = tpu.dynamic_gather %add3A_257[%gather3A_337] in [0] : vector<16xf32>, vector<16xi32> -> vector<16xf32>
      %xor3A_339 = arith.constant 2 : i32
      %xor3A_340 = vector.broadcast %xor3A_339 : i32 to vector<16xi32>
      %xor3A_341 = arith.xori %iota3A, %xor3A_340 : vector<16xi32>
      %broadcast_in_dim3A_342 = vector.shape_cast %xor3A_341 : vector<16xi32> to vector<16x1xi32>
      %gather3A_343 = vector.shape_cast %broadcast_in_dim3A_342 : vector<16x1xi32> to vector<16xi32>
      %gather3A_344 = tpu.dynamic_gather %add3A_272[%gather3A_343] in [0] : vector<16xf32>, vector<16xi32> -> vector<16xf32>
      %select_n3A_345 = arith.select %eq3A_16, %add3A_257, %gather3A_344 : vector<16xi1>, vector<16xf32>
      %select_n3A_346 = arith.select %eq3A_16, %gather3A_338, %add3A_272 : vector<16xi1>, vector<16xf32>
      %add3A_347 = arith.addf %select_n3A_345, %select_n3A_346 : vector<16xf32>
      %xor3A_348 = arith.constant 2 : i32
      %xor3A_349 = vector.broadcast %xor3A_348 : i32 to vector<16xi32>
      %xor3A_350 = arith.xori %iota3A, %xor3A_349 : vector<16xi32>
      %broadcast_in_dim3A_351 = vector.shape_cast %xor3A_350 : vector<16xi32> to vector<16x1xi32>
      %gather3A_352 = vector.shape_cast %broadcast_in_dim3A_351 : vector<16x1xi32> to vector<16xi32>
      %gather3A_353 = tpu.dynamic_gather %add3A_287[%gather3A_352] in [0] : vector<16xf32>, vector<16xi32> -> vector<16xf32>
      %xor3A_354 = arith.constant 2 : i32
      %xor3A_355 = vector.broadcast %xor3A_354 : i32 to vector<16xi32>
      %xor3A_356 = arith.xori %iota3A, %xor3A_355 : vector<16xi32>
      %broadcast_in_dim3A_357 = vector.shape_cast %xor3A_356 : vector<16xi32> to vector<16x1xi32>
      %gather3A_358 = vector.shape_cast %broadcast_in_dim3A_357 : vector<16x1xi32> to vector<16xi32>
      %gather3A_359 = tpu.dynamic_gather %add3A_302[%gather3A_358] in [0] : vector<16xf32>, vector<16xi32> -> vector<16xf32>
      %select_n3A_360 = arith.select %eq3A_16, %add3A_287, %gather3A_359 : vector<16xi1>, vector<16xf32>
      %select_n3A_361 = arith.select %eq3A_16, %gather3A_353, %add3A_302 : vector<16xi1>, vector<16xf32>
      %add3A_362 = arith.addf %select_n3A_360, %select_n3A_361 : vector<16xf32>
      %xor3A_363 = arith.constant 4 : i32
      %xor3A_364 = vector.broadcast %xor3A_363 : i32 to vector<16xi32>
      %xor3A_365 = arith.xori %iota3A, %xor3A_364 : vector<16xi32>
      %broadcast_in_dim3A_366 = vector.shape_cast %xor3A_365 : vector<16xi32> to vector<16x1xi32>
      %gather3A_367 = vector.shape_cast %broadcast_in_dim3A_366 : vector<16x1xi32> to vector<16xi32>
      %gather3A_368 = tpu.dynamic_gather %add3A_317[%gather3A_367] in [0] : vector<16xf32>, vector<16xi32> -> vector<16xf32>
      %xor3A_369 = arith.constant 4 : i32
      %xor3A_370 = vector.broadcast %xor3A_369 : i32 to vector<16xi32>
      %xor3A_371 = arith.xori %iota3A, %xor3A_370 : vector<16xi32>
      %broadcast_in_dim3A_372 = vector.shape_cast %xor3A_371 : vector<16xi32> to vector<16x1xi32>
      %gather3A_373 = vector.shape_cast %broadcast_in_dim3A_372 : vector<16x1xi32> to vector<16xi32>
      %gather3A_374 = tpu.dynamic_gather %add3A_332[%gather3A_373] in [0] : vector<16xf32>, vector<16xi32> -> vector<16xf32>
      %select_n3A_375 = arith.select %eq3A_22, %add3A_317, %gather3A_374 : vector<16xi1>, vector<16xf32>
      %select_n3A_376 = arith.select %eq3A_22, %gather3A_368, %add3A_332 : vector<16xi1>, vector<16xf32>
      %add3A_377 = arith.addf %select_n3A_375, %select_n3A_376 : vector<16xf32>
      %xor3A_378 = arith.constant 4 : i32
      %xor3A_379 = vector.broadcast %xor3A_378 : i32 to vector<16xi32>
      %xor3A_380 = arith.xori %iota3A, %xor3A_379 : vector<16xi32>
      %broadcast_in_dim3A_381 = vector.shape_cast %xor3A_380 : vector<16xi32> to vector<16x1xi32>
      %gather3A_382 = vector.shape_cast %broadcast_in_dim3A_381 : vector<16x1xi32> to vector<16xi32>
      %gather3A_383 = tpu.dynamic_gather %add3A_347[%gather3A_382] in [0] : vector<16xf32>, vector<16xi32> -> vector<16xf32>
      %xor3A_384 = arith.constant 4 : i32
      %xor3A_385 = vector.broadcast %xor3A_384 : i32 to vector<16xi32>
      %xor3A_386 = arith.xori %iota3A, %xor3A_385 : vector<16xi32>
      %broadcast_in_dim3A_387 = vector.shape_cast %xor3A_386 : vector<16xi32> to vector<16x1xi32>
      %gather3A_388 = vector.shape_cast %broadcast_in_dim3A_387 : vector<16x1xi32> to vector<16xi32>
      %gather3A_389 = tpu.dynamic_gather %add3A_362[%gather3A_388] in [0] : vector<16xf32>, vector<16xi32> -> vector<16xf32>
      %select_n3A_390 = arith.select %eq3A_22, %add3A_347, %gather3A_389 : vector<16xi1>, vector<16xf32>
      %select_n3A_391 = arith.select %eq3A_22, %gather3A_383, %add3A_362 : vector<16xi1>, vector<16xf32>
      %add3A_392 = arith.addf %select_n3A_390, %select_n3A_391 : vector<16xf32>
      %xor3A_393 = arith.constant 8 : i32
      %xor3A_394 = vector.broadcast %xor3A_393 : i32 to vector<16xi32>
      %xor3A_395 = arith.xori %iota3A, %xor3A_394 : vector<16xi32>
      %broadcast_in_dim3A_396 = vector.shape_cast %xor3A_395 : vector<16xi32> to vector<16x1xi32>
      %gather3A_397 = vector.shape_cast %broadcast_in_dim3A_396 : vector<16x1xi32> to vector<16xi32>
      %gather3A_398 = tpu.dynamic_gather %add3A_377[%gather3A_397] in [0] : vector<16xf32>, vector<16xi32> -> vector<16xf32>
      %xor3A_399 = arith.constant 8 : i32
      %xor3A_400 = vector.broadcast %xor3A_399 : i32 to vector<16xi32>
      %xor3A_401 = arith.xori %iota3A, %xor3A_400 : vector<16xi32>
      %broadcast_in_dim3A_402 = vector.shape_cast %xor3A_401 : vector<16xi32> to vector<16x1xi32>
      %gather3A_403 = vector.shape_cast %broadcast_in_dim3A_402 : vector<16x1xi32> to vector<16xi32>
      %gather3A_404 = tpu.dynamic_gather %add3A_392[%gather3A_403] in [0] : vector<16xf32>, vector<16xi32> -> vector<16xf32>
      %select_n3A_405 = arith.select %eq3A_28, %add3A_377, %gather3A_404 : vector<16xi1>, vector<16xf32>
      %select_n3A_406 = arith.select %eq3A_28, %gather3A_398, %add3A_392 : vector<16xi1>, vector<16xf32>
      %add3A_407 = arith.addf %select_n3A_405, %select_n3A_406 : vector<16xf32>
      %add3A_408 = arith.addf %add3A_407, %get3A_6 : vector<16xf32>
      %xor3A_409 = arith.constant 4 : i32
      %xor3A_410 = vector.broadcast %xor3A_409 : i32 to vector<16xi32>
      %xor3A_411 = arith.xori %iota3A, %xor3A_410 : vector<16xi32>
      %broadcast_in_dim3A_412 = vector.shape_cast %xor3A_411 : vector<16xi32> to vector<16x1xi32>
      %gather3A_413 = vector.shape_cast %broadcast_in_dim3A_412 : vector<16x1xi32> to vector<16xi32>
      %gather3A_414 = tpu.dynamic_gather %add3A_408[%gather3A_413] in [0] : vector<16xf32>, vector<16xi32> -> vector<16xf32>
      %max3A = arith.maximumf %add3A_408, %gather3A_414 : vector<16xf32>
      %xor3A_415 = arith.constant 2 : i32
      %xor3A_416 = vector.broadcast %xor3A_415 : i32 to vector<16xi32>
      %xor3A_417 = arith.xori %iota3A, %xor3A_416 : vector<16xi32>
      %broadcast_in_dim3A_418 = vector.shape_cast %xor3A_417 : vector<16xi32> to vector<16x1xi32>
      %gather3A_419 = vector.shape_cast %broadcast_in_dim3A_418 : vector<16x1xi32> to vector<16xi32>
      %gather3A_420 = tpu.dynamic_gather %max3A[%gather3A_419] in [0] : vector<16xf32>, vector<16xi32> -> vector<16xf32>
      %max3A_421 = arith.maximumf %max3A, %gather3A_420 : vector<16xf32>
      %xor3A_422 = arith.constant 1 : i32
      %xor3A_423 = vector.broadcast %xor3A_422 : i32 to vector<16xi32>
      %xor3A_424 = arith.xori %iota3A, %xor3A_423 : vector<16xi32>
      %broadcast_in_dim3A_425 = vector.shape_cast %xor3A_424 : vector<16xi32> to vector<16x1xi32>
      %gather3A_426 = vector.shape_cast %broadcast_in_dim3A_425 : vector<16x1xi32> to vector<16xi32>
      %gather3A_427 = tpu.dynamic_gather %max3A_421[%gather3A_426] in [0] : vector<16xf32>, vector<16xi32> -> vector<16xf32>
      %max3A_428 = arith.maximumf %max3A_421, %gather3A_427 : vector<16xf32>
      %sub3A_429 = arith.subf %add3A_408, %max3A_428 : vector<16xf32>
      %exp3A = math.exp %sub3A_429 : vector<16xf32>
      %xor3A_430 = arith.constant 4 : i32
      %xor3A_431 = vector.broadcast %xor3A_430 : i32 to vector<16xi32>
      %xor3A_432 = arith.xori %iota3A, %xor3A_431 : vector<16xi32>
      %broadcast_in_dim3A_433 = vector.shape_cast %xor3A_432 : vector<16xi32> to vector<16x1xi32>
      %gather3A_434 = vector.shape_cast %broadcast_in_dim3A_433 : vector<16x1xi32> to vector<16xi32>
      %gather3A_435 = tpu.dynamic_gather %exp3A[%gather3A_434] in [0] : vector<16xf32>, vector<16xi32> -> vector<16xf32>
      %add3A_436 = arith.addf %exp3A, %gather3A_435 : vector<16xf32>
      %xor3A_437 = arith.constant 2 : i32
      %xor3A_438 = vector.broadcast %xor3A_437 : i32 to vector<16xi32>
      %xor3A_439 = arith.xori %iota3A, %xor3A_438 : vector<16xi32>
      %broadcast_in_dim3A_440 = vector.shape_cast %xor3A_439 : vector<16xi32> to vector<16x1xi32>
      %gather3A_441 = vector.shape_cast %broadcast_in_dim3A_440 : vector<16x1xi32> to vector<16xi32>
      %gather3A_442 = tpu.dynamic_gather %add3A_436[%gather3A_441] in [0] : vector<16xf32>, vector<16xi32> -> vector<16xf32>
      %add3A_443 = arith.addf %add3A_436, %gather3A_442 : vector<16xf32>
      %xor3A_444 = arith.constant 1 : i32
      %xor3A_445 = vector.broadcast %xor3A_444 : i32 to vector<16xi32>
      %xor3A_446 = arith.xori %iota3A, %xor3A_445 : vector<16xi32>
      %broadcast_in_dim3A_447 = vector.shape_cast %xor3A_446 : vector<16xi32> to vector<16x1xi32>
      %gather3A_448 = vector.shape_cast %broadcast_in_dim3A_447 : vector<16x1xi32> to vector<16xi32>
      %gather3A_449 = tpu.dynamic_gather %add3A_443[%gather3A_448] in [0] : vector<16xf32>, vector<16xi32> -> vector<16xf32>
      %add3A_450 = arith.addf %add3A_443, %gather3A_449 : vector<16xf32>
      %div3A = arith.divf %exp3A, %add3A_450 : vector<16xf32>
      %add3A_451 = arith.constant 64 : i32
      %add3A_452 = arith.addi %add3A_451, %mul3A_116 : i32
      %add3A_453 = arith.constant 0 : i32
      %add3A_454 = arith.addi %add3A_452, %add3A_453 : i32
      %mul3A_455 = arith.constant 8 : i32
      %mul3A_456 = arith.muli %add3A_454, %mul3A_455 : i32
      %swap3A = arith.index_cast %mul3A_456 : i32 to index
      %swap3A_457 = tpu.vector_load %arg10[%swap3A] {strides = array<i32>} : memref<2048xf32, #tpu.memory_space<vmem>>, vector<16xf32>,
      %swap3A_458 = vector.shape_cast %swap3A_457 : vector<16xf32> to vector<16xf32>
      %swap3A_459 = vector.shape_cast %div3A : vector<16xf32> to vector<16xf32>
      tpu.vector_store %arg10[%swap3A], %swap3A_459 {strides = array<i32>} : memref<2048xf32, #tpu.memory_space<vmem>>, vector<16xf32>,
      %xor3A_460 = arith.constant 1 : i32
      %xor3A_461 = vector.broadcast %xor3A_460 : i32 to vector<16xi32>
      %xor3A_462 = arith.xori %iota3A, %xor3A_461 : vector<16xi32>
      %broadcast_in_dim3A_463 = vector.shape_cast %xor3A_462 : vector<16xi32> to vector<16x1xi32>
      %gather3A_464 = vector.shape_cast %broadcast_in_dim3A_463 : vector<16x1xi32> to vector<16xi32>
      %gather3A_465 = tpu.dynamic_gather %scan3A_184#16[%gather3A_464] in [0] : vector<16xf32>, vector<16xi32> -> vector<16xf32>
      %xor3A_466 = arith.constant 1 : i32
      %xor3A_467 = vector.broadcast %xor3A_466 : i32 to vector<16xi32>
      %xor3A_468 = arith.xori %iota3A, %xor3A_467 : vector<16xi32>
      %broadcast_in_dim3A_469 = vector.shape_cast %xor3A_468 : vector<16xi32> to vector<16x1xi32>
      %gather3A_470 = vector.shape_cast %broadcast_in_dim3A_469 : vector<16x1xi32> to vector<16xi32>
      %gather3A_471 = tpu.dynamic_gather %scan3A_184#17[%gather3A_470] in [0] : vector<16xf32>, vector<16xi32> -> vector<16xf32>
      %select_n3A_472 = arith.select %eq3A_10, %scan3A_184#16, %gather3A_471 : vector<16xi1>, vector<16xf32>
      %select_n3A_473 = arith.select %eq3A_10, %gather3A_465, %scan3A_184#17 : vector<16xi1>, vector<16xf32>
      %add3A_474 = arith.addf %select_n3A_472, %select_n3A_473 : vector<16xf32>
      %xor3A_475 = arith.constant 1 : i32
      %xor3A_476 = vector.broadcast %xor3A_475 : i32 to vector<16xi32>
      %xor3A_477 = arith.xori %iota3A, %xor3A_476 : vector<16xi32>
      %broadcast_in_dim3A_478 = vector.shape_cast %xor3A_477 : vector<16xi32> to vector<16x1xi32>
      %gather3A_479 = vector.shape_cast %broadcast_in_dim3A_478 : vector<16x1xi32> to vector<16xi32>
      %gather3A_480 = tpu.dynamic_gather %scan3A_184#18[%gather3A_479] in [0] : vector<16xf32>, vector<16xi32> -> vector<16xf32>
      %xor3A_481 = arith.constant 1 : i32
      %xor3A_482 = vector.broadcast %xor3A_481 : i32 to vector<16xi32>
      %xor3A_483 = arith.xori %iota3A, %xor3A_482 : vector<16xi32>
      %broadcast_in_dim3A_484 = vector.shape_cast %xor3A_483 : vector<16xi32> to vector<16x1xi32>
      %gather3A_485 = vector.shape_cast %broadcast_in_dim3A_484 : vector<16x1xi32> to vector<16xi32>
      %gather3A_486 = tpu.dynamic_gather %scan3A_184#19[%gather3A_485] in [0] : vector<16xf32>, vector<16xi32> -> vector<16xf32>
      %select_n3A_487 = arith.select %eq3A_10, %scan3A_184#18, %gather3A_486 : vector<16xi1>, vector<16xf32>
      %select_n3A_488 = arith.select %eq3A_10, %gather3A_480, %scan3A_184#19 : vector<16xi1>, vector<16xf32>
      %add3A_489 = arith.addf %select_n3A_487, %select_n3A_488 : vector<16xf32>
      %xor3A_490 = arith.constant 1 : i32
      %xor3A_491 = vector.broadcast %xor3A_490 : i32 to vector<16xi32>
      %xor3A_492 = arith.xori %iota3A, %xor3A_491 : vector<16xi32>
      %broadcast_in_dim3A_493 = vector.shape_cast %xor3A_492 : vector<16xi32> to vector<16x1xi32>
      %gather3A_494 = vector.shape_cast %broadcast_in_dim3A_493 : vector<16x1xi32> to vector<16xi32>
      %gather3A_495 = tpu.dynamic_gather %scan3A_184#20[%gather3A_494] in [0] : vector<16xf32>, vector<16xi32> -> vector<16xf32>
      %xor3A_496 = arith.constant 1 : i32
      %xor3A_497 = vector.broadcast %xor3A_496 : i32 to vector<16xi32>
      %xor3A_498 = arith.xori %iota3A, %xor3A_497 : vector<16xi32>
      %broadcast_in_dim3A_499 = vector.shape_cast %xor3A_498 : vector<16xi32> to vector<16x1xi32>
      %gather3A_500 = vector.shape_cast %broadcast_in_dim3A_499 : vector<16x1xi32> to vector<16xi32>
      %gather3A_501 = tpu.dynamic_gather %scan3A_184#21[%gather3A_500] in [0] : vector<16xf32>, vector<16xi32> -> vector<16xf32>
      %select_n3A_502 = arith.select %eq3A_10, %scan3A_184#20, %gather3A_501 : vector<16xi1>, vector<16xf32>
      %select_n3A_503 = arith.select %eq3A_10, %gather3A_495, %scan3A_184#21 : vector<16xi1>, vector<16xf32>
      %add3A_504 = arith.addf %select_n3A_502, %select_n3A_503 : vector<16xf32>
      %xor3A_505 = arith.constant 1 : i32
      %xor3A_506 = vector.broadcast %xor3A_505 : i32 to vector<16xi32>
      %xor3A_507 = arith.xori %iota3A, %xor3A_506 : vector<16xi32>
      %broadcast_in_dim3A_508 = vector.shape_cast %xor3A_507 : vector<16xi32> to vector<16x1xi32>
      %gather3A_509 = vector.shape_cast %broadcast_in_dim3A_508 : vector<16x1xi32> to vector<16xi32>
      %gather3A_510 = tpu.dynamic_gather %scan3A_184#22[%gather3A_509] in [0] : vector<16xf32>, vector<16xi32> -> vector<16xf32>
      %xor3A_511 = arith.constant 1 : i32
      %xor3A_512 = vector.broadcast %xor3A_511 : i32 to vector<16xi32>
      %xor3A_513 = arith.xori %iota3A, %xor3A_512 : vector<16xi32>
      %broadcast_in_dim3A_514 = vector.shape_cast %xor3A_513 : vector<16xi32> to vector<16x1xi32>
      %gather3A_515 = vector.shape_cast %broadcast_in_dim3A_514 : vector<16x1xi32> to vector<16xi32>
      %gather3A_516 = tpu.dynamic_gather %scan3A_184#23[%gather3A_515] in [0] : vector<16xf32>, vector<16xi32> -> vector<16xf32>
      %select_n3A_517 = arith.select %eq3A_10, %scan3A_184#22, %gather3A_516 : vector<16xi1>, vector<16xf32>
      %select_n3A_518 = arith.select %eq3A_10, %gather3A_510, %scan3A_184#23 : vector<16xi1>, vector<16xf32>
      %add3A_519 = arith.addf %select_n3A_517, %select_n3A_518 : vector<16xf32>
      %xor3A_520 = arith.constant 1 : i32
      %xor3A_521 = vector.broadcast %xor3A_520 : i32 to vector<16xi32>
      %xor3A_522 = arith.xori %iota3A, %xor3A_521 : vector<16xi32>
      %broadcast_in_dim3A_523 = vector.shape_cast %xor3A_522 : vector<16xi32> to vector<16x1xi32>
      %gather3A_524 = vector.shape_cast %broadcast_in_dim3A_523 : vector<16x1xi32> to vector<16xi32>
      %gather3A_525 = tpu.dynamic_gather %scan3A_184#24[%gather3A_524] in [0] : vector<16xf32>, vector<16xi32> -> vector<16xf32>
      %xor3A_526 = arith.constant 1 : i32
      %xor3A_527 = vector.broadcast %xor3A_526 : i32 to vector<16xi32>
      %xor3A_528 = arith.xori %iota3A, %xor3A_527 : vector<16xi32>
      %broadcast_in_dim3A_529 = vector.shape_cast %xor3A_528 : vector<16xi32> to vector<16x1xi32>
      %gather3A_530 = vector.shape_cast %broadcast_in_dim3A_529 : vector<16x1xi32> to vector<16xi32>
      %gather3A_531 = tpu.dynamic_gather %scan3A_184#25[%gather3A_530] in [0] : vector<16xf32>, vector<16xi32> -> vector<16xf32>
      %select_n3A_532 = arith.select %eq3A_10, %scan3A_184#24, %gather3A_531 : vector<16xi1>, vector<16xf32>
      %select_n3A_533 = arith.select %eq3A_10, %gather3A_525, %scan3A_184#25 : vector<16xi1>, vector<16xf32>
      %add3A_534 = arith.addf %select_n3A_532, %select_n3A_533 : vector<16xf32>
      %xor3A_535 = arith.constant 1 : i32
      %xor3A_536 = vector.broadcast %xor3A_535 : i32 to vector<16xi32>
      %xor3A_537 = arith.xori %iota3A, %xor3A_536 : vector<16xi32>
      %broadcast_in_dim3A_538 = vector.shape_cast %xor3A_537 : vector<16xi32> to vector<16x1xi32>
      %gather3A_539 = vector.shape_cast %broadcast_in_dim3A_538 : vector<16x1xi32> to vector<16xi32>
      %gather3A_540 = tpu.dynamic_gather %scan3A_184#26[%gather3A_539] in [0] : vector<16xf32>, vector<16xi32> -> vector<16xf32>
      %xor3A_541 = arith.constant 1 : i32
      %xor3A_542 = vector.broadcast %xor3A_541 : i32 to vector<16xi32>
      %xor3A_543 = arith.xori %iota3A, %xor3A_542 : vector<16xi32>
      %broadcast_in_dim3A_544 = vector.shape_cast %xor3A_543 : vector<16xi32> to vector<16x1xi32>
      %gather3A_545 = vector.shape_cast %broadcast_in_dim3A_544 : vector<16x1xi32> to vector<16xi32>
      %gather3A_546 = tpu.dynamic_gather %scan3A_184#27[%gather3A_545] in [0] : vector<16xf32>, vector<16xi32> -> vector<16xf32>
      %select_n3A_547 = arith.select %eq3A_10, %scan3A_184#26, %gather3A_546 : vector<16xi1>, vector<16xf32>
      %select_n3A_548 = arith.select %eq3A_10, %gather3A_540, %scan3A_184#27 : vector<16xi1>, vector<16xf32>
      %add3A_549 = arith.addf %select_n3A_547, %select_n3A_548 : vector<16xf32>
      %xor3A_550 = arith.constant 1 : i32
      %xor3A_551 = vector.broadcast %xor3A_550 : i32 to vector<16xi32>
      %xor3A_552 = arith.xori %iota3A, %xor3A_551 : vector<16xi32>
      %broadcast_in_dim3A_553 = vector.shape_cast %xor3A_552 : vector<16xi32> to vector<16x1xi32>
      %gather3A_554 = vector.shape_cast %broadcast_in_dim3A_553 : vector<16x1xi32> to vector<16xi32>
      %gather3A_555 = tpu.dynamic_gather %scan3A_184#28[%gather3A_554] in [0] : vector<16xf32>, vector<16xi32> -> vector<16xf32>
      %xor3A_556 = arith.constant 1 : i32
      %xor3A_557 = vector.broadcast %xor3A_556 : i32 to vector<16xi32>
      %xor3A_558 = arith.xori %iota3A, %xor3A_557 : vector<16xi32>
      %broadcast_in_dim3A_559 = vector.shape_cast %xor3A_558 : vector<16xi32> to vector<16x1xi32>
      %gather3A_560 = vector.shape_cast %broadcast_in_dim3A_559 : vector<16x1xi32> to vector<16xi32>
      %gather3A_561 = tpu.dynamic_gather %scan3A_184#29[%gather3A_560] in [0] : vector<16xf32>, vector<16xi32> -> vector<16xf32>
      %select_n3A_562 = arith.select %eq3A_10, %scan3A_184#28, %gather3A_561 : vector<16xi1>, vector<16xf32>
      %select_n3A_563 = arith.select %eq3A_10, %gather3A_555, %scan3A_184#29 : vector<16xi1>, vector<16xf32>
      %add3A_564 = arith.addf %select_n3A_562, %select_n3A_563 : vector<16xf32>
      %xor3A_565 = arith.constant 1 : i32
      %xor3A_566 = vector.broadcast %xor3A_565 : i32 to vector<16xi32>
      %xor3A_567 = arith.xori %iota3A, %xor3A_566 : vector<16xi32>
      %broadcast_in_dim3A_568 = vector.shape_cast %xor3A_567 : vector<16xi32> to vector<16x1xi32>
      %gather3A_569 = vector.shape_cast %broadcast_in_dim3A_568 : vector<16x1xi32> to vector<16xi32>
      %gather3A_570 = tpu.dynamic_gather %scan3A_184#30[%gather3A_569] in [0] : vector<16xf32>, vector<16xi32> -> vector<16xf32>
      %xor3A_571 = arith.constant 1 : i32
      %xor3A_572 = vector.broadcast %xor3A_571 : i32 to vector<16xi32>
      %xor3A_573 = arith.xori %iota3A, %xor3A_572 : vector<16xi32>
      %broadcast_in_dim3A_574 = vector.shape_cast %xor3A_573 : vector<16xi32> to vector<16x1xi32>
      %gather3A_575 = vector.shape_cast %broadcast_in_dim3A_574 : vector<16x1xi32> to vector<16xi32>
      %gather3A_576 = tpu.dynamic_gather %scan3A_184#31[%gather3A_575] in [0] : vector<16xf32>, vector<16xi32> -> vector<16xf32>
      %select_n3A_577 = arith.select %eq3A_10, %scan3A_184#30, %gather3A_576 : vector<16xi1>, vector<16xf32>
      %select_n3A_578 = arith.select %eq3A_10, %gather3A_570, %scan3A_184#31 : vector<16xi1>, vector<16xf32>
      %add3A_579 = arith.addf %select_n3A_577, %select_n3A_578 : vector<16xf32>
      %xor3A_580 = arith.constant 2 : i32
      %xor3A_581 = vector.broadcast %xor3A_580 : i32 to vector<16xi32>
      %xor3A_582 = arith.xori %iota3A, %xor3A_581 : vector<16xi32>
      %broadcast_in_dim3A_583 = vector.shape_cast %xor3A_582 : vector<16xi32> to vector<16x1xi32>
      %gather3A_584 = vector.shape_cast %broadcast_in_dim3A_583 : vector<16x1xi32> to vector<16xi32>
      %gather3A_585 = tpu.dynamic_gather %add3A_474[%gather3A_584] in [0] : vector<16xf32>, vector<16xi32> -> vector<16xf32>
      %xor3A_586 = arith.constant 2 : i32
      %xor3A_587 = vector.broadcast %xor3A_586 : i32 to vector<16xi32>
      %xor3A_588 = arith.xori %iota3A, %xor3A_587 : vector<16xi32>
      %broadcast_in_dim3A_589 = vector.shape_cast %xor3A_588 : vector<16xi32> to vector<16x1xi32>
      %gather3A_590 = vector.shape_cast %broadcast_in_dim3A_589 : vector<16x1xi32> to vector<16xi32>
      %gather3A_591 = tpu.dynamic_gather %add3A_489[%gather3A_590] in [0] : vector<16xf32>, vector<16xi32> -> vector<16xf32>
      %select_n3A_592 = arith.select %eq3A_16, %add3A_474, %gather3A_591 : vector<16xi1>, vector<16xf32>
      %select_n3A_593 = arith.select %eq3A_16, %gather3A_585, %add3A_489 : vector<16xi1>, vector<16xf32>
      %add3A_594 = arith.addf %select_n3A_592, %select_n3A_593 : vector<16xf32>
      %xor3A_595 = arith.constant 2 : i32
      %xor3A_596 = vector.broadcast %xor3A_595 : i32 to vector<16xi32>
      %xor3A_597 = arith.xori %iota3A, %xor3A_596 : vector<16xi32>
      %broadcast_in_dim3A_598 = vector.shape_cast %xor3A_597 : vector<16xi32> to vector<16x1xi32>
      %gather3A_599 = vector.shape_cast %broadcast_in_dim3A_598 : vector<16x1xi32> to vector<16xi32>
      %gather3A_600 = tpu.dynamic_gather %add3A_504[%gather3A_599] in [0] : vector<16xf32>, vector<16xi32> -> vector<16xf32>
      %xor3A_601 = arith.constant 2 : i32
      %xor3A_602 = vector.broadcast %xor3A_601 : i32 to vector<16xi32>
      %xor3A_603 = arith.xori %iota3A, %xor3A_602 : vector<16xi32>
      %broadcast_in_dim3A_604 = vector.shape_cast %xor3A_603 : vector<16xi32> to vector<16x1xi32>
      %gather3A_605 = vector.shape_cast %broadcast_in_dim3A_604 : vector<16x1xi32> to vector<16xi32>
      %gather3A_606 = tpu.dynamic_gather %add3A_519[%gather3A_605] in [0] : vector<16xf32>, vector<16xi32> -> vector<16xf32>
      %select_n3A_607 = arith.select %eq3A_16, %add3A_504, %gather3A_606 : vector<16xi1>, vector<16xf32>
      %select_n3A_608 = arith.select %eq3A_16, %gather3A_600, %add3A_519 : vector<16xi1>, vector<16xf32>
      %add3A_609 = arith.addf %select_n3A_607, %select_n3A_608 : vector<16xf32>
      %xor3A_610 = arith.constant 2 : i32
      %xor3A_611 = vector.broadcast %xor3A_610 : i32 to vector<16xi32>
      %xor3A_612 = arith.xori %iota3A, %xor3A_611 : vector<16xi32>
      %broadcast_in_dim3A_613 = vector.shape_cast %xor3A_612 : vector<16xi32> to vector<16x1xi32>
      %gather3A_614 = vector.shape_cast %broadcast_in_dim3A_613 : vector<16x1xi32> to vector<16xi32>
      %gather3A_615 = tpu.dynamic_gather %add3A_534[%gather3A_614] in [0] : vector<16xf32>, vector<16xi32> -> vector<16xf32>
      %xor3A_616 = arith.constant 2 : i32
      %xor3A_617 = vector.broadcast %xor3A_616 : i32 to vector<16xi32>
      %xor3A_618 = arith.xori %iota3A, %xor3A_617 : vector<16xi32>
      %broadcast_in_dim3A_619 = vector.shape_cast %xor3A_618 : vector<16xi32> to vector<16x1xi32>
      %gather3A_620 = vector.shape_cast %broadcast_in_dim3A_619 : vector<16x1xi32> to vector<16xi32>
      %gather3A_621 = tpu.dynamic_gather %add3A_549[%gather3A_620] in [0] : vector<16xf32>, vector<16xi32> -> vector<16xf32>
      %select_n3A_622 = arith.select %eq3A_16, %add3A_534, %gather3A_621 : vector<16xi1>, vector<16xf32>
      %select_n3A_623 = arith.select %eq3A_16, %gather3A_615, %add3A_549 : vector<16xi1>, vector<16xf32>
      %add3A_624 = arith.addf %select_n3A_622, %select_n3A_623 : vector<16xf32>
      %xor3A_625 = arith.constant 2 : i32
      %xor3A_626 = vector.broadcast %xor3A_625 : i32 to vector<16xi32>
      %xor3A_627 = arith.xori %iota3A, %xor3A_626 : vector<16xi32>
      %broadcast_in_dim3A_628 = vector.shape_cast %xor3A_627 : vector<16xi32> to vector<16x1xi32>
      %gather3A_629 = vector.shape_cast %broadcast_in_dim3A_628 : vector<16x1xi32> to vector<16xi32>
      %gather3A_630 = tpu.dynamic_gather %add3A_564[%gather3A_629] in [0] : vector<16xf32>, vector<16xi32> -> vector<16xf32>
      %xor3A_631 = arith.constant 2 : i32
      %xor3A_632 = vector.broadcast %xor3A_631 : i32 to vector<16xi32>
      %xor3A_633 = arith.xori %iota3A, %xor3A_632 : vector<16xi32>
      %broadcast_in_dim3A_634 = vector.shape_cast %xor3A_633 : vector<16xi32> to vector<16x1xi32>
      %gather3A_635 = vector.shape_cast %broadcast_in_dim3A_634 : vector<16x1xi32> to vector<16xi32>
      %gather3A_636 = tpu.dynamic_gather %add3A_579[%gather3A_635] in [0] : vector<16xf32>, vector<16xi32> -> vector<16xf32>
      %select_n3A_637 = arith.select %eq3A_16, %add3A_564, %gather3A_636 : vector<16xi1>, vector<16xf32>
      %select_n3A_638 = arith.select %eq3A_16, %gather3A_630, %add3A_579 : vector<16xi1>, vector<16xf32>
      %add3A_639 = arith.addf %select_n3A_637, %select_n3A_638 : vector<16xf32>
      %xor3A_640 = arith.constant 4 : i32
      %xor3A_641 = vector.broadcast %xor3A_640 : i32 to vector<16xi32>
      %xor3A_642 = arith.xori %iota3A, %xor3A_641 : vector<16xi32>
      %broadcast_in_dim3A_643 = vector.shape_cast %xor3A_642 : vector<16xi32> to vector<16x1xi32>
      %gather3A_644 = vector.shape_cast %broadcast_in_dim3A_643 : vector<16x1xi32> to vector<16xi32>
      %gather3A_645 = tpu.dynamic_gather %add3A_594[%gather3A_644] in [0] : vector<16xf32>, vector<16xi32> -> vector<16xf32>
      %xor3A_646 = arith.constant 4 : i32
      %xor3A_647 = vector.broadcast %xor3A_646 : i32 to vector<16xi32>
      %xor3A_648 = arith.xori %iota3A, %xor3A_647 : vector<16xi32>
      %broadcast_in_dim3A_649 = vector.shape_cast %xor3A_648 : vector<16xi32> to vector<16x1xi32>
      %gather3A_650 = vector.shape_cast %broadcast_in_dim3A_649 : vector<16x1xi32> to vector<16xi32>
      %gather3A_651 = tpu.dynamic_gather %add3A_609[%gather3A_650] in [0] : vector<16xf32>, vector<16xi32> -> vector<16xf32>
      %select_n3A_652 = arith.select %eq3A_22, %add3A_594, %gather3A_651 : vector<16xi1>, vector<16xf32>
      %select_n3A_653 = arith.select %eq3A_22, %gather3A_645, %add3A_609 : vector<16xi1>, vector<16xf32>
      %add3A_654 = arith.addf %select_n3A_652, %select_n3A_653 : vector<16xf32>
      %xor3A_655 = arith.constant 4 : i32
      %xor3A_656 = vector.broadcast %xor3A_655 : i32 to vector<16xi32>
      %xor3A_657 = arith.xori %iota3A, %xor3A_656 : vector<16xi32>
      %broadcast_in_dim3A_658 = vector.shape_cast %xor3A_657 : vector<16xi32> to vector<16x1xi32>
      %gather3A_659 = vector.shape_cast %broadcast_in_dim3A_658 : vector<16x1xi32> to vector<16xi32>
      %gather3A_660 = tpu.dynamic_gather %add3A_624[%gather3A_659] in [0] : vector<16xf32>, vector<16xi32> -> vector<16xf32>
      %xor3A_661 = arith.constant 4 : i32
      %xor3A_662 = vector.broadcast %xor3A_661 : i32 to vector<16xi32>
      %xor3A_663 = arith.xori %iota3A, %xor3A_662 : vector<16xi32>
      %broadcast_in_dim3A_664 = vector.shape_cast %xor3A_663 : vector<16xi32> to vector<16x1xi32>
      %gather3A_665 = vector.shape_cast %broadcast_in_dim3A_664 : vector<16x1xi32> to vector<16xi32>
      %gather3A_666 = tpu.dynamic_gather %add3A_639[%gather3A_665] in [0] : vector<16xf32>, vector<16xi32> -> vector<16xf32>
      %select_n3A_667 = arith.select %eq3A_22, %add3A_624, %gather3A_666 : vector<16xi1>, vector<16xf32>
      %select_n3A_668 = arith.select %eq3A_22, %gather3A_660, %add3A_639 : vector<16xi1>, vector<16xf32>
      %add3A_669 = arith.addf %select_n3A_667, %select_n3A_668 : vector<16xf32>
      %xor3A_670 = arith.constant 8 : i32
      %xor3A_671 = vector.broadcast %xor3A_670 : i32 to vector<16xi32>
      %xor3A_672 = arith.xori %iota3A, %xor3A_671 : vector<16xi32>
      %broadcast_in_dim3A_673 = vector.shape_cast %xor3A_672 : vector<16xi32> to vector<16x1xi32>
      %gather3A_674 = vector.shape_cast %broadcast_in_dim3A_673 : vector<16x1xi32> to vector<16xi32>
      %gather3A_675 = tpu.dynamic_gather %add3A_654[%gather3A_674] in [0] : vector<16xf32>, vector<16xi32> -> vector<16xf32>
      %xor3A_676 = arith.constant 8 : i32
      %xor3A_677 = vector.broadcast %xor3A_676 : i32 to vector<16xi32>
      %xor3A_678 = arith.xori %iota3A, %xor3A_677 : vector<16xi32>
      %broadcast_in_dim3A_679 = vector.shape_cast %xor3A_678 : vector<16xi32> to vector<16x1xi32>
      %gather3A_680 = vector.shape_cast %broadcast_in_dim3A_679 : vector<16x1xi32> to vector<16xi32>
      %gather3A_681 = tpu.dynamic_gather %add3A_669[%gather3A_680] in [0] : vector<16xf32>, vector<16xi32> -> vector<16xf32>
      %select_n3A_682 = arith.select %eq3A_28, %add3A_654, %gather3A_681 : vector<16xi1>, vector<16xf32>
      %select_n3A_683 = arith.select %eq3A_28, %gather3A_675, %add3A_669 : vector<16xi1>, vector<16xf32>
      %add3A_684 = arith.addf %select_n3A_682, %select_n3A_683 : vector<16xf32>
      %add3A_685 = arith.addf %add3A_684, %get3A_6 : vector<16xf32>
      %xor3A_686 = arith.constant 4 : i32
      %xor3A_687 = vector.broadcast %xor3A_686 : i32 to vector<16xi32>
      %xor3A_688 = arith.xori %iota3A, %xor3A_687 : vector<16xi32>
      %broadcast_in_dim3A_689 = vector.shape_cast %xor3A_688 : vector<16xi32> to vector<16x1xi32>
      %gather3A_690 = vector.shape_cast %broadcast_in_dim3A_689 : vector<16x1xi32> to vector<16xi32>
      %gather3A_691 = tpu.dynamic_gather %add3A_685[%gather3A_690] in [0] : vector<16xf32>, vector<16xi32> -> vector<16xf32>
      %max3A_692 = arith.maximumf %add3A_685, %gather3A_691 : vector<16xf32>
      %xor3A_693 = arith.constant 2 : i32
      %xor3A_694 = vector.broadcast %xor3A_693 : i32 to vector<16xi32>
      %xor3A_695 = arith.xori %iota3A, %xor3A_694 : vector<16xi32>
      %broadcast_in_dim3A_696 = vector.shape_cast %xor3A_695 : vector<16xi32> to vector<16x1xi32>
      %gather3A_697 = vector.shape_cast %broadcast_in_dim3A_696 : vector<16x1xi32> to vector<16xi32>
      %gather3A_698 = tpu.dynamic_gather %max3A_692[%gather3A_697] in [0] : vector<16xf32>, vector<16xi32> -> vector<16xf32>
      %max3A_699 = arith.maximumf %max3A_692, %gather3A_698 : vector<16xf32>
      %xor3A_700 = arith.constant 1 : i32
      %xor3A_701 = vector.broadcast %xor3A_700 : i32 to vector<16xi32>
      %xor3A_702 = arith.xori %iota3A, %xor3A_701 : vector<16xi32>
      %broadcast_in_dim3A_703 = vector.shape_cast %xor3A_702 : vector<16xi32> to vector<16x1xi32>
      %gather3A_704 = vector.shape_cast %broadcast_in_dim3A_703 : vector<16x1xi32> to vector<16xi32>
      %gather3A_705 = tpu.dynamic_gather %max3A_699[%gather3A_704] in [0] : vector<16xf32>, vector<16xi32> -> vector<16xf32>
      %max3A_706 = arith.maximumf %max3A_699, %gather3A_705 : vector<16xf32>
      %sub3A_707 = arith.subf %add3A_685, %max3A_706 : vector<16xf32>
      %exp3A_708 = math.exp %sub3A_707 : vector<16xf32>
      %xor3A_709 = arith.constant 4 : i32
      %xor3A_710 = vector.broadcast %xor3A_709 : i32 to vector<16xi32>
      %xor3A_711 = arith.xori %iota3A, %xor3A_710 : vector<16xi32>
      %broadcast_in_dim3A_712 = vector.shape_cast %xor3A_711 : vector<16xi32> to vector<16x1xi32>
      %gather3A_713 = vector.shape_cast %broadcast_in_dim3A_712 : vector<16x1xi32> to vector<16xi32>
      %gather3A_714 = tpu.dynamic_gather %exp3A_708[%gather3A_713] in [0] : vector<16xf32>, vector<16xi32> -> vector<16xf32>
      %add3A_715 = arith.addf %exp3A_708, %gather3A_714 : vector<16xf32>
      %xor3A_716 = arith.constant 2 : i32
      %xor3A_717 = vector.broadcast %xor3A_716 : i32 to vector<16xi32>
      %xor3A_718 = arith.xori %iota3A, %xor3A_717 : vector<16xi32>
      %broadcast_in_dim3A_719 = vector.shape_cast %xor3A_718 : vector<16xi32> to vector<16x1xi32>
      %gather3A_720 = vector.shape_cast %broadcast_in_dim3A_719 : vector<16x1xi32> to vector<16xi32>
      %gather3A_721 = tpu.dynamic_gather %add3A_715[%gather3A_720] in [0] : vector<16xf32>, vector<16xi32> -> vector<16xf32>
      %add3A_722 = arith.addf %add3A_715, %gather3A_721 : vector<16xf32>
      %xor3A_723 = arith.constant 1 : i32
      %xor3A_724 = vector.broadcast %xor3A_723 : i32 to vector<16xi32>
      %xor3A_725 = arith.xori %iota3A, %xor3A_724 : vector<16xi32>
      %broadcast_in_dim3A_726 = vector.shape_cast %xor3A_725 : vector<16xi32> to vector<16x1xi32>
      %gather3A_727 = vector.shape_cast %broadcast_in_dim3A_726 : vector<16x1xi32> to vector<16xi32>
      %gather3A_728 = tpu.dynamic_gather %add3A_722[%gather3A_727] in [0] : vector<16xf32>, vector<16xi32> -> vector<16xf32>
      %add3A_729 = arith.addf %add3A_722, %gather3A_728 : vector<16xf32>
      %div3A_730 = arith.divf %exp3A_708, %add3A_729 : vector<16xf32>
      %add3A_731 = arith.constant 64 : i32
      %add3A_732 = arith.addi %add3A_731, %mul3A_116 : i32
      %add3A_733 = arith.constant 2 : i32
      %add3A_734 = arith.addi %add3A_732, %add3A_733 : i32
      %mul3A_735 = arith.constant 8 : i32
      %mul3A_736 = arith.muli %add3A_734, %mul3A_735 : i32
      %swap3A_737 = arith.index_cast %mul3A_736 : i32 to index
      %swap3A_738 = tpu.vector_load %arg10[%swap3A_737] {strides = array<i32>} : memref<2048xf32, #tpu.memory_space<vmem>>, vector<16xf32>,
      %swap3A_739 = vector.shape_cast %swap3A_738 : vector<16xf32> to vector<16xf32>
      %swap3A_740 = vector.shape_cast %div3A_730 : vector<16xf32> to vector<16xf32>
      tpu.vector_store %arg10[%swap3A_737], %swap3A_740 {strides = array<i32>} : memref<2048xf32, #tpu.memory_space<vmem>>, vector<16xf32>,
      %scan3A_741 = arith.constant 0 : i32
      scf.yield %scan3A_741 : i32
    }
    %scan3A_73 = arith.constant 16 : i32
    %add3A_74 = arith.constant 192 : i32
    %add3A_75 = arith.addi %add3A_4, %add3A_74 : i32
    %multiple_of3A_76 = tpu.assume_multiple %add3A_75, 8 : i32
    %dma_start3A_77 = arith.constant 0 : i32
    %dma_start3A_78 = tpu.memref_slice %arg2[%multiple_of3A_76, %dma_start3A_77] : memref<32768x768xf32, #tpu.memory_space<hbm>> -> memref<64x768xf32, #tpu.memory_space<hbm>>
    %dma_start3A_79 = arith.constant 0 : i32
    %dma_start3A_80 = tpu.memref_slice %arg2[%multiple_of3A_76, %dma_start3A_79] : memref<32768x768xf32, #tpu.memory_space<hbm>> -> memref<64x768xf32, #tpu.memory_space<hbm>>
    tpu.enqueue_dma source(%dma_start3A_80 : memref<64x768xf32, #tpu.memory_space<hbm>>) target(%arg9 : memref<64x768xf32, #tpu.memory_space<vmem>>) target_semaphore(%arg12 : memref<!tpu.dma_semaphore, #tpu.memory_space<semaphore_mem>>)
    %add3A_81 = arith.constant 128 : i32
    %add3A_82 = arith.addi %add3A_4, %add3A_81 : i32
    %multiple_of3A_83 = tpu.assume_multiple %add3A_82, 8 : i32
    %dma_wait3A_84 = arith.constant 0 : i32
    %dma_wait3A_85 = tpu.memref_slice %arg2[%multiple_of3A_83, %dma_wait3A_84] : memref<32768x768xf32, #tpu.memory_space<hbm>> -> memref<64x768xf32, #tpu.memory_space<hbm>>
    %dma_wait3A_86 = arith.constant 0 : i32
    %dma_wait3A_87 = tpu.memref_slice %arg2[%multiple_of3A_83, %dma_wait3A_86] : memref<32768x768xf32, #tpu.memory_space<hbm>> -> memref<64x768xf32, #tpu.memory_space<hbm>>
    tpu.wait_dma2 semaphore(%arg11 : memref<!tpu.dma_semaphore, #tpu.memory_space<semaphore_mem>>) src(%dma_wait3A_87 : memref<64x768xf32, #tpu.memory_space<hbm>>) dst(%arg8 : memref<64x768xf32, #tpu.memory_space<vmem>>)
    %scan3A_88 = arith.constant 0 : i32
    %scan3A_89 = arith.constant 0 : i32
    %scan3A_90 = arith.constant 16 : i32
    %scan3A_91 = arith.addi %scan3A_89, %scan3A_90 : i32
    %scan3A_92 = arith.constant 1 : i32
    %scan3A_93 = scf.for %scan3A_113 = %scan3A_89 to %scan3A_91 step %scan3A_92 iter_args(%scan3A_114 = %scan3A_88) -> (i32)  : i32 {
      %mul3A_115 = arith.constant 4 : i32
      %mul3A_116 = arith.muli %scan3A_113, %mul3A_115 : i32
      %broadcast_in_dim3A = arith.constant 0.000000e+00 : f32
      %broadcast_in_dim3A_117 = vector.broadcast %broadcast_in_dim3A : f32 to vector<16xf32>
      %broadcast_in_dim3A_118 = arith.constant 0.000000e+00 : f32
      %broadcast_in_dim3A_119 = vector.broadcast %broadcast_in_dim3A_118 : f32 to vector<16xf32>
      %broadcast_in_dim3A_120 = arith.constant 0.000000e+00 : f32
      %broadcast_in_dim3A_121 = vector.broadcast %broadcast_in_dim3A_120 : f32 to vector<16xf32>
      %broadcast_in_dim3A_122 = arith.constant 0.000000e+00 : f32
      %broadcast_in_dim3A_123 = vector.broadcast %broadcast_in_dim3A_122 : f32 to vector<16xf32>
      %broadcast_in_dim3A_124 = arith.constant 0.000000e+00 : f32
      %broadcast_in_dim3A_125 = vector.broadcast %broadcast_in_dim3A_124 : f32 to vector<16xf32>
      %broadcast_in_dim3A_126 = arith.constant 0.000000e+00 : f32
      %broadcast_in_dim3A_127 = vector.broadcast %broadcast_in_dim3A_126 : f32 to vector<16xf32>
      %broadcast_in_dim3A_128 = arith.constant 0.000000e+00 : f32
      %broadcast_in_dim3A_129 = vector.broadcast %broadcast_in_dim3A_128 : f32 to vector<16xf32>
      %broadcast_in_dim3A_130 = arith.constant 0.000000e+00 : f32
      %broadcast_in_dim3A_131 = vector.broadcast %broadcast_in_dim3A_130 : f32 to vector<16xf32>
      %broadcast_in_dim3A_132 = arith.constant 0.000000e+00 : f32
      %broadcast_in_dim3A_133 = vector.broadcast %broadcast_in_dim3A_132 : f32 to vector<16xf32>
      %broadcast_in_dim3A_134 = arith.constant 0.000000e+00 : f32
      %broadcast_in_dim3A_135 = vector.broadcast %broadcast_in_dim3A_134 : f32 to vector<16xf32>
      %broadcast_in_dim3A_136 = arith.constant 0.000000e+00 : f32
      %broadcast_in_dim3A_137 = vector.broadcast %broadcast_in_dim3A_136 : f32 to vector<16xf32>
      %broadcast_in_dim3A_138 = arith.constant 0.000000e+00 : f32
      %broadcast_in_dim3A_139 = vector.broadcast %broadcast_in_dim3A_138 : f32 to vector<16xf32>
      %broadcast_in_dim3A_140 = arith.constant 0.000000e+00 : f32
      %broadcast_in_dim3A_141 = vector.broadcast %broadcast_in_dim3A_140 : f32 to vector<16xf32>
      %broadcast_in_dim3A_142 = arith.constant 0.000000e+00 : f32
      %broadcast_in_dim3A_143 = vector.broadcast %broadcast_in_dim3A_142 : f32 to vector<16xf32>
      %broadcast_in_dim3A_144 = arith.constant 0.000000e+00 : f32
      %broadcast_in_dim3A_145 = vector.broadcast %broadcast_in_dim3A_144 : f32 to vector<16xf32>
      %broadcast_in_dim3A_146 = arith.constant 0.000000e+00 : f32
      %broadcast_in_dim3A_147 = vector.broadcast %broadcast_in_dim3A_146 : f32 to vector<16xf32>
      %broadcast_in_dim3A_148 = arith.constant 0.000000e+00 : f32
      %broadcast_in_dim3A_149 = vector.broadcast %broadcast_in_dim3A_148 : f32 to vector<16xf32>
      %broadcast_in_dim3A_150 = arith.constant 0.000000e+00 : f32
      %broadcast_in_dim3A_151 = vector.broadcast %broadcast_in_dim3A_150 : f32 to vector<16xf32>
      %broadcast_in_dim3A_152 = arith.constant 0.000000e+00 : f32
      %broadcast_in_dim3A_153 = vector.broadcast %broadcast_in_dim3A_152 : f32 to vector<16xf32>
      %broadcast_in_dim3A_154 = arith.constant 0.000000e+00 : f32
      %broadcast_in_dim3A_155 = vector.broadcast %broadcast_in_dim3A_154 : f32 to vector<16xf32>
      %broadcast_in_dim3A_156 = arith.constant 0.000000e+00 : f32
      %broadcast_in_dim3A_157 = vector.broadcast %broadcast_in_dim3A_156 : f32 to vector<16xf32>
      %broadcast_in_dim3A_158 = arith.constant 0.000000e+00 : f32
      %broadcast_in_dim3A_159 = vector.broadcast %broadcast_in_dim3A_158 : f32 to vector<16xf32>
      %broadcast_in_dim3A_160 = arith.constant 0.000000e+00 : f32
      %broadcast_in_dim3A_161 = vector.broadcast %broadcast_in_dim3A_160 : f32 to vector<16xf32>
      %broadcast_in_dim3A_162 = arith.constant 0.000000e+00 : f32
      %broadcast_in_dim3A_163 = vector.broadcast %broadcast_in_dim3A_162 : f32 to vector<16xf32>
      %broadcast_in_dim3A_164 = arith.constant 0.000000e+00 : f32
      %broadcast_in_dim3A_165 = vector.broadcast %broadcast_in_dim3A_164 : f32 to vector<16xf32>
      %broadcast_in_dim3A_166 = arith.constant 0.000000e+00 : f32
      %broadcast_in_dim3A_167 = vector.broadcast %broadcast_in_dim3A_166 : f32 to vector<16xf32>
      %broadcast_in_dim3A_168 = arith.constant 0.000000e+00 : f32
      %broadcast_in_dim3A_169 = vector.broadcast %broadcast_in_dim3A_168 : f32 to vector<16xf32>
      %broadcast_in_dim3A_170 = arith.constant 0.000000e+00 : f32
      %broadcast_in_dim3A_171 = vector.broadcast %broadcast_in_dim3A_170 : f32 to vector<16xf32>
      %broadcast_in_dim3A_172 = arith.constant 0.000000e+00 : f32
      %broadcast_in_dim3A_173 = vector.broadcast %broadcast_in_dim3A_172 : f32 to vector<16xf32>
      %broadcast_in_dim3A_174 = arith.constant 0.000000e+00 : f32
      %broadcast_in_dim3A_175 = vector.broadcast %broadcast_in_dim3A_174 : f32 to vector<16xf32>
      %broadcast_in_dim3A_176 = arith.constant 0.000000e+00 : f32
      %broadcast_in_dim3A_177 = vector.broadcast %broadcast_in_dim3A_176 : f32 to vector<16xf32>
      %broadcast_in_dim3A_178 = arith.constant 0.000000e+00 : f32
      %broadcast_in_dim3A_179 = vector.broadcast %broadcast_in_dim3A_178 : f32 to vector<16xf32>
      %scan3A_180 = arith.constant 0 : i32
      %scan3A_181 = arith.constant 48 : i32
      %scan3A_182 = arith.addi %scan3A_180, %scan3A_181 : i32
      %scan3A_183 = arith.constant 1 : i32
      %scan3A_184:32 = scf.for %scan3A_742 = %scan3A_180 to %scan3A_182 step %scan3A_183 iter_args(%scan3A_743 = %broadcast_in_dim3A_117, %scan3A_744 = %broadcast_in_dim3A_119, %scan3A_745 = %broadcast_in_dim3A_121, %scan3A_746 = %broadcast_in_dim3A_123, %scan3A_747 = %broadcast_in_dim3A_125, %scan3A_748 = %broadcast_in_dim3A_127, %scan3A_749 = %broadcast_in_dim3A_129, %scan3A_750 = %broadcast_in_dim3A_131, %scan3A_751 = %broadcast_in_dim3A_133, %scan3A_752 = %broadcast_in_dim3A_135, %scan3A_753 = %broadcast_in_dim3A_137, %scan3A_754 = %broadcast_in_dim3A_139, %scan3A_755 = %broadcast_in_dim3A_141, %scan3A_756 = %broadcast_in_dim3A_143, %scan3A_757 = %broadcast_in_dim3A_145, %scan3A_758 = %broadcast_in_dim3A_147, %scan3A_759 = %broadcast_in_dim3A_149, %scan3A_760 = %broadcast_in_dim3A_151, %scan3A_761 = %broadcast_in_dim3A_153, %scan3A_762 = %broadcast_in_dim3A_155, %scan3A_763 = %broadcast_in_dim3A_157, %scan3A_764 = %broadcast_in_dim3A_159, %scan3A_765 = %broadcast_in_dim3A_161, %scan3A_766 = %broadcast_in_dim3A_163, %scan3A_767 = %broadcast_in_dim3A_165, %scan3A_768 = %broadcast_in_dim3A_167, %scan3A_769 = %broadcast_in_dim3A_169, %scan3A_770 = %broadcast_in_dim3A_171, %scan3A_771 = %broadcast_in_dim3A_173, %scan3A_772 = %broadcast_in_dim3A_175, %scan3A_773 = %broadcast_in_dim3A_177, %scan3A_774 = %broadcast_in_dim3A_179) -> (vector<16xf32>, vector<16xf32>, vector<16xf32>, vector<16xf32>, vector<16xf32>, vector<16xf32>, vector<16xf32>, vector<16xf32>, vector<16xf32>, vector<16xf32>, vector<16xf32>, vector<16xf32>, vector<16xf32>, vector<16xf32>, vector<16xf32>, vector<16xf32>, vector<16xf32>, vector<16xf32>, vector<16xf32>, vector<16xf32>, vector<16xf32>, vector<16xf32>, vector<16xf32>, vector<16xf32>, vector<16xf32>, vector<16xf32>, vector<16xf32>, vector<16xf32>, vector<16xf32>, vector<16xf32>, vector<16xf32>, vector<16xf32>)  : i32 {
        %mul3A_775 = arith.constant 16 : i32
        %mul3A_776 = arith.muli %scan3A_742, %mul3A_775 : i32
        %add3A_777 = arith.constant 0 : i32
        %add3A_778 = arith.addi %mul3A_116, %add3A_777 : i32
        %get3A_779 = arith.index_cast %add3A_778 : i32 to index
        %get3A_780 = arith.index_cast %mul3A_776 : i32 to index
        %get3A_781 = tpu.vector_load %arg8[%get3A_779, %get3A_780] {strides = array<i32>} : memref<64x768xf32, #tpu.memory_space<vmem>>, vector<1x16xf32>,
        %get3A_782 = vector.shape_cast %get3A_781 : vector<1x16xf32> to vector<16xf32>
        %add3A_783 = arith.constant 1 : i32
        %add3A_784 = arith.addi %mul3A_116, %add3A_783 : i32
        %get3A_785 = arith.index_cast %add3A_784 : i32 to index
        %get3A_786 = arith.index_cast %mul3A_776 : i32 to index
        %get3A_787 = tpu.vector_load %arg8[%get3A_785, %get3A_786] {strides = array<i32>} : memref<64x768xf32, #tpu.memory_space<vmem>>, vector<1x16xf32>,
        %get3A_788 = vector.shape_cast %get3A_787 : vector<1x16xf32> to vector<16xf32>
        %add3A_789 = arith.constant 2 : i32
        %add3A_790 = arith.addi %mul3A_116, %add3A_789 : i32
        %get3A_791 = arith.index_cast %add3A_790 : i32 to index
        %get3A_792 = arith.index_cast %mul3A_776 : i32 to index
        %get3A_793 = tpu.vector_load %arg8[%get3A_791, %get3A_792] {strides = array<i32>} : memref<64x768xf32, #tpu.memory_space<vmem>>, vector<1x16xf32>,
        %get3A_794 = vector.shape_cast %get3A_793 : vector<1x16xf32> to vector<16xf32>
        %add3A_795 = arith.constant 3 : i32
        %add3A_796 = arith.addi %mul3A_116, %add3A_795 : i32
        %get3A_797 = arith.index_cast %add3A_796 : i32 to index
        %get3A_798 = arith.index_cast %mul3A_776 : i32 to index
        %get3A_799 = tpu.vector_load %arg8[%get3A_797, %get3A_798] {strides = array<i32>} : memref<64x768xf32, #tpu.memory_space<vmem>>, vector<1x16xf32>,
        %get3A_800 = vector.shape_cast %get3A_799 : vector<1x16xf32> to vector<16xf32>
        %get3A_801 = arith.constant 0 : i32
        %get3A_802 = arith.index_cast %get3A_801 : i32 to index
        %get3A_803 = arith.index_cast %mul3A_776 : i32 to index
        %get3A_804 = tpu.vector_load %arg6[%get3A_802, %get3A_803] {strides = array<i32>} : memref<8x768xf32, #tpu.memory_space<vmem>>, vector<1x16xf32>,
        %get3A_805 = vector.shape_cast %get3A_804 : vector<1x16xf32> to vector<16xf32>
        %get3A_806 = arith.constant 1 : i32
        %get3A_807 = arith.index_cast %get3A_806 : i32 to index
        %get3A_808 = arith.index_cast %mul3A_776 : i32 to index
        %get3A_809 = tpu.vector_load %arg6[%get3A_807, %get3A_808] {strides = array<i32>} : memref<8x768xf32, #tpu.memory_space<vmem>>, vector<1x16xf32>,
        %get3A_810 = vector.shape_cast %get3A_809 : vector<1x16xf32> to vector<16xf32>
        %get3A_811 = arith.constant 2 : i32
        %get3A_812 = arith.index_cast %get3A_811 : i32 to index
        %get3A_813 = arith.index_cast %mul3A_776 : i32 to index
        %get3A_814 = tpu.vector_load %arg6[%get3A_812, %get3A_813] {strides = array<i32>} : memref<8x768xf32, #tpu.memory_space<vmem>>, vector<1x16xf32>,
        %get3A_815 = vector.shape_cast %get3A_814 : vector<1x16xf32> to vector<16xf32>
        %get3A_816 = arith.constant 3 : i32
        %get3A_817 = arith.index_cast %get3A_816 : i32 to index
        %get3A_818 = arith.index_cast %mul3A_776 : i32 to index
        %get3A_819 = tpu.vector_load %arg6[%get3A_817, %get3A_818] {strides = array<i32>} : memref<8x768xf32, #tpu.memory_space<vmem>>, vector<1x16xf32>,
        %get3A_820 = vector.shape_cast %get3A_819 : vector<1x16xf32> to vector<16xf32>
        %get3A_821 = arith.constant 4 : i32
        %get3A_822 = arith.index_cast %get3A_821 : i32 to index
        %get3A_823 = arith.index_cast %mul3A_776 : i32 to index
        %get3A_824 = tpu.vector_load %arg6[%get3A_822, %get3A_823] {strides = array<i32>} : memref<8x768xf32, #tpu.memory_space<vmem>>, vector<1x16xf32>,
        %get3A_825 = vector.shape_cast %get3A_824 : vector<1x16xf32> to vector<16xf32>
        %get3A_826 = arith.constant 5 : i32
        %get3A_827 = arith.index_cast %get3A_826 : i32 to index
        %get3A_828 = arith.index_cast %mul3A_776 : i32 to index
        %get3A_829 = tpu.vector_load %arg6[%get3A_827, %get3A_828] {strides = array<i32>} : memref<8x768xf32, #tpu.memory_space<vmem>>, vector<1x16xf32>,
        %get3A_830 = vector.shape_cast %get3A_829 : vector<1x16xf32> to vector<16xf32>
        %get3A_831 = arith.constant 6 : i32
        %get3A_832 = arith.index_cast %get3A_831 : i32 to index
        %get3A_833 = arith.index_cast %mul3A_776 : i32 to index
        %get3A_834 = tpu.vector_load %arg6[%get3A_832, %get3A_833] {strides = array<i32>} : memref<8x768xf32, #tpu.memory_space<vmem>>, vector<1x16xf32>,
        %get3A_835 = vector.shape_cast %get3A_834 : vector<1x16xf32> to vector<16xf32>
        %get3A_836 = arith.constant 7 : i32
        %get3A_837 = arith.index_cast %get3A_836 : i32 to index
        %get3A_838 = arith.index_cast %mul3A_776 : i32 to index
        %get3A_839 = tpu.vector_load %arg6[%get3A_837, %get3A_838] {strides = array<i32>} : memref<8x768xf32, #tpu.memory_space<vmem>>, vector<1x16xf32>,
        %get3A_840 = vector.shape_cast %get3A_839 : vector<1x16xf32> to vector<16xf32>
        %mul3A_841 = arith.mulf %get3A_782, %get3A_805 : vector<16xf32>
        %add3A_842 = arith.addf %scan3A_743, %mul3A_841 : vector<16xf32>
        %mul3A_843 = arith.mulf %get3A_782, %get3A_810 : vector<16xf32>
        %add3A_844 = arith.addf %scan3A_744, %mul3A_843 : vector<16xf32>
        %mul3A_845 = arith.mulf %get3A_782, %get3A_815 : vector<16xf32>
        %add3A_846 = arith.addf %scan3A_745, %mul3A_845 : vector<16xf32>
        %mul3A_847 = arith.mulf %get3A_782, %get3A_820 : vector<16xf32>
        %add3A_848 = arith.addf %scan3A_746, %mul3A_847 : vector<16xf32>
        %mul3A_849 = arith.mulf %get3A_782, %get3A_825 : vector<16xf32>
        %add3A_850 = arith.addf %scan3A_747, %mul3A_849 : vector<16xf32>
        %mul3A_851 = arith.mulf %get3A_782, %get3A_830 : vector<16xf32>
        %add3A_852 = arith.addf %scan3A_748, %mul3A_851 : vector<16xf32>
        %mul3A_853 = arith.mulf %get3A_782, %get3A_835 : vector<16xf32>
        %add3A_854 = arith.addf %scan3A_749, %mul3A_853 : vector<16xf32>
        %mul3A_855 = arith.mulf %get3A_782, %get3A_840 : vector<16xf32>
        %add3A_856 = arith.addf %scan3A_750, %mul3A_855 : vector<16xf32>
        %mul3A_857 = arith.mulf %get3A_788, %get3A_805 : vector<16xf32>
        %add3A_858 = arith.addf %scan3A_751, %mul3A_857 : vector<16xf32>
        %mul3A_859 = arith.mulf %get3A_788, %get3A_810 : vector<16xf32>
        %add3A_860 = arith.addf %scan3A_752, %mul3A_859 : vector<16xf32>
        %mul3A_861 = arith.mulf %get3A_788, %get3A_815 : vector<16xf32>
        %add3A_862 = arith.addf %scan3A_753, %mul3A_861 : vector<16xf32>
        %mul3A_863 = arith.mulf %get3A_788, %get3A_820 : vector<16xf32>
        %add3A_864 = arith.addf %scan3A_754, %mul3A_863 : vector<16xf32>
        %mul3A_865 = arith.mulf %get3A_788, %get3A_825 : vector<16xf32>
        %add3A_866 = arith.addf %scan3A_755, %mul3A_865 : vector<16xf32>
        %mul3A_867 = arith.mulf %get3A_788, %get3A_830 : vector<16xf32>
        %add3A_868 = arith.addf %scan3A_756, %mul3A_867 : vector<16xf32>
        %mul3A_869 = arith.mulf %get3A_788, %get3A_835 : vector<16xf32>
        %add3A_870 = arith.addf %scan3A_757, %mul3A_869 : vector<16xf32>
        %mul3A_871 = arith.mulf %get3A_788, %get3A_840 : vector<16xf32>
        %add3A_872 = arith.addf %scan3A_758, %mul3A_871 : vector<16xf32>
        %mul3A_873 = arith.mulf %get3A_794, %get3A_805 : vector<16xf32>
        %add3A_874 = arith.addf %scan3A_759, %mul3A_873 : vector<16xf32>
        %mul3A_875 = arith.mulf %get3A_794, %get3A_810 : vector<16xf32>
        %add3A_876 = arith.addf %scan3A_760, %mul3A_875 : vector<16xf32>
        %mul3A_877 = arith.mulf %get3A_794, %get3A_815 : vector<16xf32>
        %add3A_878 = arith.addf %scan3A_761, %mul3A_877 : vector<16xf32>
        %mul3A_879 = arith.mulf %get3A_794, %get3A_820 : vector<16xf32>
        %add3A_880 = arith.addf %scan3A_762, %mul3A_879 : vector<16xf32>
        %mul3A_881 = arith.mulf %get3A_794, %get3A_825 : vector<16xf32>
        %add3A_882 = arith.addf %scan3A_763, %mul3A_881 : vector<16xf32>
        %mul3A_883 = arith.mulf %get3A_794, %get3A_830 : vector<16xf32>
        %add3A_884 = arith.addf %scan3A_764, %mul3A_883 : vector<16xf32>
        %mul3A_885 = arith.mulf %get3A_794, %get3A_835 : vector<16xf32>
        %add3A_886 = arith.addf %scan3A_765, %mul3A_885 : vector<16xf32>
        %mul3A_887 = arith.mulf %get3A_794, %get3A_840 : vector<16xf32>
        %add3A_888 = arith.addf %scan3A_766, %mul3A_887 : vector<16xf32>
        %mul3A_889 = arith.mulf %get3A_800, %get3A_805 : vector<16xf32>
        %add3A_890 = arith.addf %scan3A_767, %mul3A_889 : vector<16xf32>
        %mul3A_891 = arith.mulf %get3A_800, %get3A_810 : vector<16xf32>
        %add3A_892 = arith.addf %scan3A_768, %mul3A_891 : vector<16xf32>
        %mul3A_893 = arith.mulf %get3A_800, %get3A_815 : vector<16xf32>
        %add3A_894 = arith.addf %scan3A_769, %mul3A_893 : vector<16xf32>
        %mul3A_895 = arith.mulf %get3A_800, %get3A_820 : vector<16xf32>
        %add3A_896 = arith.addf %scan3A_770, %mul3A_895 : vector<16xf32>
        %mul3A_897 = arith.mulf %get3A_800, %get3A_825 : vector<16xf32>
        %add3A_898 = arith.addf %scan3A_771, %mul3A_897 : vector<16xf32>
        %mul3A_899 = arith.mulf %get3A_800, %get3A_830 : vector<16xf32>
        %add3A_900 = arith.addf %scan3A_772, %mul3A_899 : vector<16xf32>
        %mul3A_901 = arith.mulf %get3A_800, %get3A_835 : vector<16xf32>
        %add3A_902 = arith.addf %scan3A_773, %mul3A_901 : vector<16xf32>
        %mul3A_903 = arith.mulf %get3A_800, %get3A_840 : vector<16xf32>
        %add3A_904 = arith.addf %scan3A_774, %mul3A_903 : vector<16xf32>
        scf.yield %add3A_842, %add3A_844, %add3A_846, %add3A_848, %add3A_850, %add3A_852, %add3A_854, %add3A_856, %add3A_858, %add3A_860, %add3A_862, %add3A_864, %add3A_866, %add3A_868, %add3A_870, %add3A_872, %add3A_874, %add3A_876, %add3A_878, %add3A_880, %add3A_882, %add3A_884, %add3A_886, %add3A_888, %add3A_890, %add3A_892, %add3A_894, %add3A_896, %add3A_898, %add3A_900, %add3A_902, %add3A_904 : vector<16xf32>, vector<16xf32>, vector<16xf32>, vector<16xf32>, vector<16xf32>, vector<16xf32>, vector<16xf32>, vector<16xf32>, vector<16xf32>, vector<16xf32>, vector<16xf32>, vector<16xf32>, vector<16xf32>, vector<16xf32>, vector<16xf32>, vector<16xf32>, vector<16xf32>, vector<16xf32>, vector<16xf32>, vector<16xf32>, vector<16xf32>, vector<16xf32>, vector<16xf32>, vector<16xf32>, vector<16xf32>, vector<16xf32>, vector<16xf32>, vector<16xf32>, vector<16xf32>, vector<16xf32>, vector<16xf32>, vector<16xf32>
      }
      %scan3A_185 = arith.constant 48 : i32
      %xor3A = arith.constant 1 : i32
      %xor3A_186 = vector.broadcast %xor3A : i32 to vector<16xi32>
      %xor3A_187 = arith.xori %iota3A, %xor3A_186 : vector<16xi32>
      %broadcast_in_dim3A_188 = vector.shape_cast %xor3A_187 : vector<16xi32> to vector<16x1xi32>
      %gather3A = vector.shape_cast %broadcast_in_dim3A_188 : vector<16x1xi32> to vector<16xi32>
      %gather3A_189 = tpu.dynamic_gather %scan3A_184#0[%gather3A] in [0] : vector<16xf32>, vector<16xi32> -> vector<16xf32>
      %xor3A_190 = arith.constant 1 : i32
      %xor3A_191 = vector.broadcast %xor3A_190 : i32 to vector<16xi32>
      %xor3A_192 = arith.xori %iota3A, %xor3A_191 : vector<16xi32>
      %broadcast_in_dim3A_193 = vector.shape_cast %xor3A_192 : vector<16xi32> to vector<16x1xi32>
      %gather3A_194 = vector.shape_cast %broadcast_in_dim3A_193 : vector<16x1xi32> to vector<16xi32>
      %gather3A_195 = tpu.dynamic_gather %scan3A_184#1[%gather3A_194] in [0] : vector<16xf32>, vector<16xi32> -> vector<16xf32>
      %select_n3A = arith.select %eq3A_10, %scan3A_184#0, %gather3A_195 : vector<16xi1>, vector<16xf32>
      %select_n3A_196 = arith.select %eq3A_10, %gather3A_189, %scan3A_184#1 : vector<16xi1>, vector<16xf32>
      %add3A_197 = arith.addf %select_n3A, %select_n3A_196 : vector<16xf32>
      %xor3A_198 = arith.constant 1 : i32
      %xor3A_199 = vector.broadcast %xor3A_198 : i32 to vector<16xi32>
      %xor3A_200 = arith.xori %iota3A, %xor3A_199 : vector<16xi32>
      %broadcast_in_dim3A_201 = vector.shape_cast %xor3A_200 : vector<16xi32> to vector<16x1xi32>
      %gather3A_202 = vector.shape_cast %broadcast_in_dim3A_201 : vector<16x1xi32> to vector<16xi32>
      %gather3A_203 = tpu.dynamic_gather %scan3A_184#2[%gather3A_202] in [0] : vector<16xf32>, vector<16xi32> -> vector<16xf32>
      %xor3A_204 = arith.constant 1 : i32
      %xor3A_205 = vector.broadcast %xor3A_204 : i32 to vector<16xi32>
      %xor3A_206 = arith.xori %iota3A, %xor3A_205 : vector<16xi32>
      %broadcast_in_dim3A_207 = vector.shape_cast %xor3A_206 : vector<16xi32> to vector<16x1xi32>
      %gather3A_208 = vector.shape_cast %broadcast_in_dim3A_207 : vector<16x1xi32> to vector<16xi32>
      %gather3A_209 = tpu.dynamic_gather %scan3A_184#3[%gather3A_208] in [0] : vector<16xf32>, vector<16xi32> -> vector<16xf32>
      %select_n3A_210 = arith.select %eq3A_10, %scan3A_184#2, %gather3A_209 : vector<16xi1>, vector<16xf32>
      %select_n3A_211 = arith.select %eq3A_10, %gather3A_203, %scan3A_184#3 : vector<16xi1>, vector<16xf32>
      %add3A_212 = arith.addf %select_n3A_210, %select_n3A_211 : vector<16xf32>
      %xor3A_213 = arith.constant 1 : i32
      %xor3A_214 = vector.broadcast %xor3A_213 : i32 to vector<16xi32>
      %xor3A_215 = arith.xori %iota3A, %xor3A_214 : vector<16xi32>
      %broadcast_in_dim3A_216 = vector.shape_cast %xor3A_215 : vector<16xi32> to vector<16x1xi32>
      %gather3A_217 = vector.shape_cast %broadcast_in_dim3A_216 : vector<16x1xi32> to vector<16xi32>
      %gather3A_218 = tpu.dynamic_gather %scan3A_184#4[%gather3A_217] in [0] : vector<16xf32>, vector<16xi32> -> vector<16xf32>
      %xor3A_219 = arith.constant 1 : i32
      %xor3A_220 = vector.broadcast %xor3A_219 : i32 to vector<16xi32>
      %xor3A_221 = arith.xori %iota3A, %xor3A_220 : vector<16xi32>
      %broadcast_in_dim3A_222 = vector.shape_cast %xor3A_221 : vector<16xi32> to vector<16x1xi32>
      %gather3A_223 = vector.shape_cast %broadcast_in_dim3A_222 : vector<16x1xi32> to vector<16xi32>
      %gather3A_224 = tpu.dynamic_gather %scan3A_184#5[%gather3A_223] in [0] : vector<16xf32>, vector<16xi32> -> vector<16xf32>
      %select_n3A_225 = arith.select %eq3A_10, %scan3A_184#4, %gather3A_224 : vector<16xi1>, vector<16xf32>
      %select_n3A_226 = arith.select %eq3A_10, %gather3A_218, %scan3A_184#5 : vector<16xi1>, vector<16xf32>
      %add3A_227 = arith.addf %select_n3A_225, %select_n3A_226 : vector<16xf32>
      %xor3A_228 = arith.constant 1 : i32
      %xor3A_229 = vector.broadcast %xor3A_228 : i32 to vector<16xi32>
      %xor3A_230 = arith.xori %iota3A, %xor3A_229 : vector<16xi32>
      %broadcast_in_dim3A_231 = vector.shape_cast %xor3A_230 : vector<16xi32> to vector<16x1xi32>
      %gather3A_232 = vector.shape_cast %broadcast_in_dim3A_231 : vector<16x1xi32> to vector<16xi32>
      %gather3A_233 = tpu.dynamic_gather %scan3A_184#6[%gather3A_232] in [0] : vector<16xf32>, vector<16xi32> -> vector<16xf32>
      %xor3A_234 = arith.constant 1 : i32
      %xor3A_235 = vector.broadcast %xor3A_234 : i32 to vector<16xi32>
      %xor3A_236 = arith.xori %iota3A, %xor3A_235 : vector<16xi32>
      %broadcast_in_dim3A_237 = vector.shape_cast %xor3A_236 : vector<16xi32> to vector<16x1xi32>
      %gather3A_238 = vector.shape_cast %broadcast_in_dim3A_237 : vector<16x1xi32> to vector<16xi32>
      %gather3A_239 = tpu.dynamic_gather %scan3A_184#7[%gather3A_238] in [0] : vector<16xf32>, vector<16xi32> -> vector<16xf32>
      %select_n3A_240 = arith.select %eq3A_10, %scan3A_184#6, %gather3A_239 : vector<16xi1>, vector<16xf32>
      %select_n3A_241 = arith.select %eq3A_10, %gather3A_233, %scan3A_184#7 : vector<16xi1>, vector<16xf32>
      %add3A_242 = arith.addf %select_n3A_240, %select_n3A_241 : vector<16xf32>
      %xor3A_243 = arith.constant 1 : i32
      %xor3A_244 = vector.broadcast %xor3A_243 : i32 to vector<16xi32>
      %xor3A_245 = arith.xori %iota3A, %xor3A_244 : vector<16xi32>
      %broadcast_in_dim3A_246 = vector.shape_cast %xor3A_245 : vector<16xi32> to vector<16x1xi32>
      %gather3A_247 = vector.shape_cast %broadcast_in_dim3A_246 : vector<16x1xi32> to vector<16xi32>
      %gather3A_248 = tpu.dynamic_gather %scan3A_184#8[%gather3A_247] in [0] : vector<16xf32>, vector<16xi32> -> vector<16xf32>
      %xor3A_249 = arith.constant 1 : i32
      %xor3A_250 = vector.broadcast %xor3A_249 : i32 to vector<16xi32>
      %xor3A_251 = arith.xori %iota3A, %xor3A_250 : vector<16xi32>
      %broadcast_in_dim3A_252 = vector.shape_cast %xor3A_251 : vector<16xi32> to vector<16x1xi32>
      %gather3A_253 = vector.shape_cast %broadcast_in_dim3A_252 : vector<16x1xi32> to vector<16xi32>
      %gather3A_254 = tpu.dynamic_gather %scan3A_184#9[%gather3A_253] in [0] : vector<16xf32>, vector<16xi32> -> vector<16xf32>
      %select_n3A_255 = arith.select %eq3A_10, %scan3A_184#8, %gather3A_254 : vector<16xi1>, vector<16xf32>
      %select_n3A_256 = arith.select %eq3A_10, %gather3A_248, %scan3A_184#9 : vector<16xi1>, vector<16xf32>
      %add3A_257 = arith.addf %select_n3A_255, %select_n3A_256 : vector<16xf32>
      %xor3A_258 = arith.constant 1 : i32
      %xor3A_259 = vector.broadcast %xor3A_258 : i32 to vector<16xi32>
      %xor3A_260 = arith.xori %iota3A, %xor3A_259 : vector<16xi32>
      %broadcast_in_dim3A_261 = vector.shape_cast %xor3A_260 : vector<16xi32> to vector<16x1xi32>
      %gather3A_262 = vector.shape_cast %broadcast_in_dim3A_261 : vector<16x1xi32> to vector<16xi32>
      %gather3A_263 = tpu.dynamic_gather %scan3A_184#10[%gather3A_262] in [0] : vector<16xf32>, vector<16xi32> -> vector<16xf32>
      %xor3A_264 = arith.constant 1 : i32
      %xor3A_265 = vector.broadcast %xor3A_264 : i32 to vector<16xi32>
      %xor3A_266 = arith.xori %iota3A, %xor3A_265 : vector<16xi32>
      %broadcast_in_dim3A_267 = vector.shape_cast %xor3A_266 : vector<16xi32> to vector<16x1xi32>
      %gather3A_268 = vector.shape_cast %broadcast_in_dim3A_267 : vector<16x1xi32> to vector<16xi32>
      %gather3A_269 = tpu.dynamic_gather %scan3A_184#11[%gather3A_268] in [0] : vector<16xf32>, vector<16xi32> -> vector<16xf32>
      %select_n3A_270 = arith.select %eq3A_10, %scan3A_184#10, %gather3A_269 : vector<16xi1>, vector<16xf32>
      %select_n3A_271 = arith.select %eq3A_10, %gather3A_263, %scan3A_184#11 : vector<16xi1>, vector<16xf32>
      %add3A_272 = arith.addf %select_n3A_270, %select_n3A_271 : vector<16xf32>
      %xor3A_273 = arith.constant 1 : i32
      %xor3A_274 = vector.broadcast %xor3A_273 : i32 to vector<16xi32>
      %xor3A_275 = arith.xori %iota3A, %xor3A_274 : vector<16xi32>
      %broadcast_in_dim3A_276 = vector.shape_cast %xor3A_275 : vector<16xi32> to vector<16x1xi32>
      %gather3A_277 = vector.shape_cast %broadcast_in_dim3A_276 : vector<16x1xi32> to vector<16xi32>
      %gather3A_278 = tpu.dynamic_gather %scan3A_184#12[%gather3A_277] in [0] : vector<16xf32>, vector<16xi32> -> vector<16xf32>
      %xor3A_279 = arith.constant 1 : i32
      %xor3A_280 = vector.broadcast %xor3A_279 : i32 to vector<16xi32>
      %xor3A_281 = arith.xori %iota3A, %xor3A_280 : vector<16xi32>
      %broadcast_in_dim3A_282 = vector.shape_cast %xor3A_281 : vector<16xi32> to vector<16x1xi32>
      %gather3A_283 = vector.shape_cast %broadcast_in_dim3A_282 : vector<16x1xi32> to vector<16xi32>
      %gather3A_284 = tpu.dynamic_gather %scan3A_184#13[%gather3A_283] in [0] : vector<16xf32>, vector<16xi32> -> vector<16xf32>
      %select_n3A_285 = arith.select %eq3A_10, %scan3A_184#12, %gather3A_284 : vector<16xi1>, vector<16xf32>
      %select_n3A_286 = arith.select %eq3A_10, %gather3A_278, %scan3A_184#13 : vector<16xi1>, vector<16xf32>
      %add3A_287 = arith.addf %select_n3A_285, %select_n3A_286 : vector<16xf32>
      %xor3A_288 = arith.constant 1 : i32
      %xor3A_289 = vector.broadcast %xor3A_288 : i32 to vector<16xi32>
      %xor3A_290 = arith.xori %iota3A, %xor3A_289 : vector<16xi32>
      %broadcast_in_dim3A_291 = vector.shape_cast %xor3A_290 : vector<16xi32> to vector<16x1xi32>
      %gather3A_292 = vector.shape_cast %broadcast_in_dim3A_291 : vector<16x1xi32> to vector<16xi32>
      %gather3A_293 = tpu.dynamic_gather %scan3A_184#14[%gather3A_292] in [0] : vector<16xf32>, vector<16xi32> -> vector<16xf32>
      %xor3A_294 = arith.constant 1 : i32
      %xor3A_295 = vector.broadcast %xor3A_294 : i32 to vector<16xi32>
      %xor3A_296 = arith.xori %iota3A, %xor3A_295 : vector<16xi32>
      %broadcast_in_dim3A_297 = vector.shape_cast %xor3A_296 : vector<16xi32> to vector<16x1xi32>
      %gather3A_298 = vector.shape_cast %broadcast_in_dim3A_297 : vector<16x1xi32> to vector<16xi32>
      %gather3A_299 = tpu.dynamic_gather %scan3A_184#15[%gather3A_298] in [0] : vector<16xf32>, vector<16xi32> -> vector<16xf32>
      %select_n3A_300 = arith.select %eq3A_10, %scan3A_184#14, %gather3A_299 : vector<16xi1>, vector<16xf32>
      %select_n3A_301 = arith.select %eq3A_10, %gather3A_293, %scan3A_184#15 : vector<16xi1>, vector<16xf32>
      %add3A_302 = arith.addf %select_n3A_300, %select_n3A_301 : vector<16xf32>
      %xor3A_303 = arith.constant 2 : i32
      %xor3A_304 = vector.broadcast %xor3A_303 : i32 to vector<16xi32>
      %xor3A_305 = arith.xori %iota3A, %xor3A_304 : vector<16xi32>
      %broadcast_in_dim3A_306 = vector.shape_cast %xor3A_305 : vector<16xi32> to vector<16x1xi32>
      %gather3A_307 = vector.shape_cast %broadcast_in_dim3A_306 : vector<16x1xi32> to vector<16xi32>
      %gather3A_308 = tpu.dynamic_gather %add3A_197[%gather3A_307] in [0] : vector<16xf32>, vector<16xi32> -> vector<16xf32>
      %xor3A_309 = arith.constant 2 : i32
      %xor3A_310 = vector.broadcast %xor3A_309 : i32 to vector<16xi32>
      %xor3A_311 = arith.xori %iota3A, %xor3A_310 : vector<16xi32>
      %broadcast_in_dim3A_312 = vector.shape_cast %xor3A_311 : vector<16xi32> to vector<16x1xi32>
      %gather3A_313 = vector.shape_cast %broadcast_in_dim3A_312 : vector<16x1xi32> to vector<16xi32>
      %gather3A_314 = tpu.dynamic_gather %add3A_212[%gather3A_313] in [0] : vector<16xf32>, vector<16xi32> -> vector<16xf32>
      %select_n3A_315 = arith.select %eq3A_16, %add3A_197, %gather3A_314 : vector<16xi1>, vector<16xf32>
      %select_n3A_316 = arith.select %eq3A_16, %gather3A_308, %add3A_212 : vector<16xi1>, vector<16xf32>
      %add3A_317 = arith.addf %select_n3A_315, %select_n3A_316 : vector<16xf32>
      %xor3A_318 = arith.constant 2 : i32
      %xor3A_319 = vector.broadcast %xor3A_318 : i32 to vector<16xi32>
      %xor3A_320 = arith.xori %iota3A, %xor3A_319 : vector<16xi32>
      %broadcast_in_dim3A_321 = vector.shape_cast %xor3A_320 : vector<16xi32> to vector<16x1xi32>
      %gather3A_322 = vector.shape_cast %broadcast_in_dim3A_321 : vector<16x1xi32> to vector<16xi32>
      %gather3A_323 = tpu.dynamic_gather %add3A_227[%gather3A_322] in [0] : vector<16xf32>, vector<16xi32> -> vector<16xf32>
      %xor3A_324 = arith.constant 2 : i32
      %xor3A_325 = vector.broadcast %xor3A_324 : i32 to vector<16xi32>
      %xor3A_326 = arith.xori %iota3A, %xor3A_325 : vector<16xi32>
      %broadcast_in_dim3A_327 = vector.shape_cast %xor3A_326 : vector<16xi32> to vector<16x1xi32>
      %gather3A_328 = vector.shape_cast %broadcast_in_dim3A_327 : vector<16x1xi32> to vector<16xi32>
      %gather3A_329 = tpu.dynamic_gather %add3A_242[%gather3A_328] in [0] : vector<16xf32>, vector<16xi32> -> vector<16xf32>
      %select_n3A_330 = arith.select %eq3A_16, %add3A_227, %gather3A_329 : vector<16xi1>, vector<16xf32>
      %select_n3A_331 = arith.select %eq3A_16, %gather3A_323, %add3A_242 : vector<16xi1>, vector<16xf32>
      %add3A_332 = arith.addf %select_n3A_330, %select_n3A_331 : vector<16xf32>
      %xor3A_333 = arith.constant 2 : i32
      %xor3A_334 = vector.broadcast %xor3A_333 : i32 to vector<16xi32>
      %xor3A_335 = arith.xori %iota3A, %xor3A_334 : vector<16xi32>
      %broadcast_in_dim3A_336 = vector.shape_cast %xor3A_335 : vector<16xi32> to vector<16x1xi32>
      %gather3A_337 = vector.shape_cast %broadcast_in_dim3A_336 : vector<16x1xi32> to vector<16xi32>
      %gather3A_338 = tpu.dynamic_gather %add3A_257[%gather3A_337] in [0] : vector<16xf32>, vector<16xi32> -> vector<16xf32>
      %xor3A_339 = arith.constant 2 : i32
      %xor3A_340 = vector.broadcast %xor3A_339 : i32 to vector<16xi32>
      %xor3A_341 = arith.xori %iota3A, %xor3A_340 : vector<16xi32>
      %broadcast_in_dim3A_342 = vector.shape_cast %xor3A_341 : vector<16xi32> to vector<16x1xi32>
      %gather3A_343 = vector.shape_cast %broadcast_in_dim3A_342 : vector<16x1xi32> to vector<16xi32>
      %gather3A_344 = tpu.dynamic_gather %add3A_272[%gather3A_343] in [0] : vector<16xf32>, vector<16xi32> -> vector<16xf32>
      %select_n3A_345 = arith.select %eq3A_16, %add3A_257, %gather3A_344 : vector<16xi1>, vector<16xf32>
      %select_n3A_346 = arith.select %eq3A_16, %gather3A_338, %add3A_272 : vector<16xi1>, vector<16xf32>
      %add3A_347 = arith.addf %select_n3A_345, %select_n3A_346 : vector<16xf32>
      %xor3A_348 = arith.constant 2 : i32
      %xor3A_349 = vector.broadcast %xor3A_348 : i32 to vector<16xi32>
      %xor3A_350 = arith.xori %iota3A, %xor3A_349 : vector<16xi32>
      %broadcast_in_dim3A_351 = vector.shape_cast %xor3A_350 : vector<16xi32> to vector<16x1xi32>
      %gather3A_352 = vector.shape_cast %broadcast_in_dim3A_351 : vector<16x1xi32> to vector<16xi32>
      %gather3A_353 = tpu.dynamic_gather %add3A_287[%gather3A_352] in [0] : vector<16xf32>, vector<16xi32> -> vector<16xf32>
      %xor3A_354 = arith.constant 2 : i32
      %xor3A_355 = vector.broadcast %xor3A_354 : i32 to vector<16xi32>
      %xor3A_356 = arith.xori %iota3A, %xor3A_355 : vector<16xi32>
      %broadcast_in_dim3A_357 = vector.shape_cast %xor3A_356 : vector<16xi32> to vector<16x1xi32>
      %gather3A_358 = vector.shape_cast %broadcast_in_dim3A_357 : vector<16x1xi32> to vector<16xi32>
      %gather3A_359 = tpu.dynamic_gather %add3A_302[%gather3A_358] in [0] : vector<16xf32>, vector<16xi32> -> vector<16xf32>
      %select_n3A_360 = arith.select %eq3A_16, %add3A_287, %gather3A_359 : vector<16xi1>, vector<16xf32>
      %select_n3A_361 = arith.select %eq3A_16, %gather3A_353, %add3A_302 : vector<16xi1>, vector<16xf32>
      %add3A_362 = arith.addf %select_n3A_360, %select_n3A_361 : vector<16xf32>
      %xor3A_363 = arith.constant 4 : i32
      %xor3A_364 = vector.broadcast %xor3A_363 : i32 to vector<16xi32>
      %xor3A_365 = arith.xori %iota3A, %xor3A_364 : vector<16xi32>
      %broadcast_in_dim3A_366 = vector.shape_cast %xor3A_365 : vector<16xi32> to vector<16x1xi32>
      %gather3A_367 = vector.shape_cast %broadcast_in_dim3A_366 : vector<16x1xi32> to vector<16xi32>
      %gather3A_368 = tpu.dynamic_gather %add3A_317[%gather3A_367] in [0] : vector<16xf32>, vector<16xi32> -> vector<16xf32>
      %xor3A_369 = arith.constant 4 : i32
      %xor3A_370 = vector.broadcast %xor3A_369 : i32 to vector<16xi32>
      %xor3A_371 = arith.xori %iota3A, %xor3A_370 : vector<16xi32>
      %broadcast_in_dim3A_372 = vector.shape_cast %xor3A_371 : vector<16xi32> to vector<16x1xi32>
      %gather3A_373 = vector.shape_cast %broadcast_in_dim3A_372 : vector<16x1xi32> to vector<16xi32>
      %gather3A_374 = tpu.dynamic_gather %add3A_332[%gather3A_373] in [0] : vector<16xf32>, vector<16xi32> -> vector<16xf32>
      %select_n3A_375 = arith.select %eq3A_22, %add3A_317, %gather3A_374 : vector<16xi1>, vector<16xf32>
      %select_n3A_376 = arith.select %eq3A_22, %gather3A_368, %add3A_332 : vector<16xi1>, vector<16xf32>
      %add3A_377 = arith.addf %select_n3A_375, %select_n3A_376 : vector<16xf32>
      %xor3A_378 = arith.constant 4 : i32
      %xor3A_379 = vector.broadcast %xor3A_378 : i32 to vector<16xi32>
      %xor3A_380 = arith.xori %iota3A, %xor3A_379 : vector<16xi32>
      %broadcast_in_dim3A_381 = vector.shape_cast %xor3A_380 : vector<16xi32> to vector<16x1xi32>
      %gather3A_382 = vector.shape_cast %broadcast_in_dim3A_381 : vector<16x1xi32> to vector<16xi32>
      %gather3A_383 = tpu.dynamic_gather %add3A_347[%gather3A_382] in [0] : vector<16xf32>, vector<16xi32> -> vector<16xf32>
      %xor3A_384 = arith.constant 4 : i32
      %xor3A_385 = vector.broadcast %xor3A_384 : i32 to vector<16xi32>
      %xor3A_386 = arith.xori %iota3A, %xor3A_385 : vector<16xi32>
      %broadcast_in_dim3A_387 = vector.shape_cast %xor3A_386 : vector<16xi32> to vector<16x1xi32>
      %gather3A_388 = vector.shape_cast %broadcast_in_dim3A_387 : vector<16x1xi32> to vector<16xi32>
      %gather3A_389 = tpu.dynamic_gather %add3A_362[%gather3A_388] in [0] : vector<16xf32>, vector<16xi32> -> vector<16xf32>
      %select_n3A_390 = arith.select %eq3A_22, %add3A_347, %gather3A_389 : vector<16xi1>, vector<16xf32>
      %select_n3A_391 = arith.select %eq3A_22, %gather3A_383, %add3A_362 : vector<16xi1>, vector<16xf32>
      %add3A_392 = arith.addf %select_n3A_390, %select_n3A_391 : vector<16xf32>
      %xor3A_393 = arith.constant 8 : i32
      %xor3A_394 = vector.broadcast %xor3A_393 : i32 to vector<16xi32>
      %xor3A_395 = arith.xori %iota3A, %xor3A_394 : vector<16xi32>
      %broadcast_in_dim3A_396 = vector.shape_cast %xor3A_395 : vector<16xi32> to vector<16x1xi32>
      %gather3A_397 = vector.shape_cast %broadcast_in_dim3A_396 : vector<16x1xi32> to vector<16xi32>
      %gather3A_398 = tpu.dynamic_gather %add3A_377[%gather3A_397] in [0] : vector<16xf32>, vector<16xi32> -> vector<16xf32>
      %xor3A_399 = arith.constant 8 : i32
      %xor3A_400 = vector.broadcast %xor3A_399 : i32 to vector<16xi32>
      %xor3A_401 = arith.xori %iota3A, %xor3A_400 : vector<16xi32>
      %broadcast_in_dim3A_402 = vector.shape_cast %xor3A_401 : vector<16xi32> to vector<16x1xi32>
      %gather3A_403 = vector.shape_cast %broadcast_in_dim3A_402 : vector<16x1xi32> to vector<16xi32>
      %gather3A_404 = tpu.dynamic_gather %add3A_392[%gather3A_403] in [0] : vector<16xf32>, vector<16xi32> -> vector<16xf32>
      %select_n3A_405 = arith.select %eq3A_28, %add3A_377, %gather3A_404 : vector<16xi1>, vector<16xf32>
      %select_n3A_406 = arith.select %eq3A_28, %gather3A_398, %add3A_392 : vector<16xi1>, vector<16xf32>
      %add3A_407 = arith.addf %select_n3A_405, %select_n3A_406 : vector<16xf32>
      %add3A_408 = arith.addf %add3A_407, %get3A_6 : vector<16xf32>
      %xor3A_409 = arith.constant 4 : i32
      %xor3A_410 = vector.broadcast %xor3A_409 : i32 to vector<16xi32>
      %xor3A_411 = arith.xori %iota3A, %xor3A_410 : vector<16xi32>
      %broadcast_in_dim3A_412 = vector.shape_cast %xor3A_411 : vector<16xi32> to vector<16x1xi32>
      %gather3A_413 = vector.shape_cast %broadcast_in_dim3A_412 : vector<16x1xi32> to vector<16xi32>
      %gather3A_414 = tpu.dynamic_gather %add3A_408[%gather3A_413] in [0] : vector<16xf32>, vector<16xi32> -> vector<16xf32>
      %max3A = arith.maximumf %add3A_408, %gather3A_414 : vector<16xf32>
      %xor3A_415 = arith.constant 2 : i32
      %xor3A_416 = vector.broadcast %xor3A_415 : i32 to vector<16xi32>
      %xor3A_417 = arith.xori %iota3A, %xor3A_416 : vector<16xi32>
      %broadcast_in_dim3A_418 = vector.shape_cast %xor3A_417 : vector<16xi32> to vector<16x1xi32>
      %gather3A_419 = vector.shape_cast %broadcast_in_dim3A_418 : vector<16x1xi32> to vector<16xi32>
      %gather3A_420 = tpu.dynamic_gather %max3A[%gather3A_419] in [0] : vector<16xf32>, vector<16xi32> -> vector<16xf32>
      %max3A_421 = arith.maximumf %max3A, %gather3A_420 : vector<16xf32>
      %xor3A_422 = arith.constant 1 : i32
      %xor3A_423 = vector.broadcast %xor3A_422 : i32 to vector<16xi32>
      %xor3A_424 = arith.xori %iota3A, %xor3A_423 : vector<16xi32>
      %broadcast_in_dim3A_425 = vector.shape_cast %xor3A_424 : vector<16xi32> to vector<16x1xi32>
      %gather3A_426 = vector.shape_cast %broadcast_in_dim3A_425 : vector<16x1xi32> to vector<16xi32>
      %gather3A_427 = tpu.dynamic_gather %max3A_421[%gather3A_426] in [0] : vector<16xf32>, vector<16xi32> -> vector<16xf32>
      %max3A_428 = arith.maximumf %max3A_421, %gather3A_427 : vector<16xf32>
      %sub3A_429 = arith.subf %add3A_408, %max3A_428 : vector<16xf32>
      %exp3A = math.exp %sub3A_429 : vector<16xf32>
      %xor3A_430 = arith.constant 4 : i32
      %xor3A_431 = vector.broadcast %xor3A_430 : i32 to vector<16xi32>
      %xor3A_432 = arith.xori %iota3A, %xor3A_431 : vector<16xi32>
      %broadcast_in_dim3A_433 = vector.shape_cast %xor3A_432 : vector<16xi32> to vector<16x1xi32>
      %gather3A_434 = vector.shape_cast %broadcast_in_dim3A_433 : vector<16x1xi32> to vector<16xi32>
      %gather3A_435 = tpu.dynamic_gather %exp3A[%gather3A_434] in [0] : vector<16xf32>, vector<16xi32> -> vector<16xf32>
      %add3A_436 = arith.addf %exp3A, %gather3A_435 : vector<16xf32>
      %xor3A_437 = arith.constant 2 : i32
      %xor3A_438 = vector.broadcast %xor3A_437 : i32 to vector<16xi32>
      %xor3A_439 = arith.xori %iota3A, %xor3A_438 : vector<16xi32>
      %broadcast_in_dim3A_440 = vector.shape_cast %xor3A_439 : vector<16xi32> to vector<16x1xi32>
      %gather3A_441 = vector.shape_cast %broadcast_in_dim3A_440 : vector<16x1xi32> to vector<16xi32>
      %gather3A_442 = tpu.dynamic_gather %add3A_436[%gather3A_441] in [0] : vector<16xf32>, vector<16xi32> -> vector<16xf32>
      %add3A_443 = arith.addf %add3A_436, %gather3A_442 : vector<16xf32>
      %xor3A_444 = arith.constant 1 : i32
      %xor3A_445 = vector.broadcast %xor3A_444 : i32 to vector<16xi32>
      %xor3A_446 = arith.xori %iota3A, %xor3A_445 : vector<16xi32>
      %broadcast_in_dim3A_447 = vector.shape_cast %xor3A_446 : vector<16xi32> to vector<16x1xi32>
      %gather3A_448 = vector.shape_cast %broadcast_in_dim3A_447 : vector<16x1xi32> to vector<16xi32>
      %gather3A_449 = tpu.dynamic_gather %add3A_443[%gather3A_448] in [0] : vector<16xf32>, vector<16xi32> -> vector<16xf32>
      %add3A_450 = arith.addf %add3A_443, %gather3A_449 : vector<16xf32>
      %div3A = arith.divf %exp3A, %add3A_450 : vector<16xf32>
      %add3A_451 = arith.constant 128 : i32
      %add3A_452 = arith.addi %add3A_451, %mul3A_116 : i32
      %add3A_453 = arith.constant 0 : i32
      %add3A_454 = arith.addi %add3A_452, %add3A_453 : i32
      %mul3A_455 = arith.constant 8 : i32
      %mul3A_456 = arith.muli %add3A_454, %mul3A_455 : i32
      %swap3A = arith.index_cast %mul3A_456 : i32 to index
      %swap3A_457 = tpu.vector_load %arg10[%swap3A] {strides = array<i32>} : memref<2048xf32, #tpu.memory_space<vmem>>, vector<16xf32>,
      %swap3A_458 = vector.shape_cast %swap3A_457 : vector<16xf32> to vector<16xf32>
      %swap3A_459 = vector.shape_cast %div3A : vector<16xf32> to vector<16xf32>
      tpu.vector_store %arg10[%swap3A], %swap3A_459 {strides = array<i32>} : memref<2048xf32, #tpu.memory_space<vmem>>, vector<16xf32>,
      %xor3A_460 = arith.constant 1 : i32
      %xor3A_461 = vector.broadcast %xor3A_460 : i32 to vector<16xi32>
      %xor3A_462 = arith.xori %iota3A, %xor3A_461 : vector<16xi32>
      %broadcast_in_dim3A_463 = vector.shape_cast %xor3A_462 : vector<16xi32> to vector<16x1xi32>
      %gather3A_464 = vector.shape_cast %broadcast_in_dim3A_463 : vector<16x1xi32> to vector<16xi32>
      %gather3A_465 = tpu.dynamic_gather %scan3A_184#16[%gather3A_464] in [0] : vector<16xf32>, vector<16xi32> -> vector<16xf32>
      %xor3A_466 = arith.constant 1 : i32
      %xor3A_467 = vector.broadcast %xor3A_466 : i32 to vector<16xi32>
      %xor3A_468 = arith.xori %iota3A, %xor3A_467 : vector<16xi32>
      %broadcast_in_dim3A_469 = vector.shape_cast %xor3A_468 : vector<16xi32> to vector<16x1xi32>
      %gather3A_470 = vector.shape_cast %broadcast_in_dim3A_469 : vector<16x1xi32> to vector<16xi32>
      %gather3A_471 = tpu.dynamic_gather %scan3A_184#17[%gather3A_470] in [0] : vector<16xf32>, vector<16xi32> -> vector<16xf32>
      %select_n3A_472 = arith.select %eq3A_10, %scan3A_184#16, %gather3A_471 : vector<16xi1>, vector<16xf32>
      %select_n3A_473 = arith.select %eq3A_10, %gather3A_465, %scan3A_184#17 : vector<16xi1>, vector<16xf32>
      %add3A_474 = arith.addf %select_n3A_472, %select_n3A_473 : vector<16xf32>
      %xor3A_475 = arith.constant 1 : i32
      %xor3A_476 = vector.broadcast %xor3A_475 : i32 to vector<16xi32>
      %xor3A_477 = arith.xori %iota3A, %xor3A_476 : vector<16xi32>
      %broadcast_in_dim3A_478 = vector.shape_cast %xor3A_477 : vector<16xi32> to vector<16x1xi32>
      %gather3A_479 = vector.shape_cast %broadcast_in_dim3A_478 : vector<16x1xi32> to vector<16xi32>
      %gather3A_480 = tpu.dynamic_gather %scan3A_184#18[%gather3A_479] in [0] : vector<16xf32>, vector<16xi32> -> vector<16xf32>
      %xor3A_481 = arith.constant 1 : i32
      %xor3A_482 = vector.broadcast %xor3A_481 : i32 to vector<16xi32>
      %xor3A_483 = arith.xori %iota3A, %xor3A_482 : vector<16xi32>
      %broadcast_in_dim3A_484 = vector.shape_cast %xor3A_483 : vector<16xi32> to vector<16x1xi32>
      %gather3A_485 = vector.shape_cast %broadcast_in_dim3A_484 : vector<16x1xi32> to vector<16xi32>
      %gather3A_486 = tpu.dynamic_gather %scan3A_184#19[%gather3A_485] in [0] : vector<16xf32>, vector<16xi32> -> vector<16xf32>
      %select_n3A_487 = arith.select %eq3A_10, %scan3A_184#18, %gather3A_486 : vector<16xi1>, vector<16xf32>
      %select_n3A_488 = arith.select %eq3A_10, %gather3A_480, %scan3A_184#19 : vector<16xi1>, vector<16xf32>
      %add3A_489 = arith.addf %select_n3A_487, %select_n3A_488 : vector<16xf32>
      %xor3A_490 = arith.constant 1 : i32
      %xor3A_491 = vector.broadcast %xor3A_490 : i32 to vector<16xi32>
      %xor3A_492 = arith.xori %iota3A, %xor3A_491 : vector<16xi32>
      %broadcast_in_dim3A_493 = vector.shape_cast %xor3A_492 : vector<16xi32> to vector<16x1xi32>
      %gather3A_494 = vector.shape_cast %broadcast_in_dim3A_493 : vector<16x1xi32> to vector<16xi32>
      %gather3A_495 = tpu.dynamic_gather %scan3A_184#20[%gather3A_494] in [0] : vector<16xf32>, vector<16xi32> -> vector<16xf32>
      %xor3A_496 = arith.constant 1 : i32
      %xor3A_497 = vector.broadcast %xor3A_496 : i32 to vector<16xi32>
      %xor3A_498 = arith.xori %iota3A, %xor3A_497 : vector<16xi32>
      %broadcast_in_dim3A_499 = vector.shape_cast %xor3A_498 : vector<16xi32> to vector<16x1xi32>
      %gather3A_500 = vector.shape_cast %broadcast_in_dim3A_499 : vector<16x1xi32> to vector<16xi32>
      %gather3A_501 = tpu.dynamic_gather %scan3A_184#21[%gather3A_500] in [0] : vector<16xf32>, vector<16xi32> -> vector<16xf32>
      %select_n3A_502 = arith.select %eq3A_10, %scan3A_184#20, %gather3A_501 : vector<16xi1>, vector<16xf32>
      %select_n3A_503 = arith.select %eq3A_10, %gather3A_495, %scan3A_184#21 : vector<16xi1>, vector<16xf32>
      %add3A_504 = arith.addf %select_n3A_502, %select_n3A_503 : vector<16xf32>
      %xor3A_505 = arith.constant 1 : i32
      %xor3A_506 = vector.broadcast %xor3A_505 : i32 to vector<16xi32>
      %xor3A_507 = arith.xori %iota3A, %xor3A_506 : vector<16xi32>
      %broadcast_in_dim3A_508 = vector.shape_cast %xor3A_507 : vector<16xi32> to vector<16x1xi32>
      %gather3A_509 = vector.shape_cast %broadcast_in_dim3A_508 : vector<16x1xi32> to vector<16xi32>
      %gather3A_510 = tpu.dynamic_gather %scan3A_184#22[%gather3A_509] in [0] : vector<16xf32>, vector<16xi32> -> vector<16xf32>
      %xor3A_511 = arith.constant 1 : i32
      %xor3A_512 = vector.broadcast %xor3A_511 : i32 to vector<16xi32>
      %xor3A_513 = arith.xori %iota3A, %xor3A_512 : vector<16xi32>
      %broadcast_in_dim3A_514 = vector.shape_cast %xor3A_513 : vector<16xi32> to vector<16x1xi32>
      %gather3A_515 = vector.shape_cast %broadcast_in_dim3A_514 : vector<16x1xi32> to vector<16xi32>
      %gather3A_516 = tpu.dynamic_gather %scan3A_184#23[%gather3A_515] in [0] : vector<16xf32>, vector<16xi32> -> vector<16xf32>
      %select_n3A_517 = arith.select %eq3A_10, %scan3A_184#22, %gather3A_516 : vector<16xi1>, vector<16xf32>
      %select_n3A_518 = arith.select %eq3A_10, %gather3A_510, %scan3A_184#23 : vector<16xi1>, vector<16xf32>
      %add3A_519 = arith.addf %select_n3A_517, %select_n3A_518 : vector<16xf32>
      %xor3A_520 = arith.constant 1 : i32
      %xor3A_521 = vector.broadcast %xor3A_520 : i32 to vector<16xi32>
      %xor3A_522 = arith.xori %iota3A, %xor3A_521 : vector<16xi32>
      %broadcast_in_dim3A_523 = vector.shape_cast %xor3A_522 : vector<16xi32> to vector<16x1xi32>
      %gather3A_524 = vector.shape_cast %broadcast_in_dim3A_523 : vector<16x1xi32> to vector<16xi32>
      %gather3A_525 = tpu.dynamic_gather %scan3A_184#24[%gather3A_524] in [0] : vector<16xf32>, vector<16xi32> -> vector<16xf32>
      %xor3A_526 = arith.constant 1 : i32
      %xor3A_527 = vector.broadcast %xor3A_526 : i32 to vector<16xi32>
      %xor3A_528 = arith.xori %iota3A, %xor3A_527 : vector<16xi32>
      %broadcast_in_dim3A_529 = vector.shape_cast %xor3A_528 : vector<16xi32> to vector<16x1xi32>
      %gather3A_530 = vector.shape_cast %broadcast_in_dim3A_529 : vector<16x1xi32> to vector<16xi32>
      %gather3A_531 = tpu.dynamic_gather %scan3A_184#25[%gather3A_530] in [0] : vector<16xf32>, vector<16xi32> -> vector<16xf32>
      %select_n3A_532 = arith.select %eq3A_10, %scan3A_184#24, %gather3A_531 : vector<16xi1>, vector<16xf32>
      %select_n3A_533 = arith.select %eq3A_10, %gather3A_525, %scan3A_184#25 : vector<16xi1>, vector<16xf32>
      %add3A_534 = arith.addf %select_n3A_532, %select_n3A_533 : vector<16xf32>
      %xor3A_535 = arith.constant 1 : i32
      %xor3A_536 = vector.broadcast %xor3A_535 : i32 to vector<16xi32>
      %xor3A_537 = arith.xori %iota3A, %xor3A_536 : vector<16xi32>
      %broadcast_in_dim3A_538 = vector.shape_cast %xor3A_537 : vector<16xi32> to vector<16x1xi32>
      %gather3A_539 = vector.shape_cast %broadcast_in_dim3A_538 : vector<16x1xi32> to vector<16xi32>
      %gather3A_540 = tpu.dynamic_gather %scan3A_184#26[%gather3A_539] in [0] : vector<16xf32>, vector<16xi32> -> vector<16xf32>
      %xor3A_541 = arith.constant 1 : i32
      %xor3A_542 = vector.broadcast %xor3A_541 : i32 to vector<16xi32>
      %xor3A_543 = arith.xori %iota3A, %xor3A_542 : vector<16xi32>
      %broadcast_in_dim3A_544 = vector.shape_cast %xor3A_543 : vector<16xi32> to vector<16x1xi32>
      %gather3A_545 = vector.shape_cast %broadcast_in_dim3A_544 : vector<16x1xi32> to vector<16xi32>
      %gather3A_546 = tpu.dynamic_gather %scan3A_184#27[%gather3A_545] in [0] : vector<16xf32>, vector<16xi32> -> vector<16xf32>
      %select_n3A_547 = arith.select %eq3A_10, %scan3A_184#26, %gather3A_546 : vector<16xi1>, vector<16xf32>
      %select_n3A_548 = arith.select %eq3A_10, %gather3A_540, %scan3A_184#27 : vector<16xi1>, vector<16xf32>
      %add3A_549 = arith.addf %select_n3A_547, %select_n3A_548 : vector<16xf32>
      %xor3A_550 = arith.constant 1 : i32
      %xor3A_551 = vector.broadcast %xor3A_550 : i32 to vector<16xi32>
      %xor3A_552 = arith.xori %iota3A, %xor3A_551 : vector<16xi32>
      %broadcast_in_dim3A_553 = vector.shape_cast %xor3A_552 : vector<16xi32> to vector<16x1xi32>
      %gather3A_554 = vector.shape_cast %broadcast_in_dim3A_553 : vector<16x1xi32> to vector<16xi32>
      %gather3A_555 = tpu.dynamic_gather %scan3A_184#28[%gather3A_554] in [0] : vector<16xf32>, vector<16xi32> -> vector<16xf32>
      %xor3A_556 = arith.constant 1 : i32
      %xor3A_557 = vector.broadcast %xor3A_556 : i32 to vector<16xi32>
      %xor3A_558 = arith.xori %iota3A, %xor3A_557 : vector<16xi32>
      %broadcast_in_dim3A_559 = vector.shape_cast %xor3A_558 : vector<16xi32> to vector<16x1xi32>
      %gather3A_560 = vector.shape_cast %broadcast_in_dim3A_559 : vector<16x1xi32> to vector<16xi32>
      %gather3A_561 = tpu.dynamic_gather %scan3A_184#29[%gather3A_560] in [0] : vector<16xf32>, vector<16xi32> -> vector<16xf32>
      %select_n3A_562 = arith.select %eq3A_10, %scan3A_184#28, %gather3A_561 : vector<16xi1>, vector<16xf32>
      %select_n3A_563 = arith.select %eq3A_10, %gather3A_555, %scan3A_184#29 : vector<16xi1>, vector<16xf32>
      %add3A_564 = arith.addf %select_n3A_562, %select_n3A_563 : vector<16xf32>
      %xor3A_565 = arith.constant 1 : i32
      %xor3A_566 = vector.broadcast %xor3A_565 : i32 to vector<16xi32>
      %xor3A_567 = arith.xori %iota3A, %xor3A_566 : vector<16xi32>
      %broadcast_in_dim3A_568 = vector.shape_cast %xor3A_567 : vector<16xi32> to vector<16x1xi32>
      %gather3A_569 = vector.shape_cast %broadcast_in_dim3A_568 : vector<16x1xi32> to vector<16xi32>
      %gather3A_570 = tpu.dynamic_gather %scan3A_184#30[%gather3A_569] in [0] : vector<16xf32>, vector<16xi32> -> vector<16xf32>
      %xor3A_571 = arith.constant 1 : i32
      %xor3A_572 = vector.broadcast %xor3A_571 : i32 to vector<16xi32>
      %xor3A_573 = arith.xori %iota3A, %xor3A_572 : vector<16xi32>
      %broadcast_in_dim3A_574 = vector.shape_cast %xor3A_573 : vector<16xi32> to vector<16x1xi32>
      %gather3A_575 = vector.shape_cast %broadcast_in_dim3A_574 : vector<16x1xi32> to vector<16xi32>
      %gather3A_576 = tpu.dynamic_gather %scan3A_184#31[%gather3A_575] in [0] : vector<16xf32>, vector<16xi32> -> vector<16xf32>
      %select_n3A_577 = arith.select %eq3A_10, %scan3A_184#30, %gather3A_576 : vector<16xi1>, vector<16xf32>
      %select_n3A_578 = arith.select %eq3A_10, %gather3A_570, %scan3A_184#31 : vector<16xi1>, vector<16xf32>
      %add3A_579 = arith.addf %select_n3A_577, %select_n3A_578 : vector<16xf32>
      %xor3A_580 = arith.constant 2 : i32
      %xor3A_581 = vector.broadcast %xor3A_580 : i32 to vector<16xi32>
      %xor3A_582 = arith.xori %iota3A, %xor3A_581 : vector<16xi32>
      %broadcast_in_dim3A_583 = vector.shape_cast %xor3A_582 : vector<16xi32> to vector<16x1xi32>
      %gather3A_584 = vector.shape_cast %broadcast_in_dim3A_583 : vector<16x1xi32> to vector<16xi32>
      %gather3A_585 = tpu.dynamic_gather %add3A_474[%gather3A_584] in [0] : vector<16xf32>, vector<16xi32> -> vector<16xf32>
      %xor3A_586 = arith.constant 2 : i32
      %xor3A_587 = vector.broadcast %xor3A_586 : i32 to vector<16xi32>
      %xor3A_588 = arith.xori %iota3A, %xor3A_587 : vector<16xi32>
      %broadcast_in_dim3A_589 = vector.shape_cast %xor3A_588 : vector<16xi32> to vector<16x1xi32>
      %gather3A_590 = vector.shape_cast %broadcast_in_dim3A_589 : vector<16x1xi32> to vector<16xi32>
      %gather3A_591 = tpu.dynamic_gather %add3A_489[%gather3A_590] in [0] : vector<16xf32>, vector<16xi32> -> vector<16xf32>
      %select_n3A_592 = arith.select %eq3A_16, %add3A_474, %gather3A_591 : vector<16xi1>, vector<16xf32>
      %select_n3A_593 = arith.select %eq3A_16, %gather3A_585, %add3A_489 : vector<16xi1>, vector<16xf32>
      %add3A_594 = arith.addf %select_n3A_592, %select_n3A_593 : vector<16xf32>
      %xor3A_595 = arith.constant 2 : i32
      %xor3A_596 = vector.broadcast %xor3A_595 : i32 to vector<16xi32>
      %xor3A_597 = arith.xori %iota3A, %xor3A_596 : vector<16xi32>
      %broadcast_in_dim3A_598 = vector.shape_cast %xor3A_597 : vector<16xi32> to vector<16x1xi32>
      %gather3A_599 = vector.shape_cast %broadcast_in_dim3A_598 : vector<16x1xi32> to vector<16xi32>
      %gather3A_600 = tpu.dynamic_gather %add3A_504[%gather3A_599] in [0] : vector<16xf32>, vector<16xi32> -> vector<16xf32>
      %xor3A_601 = arith.constant 2 : i32
      %xor3A_602 = vector.broadcast %xor3A_601 : i32 to vector<16xi32>
      %xor3A_603 = arith.xori %iota3A, %xor3A_602 : vector<16xi32>
      %broadcast_in_dim3A_604 = vector.shape_cast %xor3A_603 : vector<16xi32> to vector<16x1xi32>
      %gather3A_605 = vector.shape_cast %broadcast_in_dim3A_604 : vector<16x1xi32> to vector<16xi32>
      %gather3A_606 = tpu.dynamic_gather %add3A_519[%gather3A_605] in [0] : vector<16xf32>, vector<16xi32> -> vector<16xf32>
      %select_n3A_607 = arith.select %eq3A_16, %add3A_504, %gather3A_606 : vector<16xi1>, vector<16xf32>
      %select_n3A_608 = arith.select %eq3A_16, %gather3A_600, %add3A_519 : vector<16xi1>, vector<16xf32>
      %add3A_609 = arith.addf %select_n3A_607, %select_n3A_608 : vector<16xf32>
      %xor3A_610 = arith.constant 2 : i32
      %xor3A_611 = vector.broadcast %xor3A_610 : i32 to vector<16xi32>
      %xor3A_612 = arith.xori %iota3A, %xor3A_611 : vector<16xi32>
      %broadcast_in_dim3A_613 = vector.shape_cast %xor3A_612 : vector<16xi32> to vector<16x1xi32>
      %gather3A_614 = vector.shape_cast %broadcast_in_dim3A_613 : vector<16x1xi32> to vector<16xi32>
      %gather3A_615 = tpu.dynamic_gather %add3A_534[%gather3A_614] in [0] : vector<16xf32>, vector<16xi32> -> vector<16xf32>
      %xor3A_616 = arith.constant 2 : i32
      %xor3A_617 = vector.broadcast %xor3A_616 : i32 to vector<16xi32>
      %xor3A_618 = arith.xori %iota3A, %xor3A_617 : vector<16xi32>
      %broadcast_in_dim3A_619 = vector.shape_cast %xor3A_618 : vector<16xi32> to vector<16x1xi32>
      %gather3A_620 = vector.shape_cast %broadcast_in_dim3A_619 : vector<16x1xi32> to vector<16xi32>
      %gather3A_621 = tpu.dynamic_gather %add3A_549[%gather3A_620] in [0] : vector<16xf32>, vector<16xi32> -> vector<16xf32>
      %select_n3A_622 = arith.select %eq3A_16, %add3A_534, %gather3A_621 : vector<16xi1>, vector<16xf32>
      %select_n3A_623 = arith.select %eq3A_16, %gather3A_615, %add3A_549 : vector<16xi1>, vector<16xf32>
      %add3A_624 = arith.addf %select_n3A_622, %select_n3A_623 : vector<16xf32>
      %xor3A_625 = arith.constant 2 : i32
      %xor3A_626 = vector.broadcast %xor3A_625 : i32 to vector<16xi32>
      %xor3A_627 = arith.xori %iota3A, %xor3A_626 : vector<16xi32>
      %broadcast_in_dim3A_628 = vector.shape_cast %xor3A_627 : vector<16xi32> to vector<16x1xi32>
      %gather3A_629 = vector.shape_cast %broadcast_in_dim3A_628 : vector<16x1xi32> to vector<16xi32>
      %gather3A_630 = tpu.dynamic_gather %add3A_564[%gather3A_629] in [0] : vector<16xf32>, vector<16xi32> -> vector<16xf32>
      %xor3A_631 = arith.constant 2 : i32
      %xor3A_632 = vector.broadcast %xor3A_631 : i32 to vector<16xi32>
      %xor3A_633 = arith.xori %iota3A, %xor3A_632 : vector<16xi32>
      %broadcast_in_dim3A_634 = vector.shape_cast %xor3A_633 : vector<16xi32> to vector<16x1xi32>
      %gather3A_635 = vector.shape_cast %broadcast_in_dim3A_634 : vector<16x1xi32> to vector<16xi32>
      %gather3A_636 = tpu.dynamic_gather %add3A_579[%gather3A_635] in [0] : vector<16xf32>, vector<16xi32> -> vector<16xf32>
      %select_n3A_637 = arith.select %eq3A_16, %add3A_564, %gather3A_636 : vector<16xi1>, vector<16xf32>
      %select_n3A_638 = arith.select %eq3A_16, %gather3A_630, %add3A_579 : vector<16xi1>, vector<16xf32>
      %add3A_639 = arith.addf %select_n3A_637, %select_n3A_638 : vector<16xf32>
      %xor3A_640 = arith.constant 4 : i32
      %xor3A_641 = vector.broadcast %xor3A_640 : i32 to vector<16xi32>
      %xor3A_642 = arith.xori %iota3A, %xor3A_641 : vector<16xi32>
      %broadcast_in_dim3A_643 = vector.shape_cast %xor3A_642 : vector<16xi32> to vector<16x1xi32>
      %gather3A_644 = vector.shape_cast %broadcast_in_dim3A_643 : vector<16x1xi32> to vector<16xi32>
      %gather3A_645 = tpu.dynamic_gather %add3A_594[%gather3A_644] in [0] : vector<16xf32>, vector<16xi32> -> vector<16xf32>
      %xor3A_646 = arith.constant 4 : i32
      %xor3A_647 = vector.broadcast %xor3A_646 : i32 to vector<16xi32>
      %xor3A_648 = arith.xori %iota3A, %xor3A_647 : vector<16xi32>
      %broadcast_in_dim3A_649 = vector.shape_cast %xor3A_648 : vector<16xi32> to vector<16x1xi32>
      %gather3A_650 = vector.shape_cast %broadcast_in_dim3A_649 : vector<16x1xi32> to vector<16xi32>
      %gather3A_651 = tpu.dynamic_gather %add3A_609[%gather3A_650] in [0] : vector<16xf32>, vector<16xi32> -> vector<16xf32>
      %select_n3A_652 = arith.select %eq3A_22, %add3A_594, %gather3A_651 : vector<16xi1>, vector<16xf32>
      %select_n3A_653 = arith.select %eq3A_22, %gather3A_645, %add3A_609 : vector<16xi1>, vector<16xf32>
      %add3A_654 = arith.addf %select_n3A_652, %select_n3A_653 : vector<16xf32>
      %xor3A_655 = arith.constant 4 : i32
      %xor3A_656 = vector.broadcast %xor3A_655 : i32 to vector<16xi32>
      %xor3A_657 = arith.xori %iota3A, %xor3A_656 : vector<16xi32>
      %broadcast_in_dim3A_658 = vector.shape_cast %xor3A_657 : vector<16xi32> to vector<16x1xi32>
      %gather3A_659 = vector.shape_cast %broadcast_in_dim3A_658 : vector<16x1xi32> to vector<16xi32>
      %gather3A_660 = tpu.dynamic_gather %add3A_624[%gather3A_659] in [0] : vector<16xf32>, vector<16xi32> -> vector<16xf32>
      %xor3A_661 = arith.constant 4 : i32
      %xor3A_662 = vector.broadcast %xor3A_661 : i32 to vector<16xi32>
      %xor3A_663 = arith.xori %iota3A, %xor3A_662 : vector<16xi32>
      %broadcast_in_dim3A_664 = vector.shape_cast %xor3A_663 : vector<16xi32> to vector<16x1xi32>
      %gather3A_665 = vector.shape_cast %broadcast_in_dim3A_664 : vector<16x1xi32> to vector<16xi32>
      %gather3A_666 = tpu.dynamic_gather %add3A_639[%gather3A_665] in [0] : vector<16xf32>, vector<16xi32> -> vector<16xf32>
      %select_n3A_667 = arith.select %eq3A_22, %add3A_624, %gather3A_666 : vector<16xi1>, vector<16xf32>
      %select_n3A_668 = arith.select %eq3A_22, %gather3A_660, %add3A_639 : vector<16xi1>, vector<16xf32>
      %add3A_669 = arith.addf %select_n3A_667, %select_n3A_668 : vector<16xf32>
      %xor3A_670 = arith.constant 8 : i32
      %xor3A_671 = vector.broadcast %xor3A_670 : i32 to vector<16xi32>
      %xor3A_672 = arith.xori %iota3A, %xor3A_671 : vector<16xi32>
      %broadcast_in_dim3A_673 = vector.shape_cast %xor3A_672 : vector<16xi32> to vector<16x1xi32>
      %gather3A_674 = vector.shape_cast %broadcast_in_dim3A_673 : vector<16x1xi32> to vector<16xi32>
      %gather3A_675 = tpu.dynamic_gather %add3A_654[%gather3A_674] in [0] : vector<16xf32>, vector<16xi32> -> vector<16xf32>
      %xor3A_676 = arith.constant 8 : i32
      %xor3A_677 = vector.broadcast %xor3A_676 : i32 to vector<16xi32>
      %xor3A_678 = arith.xori %iota3A, %xor3A_677 : vector<16xi32>
      %broadcast_in_dim3A_679 = vector.shape_cast %xor3A_678 : vector<16xi32> to vector<16x1xi32>
      %gather3A_680 = vector.shape_cast %broadcast_in_dim3A_679 : vector<16x1xi32> to vector<16xi32>
      %gather3A_681 = tpu.dynamic_gather %add3A_669[%gather3A_680] in [0] : vector<16xf32>, vector<16xi32> -> vector<16xf32>
      %select_n3A_682 = arith.select %eq3A_28, %add3A_654, %gather3A_681 : vector<16xi1>, vector<16xf32>
      %select_n3A_683 = arith.select %eq3A_28, %gather3A_675, %add3A_669 : vector<16xi1>, vector<16xf32>
      %add3A_684 = arith.addf %select_n3A_682, %select_n3A_683 : vector<16xf32>
      %add3A_685 = arith.addf %add3A_684, %get3A_6 : vector<16xf32>
      %xor3A_686 = arith.constant 4 : i32
      %xor3A_687 = vector.broadcast %xor3A_686 : i32 to vector<16xi32>
      %xor3A_688 = arith.xori %iota3A, %xor3A_687 : vector<16xi32>
      %broadcast_in_dim3A_689 = vector.shape_cast %xor3A_688 : vector<16xi32> to vector<16x1xi32>
      %gather3A_690 = vector.shape_cast %broadcast_in_dim3A_689 : vector<16x1xi32> to vector<16xi32>
      %gather3A_691 = tpu.dynamic_gather %add3A_685[%gather3A_690] in [0] : vector<16xf32>, vector<16xi32> -> vector<16xf32>
      %max3A_692 = arith.maximumf %add3A_685, %gather3A_691 : vector<16xf32>
      %xor3A_693 = arith.constant 2 : i32
      %xor3A_694 = vector.broadcast %xor3A_693 : i32 to vector<16xi32>
      %xor3A_695 = arith.xori %iota3A, %xor3A_694 : vector<16xi32>
      %broadcast_in_dim3A_696 = vector.shape_cast %xor3A_695 : vector<16xi32> to vector<16x1xi32>
      %gather3A_697 = vector.shape_cast %broadcast_in_dim3A_696 : vector<16x1xi32> to vector<16xi32>
      %gather3A_698 = tpu.dynamic_gather %max3A_692[%gather3A_697] in [0] : vector<16xf32>, vector<16xi32> -> vector<16xf32>
      %max3A_699 = arith.maximumf %max3A_692, %gather3A_698 : vector<16xf32>
      %xor3A_700 = arith.constant 1 : i32
      %xor3A_701 = vector.broadcast %xor3A_700 : i32 to vector<16xi32>
      %xor3A_702 = arith.xori %iota3A, %xor3A_701 : vector<16xi32>
      %broadcast_in_dim3A_703 = vector.shape_cast %xor3A_702 : vector<16xi32> to vector<16x1xi32>
      %gather3A_704 = vector.shape_cast %broadcast_in_dim3A_703 : vector<16x1xi32> to vector<16xi32>
      %gather3A_705 = tpu.dynamic_gather %max3A_699[%gather3A_704] in [0] : vector<16xf32>, vector<16xi32> -> vector<16xf32>
      %max3A_706 = arith.maximumf %max3A_699, %gather3A_705 : vector<16xf32>
      %sub3A_707 = arith.subf %add3A_685, %max3A_706 : vector<16xf32>
      %exp3A_708 = math.exp %sub3A_707 : vector<16xf32>
      %xor3A_709 = arith.constant 4 : i32
      %xor3A_710 = vector.broadcast %xor3A_709 : i32 to vector<16xi32>
      %xor3A_711 = arith.xori %iota3A, %xor3A_710 : vector<16xi32>
      %broadcast_in_dim3A_712 = vector.shape_cast %xor3A_711 : vector<16xi32> to vector<16x1xi32>
      %gather3A_713 = vector.shape_cast %broadcast_in_dim3A_712 : vector<16x1xi32> to vector<16xi32>
      %gather3A_714 = tpu.dynamic_gather %exp3A_708[%gather3A_713] in [0] : vector<16xf32>, vector<16xi32> -> vector<16xf32>
      %add3A_715 = arith.addf %exp3A_708, %gather3A_714 : vector<16xf32>
      %xor3A_716 = arith.constant 2 : i32
      %xor3A_717 = vector.broadcast %xor3A_716 : i32 to vector<16xi32>
      %xor3A_718 = arith.xori %iota3A, %xor3A_717 : vector<16xi32>
      %broadcast_in_dim3A_719 = vector.shape_cast %xor3A_718 : vector<16xi32> to vector<16x1xi32>
      %gather3A_720 = vector.shape_cast %broadcast_in_dim3A_719 : vector<16x1xi32> to vector<16xi32>
      %gather3A_721 = tpu.dynamic_gather %add3A_715[%gather3A_720] in [0] : vector<16xf32>, vector<16xi32> -> vector<16xf32>
      %add3A_722 = arith.addf %add3A_715, %gather3A_721 : vector<16xf32>
      %xor3A_723 = arith.constant 1 : i32
      %xor3A_724 = vector.broadcast %xor3A_723 : i32 to vector<16xi32>
      %xor3A_725 = arith.xori %iota3A, %xor3A_724 : vector<16xi32>
      %broadcast_in_dim3A_726 = vector.shape_cast %xor3A_725 : vector<16xi32> to vector<16x1xi32>
      %gather3A_727 = vector.shape_cast %broadcast_in_dim3A_726 : vector<16x1xi32> to vector<16xi32>
      %gather3A_728 = tpu.dynamic_gather %add3A_722[%gather3A_727] in [0] : vector<16xf32>, vector<16xi32> -> vector<16xf32>
      %add3A_729 = arith.addf %add3A_722, %gather3A_728 : vector<16xf32>
      %div3A_730 = arith.divf %exp3A_708, %add3A_729 : vector<16xf32>
      %add3A_731 = arith.constant 128 : i32
      %add3A_732 = arith.addi %add3A_731, %mul3A_116 : i32
      %add3A_733 = arith.constant 2 : i32
      %add3A_734 = arith.addi %add3A_732, %add3A_733 : i32
      %mul3A_735 = arith.constant 8 : i32
      %mul3A_736 = arith.muli %add3A_734, %mul3A_735 : i32
      %swap3A_737 = arith.index_cast %mul3A_736 : i32 to index
      %swap3A_738 = tpu.vector_load %arg10[%swap3A_737] {strides = array<i32>} : memref<2048xf32, #tpu.memory_space<vmem>>, vector<16xf32>,
      %swap3A_739 = vector.shape_cast %swap3A_738 : vector<16xf32> to vector<16xf32>
      %swap3A_740 = vector.shape_cast %div3A_730 : vector<16xf32> to vector<16xf32>
      tpu.vector_store %arg10[%swap3A_737], %swap3A_740 {strides = array<i32>} : memref<2048xf32, #tpu.memory_space<vmem>>, vector<16xf32>,
      %scan3A_741 = arith.constant 0 : i32
      scf.yield %scan3A_741 : i32
    }
    %scan3A_94 = arith.constant 16 : i32
    %add3A_95 = arith.constant 192 : i32
    %add3A_96 = arith.addi %add3A_4, %add3A_95 : i32
    %multiple_of3A_97 = tpu.assume_multiple %add3A_96, 8 : i32
    %dma_wait3A_98 = arith.constant 0 : i32
    %dma_wait3A_99 = tpu.memref_slice %arg2[%multiple_of3A_97, %dma_wait3A_98] : memref<32768x768xf32, #tpu.memory_space<hbm>> -> memref<64x768xf32, #tpu.memory_space<hbm>>
    %dma_wait3A_100 = arith.constant 0 : i32
    %dma_wait3A_101 = tpu.memref_slice %arg2[%multiple_of3A_97, %dma_wait3A_100] : memref<32768x768xf32, #tpu.memory_space<hbm>> -> memref<64x768xf32, #tpu.memory_space<hbm>>
    tpu.wait_dma2 semaphore(%arg12 : memref<!tpu.dma_semaphore, #tpu.memory_space<semaphore_mem>>) src(%dma_wait3A_101 : memref<64x768xf32, #tpu.memory_space<hbm>>) dst(%arg9 : memref<64x768xf32, #tpu.memory_space<vmem>>)
    %scan3A_102 = arith.constant 0 : i32
    %scan3A_103 = arith.constant 0 : i32
    %scan3A_104 = arith.constant 16 : i32
    %scan3A_105 = arith.addi %scan3A_103, %scan3A_104 : i32
    %scan3A_106 = arith.constant 1 : i32
    %scan3A_107 = scf.for %scan3A_113 = %scan3A_103 to %scan3A_105 step %scan3A_106 iter_args(%scan3A_114 = %scan3A_102) -> (i32)  : i32 {
      %mul3A_115 = arith.constant 4 : i32
      %mul3A_116 = arith.muli %scan3A_113, %mul3A_115 : i32
      %broadcast_in_dim3A = arith.constant 0.000000e+00 : f32
      %broadcast_in_dim3A_117 = vector.broadcast %broadcast_in_dim3A : f32 to vector<16xf32>
      %broadcast_in_dim3A_118 = arith.constant 0.000000e+00 : f32
      %broadcast_in_dim3A_119 = vector.broadcast %broadcast_in_dim3A_118 : f32 to vector<16xf32>
      %broadcast_in_dim3A_120 = arith.constant 0.000000e+00 : f32
      %broadcast_in_dim3A_121 = vector.broadcast %broadcast_in_dim3A_120 : f32 to vector<16xf32>
      %broadcast_in_dim3A_122 = arith.constant 0.000000e+00 : f32
      %broadcast_in_dim3A_123 = vector.broadcast %broadcast_in_dim3A_122 : f32 to vector<16xf32>
      %broadcast_in_dim3A_124 = arith.constant 0.000000e+00 : f32
      %broadcast_in_dim3A_125 = vector.broadcast %broadcast_in_dim3A_124 : f32 to vector<16xf32>
      %broadcast_in_dim3A_126 = arith.constant 0.000000e+00 : f32
      %broadcast_in_dim3A_127 = vector.broadcast %broadcast_in_dim3A_126 : f32 to vector<16xf32>
      %broadcast_in_dim3A_128 = arith.constant 0.000000e+00 : f32
      %broadcast_in_dim3A_129 = vector.broadcast %broadcast_in_dim3A_128 : f32 to vector<16xf32>
      %broadcast_in_dim3A_130 = arith.constant 0.000000e+00 : f32
      %broadcast_in_dim3A_131 = vector.broadcast %broadcast_in_dim3A_130 : f32 to vector<16xf32>
      %broadcast_in_dim3A_132 = arith.constant 0.000000e+00 : f32
      %broadcast_in_dim3A_133 = vector.broadcast %broadcast_in_dim3A_132 : f32 to vector<16xf32>
      %broadcast_in_dim3A_134 = arith.constant 0.000000e+00 : f32
      %broadcast_in_dim3A_135 = vector.broadcast %broadcast_in_dim3A_134 : f32 to vector<16xf32>
      %broadcast_in_dim3A_136 = arith.constant 0.000000e+00 : f32
      %broadcast_in_dim3A_137 = vector.broadcast %broadcast_in_dim3A_136 : f32 to vector<16xf32>
      %broadcast_in_dim3A_138 = arith.constant 0.000000e+00 : f32
      %broadcast_in_dim3A_139 = vector.broadcast %broadcast_in_dim3A_138 : f32 to vector<16xf32>
      %broadcast_in_dim3A_140 = arith.constant 0.000000e+00 : f32
      %broadcast_in_dim3A_141 = vector.broadcast %broadcast_in_dim3A_140 : f32 to vector<16xf32>
      %broadcast_in_dim3A_142 = arith.constant 0.000000e+00 : f32
      %broadcast_in_dim3A_143 = vector.broadcast %broadcast_in_dim3A_142 : f32 to vector<16xf32>
      %broadcast_in_dim3A_144 = arith.constant 0.000000e+00 : f32
      %broadcast_in_dim3A_145 = vector.broadcast %broadcast_in_dim3A_144 : f32 to vector<16xf32>
      %broadcast_in_dim3A_146 = arith.constant 0.000000e+00 : f32
      %broadcast_in_dim3A_147 = vector.broadcast %broadcast_in_dim3A_146 : f32 to vector<16xf32>
      %broadcast_in_dim3A_148 = arith.constant 0.000000e+00 : f32
      %broadcast_in_dim3A_149 = vector.broadcast %broadcast_in_dim3A_148 : f32 to vector<16xf32>
      %broadcast_in_dim3A_150 = arith.constant 0.000000e+00 : f32
      %broadcast_in_dim3A_151 = vector.broadcast %broadcast_in_dim3A_150 : f32 to vector<16xf32>
      %broadcast_in_dim3A_152 = arith.constant 0.000000e+00 : f32
      %broadcast_in_dim3A_153 = vector.broadcast %broadcast_in_dim3A_152 : f32 to vector<16xf32>
      %broadcast_in_dim3A_154 = arith.constant 0.000000e+00 : f32
      %broadcast_in_dim3A_155 = vector.broadcast %broadcast_in_dim3A_154 : f32 to vector<16xf32>
      %broadcast_in_dim3A_156 = arith.constant 0.000000e+00 : f32
      %broadcast_in_dim3A_157 = vector.broadcast %broadcast_in_dim3A_156 : f32 to vector<16xf32>
      %broadcast_in_dim3A_158 = arith.constant 0.000000e+00 : f32
      %broadcast_in_dim3A_159 = vector.broadcast %broadcast_in_dim3A_158 : f32 to vector<16xf32>
      %broadcast_in_dim3A_160 = arith.constant 0.000000e+00 : f32
      %broadcast_in_dim3A_161 = vector.broadcast %broadcast_in_dim3A_160 : f32 to vector<16xf32>
      %broadcast_in_dim3A_162 = arith.constant 0.000000e+00 : f32
      %broadcast_in_dim3A_163 = vector.broadcast %broadcast_in_dim3A_162 : f32 to vector<16xf32>
      %broadcast_in_dim3A_164 = arith.constant 0.000000e+00 : f32
      %broadcast_in_dim3A_165 = vector.broadcast %broadcast_in_dim3A_164 : f32 to vector<16xf32>
      %broadcast_in_dim3A_166 = arith.constant 0.000000e+00 : f32
      %broadcast_in_dim3A_167 = vector.broadcast %broadcast_in_dim3A_166 : f32 to vector<16xf32>
      %broadcast_in_dim3A_168 = arith.constant 0.000000e+00 : f32
      %broadcast_in_dim3A_169 = vector.broadcast %broadcast_in_dim3A_168 : f32 to vector<16xf32>
      %broadcast_in_dim3A_170 = arith.constant 0.000000e+00 : f32
      %broadcast_in_dim3A_171 = vector.broadcast %broadcast_in_dim3A_170 : f32 to vector<16xf32>
      %broadcast_in_dim3A_172 = arith.constant 0.000000e+00 : f32
      %broadcast_in_dim3A_173 = vector.broadcast %broadcast_in_dim3A_172 : f32 to vector<16xf32>
      %broadcast_in_dim3A_174 = arith.constant 0.000000e+00 : f32
      %broadcast_in_dim3A_175 = vector.broadcast %broadcast_in_dim3A_174 : f32 to vector<16xf32>
      %broadcast_in_dim3A_176 = arith.constant 0.000000e+00 : f32
      %broadcast_in_dim3A_177 = vector.broadcast %broadcast_in_dim3A_176 : f32 to vector<16xf32>
      %broadcast_in_dim3A_178 = arith.constant 0.000000e+00 : f32
      %broadcast_in_dim3A_179 = vector.broadcast %broadcast_in_dim3A_178 : f32 to vector<16xf32>
      %scan3A_180 = arith.constant 0 : i32
      %scan3A_181 = arith.constant 48 : i32
      %scan3A_182 = arith.addi %scan3A_180, %scan3A_181 : i32
      %scan3A_183 = arith.constant 1 : i32
      %scan3A_184:32 = scf.for %scan3A_742 = %scan3A_180 to %scan3A_182 step %scan3A_183 iter_args(%scan3A_743 = %broadcast_in_dim3A_117, %scan3A_744 = %broadcast_in_dim3A_119, %scan3A_745 = %broadcast_in_dim3A_121, %scan3A_746 = %broadcast_in_dim3A_123, %scan3A_747 = %broadcast_in_dim3A_125, %scan3A_748 = %broadcast_in_dim3A_127, %scan3A_749 = %broadcast_in_dim3A_129, %scan3A_750 = %broadcast_in_dim3A_131, %scan3A_751 = %broadcast_in_dim3A_133, %scan3A_752 = %broadcast_in_dim3A_135, %scan3A_753 = %broadcast_in_dim3A_137, %scan3A_754 = %broadcast_in_dim3A_139, %scan3A_755 = %broadcast_in_dim3A_141, %scan3A_756 = %broadcast_in_dim3A_143, %scan3A_757 = %broadcast_in_dim3A_145, %scan3A_758 = %broadcast_in_dim3A_147, %scan3A_759 = %broadcast_in_dim3A_149, %scan3A_760 = %broadcast_in_dim3A_151, %scan3A_761 = %broadcast_in_dim3A_153, %scan3A_762 = %broadcast_in_dim3A_155, %scan3A_763 = %broadcast_in_dim3A_157, %scan3A_764 = %broadcast_in_dim3A_159, %scan3A_765 = %broadcast_in_dim3A_161, %scan3A_766 = %broadcast_in_dim3A_163, %scan3A_767 = %broadcast_in_dim3A_165, %scan3A_768 = %broadcast_in_dim3A_167, %scan3A_769 = %broadcast_in_dim3A_169, %scan3A_770 = %broadcast_in_dim3A_171, %scan3A_771 = %broadcast_in_dim3A_173, %scan3A_772 = %broadcast_in_dim3A_175, %scan3A_773 = %broadcast_in_dim3A_177, %scan3A_774 = %broadcast_in_dim3A_179) -> (vector<16xf32>, vector<16xf32>, vector<16xf32>, vector<16xf32>, vector<16xf32>, vector<16xf32>, vector<16xf32>, vector<16xf32>, vector<16xf32>, vector<16xf32>, vector<16xf32>, vector<16xf32>, vector<16xf32>, vector<16xf32>, vector<16xf32>, vector<16xf32>, vector<16xf32>, vector<16xf32>, vector<16xf32>, vector<16xf32>, vector<16xf32>, vector<16xf32>, vector<16xf32>, vector<16xf32>, vector<16xf32>, vector<16xf32>, vector<16xf32>, vector<16xf32>, vector<16xf32>, vector<16xf32>, vector<16xf32>, vector<16xf32>)  : i32 {
        %mul3A_775 = arith.constant 16 : i32
        %mul3A_776 = arith.muli %scan3A_742, %mul3A_775 : i32
        %add3A_777 = arith.constant 0 : i32
        %add3A_778 = arith.addi %mul3A_116, %add3A_777 : i32
        %get3A_779 = arith.index_cast %add3A_778 : i32 to index
        %get3A_780 = arith.index_cast %mul3A_776 : i32 to index
        %get3A_781 = tpu.vector_load %arg9[%get3A_779, %get3A_780] {strides = array<i32>} : memref<64x768xf32, #tpu.memory_space<vmem>>, vector<1x16xf32>,
        %get3A_782 = vector.shape_cast %get3A_781 : vector<1x16xf32> to vector<16xf32>
        %add3A_783 = arith.constant 1 : i32
        %add3A_784 = arith.addi %mul3A_116, %add3A_783 : i32
        %get3A_785 = arith.index_cast %add3A_784 : i32 to index
        %get3A_786 = arith.index_cast %mul3A_776 : i32 to index
        %get3A_787 = tpu.vector_load %arg9[%get3A_785, %get3A_786] {strides = array<i32>} : memref<64x768xf32, #tpu.memory_space<vmem>>, vector<1x16xf32>,
        %get3A_788 = vector.shape_cast %get3A_787 : vector<1x16xf32> to vector<16xf32>
        %add3A_789 = arith.constant 2 : i32
        %add3A_790 = arith.addi %mul3A_116, %add3A_789 : i32
        %get3A_791 = arith.index_cast %add3A_790 : i32 to index
        %get3A_792 = arith.index_cast %mul3A_776 : i32 to index
        %get3A_793 = tpu.vector_load %arg9[%get3A_791, %get3A_792] {strides = array<i32>} : memref<64x768xf32, #tpu.memory_space<vmem>>, vector<1x16xf32>,
        %get3A_794 = vector.shape_cast %get3A_793 : vector<1x16xf32> to vector<16xf32>
        %add3A_795 = arith.constant 3 : i32
        %add3A_796 = arith.addi %mul3A_116, %add3A_795 : i32
        %get3A_797 = arith.index_cast %add3A_796 : i32 to index
        %get3A_798 = arith.index_cast %mul3A_776 : i32 to index
        %get3A_799 = tpu.vector_load %arg9[%get3A_797, %get3A_798] {strides = array<i32>} : memref<64x768xf32, #tpu.memory_space<vmem>>, vector<1x16xf32>,
        %get3A_800 = vector.shape_cast %get3A_799 : vector<1x16xf32> to vector<16xf32>
        %get3A_801 = arith.constant 0 : i32
        %get3A_802 = arith.index_cast %get3A_801 : i32 to index
        %get3A_803 = arith.index_cast %mul3A_776 : i32 to index
        %get3A_804 = tpu.vector_load %arg6[%get3A_802, %get3A_803] {strides = array<i32>} : memref<8x768xf32, #tpu.memory_space<vmem>>, vector<1x16xf32>,
        %get3A_805 = vector.shape_cast %get3A_804 : vector<1x16xf32> to vector<16xf32>
        %get3A_806 = arith.constant 1 : i32
        %get3A_807 = arith.index_cast %get3A_806 : i32 to index
        %get3A_808 = arith.index_cast %mul3A_776 : i32 to index
        %get3A_809 = tpu.vector_load %arg6[%get3A_807, %get3A_808] {strides = array<i32>} : memref<8x768xf32, #tpu.memory_space<vmem>>, vector<1x16xf32>,
        %get3A_810 = vector.shape_cast %get3A_809 : vector<1x16xf32> to vector<16xf32>
        %get3A_811 = arith.constant 2 : i32
        %get3A_812 = arith.index_cast %get3A_811 : i32 to index
        %get3A_813 = arith.index_cast %mul3A_776 : i32 to index
        %get3A_814 = tpu.vector_load %arg6[%get3A_812, %get3A_813] {strides = array<i32>} : memref<8x768xf32, #tpu.memory_space<vmem>>, vector<1x16xf32>,
        %get3A_815 = vector.shape_cast %get3A_814 : vector<1x16xf32> to vector<16xf32>
        %get3A_816 = arith.constant 3 : i32
        %get3A_817 = arith.index_cast %get3A_816 : i32 to index
        %get3A_818 = arith.index_cast %mul3A_776 : i32 to index
        %get3A_819 = tpu.vector_load %arg6[%get3A_817, %get3A_818] {strides = array<i32>} : memref<8x768xf32, #tpu.memory_space<vmem>>, vector<1x16xf32>,
        %get3A_820 = vector.shape_cast %get3A_819 : vector<1x16xf32> to vector<16xf32>
        %get3A_821 = arith.constant 4 : i32
        %get3A_822 = arith.index_cast %get3A_821 : i32 to index
        %get3A_823 = arith.index_cast %mul3A_776 : i32 to index
        %get3A_824 = tpu.vector_load %arg6[%get3A_822, %get3A_823] {strides = array<i32>} : memref<8x768xf32, #tpu.memory_space<vmem>>, vector<1x16xf32>,
        %get3A_825 = vector.shape_cast %get3A_824 : vector<1x16xf32> to vector<16xf32>
        %get3A_826 = arith.constant 5 : i32
        %get3A_827 = arith.index_cast %get3A_826 : i32 to index
        %get3A_828 = arith.index_cast %mul3A_776 : i32 to index
        %get3A_829 = tpu.vector_load %arg6[%get3A_827, %get3A_828] {strides = array<i32>} : memref<8x768xf32, #tpu.memory_space<vmem>>, vector<1x16xf32>,
        %get3A_830 = vector.shape_cast %get3A_829 : vector<1x16xf32> to vector<16xf32>
        %get3A_831 = arith.constant 6 : i32
        %get3A_832 = arith.index_cast %get3A_831 : i32 to index
        %get3A_833 = arith.index_cast %mul3A_776 : i32 to index
        %get3A_834 = tpu.vector_load %arg6[%get3A_832, %get3A_833] {strides = array<i32>} : memref<8x768xf32, #tpu.memory_space<vmem>>, vector<1x16xf32>,
        %get3A_835 = vector.shape_cast %get3A_834 : vector<1x16xf32> to vector<16xf32>
        %get3A_836 = arith.constant 7 : i32
        %get3A_837 = arith.index_cast %get3A_836 : i32 to index
        %get3A_838 = arith.index_cast %mul3A_776 : i32 to index
        %get3A_839 = tpu.vector_load %arg6[%get3A_837, %get3A_838] {strides = array<i32>} : memref<8x768xf32, #tpu.memory_space<vmem>>, vector<1x16xf32>,
        %get3A_840 = vector.shape_cast %get3A_839 : vector<1x16xf32> to vector<16xf32>
        %mul3A_841 = arith.mulf %get3A_782, %get3A_805 : vector<16xf32>
        %add3A_842 = arith.addf %scan3A_743, %mul3A_841 : vector<16xf32>
        %mul3A_843 = arith.mulf %get3A_782, %get3A_810 : vector<16xf32>
        %add3A_844 = arith.addf %scan3A_744, %mul3A_843 : vector<16xf32>
        %mul3A_845 = arith.mulf %get3A_782, %get3A_815 : vector<16xf32>
        %add3A_846 = arith.addf %scan3A_745, %mul3A_845 : vector<16xf32>
        %mul3A_847 = arith.mulf %get3A_782, %get3A_820 : vector<16xf32>
        %add3A_848 = arith.addf %scan3A_746, %mul3A_847 : vector<16xf32>
        %mul3A_849 = arith.mulf %get3A_782, %get3A_825 : vector<16xf32>
        %add3A_850 = arith.addf %scan3A_747, %mul3A_849 : vector<16xf32>
        %mul3A_851 = arith.mulf %get3A_782, %get3A_830 : vector<16xf32>
        %add3A_852 = arith.addf %scan3A_748, %mul3A_851 : vector<16xf32>
        %mul3A_853 = arith.mulf %get3A_782, %get3A_835 : vector<16xf32>
        %add3A_854 = arith.addf %scan3A_749, %mul3A_853 : vector<16xf32>
        %mul3A_855 = arith.mulf %get3A_782, %get3A_840 : vector<16xf32>
        %add3A_856 = arith.addf %scan3A_750, %mul3A_855 : vector<16xf32>
        %mul3A_857 = arith.mulf %get3A_788, %get3A_805 : vector<16xf32>
        %add3A_858 = arith.addf %scan3A_751, %mul3A_857 : vector<16xf32>
        %mul3A_859 = arith.mulf %get3A_788, %get3A_810 : vector<16xf32>
        %add3A_860 = arith.addf %scan3A_752, %mul3A_859 : vector<16xf32>
        %mul3A_861 = arith.mulf %get3A_788, %get3A_815 : vector<16xf32>
        %add3A_862 = arith.addf %scan3A_753, %mul3A_861 : vector<16xf32>
        %mul3A_863 = arith.mulf %get3A_788, %get3A_820 : vector<16xf32>
        %add3A_864 = arith.addf %scan3A_754, %mul3A_863 : vector<16xf32>
        %mul3A_865 = arith.mulf %get3A_788, %get3A_825 : vector<16xf32>
        %add3A_866 = arith.addf %scan3A_755, %mul3A_865 : vector<16xf32>
        %mul3A_867 = arith.mulf %get3A_788, %get3A_830 : vector<16xf32>
        %add3A_868 = arith.addf %scan3A_756, %mul3A_867 : vector<16xf32>
        %mul3A_869 = arith.mulf %get3A_788, %get3A_835 : vector<16xf32>
        %add3A_870 = arith.addf %scan3A_757, %mul3A_869 : vector<16xf32>
        %mul3A_871 = arith.mulf %get3A_788, %get3A_840 : vector<16xf32>
        %add3A_872 = arith.addf %scan3A_758, %mul3A_871 : vector<16xf32>
        %mul3A_873 = arith.mulf %get3A_794, %get3A_805 : vector<16xf32>
        %add3A_874 = arith.addf %scan3A_759, %mul3A_873 : vector<16xf32>
        %mul3A_875 = arith.mulf %get3A_794, %get3A_810 : vector<16xf32>
        %add3A_876 = arith.addf %scan3A_760, %mul3A_875 : vector<16xf32>
        %mul3A_877 = arith.mulf %get3A_794, %get3A_815 : vector<16xf32>
        %add3A_878 = arith.addf %scan3A_761, %mul3A_877 : vector<16xf32>
        %mul3A_879 = arith.mulf %get3A_794, %get3A_820 : vector<16xf32>
        %add3A_880 = arith.addf %scan3A_762, %mul3A_879 : vector<16xf32>
        %mul3A_881 = arith.mulf %get3A_794, %get3A_825 : vector<16xf32>
        %add3A_882 = arith.addf %scan3A_763, %mul3A_881 : vector<16xf32>
        %mul3A_883 = arith.mulf %get3A_794, %get3A_830 : vector<16xf32>
        %add3A_884 = arith.addf %scan3A_764, %mul3A_883 : vector<16xf32>
        %mul3A_885 = arith.mulf %get3A_794, %get3A_835 : vector<16xf32>
        %add3A_886 = arith.addf %scan3A_765, %mul3A_885 : vector<16xf32>
        %mul3A_887 = arith.mulf %get3A_794, %get3A_840 : vector<16xf32>
        %add3A_888 = arith.addf %scan3A_766, %mul3A_887 : vector<16xf32>
        %mul3A_889 = arith.mulf %get3A_800, %get3A_805 : vector<16xf32>
        %add3A_890 = arith.addf %scan3A_767, %mul3A_889 : vector<16xf32>
        %mul3A_891 = arith.mulf %get3A_800, %get3A_810 : vector<16xf32>
        %add3A_892 = arith.addf %scan3A_768, %mul3A_891 : vector<16xf32>
        %mul3A_893 = arith.mulf %get3A_800, %get3A_815 : vector<16xf32>
        %add3A_894 = arith.addf %scan3A_769, %mul3A_893 : vector<16xf32>
        %mul3A_895 = arith.mulf %get3A_800, %get3A_820 : vector<16xf32>
        %add3A_896 = arith.addf %scan3A_770, %mul3A_895 : vector<16xf32>
        %mul3A_897 = arith.mulf %get3A_800, %get3A_825 : vector<16xf32>
        %add3A_898 = arith.addf %scan3A_771, %mul3A_897 : vector<16xf32>
        %mul3A_899 = arith.mulf %get3A_800, %get3A_830 : vector<16xf32>
        %add3A_900 = arith.addf %scan3A_772, %mul3A_899 : vector<16xf32>
        %mul3A_901 = arith.mulf %get3A_800, %get3A_835 : vector<16xf32>
        %add3A_902 = arith.addf %scan3A_773, %mul3A_901 : vector<16xf32>
        %mul3A_903 = arith.mulf %get3A_800, %get3A_840 : vector<16xf32>
        %add3A_904 = arith.addf %scan3A_774, %mul3A_903 : vector<16xf32>
        scf.yield %add3A_842, %add3A_844, %add3A_846, %add3A_848, %add3A_850, %add3A_852, %add3A_854, %add3A_856, %add3A_858, %add3A_860, %add3A_862, %add3A_864, %add3A_866, %add3A_868, %add3A_870, %add3A_872, %add3A_874, %add3A_876, %add3A_878, %add3A_880, %add3A_882, %add3A_884, %add3A_886, %add3A_888, %add3A_890, %add3A_892, %add3A_894, %add3A_896, %add3A_898, %add3A_900, %add3A_902, %add3A_904 : vector<16xf32>, vector<16xf32>, vector<16xf32>, vector<16xf32>, vector<16xf32>, vector<16xf32>, vector<16xf32>, vector<16xf32>, vector<16xf32>, vector<16xf32>, vector<16xf32>, vector<16xf32>, vector<16xf32>, vector<16xf32>, vector<16xf32>, vector<16xf32>, vector<16xf32>, vector<16xf32>, vector<16xf32>, vector<16xf32>, vector<16xf32>, vector<16xf32>, vector<16xf32>, vector<16xf32>, vector<16xf32>, vector<16xf32>, vector<16xf32>, vector<16xf32>, vector<16xf32>, vector<16xf32>, vector<16xf32>, vector<16xf32>
      }
      %scan3A_185 = arith.constant 48 : i32
      %xor3A = arith.constant 1 : i32
      %xor3A_186 = vector.broadcast %xor3A : i32 to vector<16xi32>
      %xor3A_187 = arith.xori %iota3A, %xor3A_186 : vector<16xi32>
      %broadcast_in_dim3A_188 = vector.shape_cast %xor3A_187 : vector<16xi32> to vector<16x1xi32>
      %gather3A = vector.shape_cast %broadcast_in_dim3A_188 : vector<16x1xi32> to vector<16xi32>
      %gather3A_189 = tpu.dynamic_gather %scan3A_184#0[%gather3A] in [0] : vector<16xf32>, vector<16xi32> -> vector<16xf32>
      %xor3A_190 = arith.constant 1 : i32
      %xor3A_191 = vector.broadcast %xor3A_190 : i32 to vector<16xi32>
      %xor3A_192 = arith.xori %iota3A, %xor3A_191 : vector<16xi32>
      %broadcast_in_dim3A_193 = vector.shape_cast %xor3A_192 : vector<16xi32> to vector<16x1xi32>
      %gather3A_194 = vector.shape_cast %broadcast_in_dim3A_193 : vector<16x1xi32> to vector<16xi32>
      %gather3A_195 = tpu.dynamic_gather %scan3A_184#1[%gather3A_194] in [0] : vector<16xf32>, vector<16xi32> -> vector<16xf32>
      %select_n3A = arith.select %eq3A_10, %scan3A_184#0, %gather3A_195 : vector<16xi1>, vector<16xf32>
      %select_n3A_196 = arith.select %eq3A_10, %gather3A_189, %scan3A_184#1 : vector<16xi1>, vector<16xf32>
      %add3A_197 = arith.addf %select_n3A, %select_n3A_196 : vector<16xf32>
      %xor3A_198 = arith.constant 1 : i32
      %xor3A_199 = vector.broadcast %xor3A_198 : i32 to vector<16xi32>
      %xor3A_200 = arith.xori %iota3A, %xor3A_199 : vector<16xi32>
      %broadcast_in_dim3A_201 = vector.shape_cast %xor3A_200 : vector<16xi32> to vector<16x1xi32>
      %gather3A_202 = vector.shape_cast %broadcast_in_dim3A_201 : vector<16x1xi32> to vector<16xi32>
      %gather3A_203 = tpu.dynamic_gather %scan3A_184#2[%gather3A_202] in [0] : vector<16xf32>, vector<16xi32> -> vector<16xf32>
      %xor3A_204 = arith.constant 1 : i32
      %xor3A_205 = vector.broadcast %xor3A_204 : i32 to vector<16xi32>
      %xor3A_206 = arith.xori %iota3A, %xor3A_205 : vector<16xi32>
      %broadcast_in_dim3A_207 = vector.shape_cast %xor3A_206 : vector<16xi32> to vector<16x1xi32>
      %gather3A_208 = vector.shape_cast %broadcast_in_dim3A_207 : vector<16x1xi32> to vector<16xi32>
      %gather3A_209 = tpu.dynamic_gather %scan3A_184#3[%gather3A_208] in [0] : vector<16xf32>, vector<16xi32> -> vector<16xf32>
      %select_n3A_210 = arith.select %eq3A_10, %scan3A_184#2, %gather3A_209 : vector<16xi1>, vector<16xf32>
      %select_n3A_211 = arith.select %eq3A_10, %gather3A_203, %scan3A_184#3 : vector<16xi1>, vector<16xf32>
      %add3A_212 = arith.addf %select_n3A_210, %select_n3A_211 : vector<16xf32>
      %xor3A_213 = arith.constant 1 : i32
      %xor3A_214 = vector.broadcast %xor3A_213 : i32 to vector<16xi32>
      %xor3A_215 = arith.xori %iota3A, %xor3A_214 : vector<16xi32>
      %broadcast_in_dim3A_216 = vector.shape_cast %xor3A_215 : vector<16xi32> to vector<16x1xi32>
      %gather3A_217 = vector.shape_cast %broadcast_in_dim3A_216 : vector<16x1xi32> to vector<16xi32>
      %gather3A_218 = tpu.dynamic_gather %scan3A_184#4[%gather3A_217] in [0] : vector<16xf32>, vector<16xi32> -> vector<16xf32>
      %xor3A_219 = arith.constant 1 : i32
      %xor3A_220 = vector.broadcast %xor3A_219 : i32 to vector<16xi32>
      %xor3A_221 = arith.xori %iota3A, %xor3A_220 : vector<16xi32>
      %broadcast_in_dim3A_222 = vector.shape_cast %xor3A_221 : vector<16xi32> to vector<16x1xi32>
      %gather3A_223 = vector.shape_cast %broadcast_in_dim3A_222 : vector<16x1xi32> to vector<16xi32>
      %gather3A_224 = tpu.dynamic_gather %scan3A_184#5[%gather3A_223] in [0] : vector<16xf32>, vector<16xi32> -> vector<16xf32>
      %select_n3A_225 = arith.select %eq3A_10, %scan3A_184#4, %gather3A_224 : vector<16xi1>, vector<16xf32>
      %select_n3A_226 = arith.select %eq3A_10, %gather3A_218, %scan3A_184#5 : vector<16xi1>, vector<16xf32>
      %add3A_227 = arith.addf %select_n3A_225, %select_n3A_226 : vector<16xf32>
      %xor3A_228 = arith.constant 1 : i32
      %xor3A_229 = vector.broadcast %xor3A_228 : i32 to vector<16xi32>
      %xor3A_230 = arith.xori %iota3A, %xor3A_229 : vector<16xi32>
      %broadcast_in_dim3A_231 = vector.shape_cast %xor3A_230 : vector<16xi32> to vector<16x1xi32>
      %gather3A_232 = vector.shape_cast %broadcast_in_dim3A_231 : vector<16x1xi32> to vector<16xi32>
      %gather3A_233 = tpu.dynamic_gather %scan3A_184#6[%gather3A_232] in [0] : vector<16xf32>, vector<16xi32> -> vector<16xf32>
      %xor3A_234 = arith.constant 1 : i32
      %xor3A_235 = vector.broadcast %xor3A_234 : i32 to vector<16xi32>
      %xor3A_236 = arith.xori %iota3A, %xor3A_235 : vector<16xi32>
      %broadcast_in_dim3A_237 = vector.shape_cast %xor3A_236 : vector<16xi32> to vector<16x1xi32>
      %gather3A_238 = vector.shape_cast %broadcast_in_dim3A_237 : vector<16x1xi32> to vector<16xi32>
      %gather3A_239 = tpu.dynamic_gather %scan3A_184#7[%gather3A_238] in [0] : vector<16xf32>, vector<16xi32> -> vector<16xf32>
      %select_n3A_240 = arith.select %eq3A_10, %scan3A_184#6, %gather3A_239 : vector<16xi1>, vector<16xf32>
      %select_n3A_241 = arith.select %eq3A_10, %gather3A_233, %scan3A_184#7 : vector<16xi1>, vector<16xf32>
      %add3A_242 = arith.addf %select_n3A_240, %select_n3A_241 : vector<16xf32>
      %xor3A_243 = arith.constant 1 : i32
      %xor3A_244 = vector.broadcast %xor3A_243 : i32 to vector<16xi32>
      %xor3A_245 = arith.xori %iota3A, %xor3A_244 : vector<16xi32>
      %broadcast_in_dim3A_246 = vector.shape_cast %xor3A_245 : vector<16xi32> to vector<16x1xi32>
      %gather3A_247 = vector.shape_cast %broadcast_in_dim3A_246 : vector<16x1xi32> to vector<16xi32>
      %gather3A_248 = tpu.dynamic_gather %scan3A_184#8[%gather3A_247] in [0] : vector<16xf32>, vector<16xi32> -> vector<16xf32>
      %xor3A_249 = arith.constant 1 : i32
      %xor3A_250 = vector.broadcast %xor3A_249 : i32 to vector<16xi32>
      %xor3A_251 = arith.xori %iota3A, %xor3A_250 : vector<16xi32>
      %broadcast_in_dim3A_252 = vector.shape_cast %xor3A_251 : vector<16xi32> to vector<16x1xi32>
      %gather3A_253 = vector.shape_cast %broadcast_in_dim3A_252 : vector<16x1xi32> to vector<16xi32>
      %gather3A_254 = tpu.dynamic_gather %scan3A_184#9[%gather3A_253] in [0] : vector<16xf32>, vector<16xi32> -> vector<16xf32>
      %select_n3A_255 = arith.select %eq3A_10, %scan3A_184#8, %gather3A_254 : vector<16xi1>, vector<16xf32>
      %select_n3A_256 = arith.select %eq3A_10, %gather3A_248, %scan3A_184#9 : vector<16xi1>, vector<16xf32>
      %add3A_257 = arith.addf %select_n3A_255, %select_n3A_256 : vector<16xf32>
      %xor3A_258 = arith.constant 1 : i32
      %xor3A_259 = vector.broadcast %xor3A_258 : i32 to vector<16xi32>
      %xor3A_260 = arith.xori %iota3A, %xor3A_259 : vector<16xi32>
      %broadcast_in_dim3A_261 = vector.shape_cast %xor3A_260 : vector<16xi32> to vector<16x1xi32>
      %gather3A_262 = vector.shape_cast %broadcast_in_dim3A_261 : vector<16x1xi32> to vector<16xi32>
      %gather3A_263 = tpu.dynamic_gather %scan3A_184#10[%gather3A_262] in [0] : vector<16xf32>, vector<16xi32> -> vector<16xf32>
      %xor3A_264 = arith.constant 1 : i32
      %xor3A_265 = vector.broadcast %xor3A_264 : i32 to vector<16xi32>
      %xor3A_266 = arith.xori %iota3A, %xor3A_265 : vector<16xi32>
      %broadcast_in_dim3A_267 = vector.shape_cast %xor3A_266 : vector<16xi32> to vector<16x1xi32>
      %gather3A_268 = vector.shape_cast %broadcast_in_dim3A_267 : vector<16x1xi32> to vector<16xi32>
      %gather3A_269 = tpu.dynamic_gather %scan3A_184#11[%gather3A_268] in [0] : vector<16xf32>, vector<16xi32> -> vector<16xf32>
      %select_n3A_270 = arith.select %eq3A_10, %scan3A_184#10, %gather3A_269 : vector<16xi1>, vector<16xf32>
      %select_n3A_271 = arith.select %eq3A_10, %gather3A_263, %scan3A_184#11 : vector<16xi1>, vector<16xf32>
      %add3A_272 = arith.addf %select_n3A_270, %select_n3A_271 : vector<16xf32>
      %xor3A_273 = arith.constant 1 : i32
      %xor3A_274 = vector.broadcast %xor3A_273 : i32 to vector<16xi32>
      %xor3A_275 = arith.xori %iota3A, %xor3A_274 : vector<16xi32>
      %broadcast_in_dim3A_276 = vector.shape_cast %xor3A_275 : vector<16xi32> to vector<16x1xi32>
      %gather3A_277 = vector.shape_cast %broadcast_in_dim3A_276 : vector<16x1xi32> to vector<16xi32>
      %gather3A_278 = tpu.dynamic_gather %scan3A_184#12[%gather3A_277] in [0] : vector<16xf32>, vector<16xi32> -> vector<16xf32>
      %xor3A_279 = arith.constant 1 : i32
      %xor3A_280 = vector.broadcast %xor3A_279 : i32 to vector<16xi32>
      %xor3A_281 = arith.xori %iota3A, %xor3A_280 : vector<16xi32>
      %broadcast_in_dim3A_282 = vector.shape_cast %xor3A_281 : vector<16xi32> to vector<16x1xi32>
      %gather3A_283 = vector.shape_cast %broadcast_in_dim3A_282 : vector<16x1xi32> to vector<16xi32>
      %gather3A_284 = tpu.dynamic_gather %scan3A_184#13[%gather3A_283] in [0] : vector<16xf32>, vector<16xi32> -> vector<16xf32>
      %select_n3A_285 = arith.select %eq3A_10, %scan3A_184#12, %gather3A_284 : vector<16xi1>, vector<16xf32>
      %select_n3A_286 = arith.select %eq3A_10, %gather3A_278, %scan3A_184#13 : vector<16xi1>, vector<16xf32>
      %add3A_287 = arith.addf %select_n3A_285, %select_n3A_286 : vector<16xf32>
      %xor3A_288 = arith.constant 1 : i32
      %xor3A_289 = vector.broadcast %xor3A_288 : i32 to vector<16xi32>
      %xor3A_290 = arith.xori %iota3A, %xor3A_289 : vector<16xi32>
      %broadcast_in_dim3A_291 = vector.shape_cast %xor3A_290 : vector<16xi32> to vector<16x1xi32>
      %gather3A_292 = vector.shape_cast %broadcast_in_dim3A_291 : vector<16x1xi32> to vector<16xi32>
      %gather3A_293 = tpu.dynamic_gather %scan3A_184#14[%gather3A_292] in [0] : vector<16xf32>, vector<16xi32> -> vector<16xf32>
      %xor3A_294 = arith.constant 1 : i32
      %xor3A_295 = vector.broadcast %xor3A_294 : i32 to vector<16xi32>
      %xor3A_296 = arith.xori %iota3A, %xor3A_295 : vector<16xi32>
      %broadcast_in_dim3A_297 = vector.shape_cast %xor3A_296 : vector<16xi32> to vector<16x1xi32>
      %gather3A_298 = vector.shape_cast %broadcast_in_dim3A_297 : vector<16x1xi32> to vector<16xi32>
      %gather3A_299 = tpu.dynamic_gather %scan3A_184#15[%gather3A_298] in [0] : vector<16xf32>, vector<16xi32> -> vector<16xf32>
      %select_n3A_300 = arith.select %eq3A_10, %scan3A_184#14, %gather3A_299 : vector<16xi1>, vector<16xf32>
      %select_n3A_301 = arith.select %eq3A_10, %gather3A_293, %scan3A_184#15 : vector<16xi1>, vector<16xf32>
      %add3A_302 = arith.addf %select_n3A_300, %select_n3A_301 : vector<16xf32>
      %xor3A_303 = arith.constant 2 : i32
      %xor3A_304 = vector.broadcast %xor3A_303 : i32 to vector<16xi32>
      %xor3A_305 = arith.xori %iota3A, %xor3A_304 : vector<16xi32>
      %broadcast_in_dim3A_306 = vector.shape_cast %xor3A_305 : vector<16xi32> to vector<16x1xi32>
      %gather3A_307 = vector.shape_cast %broadcast_in_dim3A_306 : vector<16x1xi32> to vector<16xi32>
      %gather3A_308 = tpu.dynamic_gather %add3A_197[%gather3A_307] in [0] : vector<16xf32>, vector<16xi32> -> vector<16xf32>
      %xor3A_309 = arith.constant 2 : i32
      %xor3A_310 = vector.broadcast %xor3A_309 : i32 to vector<16xi32>
      %xor3A_311 = arith.xori %iota3A, %xor3A_310 : vector<16xi32>
      %broadcast_in_dim3A_312 = vector.shape_cast %xor3A_311 : vector<16xi32> to vector<16x1xi32>
      %gather3A_313 = vector.shape_cast %broadcast_in_dim3A_312 : vector<16x1xi32> to vector<16xi32>
      %gather3A_314 = tpu.dynamic_gather %add3A_212[%gather3A_313] in [0] : vector<16xf32>, vector<16xi32> -> vector<16xf32>
      %select_n3A_315 = arith.select %eq3A_16, %add3A_197, %gather3A_314 : vector<16xi1>, vector<16xf32>
      %select_n3A_316 = arith.select %eq3A_16, %gather3A_308, %add3A_212 : vector<16xi1>, vector<16xf32>
      %add3A_317 = arith.addf %select_n3A_315, %select_n3A_316 : vector<16xf32>
      %xor3A_318 = arith.constant 2 : i32
      %xor3A_319 = vector.broadcast %xor3A_318 : i32 to vector<16xi32>
      %xor3A_320 = arith.xori %iota3A, %xor3A_319 : vector<16xi32>
      %broadcast_in_dim3A_321 = vector.shape_cast %xor3A_320 : vector<16xi32> to vector<16x1xi32>
      %gather3A_322 = vector.shape_cast %broadcast_in_dim3A_321 : vector<16x1xi32> to vector<16xi32>
      %gather3A_323 = tpu.dynamic_gather %add3A_227[%gather3A_322] in [0] : vector<16xf32>, vector<16xi32> -> vector<16xf32>
      %xor3A_324 = arith.constant 2 : i32
      %xor3A_325 = vector.broadcast %xor3A_324 : i32 to vector<16xi32>
      %xor3A_326 = arith.xori %iota3A, %xor3A_325 : vector<16xi32>
      %broadcast_in_dim3A_327 = vector.shape_cast %xor3A_326 : vector<16xi32> to vector<16x1xi32>
      %gather3A_328 = vector.shape_cast %broadcast_in_dim3A_327 : vector<16x1xi32> to vector<16xi32>
      %gather3A_329 = tpu.dynamic_gather %add3A_242[%gather3A_328] in [0] : vector<16xf32>, vector<16xi32> -> vector<16xf32>
      %select_n3A_330 = arith.select %eq3A_16, %add3A_227, %gather3A_329 : vector<16xi1>, vector<16xf32>
      %select_n3A_331 = arith.select %eq3A_16, %gather3A_323, %add3A_242 : vector<16xi1>, vector<16xf32>
      %add3A_332 = arith.addf %select_n3A_330, %select_n3A_331 : vector<16xf32>
      %xor3A_333 = arith.constant 2 : i32
      %xor3A_334 = vector.broadcast %xor3A_333 : i32 to vector<16xi32>
      %xor3A_335 = arith.xori %iota3A, %xor3A_334 : vector<16xi32>
      %broadcast_in_dim3A_336 = vector.shape_cast %xor3A_335 : vector<16xi32> to vector<16x1xi32>
      %gather3A_337 = vector.shape_cast %broadcast_in_dim3A_336 : vector<16x1xi32> to vector<16xi32>
      %gather3A_338 = tpu.dynamic_gather %add3A_257[%gather3A_337] in [0] : vector<16xf32>, vector<16xi32> -> vector<16xf32>
      %xor3A_339 = arith.constant 2 : i32
      %xor3A_340 = vector.broadcast %xor3A_339 : i32 to vector<16xi32>
      %xor3A_341 = arith.xori %iota3A, %xor3A_340 : vector<16xi32>
      %broadcast_in_dim3A_342 = vector.shape_cast %xor3A_341 : vector<16xi32> to vector<16x1xi32>
      %gather3A_343 = vector.shape_cast %broadcast_in_dim3A_342 : vector<16x1xi32> to vector<16xi32>
      %gather3A_344 = tpu.dynamic_gather %add3A_272[%gather3A_343] in [0] : vector<16xf32>, vector<16xi32> -> vector<16xf32>
      %select_n3A_345 = arith.select %eq3A_16, %add3A_257, %gather3A_344 : vector<16xi1>, vector<16xf32>
      %select_n3A_346 = arith.select %eq3A_16, %gather3A_338, %add3A_272 : vector<16xi1>, vector<16xf32>
      %add3A_347 = arith.addf %select_n3A_345, %select_n3A_346 : vector<16xf32>
      %xor3A_348 = arith.constant 2 : i32
      %xor3A_349 = vector.broadcast %xor3A_348 : i32 to vector<16xi32>
      %xor3A_350 = arith.xori %iota3A, %xor3A_349 : vector<16xi32>
      %broadcast_in_dim3A_351 = vector.shape_cast %xor3A_350 : vector<16xi32> to vector<16x1xi32>
      %gather3A_352 = vector.shape_cast %broadcast_in_dim3A_351 : vector<16x1xi32> to vector<16xi32>
      %gather3A_353 = tpu.dynamic_gather %add3A_287[%gather3A_352] in [0] : vector<16xf32>, vector<16xi32> -> vector<16xf32>
      %xor3A_354 = arith.constant 2 : i32
      %xor3A_355 = vector.broadcast %xor3A_354 : i32 to vector<16xi32>
      %xor3A_356 = arith.xori %iota3A, %xor3A_355 : vector<16xi32>
      %broadcast_in_dim3A_357 = vector.shape_cast %xor3A_356 : vector<16xi32> to vector<16x1xi32>
      %gather3A_358 = vector.shape_cast %broadcast_in_dim3A_357 : vector<16x1xi32> to vector<16xi32>
      %gather3A_359 = tpu.dynamic_gather %add3A_302[%gather3A_358] in [0] : vector<16xf32>, vector<16xi32> -> vector<16xf32>
      %select_n3A_360 = arith.select %eq3A_16, %add3A_287, %gather3A_359 : vector<16xi1>, vector<16xf32>
      %select_n3A_361 = arith.select %eq3A_16, %gather3A_353, %add3A_302 : vector<16xi1>, vector<16xf32>
      %add3A_362 = arith.addf %select_n3A_360, %select_n3A_361 : vector<16xf32>
      %xor3A_363 = arith.constant 4 : i32
      %xor3A_364 = vector.broadcast %xor3A_363 : i32 to vector<16xi32>
      %xor3A_365 = arith.xori %iota3A, %xor3A_364 : vector<16xi32>
      %broadcast_in_dim3A_366 = vector.shape_cast %xor3A_365 : vector<16xi32> to vector<16x1xi32>
      %gather3A_367 = vector.shape_cast %broadcast_in_dim3A_366 : vector<16x1xi32> to vector<16xi32>
      %gather3A_368 = tpu.dynamic_gather %add3A_317[%gather3A_367] in [0] : vector<16xf32>, vector<16xi32> -> vector<16xf32>
      %xor3A_369 = arith.constant 4 : i32
      %xor3A_370 = vector.broadcast %xor3A_369 : i32 to vector<16xi32>
      %xor3A_371 = arith.xori %iota3A, %xor3A_370 : vector<16xi32>
      %broadcast_in_dim3A_372 = vector.shape_cast %xor3A_371 : vector<16xi32> to vector<16x1xi32>
      %gather3A_373 = vector.shape_cast %broadcast_in_dim3A_372 : vector<16x1xi32> to vector<16xi32>
      %gather3A_374 = tpu.dynamic_gather %add3A_332[%gather3A_373] in [0] : vector<16xf32>, vector<16xi32> -> vector<16xf32>
      %select_n3A_375 = arith.select %eq3A_22, %add3A_317, %gather3A_374 : vector<16xi1>, vector<16xf32>
      %select_n3A_376 = arith.select %eq3A_22, %gather3A_368, %add3A_332 : vector<16xi1>, vector<16xf32>
      %add3A_377 = arith.addf %select_n3A_375, %select_n3A_376 : vector<16xf32>
      %xor3A_378 = arith.constant 4 : i32
      %xor3A_379 = vector.broadcast %xor3A_378 : i32 to vector<16xi32>
      %xor3A_380 = arith.xori %iota3A, %xor3A_379 : vector<16xi32>
      %broadcast_in_dim3A_381 = vector.shape_cast %xor3A_380 : vector<16xi32> to vector<16x1xi32>
      %gather3A_382 = vector.shape_cast %broadcast_in_dim3A_381 : vector<16x1xi32> to vector<16xi32>
      %gather3A_383 = tpu.dynamic_gather %add3A_347[%gather3A_382] in [0] : vector<16xf32>, vector<16xi32> -> vector<16xf32>
      %xor3A_384 = arith.constant 4 : i32
      %xor3A_385 = vector.broadcast %xor3A_384 : i32 to vector<16xi32>
      %xor3A_386 = arith.xori %iota3A, %xor3A_385 : vector<16xi32>
      %broadcast_in_dim3A_387 = vector.shape_cast %xor3A_386 : vector<16xi32> to vector<16x1xi32>
      %gather3A_388 = vector.shape_cast %broadcast_in_dim3A_387 : vector<16x1xi32> to vector<16xi32>
      %gather3A_389 = tpu.dynamic_gather %add3A_362[%gather3A_388] in [0] : vector<16xf32>, vector<16xi32> -> vector<16xf32>
      %select_n3A_390 = arith.select %eq3A_22, %add3A_347, %gather3A_389 : vector<16xi1>, vector<16xf32>
      %select_n3A_391 = arith.select %eq3A_22, %gather3A_383, %add3A_362 : vector<16xi1>, vector<16xf32>
      %add3A_392 = arith.addf %select_n3A_390, %select_n3A_391 : vector<16xf32>
      %xor3A_393 = arith.constant 8 : i32
      %xor3A_394 = vector.broadcast %xor3A_393 : i32 to vector<16xi32>
      %xor3A_395 = arith.xori %iota3A, %xor3A_394 : vector<16xi32>
      %broadcast_in_dim3A_396 = vector.shape_cast %xor3A_395 : vector<16xi32> to vector<16x1xi32>
      %gather3A_397 = vector.shape_cast %broadcast_in_dim3A_396 : vector<16x1xi32> to vector<16xi32>
      %gather3A_398 = tpu.dynamic_gather %add3A_377[%gather3A_397] in [0] : vector<16xf32>, vector<16xi32> -> vector<16xf32>
      %xor3A_399 = arith.constant 8 : i32
      %xor3A_400 = vector.broadcast %xor3A_399 : i32 to vector<16xi32>
      %xor3A_401 = arith.xori %iota3A, %xor3A_400 : vector<16xi32>
      %broadcast_in_dim3A_402 = vector.shape_cast %xor3A_401 : vector<16xi32> to vector<16x1xi32>
      %gather3A_403 = vector.shape_cast %broadcast_in_dim3A_402 : vector<16x1xi32> to vector<16xi32>
      %gather3A_404 = tpu.dynamic_gather %add3A_392[%gather3A_403] in [0] : vector<16xf32>, vector<16xi32> -> vector<16xf32>
      %select_n3A_405 = arith.select %eq3A_28, %add3A_377, %gather3A_404 : vector<16xi1>, vector<16xf32>
      %select_n3A_406 = arith.select %eq3A_28, %gather3A_398, %add3A_392 : vector<16xi1>, vector<16xf32>
      %add3A_407 = arith.addf %select_n3A_405, %select_n3A_406 : vector<16xf32>
      %add3A_408 = arith.addf %add3A_407, %get3A_6 : vector<16xf32>
      %xor3A_409 = arith.constant 4 : i32
      %xor3A_410 = vector.broadcast %xor3A_409 : i32 to vector<16xi32>
      %xor3A_411 = arith.xori %iota3A, %xor3A_410 : vector<16xi32>
      %broadcast_in_dim3A_412 = vector.shape_cast %xor3A_411 : vector<16xi32> to vector<16x1xi32>
      %gather3A_413 = vector.shape_cast %broadcast_in_dim3A_412 : vector<16x1xi32> to vector<16xi32>
      %gather3A_414 = tpu.dynamic_gather %add3A_408[%gather3A_413] in [0] : vector<16xf32>, vector<16xi32> -> vector<16xf32>
      %max3A = arith.maximumf %add3A_408, %gather3A_414 : vector<16xf32>
      %xor3A_415 = arith.constant 2 : i32
      %xor3A_416 = vector.broadcast %xor3A_415 : i32 to vector<16xi32>
      %xor3A_417 = arith.xori %iota3A, %xor3A_416 : vector<16xi32>
      %broadcast_in_dim3A_418 = vector.shape_cast %xor3A_417 : vector<16xi32> to vector<16x1xi32>
      %gather3A_419 = vector.shape_cast %broadcast_in_dim3A_418 : vector<16x1xi32> to vector<16xi32>
      %gather3A_420 = tpu.dynamic_gather %max3A[%gather3A_419] in [0] : vector<16xf32>, vector<16xi32> -> vector<16xf32>
      %max3A_421 = arith.maximumf %max3A, %gather3A_420 : vector<16xf32>
      %xor3A_422 = arith.constant 1 : i32
      %xor3A_423 = vector.broadcast %xor3A_422 : i32 to vector<16xi32>
      %xor3A_424 = arith.xori %iota3A, %xor3A_423 : vector<16xi32>
      %broadcast_in_dim3A_425 = vector.shape_cast %xor3A_424 : vector<16xi32> to vector<16x1xi32>
      %gather3A_426 = vector.shape_cast %broadcast_in_dim3A_425 : vector<16x1xi32> to vector<16xi32>
      %gather3A_427 = tpu.dynamic_gather %max3A_421[%gather3A_426] in [0] : vector<16xf32>, vector<16xi32> -> vector<16xf32>
      %max3A_428 = arith.maximumf %max3A_421, %gather3A_427 : vector<16xf32>
      %sub3A_429 = arith.subf %add3A_408, %max3A_428 : vector<16xf32>
      %exp3A = math.exp %sub3A_429 : vector<16xf32>
      %xor3A_430 = arith.constant 4 : i32
      %xor3A_431 = vector.broadcast %xor3A_430 : i32 to vector<16xi32>
      %xor3A_432 = arith.xori %iota3A, %xor3A_431 : vector<16xi32>
      %broadcast_in_dim3A_433 = vector.shape_cast %xor3A_432 : vector<16xi32> to vector<16x1xi32>
      %gather3A_434 = vector.shape_cast %broadcast_in_dim3A_433 : vector<16x1xi32> to vector<16xi32>
      %gather3A_435 = tpu.dynamic_gather %exp3A[%gather3A_434] in [0] : vector<16xf32>, vector<16xi32> -> vector<16xf32>
      %add3A_436 = arith.addf %exp3A, %gather3A_435 : vector<16xf32>
      %xor3A_437 = arith.constant 2 : i32
      %xor3A_438 = vector.broadcast %xor3A_437 : i32 to vector<16xi32>
      %xor3A_439 = arith.xori %iota3A, %xor3A_438 : vector<16xi32>
      %broadcast_in_dim3A_440 = vector.shape_cast %xor3A_439 : vector<16xi32> to vector<16x1xi32>
      %gather3A_441 = vector.shape_cast %broadcast_in_dim3A_440 : vector<16x1xi32> to vector<16xi32>
      %gather3A_442 = tpu.dynamic_gather %add3A_436[%gather3A_441] in [0] : vector<16xf32>, vector<16xi32> -> vector<16xf32>
      %add3A_443 = arith.addf %add3A_436, %gather3A_442 : vector<16xf32>
      %xor3A_444 = arith.constant 1 : i32
      %xor3A_445 = vector.broadcast %xor3A_444 : i32 to vector<16xi32>
      %xor3A_446 = arith.xori %iota3A, %xor3A_445 : vector<16xi32>
      %broadcast_in_dim3A_447 = vector.shape_cast %xor3A_446 : vector<16xi32> to vector<16x1xi32>
      %gather3A_448 = vector.shape_cast %broadcast_in_dim3A_447 : vector<16x1xi32> to vector<16xi32>
      %gather3A_449 = tpu.dynamic_gather %add3A_443[%gather3A_448] in [0] : vector<16xf32>, vector<16xi32> -> vector<16xf32>
      %add3A_450 = arith.addf %add3A_443, %gather3A_449 : vector<16xf32>
      %div3A = arith.divf %exp3A, %add3A_450 : vector<16xf32>
      %add3A_451 = arith.constant 192 : i32
      %add3A_452 = arith.addi %add3A_451, %mul3A_116 : i32
      %add3A_453 = arith.constant 0 : i32
      %add3A_454 = arith.addi %add3A_452, %add3A_453 : i32
      %mul3A_455 = arith.constant 8 : i32
      %mul3A_456 = arith.muli %add3A_454, %mul3A_455 : i32
      %swap3A = arith.index_cast %mul3A_456 : i32 to index
      %swap3A_457 = tpu.vector_load %arg10[%swap3A] {strides = array<i32>} : memref<2048xf32, #tpu.memory_space<vmem>>, vector<16xf32>,
      %swap3A_458 = vector.shape_cast %swap3A_457 : vector<16xf32> to vector<16xf32>
      %swap3A_459 = vector.shape_cast %div3A : vector<16xf32> to vector<16xf32>
      tpu.vector_store %arg10[%swap3A], %swap3A_459 {strides = array<i32>} : memref<2048xf32, #tpu.memory_space<vmem>>, vector<16xf32>,
      %xor3A_460 = arith.constant 1 : i32
      %xor3A_461 = vector.broadcast %xor3A_460 : i32 to vector<16xi32>
      %xor3A_462 = arith.xori %iota3A, %xor3A_461 : vector<16xi32>
      %broadcast_in_dim3A_463 = vector.shape_cast %xor3A_462 : vector<16xi32> to vector<16x1xi32>
      %gather3A_464 = vector.shape_cast %broadcast_in_dim3A_463 : vector<16x1xi32> to vector<16xi32>
      %gather3A_465 = tpu.dynamic_gather %scan3A_184#16[%gather3A_464] in [0] : vector<16xf32>, vector<16xi32> -> vector<16xf32>
      %xor3A_466 = arith.constant 1 : i32
      %xor3A_467 = vector.broadcast %xor3A_466 : i32 to vector<16xi32>
      %xor3A_468 = arith.xori %iota3A, %xor3A_467 : vector<16xi32>
      %broadcast_in_dim3A_469 = vector.shape_cast %xor3A_468 : vector<16xi32> to vector<16x1xi32>
      %gather3A_470 = vector.shape_cast %broadcast_in_dim3A_469 : vector<16x1xi32> to vector<16xi32>
      %gather3A_471 = tpu.dynamic_gather %scan3A_184#17[%gather3A_470] in [0] : vector<16xf32>, vector<16xi32> -> vector<16xf32>
      %select_n3A_472 = arith.select %eq3A_10, %scan3A_184#16, %gather3A_471 : vector<16xi1>, vector<16xf32>
      %select_n3A_473 = arith.select %eq3A_10, %gather3A_465, %scan3A_184#17 : vector<16xi1>, vector<16xf32>
      %add3A_474 = arith.addf %select_n3A_472, %select_n3A_473 : vector<16xf32>
      %xor3A_475 = arith.constant 1 : i32
      %xor3A_476 = vector.broadcast %xor3A_475 : i32 to vector<16xi32>
      %xor3A_477 = arith.xori %iota3A, %xor3A_476 : vector<16xi32>
      %broadcast_in_dim3A_478 = vector.shape_cast %xor3A_477 : vector<16xi32> to vector<16x1xi32>
      %gather3A_479 = vector.shape_cast %broadcast_in_dim3A_478 : vector<16x1xi32> to vector<16xi32>
      %gather3A_480 = tpu.dynamic_gather %scan3A_184#18[%gather3A_479] in [0] : vector<16xf32>, vector<16xi32> -> vector<16xf32>
      %xor3A_481 = arith.constant 1 : i32
      %xor3A_482 = vector.broadcast %xor3A_481 : i32 to vector<16xi32>
      %xor3A_483 = arith.xori %iota3A, %xor3A_482 : vector<16xi32>
      %broadcast_in_dim3A_484 = vector.shape_cast %xor3A_483 : vector<16xi32> to vector<16x1xi32>
      %gather3A_485 = vector.shape_cast %broadcast_in_dim3A_484 : vector<16x1xi32> to vector<16xi32>
      %gather3A_486 = tpu.dynamic_gather %scan3A_184#19[%gather3A_485] in [0] : vector<16xf32>, vector<16xi32> -> vector<16xf32>
      %select_n3A_487 = arith.select %eq3A_10, %scan3A_184#18, %gather3A_486 : vector<16xi1>, vector<16xf32>
      %select_n3A_488 = arith.select %eq3A_10, %gather3A_480, %scan3A_184#19 : vector<16xi1>, vector<16xf32>
      %add3A_489 = arith.addf %select_n3A_487, %select_n3A_488 : vector<16xf32>
      %xor3A_490 = arith.constant 1 : i32
      %xor3A_491 = vector.broadcast %xor3A_490 : i32 to vector<16xi32>
      %xor3A_492 = arith.xori %iota3A, %xor3A_491 : vector<16xi32>
      %broadcast_in_dim3A_493 = vector.shape_cast %xor3A_492 : vector<16xi32> to vector<16x1xi32>
      %gather3A_494 = vector.shape_cast %broadcast_in_dim3A_493 : vector<16x1xi32> to vector<16xi32>
      %gather3A_495 = tpu.dynamic_gather %scan3A_184#20[%gather3A_494] in [0] : vector<16xf32>, vector<16xi32> -> vector<16xf32>
      %xor3A_496 = arith.constant 1 : i32
      %xor3A_497 = vector.broadcast %xor3A_496 : i32 to vector<16xi32>
      %xor3A_498 = arith.xori %iota3A, %xor3A_497 : vector<16xi32>
      %broadcast_in_dim3A_499 = vector.shape_cast %xor3A_498 : vector<16xi32> to vector<16x1xi32>
      %gather3A_500 = vector.shape_cast %broadcast_in_dim3A_499 : vector<16x1xi32> to vector<16xi32>
      %gather3A_501 = tpu.dynamic_gather %scan3A_184#21[%gather3A_500] in [0] : vector<16xf32>, vector<16xi32> -> vector<16xf32>
      %select_n3A_502 = arith.select %eq3A_10, %scan3A_184#20, %gather3A_501 : vector<16xi1>, vector<16xf32>
      %select_n3A_503 = arith.select %eq3A_10, %gather3A_495, %scan3A_184#21 : vector<16xi1>, vector<16xf32>
      %add3A_504 = arith.addf %select_n3A_502, %select_n3A_503 : vector<16xf32>
      %xor3A_505 = arith.constant 1 : i32
      %xor3A_506 = vector.broadcast %xor3A_505 : i32 to vector<16xi32>
      %xor3A_507 = arith.xori %iota3A, %xor3A_506 : vector<16xi32>
      %broadcast_in_dim3A_508 = vector.shape_cast %xor3A_507 : vector<16xi32> to vector<16x1xi32>
      %gather3A_509 = vector.shape_cast %broadcast_in_dim3A_508 : vector<16x1xi32> to vector<16xi32>
      %gather3A_510 = tpu.dynamic_gather %scan3A_184#22[%gather3A_509] in [0] : vector<16xf32>, vector<16xi32> -> vector<16xf32>
      %xor3A_511 = arith.constant 1 : i32
      %xor3A_512 = vector.broadcast %xor3A_511 : i32 to vector<16xi32>
      %xor3A_513 = arith.xori %iota3A, %xor3A_512 : vector<16xi32>
      %broadcast_in_dim3A_514 = vector.shape_cast %xor3A_513 : vector<16xi32> to vector<16x1xi32>
      %gather3A_515 = vector.shape_cast %broadcast_in_dim3A_514 : vector<16x1xi32> to vector<16xi32>
      %gather3A_516 = tpu.dynamic_gather %scan3A_184#23[%gather3A_515] in [0] : vector<16xf32>, vector<16xi32> -> vector<16xf32>
      %select_n3A_517 = arith.select %eq3A_10, %scan3A_184#22, %gather3A_516 : vector<16xi1>, vector<16xf32>
      %select_n3A_518 = arith.select %eq3A_10, %gather3A_510, %scan3A_184#23 : vector<16xi1>, vector<16xf32>
      %add3A_519 = arith.addf %select_n3A_517, %select_n3A_518 : vector<16xf32>
      %xor3A_520 = arith.constant 1 : i32
      %xor3A_521 = vector.broadcast %xor3A_520 : i32 to vector<16xi32>
      %xor3A_522 = arith.xori %iota3A, %xor3A_521 : vector<16xi32>
      %broadcast_in_dim3A_523 = vector.shape_cast %xor3A_522 : vector<16xi32> to vector<16x1xi32>
      %gather3A_524 = vector.shape_cast %broadcast_in_dim3A_523 : vector<16x1xi32> to vector<16xi32>
      %gather3A_525 = tpu.dynamic_gather %scan3A_184#24[%gather3A_524] in [0] : vector<16xf32>, vector<16xi32> -> vector<16xf32>
      %xor3A_526 = arith.constant 1 : i32
      %xor3A_527 = vector.broadcast %xor3A_526 : i32 to vector<16xi32>
      %xor3A_528 = arith.xori %iota3A, %xor3A_527 : vector<16xi32>
      %broadcast_in_dim3A_529 = vector.shape_cast %xor3A_528 : vector<16xi32> to vector<16x1xi32>
      %gather3A_530 = vector.shape_cast %broadcast_in_dim3A_529 : vector<16x1xi32> to vector<16xi32>
      %gather3A_531 = tpu.dynamic_gather %scan3A_184#25[%gather3A_530] in [0] : vector<16xf32>, vector<16xi32> -> vector<16xf32>
      %select_n3A_532 = arith.select %eq3A_10, %scan3A_184#24, %gather3A_531 : vector<16xi1>, vector<16xf32>
      %select_n3A_533 = arith.select %eq3A_10, %gather3A_525, %scan3A_184#25 : vector<16xi1>, vector<16xf32>
      %add3A_534 = arith.addf %select_n3A_532, %select_n3A_533 : vector<16xf32>
      %xor3A_535 = arith.constant 1 : i32
      %xor3A_536 = vector.broadcast %xor3A_535 : i32 to vector<16xi32>
      %xor3A_537 = arith.xori %iota3A, %xor3A_536 : vector<16xi32>
      %broadcast_in_dim3A_538 = vector.shape_cast %xor3A_537 : vector<16xi32> to vector<16x1xi32>
      %gather3A_539 = vector.shape_cast %broadcast_in_dim3A_538 : vector<16x1xi32> to vector<16xi32>
      %gather3A_540 = tpu.dynamic_gather %scan3A_184#26[%gather3A_539] in [0] : vector<16xf32>, vector<16xi32> -> vector<16xf32>
      %xor3A_541 = arith.constant 1 : i32
      %xor3A_542 = vector.broadcast %xor3A_541 : i32 to vector<16xi32>
      %xor3A_543 = arith.xori %iota3A, %xor3A_542 : vector<16xi32>
      %broadcast_in_dim3A_544 = vector.shape_cast %xor3A_543 : vector<16xi32> to vector<16x1xi32>
      %gather3A_545 = vector.shape_cast %broadcast_in_dim3A_544 : vector<16x1xi32> to vector<16xi32>
      %gather3A_546 = tpu.dynamic_gather %scan3A_184#27[%gather3A_545] in [0] : vector<16xf32>, vector<16xi32> -> vector<16xf32>
      %select_n3A_547 = arith.select %eq3A_10, %scan3A_184#26, %gather3A_546 : vector<16xi1>, vector<16xf32>
      %select_n3A_548 = arith.select %eq3A_10, %gather3A_540, %scan3A_184#27 : vector<16xi1>, vector<16xf32>
      %add3A_549 = arith.addf %select_n3A_547, %select_n3A_548 : vector<16xf32>
      %xor3A_550 = arith.constant 1 : i32
      %xor3A_551 = vector.broadcast %xor3A_550 : i32 to vector<16xi32>
      %xor3A_552 = arith.xori %iota3A, %xor3A_551 : vector<16xi32>
      %broadcast_in_dim3A_553 = vector.shape_cast %xor3A_552 : vector<16xi32> to vector<16x1xi32>
      %gather3A_554 = vector.shape_cast %broadcast_in_dim3A_553 : vector<16x1xi32> to vector<16xi32>
      %gather3A_555 = tpu.dynamic_gather %scan3A_184#28[%gather3A_554] in [0] : vector<16xf32>, vector<16xi32> -> vector<16xf32>
      %xor3A_556 = arith.constant 1 : i32
      %xor3A_557 = vector.broadcast %xor3A_556 : i32 to vector<16xi32>
      %xor3A_558 = arith.xori %iota3A, %xor3A_557 : vector<16xi32>
      %broadcast_in_dim3A_559 = vector.shape_cast %xor3A_558 : vector<16xi32> to vector<16x1xi32>
      %gather3A_560 = vector.shape_cast %broadcast_in_dim3A_559 : vector<16x1xi32> to vector<16xi32>
      %gather3A_561 = tpu.dynamic_gather %scan3A_184#29[%gather3A_560] in [0] : vector<16xf32>, vector<16xi32> -> vector<16xf32>
      %select_n3A_562 = arith.select %eq3A_10, %scan3A_184#28, %gather3A_561 : vector<16xi1>, vector<16xf32>
      %select_n3A_563 = arith.select %eq3A_10, %gather3A_555, %scan3A_184#29 : vector<16xi1>, vector<16xf32>
      %add3A_564 = arith.addf %select_n3A_562, %select_n3A_563 : vector<16xf32>
      %xor3A_565 = arith.constant 1 : i32
      %xor3A_566 = vector.broadcast %xor3A_565 : i32 to vector<16xi32>
      %xor3A_567 = arith.xori %iota3A, %xor3A_566 : vector<16xi32>
      %broadcast_in_dim3A_568 = vector.shape_cast %xor3A_567 : vector<16xi32> to vector<16x1xi32>
      %gather3A_569 = vector.shape_cast %broadcast_in_dim3A_568 : vector<16x1xi32> to vector<16xi32>
      %gather3A_570 = tpu.dynamic_gather %scan3A_184#30[%gather3A_569] in [0] : vector<16xf32>, vector<16xi32> -> vector<16xf32>
      %xor3A_571 = arith.constant 1 : i32
      %xor3A_572 = vector.broadcast %xor3A_571 : i32 to vector<16xi32>
      %xor3A_573 = arith.xori %iota3A, %xor3A_572 : vector<16xi32>
      %broadcast_in_dim3A_574 = vector.shape_cast %xor3A_573 : vector<16xi32> to vector<16x1xi32>
      %gather3A_575 = vector.shape_cast %broadcast_in_dim3A_574 : vector<16x1xi32> to vector<16xi32>
      %gather3A_576 = tpu.dynamic_gather %scan3A_184#31[%gather3A_575] in [0] : vector<16xf32>, vector<16xi32> -> vector<16xf32>
      %select_n3A_577 = arith.select %eq3A_10, %scan3A_184#30, %gather3A_576 : vector<16xi1>, vector<16xf32>
      %select_n3A_578 = arith.select %eq3A_10, %gather3A_570, %scan3A_184#31 : vector<16xi1>, vector<16xf32>
      %add3A_579 = arith.addf %select_n3A_577, %select_n3A_578 : vector<16xf32>
      %xor3A_580 = arith.constant 2 : i32
      %xor3A_581 = vector.broadcast %xor3A_580 : i32 to vector<16xi32>
      %xor3A_582 = arith.xori %iota3A, %xor3A_581 : vector<16xi32>
      %broadcast_in_dim3A_583 = vector.shape_cast %xor3A_582 : vector<16xi32> to vector<16x1xi32>
      %gather3A_584 = vector.shape_cast %broadcast_in_dim3A_583 : vector<16x1xi32> to vector<16xi32>
      %gather3A_585 = tpu.dynamic_gather %add3A_474[%gather3A_584] in [0] : vector<16xf32>, vector<16xi32> -> vector<16xf32>
      %xor3A_586 = arith.constant 2 : i32
      %xor3A_587 = vector.broadcast %xor3A_586 : i32 to vector<16xi32>
      %xor3A_588 = arith.xori %iota3A, %xor3A_587 : vector<16xi32>
      %broadcast_in_dim3A_589 = vector.shape_cast %xor3A_588 : vector<16xi32> to vector<16x1xi32>
      %gather3A_590 = vector.shape_cast %broadcast_in_dim3A_589 : vector<16x1xi32> to vector<16xi32>
      %gather3A_591 = tpu.dynamic_gather %add3A_489[%gather3A_590] in [0] : vector<16xf32>, vector<16xi32> -> vector<16xf32>
      %select_n3A_592 = arith.select %eq3A_16, %add3A_474, %gather3A_591 : vector<16xi1>, vector<16xf32>
      %select_n3A_593 = arith.select %eq3A_16, %gather3A_585, %add3A_489 : vector<16xi1>, vector<16xf32>
      %add3A_594 = arith.addf %select_n3A_592, %select_n3A_593 : vector<16xf32>
      %xor3A_595 = arith.constant 2 : i32
      %xor3A_596 = vector.broadcast %xor3A_595 : i32 to vector<16xi32>
      %xor3A_597 = arith.xori %iota3A, %xor3A_596 : vector<16xi32>
      %broadcast_in_dim3A_598 = vector.shape_cast %xor3A_597 : vector<16xi32> to vector<16x1xi32>
      %gather3A_599 = vector.shape_cast %broadcast_in_dim3A_598 : vector<16x1xi32> to vector<16xi32>
      %gather3A_600 = tpu.dynamic_gather %add3A_504[%gather3A_599] in [0] : vector<16xf32>, vector<16xi32> -> vector<16xf32>
      %xor3A_601 = arith.constant 2 : i32
      %xor3A_602 = vector.broadcast %xor3A_601 : i32 to vector<16xi32>
      %xor3A_603 = arith.xori %iota3A, %xor3A_602 : vector<16xi32>
      %broadcast_in_dim3A_604 = vector.shape_cast %xor3A_603 : vector<16xi32> to vector<16x1xi32>
      %gather3A_605 = vector.shape_cast %broadcast_in_dim3A_604 : vector<16x1xi32> to vector<16xi32>
      %gather3A_606 = tpu.dynamic_gather %add3A_519[%gather3A_605] in [0] : vector<16xf32>, vector<16xi32> -> vector<16xf32>
      %select_n3A_607 = arith.select %eq3A_16, %add3A_504, %gather3A_606 : vector<16xi1>, vector<16xf32>
      %select_n3A_608 = arith.select %eq3A_16, %gather3A_600, %add3A_519 : vector<16xi1>, vector<16xf32>
      %add3A_609 = arith.addf %select_n3A_607, %select_n3A_608 : vector<16xf32>
      %xor3A_610 = arith.constant 2 : i32
      %xor3A_611 = vector.broadcast %xor3A_610 : i32 to vector<16xi32>
      %xor3A_612 = arith.xori %iota3A, %xor3A_611 : vector<16xi32>
      %broadcast_in_dim3A_613 = vector.shape_cast %xor3A_612 : vector<16xi32> to vector<16x1xi32>
      %gather3A_614 = vector.shape_cast %broadcast_in_dim3A_613 : vector<16x1xi32> to vector<16xi32>
      %gather3A_615 = tpu.dynamic_gather %add3A_534[%gather3A_614] in [0] : vector<16xf32>, vector<16xi32> -> vector<16xf32>
      %xor3A_616 = arith.constant 2 : i32
      %xor3A_617 = vector.broadcast %xor3A_616 : i32 to vector<16xi32>
      %xor3A_618 = arith.xori %iota3A, %xor3A_617 : vector<16xi32>
      %broadcast_in_dim3A_619 = vector.shape_cast %xor3A_618 : vector<16xi32> to vector<16x1xi32>
      %gather3A_620 = vector.shape_cast %broadcast_in_dim3A_619 : vector<16x1xi32> to vector<16xi32>
      %gather3A_621 = tpu.dynamic_gather %add3A_549[%gather3A_620] in [0] : vector<16xf32>, vector<16xi32> -> vector<16xf32>
      %select_n3A_622 = arith.select %eq3A_16, %add3A_534, %gather3A_621 : vector<16xi1>, vector<16xf32>
      %select_n3A_623 = arith.select %eq3A_16, %gather3A_615, %add3A_549 : vector<16xi1>, vector<16xf32>
      %add3A_624 = arith.addf %select_n3A_622, %select_n3A_623 : vector<16xf32>
      %xor3A_625 = arith.constant 2 : i32
      %xor3A_626 = vector.broadcast %xor3A_625 : i32 to vector<16xi32>
      %xor3A_627 = arith.xori %iota3A, %xor3A_626 : vector<16xi32>
      %broadcast_in_dim3A_628 = vector.shape_cast %xor3A_627 : vector<16xi32> to vector<16x1xi32>
      %gather3A_629 = vector.shape_cast %broadcast_in_dim3A_628 : vector<16x1xi32> to vector<16xi32>
      %gather3A_630 = tpu.dynamic_gather %add3A_564[%gather3A_629] in [0] : vector<16xf32>, vector<16xi32> -> vector<16xf32>
      %xor3A_631 = arith.constant 2 : i32
      %xor3A_632 = vector.broadcast %xor3A_631 : i32 to vector<16xi32>
      %xor3A_633 = arith.xori %iota3A, %xor3A_632 : vector<16xi32>
      %broadcast_in_dim3A_634 = vector.shape_cast %xor3A_633 : vector<16xi32> to vector<16x1xi32>
      %gather3A_635 = vector.shape_cast %broadcast_in_dim3A_634 : vector<16x1xi32> to vector<16xi32>
      %gather3A_636 = tpu.dynamic_gather %add3A_579[%gather3A_635] in [0] : vector<16xf32>, vector<16xi32> -> vector<16xf32>
      %select_n3A_637 = arith.select %eq3A_16, %add3A_564, %gather3A_636 : vector<16xi1>, vector<16xf32>
      %select_n3A_638 = arith.select %eq3A_16, %gather3A_630, %add3A_579 : vector<16xi1>, vector<16xf32>
      %add3A_639 = arith.addf %select_n3A_637, %select_n3A_638 : vector<16xf32>
      %xor3A_640 = arith.constant 4 : i32
      %xor3A_641 = vector.broadcast %xor3A_640 : i32 to vector<16xi32>
      %xor3A_642 = arith.xori %iota3A, %xor3A_641 : vector<16xi32>
      %broadcast_in_dim3A_643 = vector.shape_cast %xor3A_642 : vector<16xi32> to vector<16x1xi32>
      %gather3A_644 = vector.shape_cast %broadcast_in_dim3A_643 : vector<16x1xi32> to vector<16xi32>
      %gather3A_645 = tpu.dynamic_gather %add3A_594[%gather3A_644] in [0] : vector<16xf32>, vector<16xi32> -> vector<16xf32>
      %xor3A_646 = arith.constant 4 : i32
      %xor3A_647 = vector.broadcast %xor3A_646 : i32 to vector<16xi32>
      %xor3A_648 = arith.xori %iota3A, %xor3A_647 : vector<16xi32>
      %broadcast_in_dim3A_649 = vector.shape_cast %xor3A_648 : vector<16xi32> to vector<16x1xi32>
      %gather3A_650 = vector.shape_cast %broadcast_in_dim3A_649 : vector<16x1xi32> to vector<16xi32>
      %gather3A_651 = tpu.dynamic_gather %add3A_609[%gather3A_650] in [0] : vector<16xf32>, vector<16xi32> -> vector<16xf32>
      %select_n3A_652 = arith.select %eq3A_22, %add3A_594, %gather3A_651 : vector<16xi1>, vector<16xf32>
      %select_n3A_653 = arith.select %eq3A_22, %gather3A_645, %add3A_609 : vector<16xi1>, vector<16xf32>
      %add3A_654 = arith.addf %select_n3A_652, %select_n3A_653 : vector<16xf32>
      %xor3A_655 = arith.constant 4 : i32
      %xor3A_656 = vector.broadcast %xor3A_655 : i32 to vector<16xi32>
      %xor3A_657 = arith.xori %iota3A, %xor3A_656 : vector<16xi32>
      %broadcast_in_dim3A_658 = vector.shape_cast %xor3A_657 : vector<16xi32> to vector<16x1xi32>
      %gather3A_659 = vector.shape_cast %broadcast_in_dim3A_658 : vector<16x1xi32> to vector<16xi32>
      %gather3A_660 = tpu.dynamic_gather %add3A_624[%gather3A_659] in [0] : vector<16xf32>, vector<16xi32> -> vector<16xf32>
      %xor3A_661 = arith.constant 4 : i32
      %xor3A_662 = vector.broadcast %xor3A_661 : i32 to vector<16xi32>
      %xor3A_663 = arith.xori %iota3A, %xor3A_662 : vector<16xi32>
      %broadcast_in_dim3A_664 = vector.shape_cast %xor3A_663 : vector<16xi32> to vector<16x1xi32>
      %gather3A_665 = vector.shape_cast %broadcast_in_dim3A_664 : vector<16x1xi32> to vector<16xi32>
      %gather3A_666 = tpu.dynamic_gather %add3A_639[%gather3A_665] in [0] : vector<16xf32>, vector<16xi32> -> vector<16xf32>
      %select_n3A_667 = arith.select %eq3A_22, %add3A_624, %gather3A_666 : vector<16xi1>, vector<16xf32>
      %select_n3A_668 = arith.select %eq3A_22, %gather3A_660, %add3A_639 : vector<16xi1>, vector<16xf32>
      %add3A_669 = arith.addf %select_n3A_667, %select_n3A_668 : vector<16xf32>
      %xor3A_670 = arith.constant 8 : i32
      %xor3A_671 = vector.broadcast %xor3A_670 : i32 to vector<16xi32>
      %xor3A_672 = arith.xori %iota3A, %xor3A_671 : vector<16xi32>
      %broadcast_in_dim3A_673 = vector.shape_cast %xor3A_672 : vector<16xi32> to vector<16x1xi32>
      %gather3A_674 = vector.shape_cast %broadcast_in_dim3A_673 : vector<16x1xi32> to vector<16xi32>
      %gather3A_675 = tpu.dynamic_gather %add3A_654[%gather3A_674] in [0] : vector<16xf32>, vector<16xi32> -> vector<16xf32>
      %xor3A_676 = arith.constant 8 : i32
      %xor3A_677 = vector.broadcast %xor3A_676 : i32 to vector<16xi32>
      %xor3A_678 = arith.xori %iota3A, %xor3A_677 : vector<16xi32>
      %broadcast_in_dim3A_679 = vector.shape_cast %xor3A_678 : vector<16xi32> to vector<16x1xi32>
      %gather3A_680 = vector.shape_cast %broadcast_in_dim3A_679 : vector<16x1xi32> to vector<16xi32>
      %gather3A_681 = tpu.dynamic_gather %add3A_669[%gather3A_680] in [0] : vector<16xf32>, vector<16xi32> -> vector<16xf32>
      %select_n3A_682 = arith.select %eq3A_28, %add3A_654, %gather3A_681 : vector<16xi1>, vector<16xf32>
      %select_n3A_683 = arith.select %eq3A_28, %gather3A_675, %add3A_669 : vector<16xi1>, vector<16xf32>
      %add3A_684 = arith.addf %select_n3A_682, %select_n3A_683 : vector<16xf32>
      %add3A_685 = arith.addf %add3A_684, %get3A_6 : vector<16xf32>
      %xor3A_686 = arith.constant 4 : i32
      %xor3A_687 = vector.broadcast %xor3A_686 : i32 to vector<16xi32>
      %xor3A_688 = arith.xori %iota3A, %xor3A_687 : vector<16xi32>
      %broadcast_in_dim3A_689 = vector.shape_cast %xor3A_688 : vector<16xi32> to vector<16x1xi32>
      %gather3A_690 = vector.shape_cast %broadcast_in_dim3A_689 : vector<16x1xi32> to vector<16xi32>
      %gather3A_691 = tpu.dynamic_gather %add3A_685[%gather3A_690] in [0] : vector<16xf32>, vector<16xi32> -> vector<16xf32>
      %max3A_692 = arith.maximumf %add3A_685, %gather3A_691 : vector<16xf32>
      %xor3A_693 = arith.constant 2 : i32
      %xor3A_694 = vector.broadcast %xor3A_693 : i32 to vector<16xi32>
      %xor3A_695 = arith.xori %iota3A, %xor3A_694 : vector<16xi32>
      %broadcast_in_dim3A_696 = vector.shape_cast %xor3A_695 : vector<16xi32> to vector<16x1xi32>
      %gather3A_697 = vector.shape_cast %broadcast_in_dim3A_696 : vector<16x1xi32> to vector<16xi32>
      %gather3A_698 = tpu.dynamic_gather %max3A_692[%gather3A_697] in [0] : vector<16xf32>, vector<16xi32> -> vector<16xf32>
      %max3A_699 = arith.maximumf %max3A_692, %gather3A_698 : vector<16xf32>
      %xor3A_700 = arith.constant 1 : i32
      %xor3A_701 = vector.broadcast %xor3A_700 : i32 to vector<16xi32>
      %xor3A_702 = arith.xori %iota3A, %xor3A_701 : vector<16xi32>
      %broadcast_in_dim3A_703 = vector.shape_cast %xor3A_702 : vector<16xi32> to vector<16x1xi32>
      %gather3A_704 = vector.shape_cast %broadcast_in_dim3A_703 : vector<16x1xi32> to vector<16xi32>
      %gather3A_705 = tpu.dynamic_gather %max3A_699[%gather3A_704] in [0] : vector<16xf32>, vector<16xi32> -> vector<16xf32>
      %max3A_706 = arith.maximumf %max3A_699, %gather3A_705 : vector<16xf32>
      %sub3A_707 = arith.subf %add3A_685, %max3A_706 : vector<16xf32>
      %exp3A_708 = math.exp %sub3A_707 : vector<16xf32>
      %xor3A_709 = arith.constant 4 : i32
      %xor3A_710 = vector.broadcast %xor3A_709 : i32 to vector<16xi32>
      %xor3A_711 = arith.xori %iota3A, %xor3A_710 : vector<16xi32>
      %broadcast_in_dim3A_712 = vector.shape_cast %xor3A_711 : vector<16xi32> to vector<16x1xi32>
      %gather3A_713 = vector.shape_cast %broadcast_in_dim3A_712 : vector<16x1xi32> to vector<16xi32>
      %gather3A_714 = tpu.dynamic_gather %exp3A_708[%gather3A_713] in [0] : vector<16xf32>, vector<16xi32> -> vector<16xf32>
      %add3A_715 = arith.addf %exp3A_708, %gather3A_714 : vector<16xf32>
      %xor3A_716 = arith.constant 2 : i32
      %xor3A_717 = vector.broadcast %xor3A_716 : i32 to vector<16xi32>
      %xor3A_718 = arith.xori %iota3A, %xor3A_717 : vector<16xi32>
      %broadcast_in_dim3A_719 = vector.shape_cast %xor3A_718 : vector<16xi32> to vector<16x1xi32>
      %gather3A_720 = vector.shape_cast %broadcast_in_dim3A_719 : vector<16x1xi32> to vector<16xi32>
      %gather3A_721 = tpu.dynamic_gather %add3A_715[%gather3A_720] in [0] : vector<16xf32>, vector<16xi32> -> vector<16xf32>
      %add3A_722 = arith.addf %add3A_715, %gather3A_721 : vector<16xf32>
      %xor3A_723 = arith.constant 1 : i32
      %xor3A_724 = vector.broadcast %xor3A_723 : i32 to vector<16xi32>
      %xor3A_725 = arith.xori %iota3A, %xor3A_724 : vector<16xi32>
      %broadcast_in_dim3A_726 = vector.shape_cast %xor3A_725 : vector<16xi32> to vector<16x1xi32>
      %gather3A_727 = vector.shape_cast %broadcast_in_dim3A_726 : vector<16x1xi32> to vector<16xi32>
      %gather3A_728 = tpu.dynamic_gather %add3A_722[%gather3A_727] in [0] : vector<16xf32>, vector<16xi32> -> vector<16xf32>
      %add3A_729 = arith.addf %add3A_722, %gather3A_728 : vector<16xf32>
      %div3A_730 = arith.divf %exp3A_708, %add3A_729 : vector<16xf32>
      %add3A_731 = arith.constant 192 : i32
      %add3A_732 = arith.addi %add3A_731, %mul3A_116 : i32
      %add3A_733 = arith.constant 2 : i32
      %add3A_734 = arith.addi %add3A_732, %add3A_733 : i32
      %mul3A_735 = arith.constant 8 : i32
      %mul3A_736 = arith.muli %add3A_734, %mul3A_735 : i32
      %swap3A_737 = arith.index_cast %mul3A_736 : i32 to index
      %swap3A_738 = tpu.vector_load %arg10[%swap3A_737] {strides = array<i32>} : memref<2048xf32, #tpu.memory_space<vmem>>, vector<16xf32>,
      %swap3A_739 = vector.shape_cast %swap3A_738 : vector<16xf32> to vector<16xf32>
      %swap3A_740 = vector.shape_cast %div3A_730 : vector<16xf32> to vector<16xf32>
      tpu.vector_store %arg10[%swap3A_737], %swap3A_740 {strides = array<i32>} : memref<2048xf32, #tpu.memory_space<vmem>>, vector<16xf32>,
      %scan3A_741 = arith.constant 0 : i32
      scf.yield %scan3A_741 : i32
    }
    %scan3A_108 = arith.constant 16 : i32
    %sub3A = arith.constant 24576 : i32
    %sub3A_109 = arith.subi %add3A_4, %sub3A : i32
    %mul3A_110 = arith.constant 8 : i32
    %mul3A_111 = arith.muli %sub3A_109, %mul3A_110 : i32
    %multiple_of3A_112 = tpu.assume_multiple %mul3A_111, 8 : i32
    "tpu.region"() ({
      %run_scoped3A = tpu.sem_alloc : memref<!tpu.dma_semaphore, #tpu.memory_space<semaphore_mem>>
      %dma_start3A_113 = tpu.memref_slice %arg5[%multiple_of3A_112] : memref<65536xf32, #tpu.memory_space<hbm>> -> memref<2048xf32, #tpu.memory_space<hbm>>
      %dma_start3A_114 = tpu.memref_slice %arg5[%multiple_of3A_112] : memref<65536xf32, #tpu.memory_space<hbm>> -> memref<2048xf32, #tpu.memory_space<hbm>>
      tpu.enqueue_dma source(%arg10 : memref<2048xf32, #tpu.memory_space<vmem>>) target(%dma_start3A_114 : memref<2048xf32, #tpu.memory_space<hbm>>) target_semaphore(%run_scoped3A : memref<!tpu.dma_semaphore, #tpu.memory_space<semaphore_mem>>)
      %dma_wait3A_115 = tpu.memref_slice %arg5[%multiple_of3A_112] : memref<65536xf32, #tpu.memory_space<hbm>> -> memref<2048xf32, #tpu.memory_space<hbm>>
      %dma_wait3A_116 = tpu.memref_slice %arg5[%multiple_of3A_112] : memref<65536xf32, #tpu.memory_space<hbm>> -> memref<2048xf32, #tpu.memory_space<hbm>>
      tpu.wait_dma2 semaphore(%run_scoped3A : memref<!tpu.dma_semaphore, #tpu.memory_space<semaphore_mem>>) src(%arg10 : memref<2048xf32, #tpu.memory_space<vmem>>) dst(%dma_wait3A_116 : memref<2048xf32, #tpu.memory_space<hbm>>)
      tpu.yield
    }) : () -> ()
    return
  }
}

module attributes {stable_mosaic.version = 14 : i64} {
  func.func @_tc_body(%arg0: memref<32768x768xf32, #tpu.memory_space<hbm>>, %arg1: memref<768x8xf32, #tpu.memory_space<vmem>>, %arg2: memref<1x8xf32, #tpu.memory_space<vmem>>, %arg3: memref<32768x8xf32, #tpu.memory_space<vmem>>, %arg4: memref<2048x768xf32, #tpu.memory_space<vmem>>, %arg5: memref<2048x768xf32, #tpu.memory_space<vmem>>, %arg6: memref<2048x768xf32, #tpu.memory_space<vmem>>, %arg7: memref<2048x768xf32, #tpu.memory_space<vmem>>, %arg8: memref<!tpu.dma_semaphore, #tpu.memory_space<semaphore_mem>>, %arg9: memref<!tpu.dma_semaphore, #tpu.memory_space<semaphore_mem>>, %arg10: memref<!tpu.dma_semaphore, #tpu.memory_space<semaphore_mem>>, %arg11: memref<!tpu.dma_semaphore, #tpu.memory_space<semaphore_mem>>) attributes {dimension_semantics = [], scalar_prefetch = 0 : i64, scratch_operands = 8 : i64, tpu.core_type = #tpu.core_type<tc>} {
    %dma_start3A = arith.constant 0 : i32
    %dma_start3A_0 = arith.constant 0 : i32
    %dma_start3A_1 = tpu.memref_slice %arg0[%dma_start3A, %dma_start3A_0] : memref<32768x768xf32, #tpu.memory_space<hbm>> -> memref<2048x768xf32, #tpu.memory_space<hbm>>
    tpu.enqueue_dma source(%dma_start3A_1 : memref<2048x768xf32, #tpu.memory_space<hbm>>) target(%arg4 : memref<2048x768xf32, #tpu.memory_space<vmem>>) target_semaphore(%arg8 : memref<!tpu.dma_semaphore, #tpu.memory_space<semaphore_mem>>)
    %dma_start3A_2 = arith.constant 2048 : i32
    %dma_start3A_3 = arith.constant 0 : i32
    %dma_start3A_4 = tpu.memref_slice %arg0[%dma_start3A_2, %dma_start3A_3] : memref<32768x768xf32, #tpu.memory_space<hbm>> -> memref<2048x768xf32, #tpu.memory_space<hbm>>
    tpu.enqueue_dma source(%dma_start3A_4 : memref<2048x768xf32, #tpu.memory_space<hbm>>) target(%arg5 : memref<2048x768xf32, #tpu.memory_space<vmem>>) target_semaphore(%arg9 : memref<!tpu.dma_semaphore, #tpu.memory_space<semaphore_mem>>)
    %dma_start3A_5 = arith.constant 4096 : i32
    %dma_start3A_6 = arith.constant 0 : i32
    %dma_start3A_7 = tpu.memref_slice %arg0[%dma_start3A_5, %dma_start3A_6] : memref<32768x768xf32, #tpu.memory_space<hbm>> -> memref<2048x768xf32, #tpu.memory_space<hbm>>
    tpu.enqueue_dma source(%dma_start3A_7 : memref<2048x768xf32, #tpu.memory_space<hbm>>) target(%arg6 : memref<2048x768xf32, #tpu.memory_space<vmem>>) target_semaphore(%arg10 : memref<!tpu.dma_semaphore, #tpu.memory_space<semaphore_mem>>)
    %dma_start3A_8 = arith.constant 6144 : i32
    %dma_start3A_9 = arith.constant 0 : i32
    %dma_start3A_10 = tpu.memref_slice %arg0[%dma_start3A_8, %dma_start3A_9] : memref<32768x768xf32, #tpu.memory_space<hbm>> -> memref<2048x768xf32, #tpu.memory_space<hbm>>
    tpu.enqueue_dma source(%dma_start3A_10 : memref<2048x768xf32, #tpu.memory_space<hbm>>) target(%arg7 : memref<2048x768xf32, #tpu.memory_space<vmem>>) target_semaphore(%arg11 : memref<!tpu.dma_semaphore, #tpu.memory_space<semaphore_mem>>)
    %dma_wait3A = arith.constant 0 : i32
    %dma_wait3A_11 = arith.constant 0 : i32
    %dma_wait3A_12 = tpu.memref_slice %arg0[%dma_wait3A, %dma_wait3A_11] : memref<32768x768xf32, #tpu.memory_space<hbm>> -> memref<2048x768xf32, #tpu.memory_space<hbm>>
    tpu.wait_dma2 semaphore(%arg8 : memref<!tpu.dma_semaphore, #tpu.memory_space<semaphore_mem>>) src(%dma_wait3A_12 : memref<2048x768xf32, #tpu.memory_space<hbm>>) dst(%arg4 : memref<2048x768xf32, #tpu.memory_space<vmem>>)
    %get3A = arith.constant 0 : index
    %get3A_13 = arith.constant 0 : index
    %get3A_14 = vector.load %arg4[%get3A, %get3A_13] : memref<2048x768xf32, #tpu.memory_space<vmem>>, vector<2048x768xf32>
    %get3A_15 = arith.constant 0 : index
    %get3A_16 = arith.constant 0 : index
    %get3A_17 = vector.load %arg1[%get3A_15, %get3A_16] : memref<768x8xf32, #tpu.memory_space<vmem>>, vector<768x8xf32>
    %dot_general3A = arith.constant dense<0.000000e+00> : vector<2048x8xf32>
    %dot_general3A_18 = tpu.matmul %get3A_14, %get3A_17, %dot_general3A {dimension_numbers = #tpu.dot_dimension_numbers<[1], [0], [0], [1], [0, 0, 1, 1], [], []>, transpose_lhs_hint = false} : vector<2048x768xf32>, vector<768x8xf32>, vector<2048x8xf32> -> vector<2048x8xf32>
    %get3A_19 = arith.constant 0 : index
    %get3A_20 = arith.constant 0 : index
    %get3A_21 = vector.load %arg2[%get3A_19, %get3A_20] : memref<1x8xf32, #tpu.memory_space<vmem>>, vector<1x8xf32>
    %add3A = vector.broadcast %get3A_21 : vector<1x8xf32> to vector<2048x8xf32>
    %add3A_22 = arith.addf %dot_general3A_18, %add3A : vector<2048x8xf32>
    %reduce_max3A = arith.constant dense<0xFF800000> : vector<2048xf32>
    %reduce_max3A_23 = vector.multi_reduction <maximumf>, %add3A_22, %reduce_max3A [1] : vector<2048x8xf32> to vector<2048xf32>
    %broadcast_in_dim3A = vector.shape_cast %reduce_max3A_23 : vector<2048xf32> to vector<2048x1xf32>
    %sub3A = vector.broadcast %broadcast_in_dim3A : vector<2048x1xf32> to vector<2048x8xf32>
    %sub3A_24 = arith.subf %add3A_22, %sub3A : vector<2048x8xf32>
    %exp3A = math.exp %sub3A_24 : vector<2048x8xf32>
    %reduce_sum3A = arith.constant dense<0.000000e+00> : vector<2048xf32>
    %reduce_sum3A_25 = vector.multi_reduction <add>, %exp3A, %reduce_sum3A [1] : vector<2048x8xf32> to vector<2048xf32>
    %broadcast_in_dim3A_26 = vector.shape_cast %reduce_sum3A_25 : vector<2048xf32> to vector<2048x1xf32>
    %div3A = vector.broadcast %broadcast_in_dim3A_26 : vector<2048x1xf32> to vector<2048x8xf32>
    %div3A_27 = arith.divf %exp3A, %div3A : vector<2048x8xf32>
    %swap3A = arith.constant 0 : index
    %swap3A_28 = arith.constant 0 : index
    %swap3A_29 = vector.load %arg3[%swap3A, %swap3A_28] : memref<32768x8xf32, #tpu.memory_space<vmem>>, vector<2048x8xf32>
    tpu.vector_store %arg3[%swap3A, %swap3A_28], %div3A_27 {strides = array<i32>} : memref<32768x8xf32, #tpu.memory_space<vmem>>, vector<2048x8xf32>,
    %dma_start3A_30 = arith.constant 8192 : i32
    %dma_start3A_31 = arith.constant 0 : i32
    %dma_start3A_32 = tpu.memref_slice %arg0[%dma_start3A_30, %dma_start3A_31] : memref<32768x768xf32, #tpu.memory_space<hbm>> -> memref<2048x768xf32, #tpu.memory_space<hbm>>
    tpu.enqueue_dma source(%dma_start3A_32 : memref<2048x768xf32, #tpu.memory_space<hbm>>) target(%arg4 : memref<2048x768xf32, #tpu.memory_space<vmem>>) target_semaphore(%arg8 : memref<!tpu.dma_semaphore, #tpu.memory_space<semaphore_mem>>)
    %dma_wait3A_33 = arith.constant 2048 : i32
    %dma_wait3A_34 = arith.constant 0 : i32
    %dma_wait3A_35 = tpu.memref_slice %arg0[%dma_wait3A_33, %dma_wait3A_34] : memref<32768x768xf32, #tpu.memory_space<hbm>> -> memref<2048x768xf32, #tpu.memory_space<hbm>>
    tpu.wait_dma2 semaphore(%arg9 : memref<!tpu.dma_semaphore, #tpu.memory_space<semaphore_mem>>) src(%dma_wait3A_35 : memref<2048x768xf32, #tpu.memory_space<hbm>>) dst(%arg5 : memref<2048x768xf32, #tpu.memory_space<vmem>>)
    %get3A_36 = arith.constant 0 : index
    %get3A_37 = arith.constant 0 : index
    %get3A_38 = vector.load %arg5[%get3A_36, %get3A_37] : memref<2048x768xf32, #tpu.memory_space<vmem>>, vector<2048x768xf32>
    %get3A_39 = arith.constant 0 : index
    %get3A_40 = arith.constant 0 : index
    %get3A_41 = vector.load %arg1[%get3A_39, %get3A_40] : memref<768x8xf32, #tpu.memory_space<vmem>>, vector<768x8xf32>
    %dot_general3A_42 = arith.constant dense<0.000000e+00> : vector<2048x8xf32>
    %dot_general3A_43 = tpu.matmul %get3A_38, %get3A_41, %dot_general3A_42 {dimension_numbers = #tpu.dot_dimension_numbers<[1], [0], [0], [1], [0, 0, 1, 1], [], []>, transpose_lhs_hint = false} : vector<2048x768xf32>, vector<768x8xf32>, vector<2048x8xf32> -> vector<2048x8xf32>
    %get3A_44 = arith.constant 0 : index
    %get3A_45 = arith.constant 0 : index
    %get3A_46 = vector.load %arg2[%get3A_44, %get3A_45] : memref<1x8xf32, #tpu.memory_space<vmem>>, vector<1x8xf32>
    %add3A_47 = vector.broadcast %get3A_46 : vector<1x8xf32> to vector<2048x8xf32>
    %add3A_48 = arith.addf %dot_general3A_43, %add3A_47 : vector<2048x8xf32>
    %reduce_max3A_49 = arith.constant dense<0xFF800000> : vector<2048xf32>
    %reduce_max3A_50 = vector.multi_reduction <maximumf>, %add3A_48, %reduce_max3A_49 [1] : vector<2048x8xf32> to vector<2048xf32>
    %broadcast_in_dim3A_51 = vector.shape_cast %reduce_max3A_50 : vector<2048xf32> to vector<2048x1xf32>
    %sub3A_52 = vector.broadcast %broadcast_in_dim3A_51 : vector<2048x1xf32> to vector<2048x8xf32>
    %sub3A_53 = arith.subf %add3A_48, %sub3A_52 : vector<2048x8xf32>
    %exp3A_54 = math.exp %sub3A_53 : vector<2048x8xf32>
    %reduce_sum3A_55 = arith.constant dense<0.000000e+00> : vector<2048xf32>
    %reduce_sum3A_56 = vector.multi_reduction <add>, %exp3A_54, %reduce_sum3A_55 [1] : vector<2048x8xf32> to vector<2048xf32>
    %broadcast_in_dim3A_57 = vector.shape_cast %reduce_sum3A_56 : vector<2048xf32> to vector<2048x1xf32>
    %div3A_58 = vector.broadcast %broadcast_in_dim3A_57 : vector<2048x1xf32> to vector<2048x8xf32>
    %div3A_59 = arith.divf %exp3A_54, %div3A_58 : vector<2048x8xf32>
    %swap3A_60 = arith.constant 2048 : index
    %swap3A_61 = arith.constant 0 : index
    %swap3A_62 = vector.load %arg3[%swap3A_60, %swap3A_61] : memref<32768x8xf32, #tpu.memory_space<vmem>>, vector<2048x8xf32>
    tpu.vector_store %arg3[%swap3A_60, %swap3A_61], %div3A_59 {strides = array<i32>} : memref<32768x8xf32, #tpu.memory_space<vmem>>, vector<2048x8xf32>,
    %dma_start3A_63 = arith.constant 10240 : i32
    %dma_start3A_64 = arith.constant 0 : i32
    %dma_start3A_65 = tpu.memref_slice %arg0[%dma_start3A_63, %dma_start3A_64] : memref<32768x768xf32, #tpu.memory_space<hbm>> -> memref<2048x768xf32, #tpu.memory_space<hbm>>
    tpu.enqueue_dma source(%dma_start3A_65 : memref<2048x768xf32, #tpu.memory_space<hbm>>) target(%arg5 : memref<2048x768xf32, #tpu.memory_space<vmem>>) target_semaphore(%arg9 : memref<!tpu.dma_semaphore, #tpu.memory_space<semaphore_mem>>)
    %dma_wait3A_66 = arith.constant 4096 : i32
    %dma_wait3A_67 = arith.constant 0 : i32
    %dma_wait3A_68 = tpu.memref_slice %arg0[%dma_wait3A_66, %dma_wait3A_67] : memref<32768x768xf32, #tpu.memory_space<hbm>> -> memref<2048x768xf32, #tpu.memory_space<hbm>>
    tpu.wait_dma2 semaphore(%arg10 : memref<!tpu.dma_semaphore, #tpu.memory_space<semaphore_mem>>) src(%dma_wait3A_68 : memref<2048x768xf32, #tpu.memory_space<hbm>>) dst(%arg6 : memref<2048x768xf32, #tpu.memory_space<vmem>>)
    %get3A_69 = arith.constant 0 : index
    %get3A_70 = arith.constant 0 : index
    %get3A_71 = vector.load %arg6[%get3A_69, %get3A_70] : memref<2048x768xf32, #tpu.memory_space<vmem>>, vector<2048x768xf32>
    %get3A_72 = arith.constant 0 : index
    %get3A_73 = arith.constant 0 : index
    %get3A_74 = vector.load %arg1[%get3A_72, %get3A_73] : memref<768x8xf32, #tpu.memory_space<vmem>>, vector<768x8xf32>
    %dot_general3A_75 = arith.constant dense<0.000000e+00> : vector<2048x8xf32>
    %dot_general3A_76 = tpu.matmul %get3A_71, %get3A_74, %dot_general3A_75 {dimension_numbers = #tpu.dot_dimension_numbers<[1], [0], [0], [1], [0, 0, 1, 1], [], []>, transpose_lhs_hint = false} : vector<2048x768xf32>, vector<768x8xf32>, vector<2048x8xf32> -> vector<2048x8xf32>
    %get3A_77 = arith.constant 0 : index
    %get3A_78 = arith.constant 0 : index
    %get3A_79 = vector.load %arg2[%get3A_77, %get3A_78] : memref<1x8xf32, #tpu.memory_space<vmem>>, vector<1x8xf32>
    %add3A_80 = vector.broadcast %get3A_79 : vector<1x8xf32> to vector<2048x8xf32>
    %add3A_81 = arith.addf %dot_general3A_76, %add3A_80 : vector<2048x8xf32>
    %reduce_max3A_82 = arith.constant dense<0xFF800000> : vector<2048xf32>
    %reduce_max3A_83 = vector.multi_reduction <maximumf>, %add3A_81, %reduce_max3A_82 [1] : vector<2048x8xf32> to vector<2048xf32>
    %broadcast_in_dim3A_84 = vector.shape_cast %reduce_max3A_83 : vector<2048xf32> to vector<2048x1xf32>
    %sub3A_85 = vector.broadcast %broadcast_in_dim3A_84 : vector<2048x1xf32> to vector<2048x8xf32>
    %sub3A_86 = arith.subf %add3A_81, %sub3A_85 : vector<2048x8xf32>
    %exp3A_87 = math.exp %sub3A_86 : vector<2048x8xf32>
    %reduce_sum3A_88 = arith.constant dense<0.000000e+00> : vector<2048xf32>
    %reduce_sum3A_89 = vector.multi_reduction <add>, %exp3A_87, %reduce_sum3A_88 [1] : vector<2048x8xf32> to vector<2048xf32>
    %broadcast_in_dim3A_90 = vector.shape_cast %reduce_sum3A_89 : vector<2048xf32> to vector<2048x1xf32>
    %div3A_91 = vector.broadcast %broadcast_in_dim3A_90 : vector<2048x1xf32> to vector<2048x8xf32>
    %div3A_92 = arith.divf %exp3A_87, %div3A_91 : vector<2048x8xf32>
    %swap3A_93 = arith.constant 4096 : index
    %swap3A_94 = arith.constant 0 : index
    %swap3A_95 = vector.load %arg3[%swap3A_93, %swap3A_94] : memref<32768x8xf32, #tpu.memory_space<vmem>>, vector<2048x8xf32>
    tpu.vector_store %arg3[%swap3A_93, %swap3A_94], %div3A_92 {strides = array<i32>} : memref<32768x8xf32, #tpu.memory_space<vmem>>, vector<2048x8xf32>,
    %dma_start3A_96 = arith.constant 12288 : i32
    %dma_start3A_97 = arith.constant 0 : i32
    %dma_start3A_98 = tpu.memref_slice %arg0[%dma_start3A_96, %dma_start3A_97] : memref<32768x768xf32, #tpu.memory_space<hbm>> -> memref<2048x768xf32, #tpu.memory_space<hbm>>
    tpu.enqueue_dma source(%dma_start3A_98 : memref<2048x768xf32, #tpu.memory_space<hbm>>) target(%arg6 : memref<2048x768xf32, #tpu.memory_space<vmem>>) target_semaphore(%arg10 : memref<!tpu.dma_semaphore, #tpu.memory_space<semaphore_mem>>)
    %dma_wait3A_99 = arith.constant 6144 : i32
    %dma_wait3A_100 = arith.constant 0 : i32
    %dma_wait3A_101 = tpu.memref_slice %arg0[%dma_wait3A_99, %dma_wait3A_100] : memref<32768x768xf32, #tpu.memory_space<hbm>> -> memref<2048x768xf32, #tpu.memory_space<hbm>>
    tpu.wait_dma2 semaphore(%arg11 : memref<!tpu.dma_semaphore, #tpu.memory_space<semaphore_mem>>) src(%dma_wait3A_101 : memref<2048x768xf32, #tpu.memory_space<hbm>>) dst(%arg7 : memref<2048x768xf32, #tpu.memory_space<vmem>>)
    %get3A_102 = arith.constant 0 : index
    %get3A_103 = arith.constant 0 : index
    %get3A_104 = vector.load %arg7[%get3A_102, %get3A_103] : memref<2048x768xf32, #tpu.memory_space<vmem>>, vector<2048x768xf32>
    %get3A_105 = arith.constant 0 : index
    %get3A_106 = arith.constant 0 : index
    %get3A_107 = vector.load %arg1[%get3A_105, %get3A_106] : memref<768x8xf32, #tpu.memory_space<vmem>>, vector<768x8xf32>
    %dot_general3A_108 = arith.constant dense<0.000000e+00> : vector<2048x8xf32>
    %dot_general3A_109 = tpu.matmul %get3A_104, %get3A_107, %dot_general3A_108 {dimension_numbers = #tpu.dot_dimension_numbers<[1], [0], [0], [1], [0, 0, 1, 1], [], []>, transpose_lhs_hint = false} : vector<2048x768xf32>, vector<768x8xf32>, vector<2048x8xf32> -> vector<2048x8xf32>
    %get3A_110 = arith.constant 0 : index
    %get3A_111 = arith.constant 0 : index
    %get3A_112 = vector.load %arg2[%get3A_110, %get3A_111] : memref<1x8xf32, #tpu.memory_space<vmem>>, vector<1x8xf32>
    %add3A_113 = vector.broadcast %get3A_112 : vector<1x8xf32> to vector<2048x8xf32>
    %add3A_114 = arith.addf %dot_general3A_109, %add3A_113 : vector<2048x8xf32>
    %reduce_max3A_115 = arith.constant dense<0xFF800000> : vector<2048xf32>
    %reduce_max3A_116 = vector.multi_reduction <maximumf>, %add3A_114, %reduce_max3A_115 [1] : vector<2048x8xf32> to vector<2048xf32>
    %broadcast_in_dim3A_117 = vector.shape_cast %reduce_max3A_116 : vector<2048xf32> to vector<2048x1xf32>
    %sub3A_118 = vector.broadcast %broadcast_in_dim3A_117 : vector<2048x1xf32> to vector<2048x8xf32>
    %sub3A_119 = arith.subf %add3A_114, %sub3A_118 : vector<2048x8xf32>
    %exp3A_120 = math.exp %sub3A_119 : vector<2048x8xf32>
    %reduce_sum3A_121 = arith.constant dense<0.000000e+00> : vector<2048xf32>
    %reduce_sum3A_122 = vector.multi_reduction <add>, %exp3A_120, %reduce_sum3A_121 [1] : vector<2048x8xf32> to vector<2048xf32>
    %broadcast_in_dim3A_123 = vector.shape_cast %reduce_sum3A_122 : vector<2048xf32> to vector<2048x1xf32>
    %div3A_124 = vector.broadcast %broadcast_in_dim3A_123 : vector<2048x1xf32> to vector<2048x8xf32>
    %div3A_125 = arith.divf %exp3A_120, %div3A_124 : vector<2048x8xf32>
    %swap3A_126 = arith.constant 6144 : index
    %swap3A_127 = arith.constant 0 : index
    %swap3A_128 = vector.load %arg3[%swap3A_126, %swap3A_127] : memref<32768x8xf32, #tpu.memory_space<vmem>>, vector<2048x8xf32>
    tpu.vector_store %arg3[%swap3A_126, %swap3A_127], %div3A_125 {strides = array<i32>} : memref<32768x8xf32, #tpu.memory_space<vmem>>, vector<2048x8xf32>,
    %dma_start3A_129 = arith.constant 14336 : i32
    %dma_start3A_130 = arith.constant 0 : i32
    %dma_start3A_131 = tpu.memref_slice %arg0[%dma_start3A_129, %dma_start3A_130] : memref<32768x768xf32, #tpu.memory_space<hbm>> -> memref<2048x768xf32, #tpu.memory_space<hbm>>
    tpu.enqueue_dma source(%dma_start3A_131 : memref<2048x768xf32, #tpu.memory_space<hbm>>) target(%arg7 : memref<2048x768xf32, #tpu.memory_space<vmem>>) target_semaphore(%arg11 : memref<!tpu.dma_semaphore, #tpu.memory_space<semaphore_mem>>)
    %dma_wait3A_132 = arith.constant 8192 : i32
    %dma_wait3A_133 = arith.constant 0 : i32
    %dma_wait3A_134 = tpu.memref_slice %arg0[%dma_wait3A_132, %dma_wait3A_133] : memref<32768x768xf32, #tpu.memory_space<hbm>> -> memref<2048x768xf32, #tpu.memory_space<hbm>>
    tpu.wait_dma2 semaphore(%arg8 : memref<!tpu.dma_semaphore, #tpu.memory_space<semaphore_mem>>) src(%dma_wait3A_134 : memref<2048x768xf32, #tpu.memory_space<hbm>>) dst(%arg4 : memref<2048x768xf32, #tpu.memory_space<vmem>>)
    %get3A_135 = arith.constant 0 : index
    %get3A_136 = arith.constant 0 : index
    %get3A_137 = vector.load %arg4[%get3A_135, %get3A_136] : memref<2048x768xf32, #tpu.memory_space<vmem>>, vector<2048x768xf32>
    %get3A_138 = arith.constant 0 : index
    %get3A_139 = arith.constant 0 : index
    %get3A_140 = vector.load %arg1[%get3A_138, %get3A_139] : memref<768x8xf32, #tpu.memory_space<vmem>>, vector<768x8xf32>
    %dot_general3A_141 = arith.constant dense<0.000000e+00> : vector<2048x8xf32>
    %dot_general3A_142 = tpu.matmul %get3A_137, %get3A_140, %dot_general3A_141 {dimension_numbers = #tpu.dot_dimension_numbers<[1], [0], [0], [1], [0, 0, 1, 1], [], []>, transpose_lhs_hint = false} : vector<2048x768xf32>, vector<768x8xf32>, vector<2048x8xf32> -> vector<2048x8xf32>
    %get3A_143 = arith.constant 0 : index
    %get3A_144 = arith.constant 0 : index
    %get3A_145 = vector.load %arg2[%get3A_143, %get3A_144] : memref<1x8xf32, #tpu.memory_space<vmem>>, vector<1x8xf32>
    %add3A_146 = vector.broadcast %get3A_145 : vector<1x8xf32> to vector<2048x8xf32>
    %add3A_147 = arith.addf %dot_general3A_142, %add3A_146 : vector<2048x8xf32>
    %reduce_max3A_148 = arith.constant dense<0xFF800000> : vector<2048xf32>
    %reduce_max3A_149 = vector.multi_reduction <maximumf>, %add3A_147, %reduce_max3A_148 [1] : vector<2048x8xf32> to vector<2048xf32>
    %broadcast_in_dim3A_150 = vector.shape_cast %reduce_max3A_149 : vector<2048xf32> to vector<2048x1xf32>
    %sub3A_151 = vector.broadcast %broadcast_in_dim3A_150 : vector<2048x1xf32> to vector<2048x8xf32>
    %sub3A_152 = arith.subf %add3A_147, %sub3A_151 : vector<2048x8xf32>
    %exp3A_153 = math.exp %sub3A_152 : vector<2048x8xf32>
    %reduce_sum3A_154 = arith.constant dense<0.000000e+00> : vector<2048xf32>
    %reduce_sum3A_155 = vector.multi_reduction <add>, %exp3A_153, %reduce_sum3A_154 [1] : vector<2048x8xf32> to vector<2048xf32>
    %broadcast_in_dim3A_156 = vector.shape_cast %reduce_sum3A_155 : vector<2048xf32> to vector<2048x1xf32>
    %div3A_157 = vector.broadcast %broadcast_in_dim3A_156 : vector<2048x1xf32> to vector<2048x8xf32>
    %div3A_158 = arith.divf %exp3A_153, %div3A_157 : vector<2048x8xf32>
    %swap3A_159 = arith.constant 8192 : index
    %swap3A_160 = arith.constant 0 : index
    %swap3A_161 = vector.load %arg3[%swap3A_159, %swap3A_160] : memref<32768x8xf32, #tpu.memory_space<vmem>>, vector<2048x8xf32>
    tpu.vector_store %arg3[%swap3A_159, %swap3A_160], %div3A_158 {strides = array<i32>} : memref<32768x8xf32, #tpu.memory_space<vmem>>, vector<2048x8xf32>,
    %dma_start3A_162 = arith.constant 16384 : i32
    %dma_start3A_163 = arith.constant 0 : i32
    %dma_start3A_164 = tpu.memref_slice %arg0[%dma_start3A_162, %dma_start3A_163] : memref<32768x768xf32, #tpu.memory_space<hbm>> -> memref<2048x768xf32, #tpu.memory_space<hbm>>
    tpu.enqueue_dma source(%dma_start3A_164 : memref<2048x768xf32, #tpu.memory_space<hbm>>) target(%arg4 : memref<2048x768xf32, #tpu.memory_space<vmem>>) target_semaphore(%arg8 : memref<!tpu.dma_semaphore, #tpu.memory_space<semaphore_mem>>)
    %dma_wait3A_165 = arith.constant 10240 : i32
    %dma_wait3A_166 = arith.constant 0 : i32
    %dma_wait3A_167 = tpu.memref_slice %arg0[%dma_wait3A_165, %dma_wait3A_166] : memref<32768x768xf32, #tpu.memory_space<hbm>> -> memref<2048x768xf32, #tpu.memory_space<hbm>>
    tpu.wait_dma2 semaphore(%arg9 : memref<!tpu.dma_semaphore, #tpu.memory_space<semaphore_mem>>) src(%dma_wait3A_167 : memref<2048x768xf32, #tpu.memory_space<hbm>>) dst(%arg5 : memref<2048x768xf32, #tpu.memory_space<vmem>>)
    %get3A_168 = arith.constant 0 : index
    %get3A_169 = arith.constant 0 : index
    %get3A_170 = vector.load %arg5[%get3A_168, %get3A_169] : memref<2048x768xf32, #tpu.memory_space<vmem>>, vector<2048x768xf32>
    %get3A_171 = arith.constant 0 : index
    %get3A_172 = arith.constant 0 : index
    %get3A_173 = vector.load %arg1[%get3A_171, %get3A_172] : memref<768x8xf32, #tpu.memory_space<vmem>>, vector<768x8xf32>
    %dot_general3A_174 = arith.constant dense<0.000000e+00> : vector<2048x8xf32>
    %dot_general3A_175 = tpu.matmul %get3A_170, %get3A_173, %dot_general3A_174 {dimension_numbers = #tpu.dot_dimension_numbers<[1], [0], [0], [1], [0, 0, 1, 1], [], []>, transpose_lhs_hint = false} : vector<2048x768xf32>, vector<768x8xf32>, vector<2048x8xf32> -> vector<2048x8xf32>
    %get3A_176 = arith.constant 0 : index
    %get3A_177 = arith.constant 0 : index
    %get3A_178 = vector.load %arg2[%get3A_176, %get3A_177] : memref<1x8xf32, #tpu.memory_space<vmem>>, vector<1x8xf32>
    %add3A_179 = vector.broadcast %get3A_178 : vector<1x8xf32> to vector<2048x8xf32>
    %add3A_180 = arith.addf %dot_general3A_175, %add3A_179 : vector<2048x8xf32>
    %reduce_max3A_181 = arith.constant dense<0xFF800000> : vector<2048xf32>
    %reduce_max3A_182 = vector.multi_reduction <maximumf>, %add3A_180, %reduce_max3A_181 [1] : vector<2048x8xf32> to vector<2048xf32>
    %broadcast_in_dim3A_183 = vector.shape_cast %reduce_max3A_182 : vector<2048xf32> to vector<2048x1xf32>
    %sub3A_184 = vector.broadcast %broadcast_in_dim3A_183 : vector<2048x1xf32> to vector<2048x8xf32>
    %sub3A_185 = arith.subf %add3A_180, %sub3A_184 : vector<2048x8xf32>
    %exp3A_186 = math.exp %sub3A_185 : vector<2048x8xf32>
    %reduce_sum3A_187 = arith.constant dense<0.000000e+00> : vector<2048xf32>
    %reduce_sum3A_188 = vector.multi_reduction <add>, %exp3A_186, %reduce_sum3A_187 [1] : vector<2048x8xf32> to vector<2048xf32>
    %broadcast_in_dim3A_189 = vector.shape_cast %reduce_sum3A_188 : vector<2048xf32> to vector<2048x1xf32>
    %div3A_190 = vector.broadcast %broadcast_in_dim3A_189 : vector<2048x1xf32> to vector<2048x8xf32>
    %div3A_191 = arith.divf %exp3A_186, %div3A_190 : vector<2048x8xf32>
    %swap3A_192 = arith.constant 10240 : index
    %swap3A_193 = arith.constant 0 : index
    %swap3A_194 = vector.load %arg3[%swap3A_192, %swap3A_193] : memref<32768x8xf32, #tpu.memory_space<vmem>>, vector<2048x8xf32>
    tpu.vector_store %arg3[%swap3A_192, %swap3A_193], %div3A_191 {strides = array<i32>} : memref<32768x8xf32, #tpu.memory_space<vmem>>, vector<2048x8xf32>,
    %dma_start3A_195 = arith.constant 18432 : i32
    %dma_start3A_196 = arith.constant 0 : i32
    %dma_start3A_197 = tpu.memref_slice %arg0[%dma_start3A_195, %dma_start3A_196] : memref<32768x768xf32, #tpu.memory_space<hbm>> -> memref<2048x768xf32, #tpu.memory_space<hbm>>
    tpu.enqueue_dma source(%dma_start3A_197 : memref<2048x768xf32, #tpu.memory_space<hbm>>) target(%arg5 : memref<2048x768xf32, #tpu.memory_space<vmem>>) target_semaphore(%arg9 : memref<!tpu.dma_semaphore, #tpu.memory_space<semaphore_mem>>)
    %dma_wait3A_198 = arith.constant 12288 : i32
    %dma_wait3A_199 = arith.constant 0 : i32
    %dma_wait3A_200 = tpu.memref_slice %arg0[%dma_wait3A_198, %dma_wait3A_199] : memref<32768x768xf32, #tpu.memory_space<hbm>> -> memref<2048x768xf32, #tpu.memory_space<hbm>>
    tpu.wait_dma2 semaphore(%arg10 : memref<!tpu.dma_semaphore, #tpu.memory_space<semaphore_mem>>) src(%dma_wait3A_200 : memref<2048x768xf32, #tpu.memory_space<hbm>>) dst(%arg6 : memref<2048x768xf32, #tpu.memory_space<vmem>>)
    %get3A_201 = arith.constant 0 : index
    %get3A_202 = arith.constant 0 : index
    %get3A_203 = vector.load %arg6[%get3A_201, %get3A_202] : memref<2048x768xf32, #tpu.memory_space<vmem>>, vector<2048x768xf32>
    %get3A_204 = arith.constant 0 : index
    %get3A_205 = arith.constant 0 : index
    %get3A_206 = vector.load %arg1[%get3A_204, %get3A_205] : memref<768x8xf32, #tpu.memory_space<vmem>>, vector<768x8xf32>
    %dot_general3A_207 = arith.constant dense<0.000000e+00> : vector<2048x8xf32>
    %dot_general3A_208 = tpu.matmul %get3A_203, %get3A_206, %dot_general3A_207 {dimension_numbers = #tpu.dot_dimension_numbers<[1], [0], [0], [1], [0, 0, 1, 1], [], []>, transpose_lhs_hint = false} : vector<2048x768xf32>, vector<768x8xf32>, vector<2048x8xf32> -> vector<2048x8xf32>
    %get3A_209 = arith.constant 0 : index
    %get3A_210 = arith.constant 0 : index
    %get3A_211 = vector.load %arg2[%get3A_209, %get3A_210] : memref<1x8xf32, #tpu.memory_space<vmem>>, vector<1x8xf32>
    %add3A_212 = vector.broadcast %get3A_211 : vector<1x8xf32> to vector<2048x8xf32>
    %add3A_213 = arith.addf %dot_general3A_208, %add3A_212 : vector<2048x8xf32>
    %reduce_max3A_214 = arith.constant dense<0xFF800000> : vector<2048xf32>
    %reduce_max3A_215 = vector.multi_reduction <maximumf>, %add3A_213, %reduce_max3A_214 [1] : vector<2048x8xf32> to vector<2048xf32>
    %broadcast_in_dim3A_216 = vector.shape_cast %reduce_max3A_215 : vector<2048xf32> to vector<2048x1xf32>
    %sub3A_217 = vector.broadcast %broadcast_in_dim3A_216 : vector<2048x1xf32> to vector<2048x8xf32>
    %sub3A_218 = arith.subf %add3A_213, %sub3A_217 : vector<2048x8xf32>
    %exp3A_219 = math.exp %sub3A_218 : vector<2048x8xf32>
    %reduce_sum3A_220 = arith.constant dense<0.000000e+00> : vector<2048xf32>
    %reduce_sum3A_221 = vector.multi_reduction <add>, %exp3A_219, %reduce_sum3A_220 [1] : vector<2048x8xf32> to vector<2048xf32>
    %broadcast_in_dim3A_222 = vector.shape_cast %reduce_sum3A_221 : vector<2048xf32> to vector<2048x1xf32>
    %div3A_223 = vector.broadcast %broadcast_in_dim3A_222 : vector<2048x1xf32> to vector<2048x8xf32>
    %div3A_224 = arith.divf %exp3A_219, %div3A_223 : vector<2048x8xf32>
    %swap3A_225 = arith.constant 12288 : index
    %swap3A_226 = arith.constant 0 : index
    %swap3A_227 = vector.load %arg3[%swap3A_225, %swap3A_226] : memref<32768x8xf32, #tpu.memory_space<vmem>>, vector<2048x8xf32>
    tpu.vector_store %arg3[%swap3A_225, %swap3A_226], %div3A_224 {strides = array<i32>} : memref<32768x8xf32, #tpu.memory_space<vmem>>, vector<2048x8xf32>,
    %dma_start3A_228 = arith.constant 20480 : i32
    %dma_start3A_229 = arith.constant 0 : i32
    %dma_start3A_230 = tpu.memref_slice %arg0[%dma_start3A_228, %dma_start3A_229] : memref<32768x768xf32, #tpu.memory_space<hbm>> -> memref<2048x768xf32, #tpu.memory_space<hbm>>
    tpu.enqueue_dma source(%dma_start3A_230 : memref<2048x768xf32, #tpu.memory_space<hbm>>) target(%arg6 : memref<2048x768xf32, #tpu.memory_space<vmem>>) target_semaphore(%arg10 : memref<!tpu.dma_semaphore, #tpu.memory_space<semaphore_mem>>)
    %dma_wait3A_231 = arith.constant 14336 : i32
    %dma_wait3A_232 = arith.constant 0 : i32
    %dma_wait3A_233 = tpu.memref_slice %arg0[%dma_wait3A_231, %dma_wait3A_232] : memref<32768x768xf32, #tpu.memory_space<hbm>> -> memref<2048x768xf32, #tpu.memory_space<hbm>>
    tpu.wait_dma2 semaphore(%arg11 : memref<!tpu.dma_semaphore, #tpu.memory_space<semaphore_mem>>) src(%dma_wait3A_233 : memref<2048x768xf32, #tpu.memory_space<hbm>>) dst(%arg7 : memref<2048x768xf32, #tpu.memory_space<vmem>>)
    %get3A_234 = arith.constant 0 : index
    %get3A_235 = arith.constant 0 : index
    %get3A_236 = vector.load %arg7[%get3A_234, %get3A_235] : memref<2048x768xf32, #tpu.memory_space<vmem>>, vector<2048x768xf32>
    %get3A_237 = arith.constant 0 : index
    %get3A_238 = arith.constant 0 : index
    %get3A_239 = vector.load %arg1[%get3A_237, %get3A_238] : memref<768x8xf32, #tpu.memory_space<vmem>>, vector<768x8xf32>
    %dot_general3A_240 = arith.constant dense<0.000000e+00> : vector<2048x8xf32>
    %dot_general3A_241 = tpu.matmul %get3A_236, %get3A_239, %dot_general3A_240 {dimension_numbers = #tpu.dot_dimension_numbers<[1], [0], [0], [1], [0, 0, 1, 1], [], []>, transpose_lhs_hint = false} : vector<2048x768xf32>, vector<768x8xf32>, vector<2048x8xf32> -> vector<2048x8xf32>
    %get3A_242 = arith.constant 0 : index
    %get3A_243 = arith.constant 0 : index
    %get3A_244 = vector.load %arg2[%get3A_242, %get3A_243] : memref<1x8xf32, #tpu.memory_space<vmem>>, vector<1x8xf32>
    %add3A_245 = vector.broadcast %get3A_244 : vector<1x8xf32> to vector<2048x8xf32>
    %add3A_246 = arith.addf %dot_general3A_241, %add3A_245 : vector<2048x8xf32>
    %reduce_max3A_247 = arith.constant dense<0xFF800000> : vector<2048xf32>
    %reduce_max3A_248 = vector.multi_reduction <maximumf>, %add3A_246, %reduce_max3A_247 [1] : vector<2048x8xf32> to vector<2048xf32>
    %broadcast_in_dim3A_249 = vector.shape_cast %reduce_max3A_248 : vector<2048xf32> to vector<2048x1xf32>
    %sub3A_250 = vector.broadcast %broadcast_in_dim3A_249 : vector<2048x1xf32> to vector<2048x8xf32>
    %sub3A_251 = arith.subf %add3A_246, %sub3A_250 : vector<2048x8xf32>
    %exp3A_252 = math.exp %sub3A_251 : vector<2048x8xf32>
    %reduce_sum3A_253 = arith.constant dense<0.000000e+00> : vector<2048xf32>
    %reduce_sum3A_254 = vector.multi_reduction <add>, %exp3A_252, %reduce_sum3A_253 [1] : vector<2048x8xf32> to vector<2048xf32>
    %broadcast_in_dim3A_255 = vector.shape_cast %reduce_sum3A_254 : vector<2048xf32> to vector<2048x1xf32>
    %div3A_256 = vector.broadcast %broadcast_in_dim3A_255 : vector<2048x1xf32> to vector<2048x8xf32>
    %div3A_257 = arith.divf %exp3A_252, %div3A_256 : vector<2048x8xf32>
    %swap3A_258 = arith.constant 14336 : index
    %swap3A_259 = arith.constant 0 : index
    %swap3A_260 = vector.load %arg3[%swap3A_258, %swap3A_259] : memref<32768x8xf32, #tpu.memory_space<vmem>>, vector<2048x8xf32>
    tpu.vector_store %arg3[%swap3A_258, %swap3A_259], %div3A_257 {strides = array<i32>} : memref<32768x8xf32, #tpu.memory_space<vmem>>, vector<2048x8xf32>,
    %dma_start3A_261 = arith.constant 22528 : i32
    %dma_start3A_262 = arith.constant 0 : i32
    %dma_start3A_263 = tpu.memref_slice %arg0[%dma_start3A_261, %dma_start3A_262] : memref<32768x768xf32, #tpu.memory_space<hbm>> -> memref<2048x768xf32, #tpu.memory_space<hbm>>
    tpu.enqueue_dma source(%dma_start3A_263 : memref<2048x768xf32, #tpu.memory_space<hbm>>) target(%arg7 : memref<2048x768xf32, #tpu.memory_space<vmem>>) target_semaphore(%arg11 : memref<!tpu.dma_semaphore, #tpu.memory_space<semaphore_mem>>)
    %dma_wait3A_264 = arith.constant 16384 : i32
    %dma_wait3A_265 = arith.constant 0 : i32
    %dma_wait3A_266 = tpu.memref_slice %arg0[%dma_wait3A_264, %dma_wait3A_265] : memref<32768x768xf32, #tpu.memory_space<hbm>> -> memref<2048x768xf32, #tpu.memory_space<hbm>>
    tpu.wait_dma2 semaphore(%arg8 : memref<!tpu.dma_semaphore, #tpu.memory_space<semaphore_mem>>) src(%dma_wait3A_266 : memref<2048x768xf32, #tpu.memory_space<hbm>>) dst(%arg4 : memref<2048x768xf32, #tpu.memory_space<vmem>>)
    %get3A_267 = arith.constant 0 : index
    %get3A_268 = arith.constant 0 : index
    %get3A_269 = vector.load %arg4[%get3A_267, %get3A_268] : memref<2048x768xf32, #tpu.memory_space<vmem>>, vector<2048x768xf32>
    %get3A_270 = arith.constant 0 : index
    %get3A_271 = arith.constant 0 : index
    %get3A_272 = vector.load %arg1[%get3A_270, %get3A_271] : memref<768x8xf32, #tpu.memory_space<vmem>>, vector<768x8xf32>
    %dot_general3A_273 = arith.constant dense<0.000000e+00> : vector<2048x8xf32>
    %dot_general3A_274 = tpu.matmul %get3A_269, %get3A_272, %dot_general3A_273 {dimension_numbers = #tpu.dot_dimension_numbers<[1], [0], [0], [1], [0, 0, 1, 1], [], []>, transpose_lhs_hint = false} : vector<2048x768xf32>, vector<768x8xf32>, vector<2048x8xf32> -> vector<2048x8xf32>
    %get3A_275 = arith.constant 0 : index
    %get3A_276 = arith.constant 0 : index
    %get3A_277 = vector.load %arg2[%get3A_275, %get3A_276] : memref<1x8xf32, #tpu.memory_space<vmem>>, vector<1x8xf32>
    %add3A_278 = vector.broadcast %get3A_277 : vector<1x8xf32> to vector<2048x8xf32>
    %add3A_279 = arith.addf %dot_general3A_274, %add3A_278 : vector<2048x8xf32>
    %reduce_max3A_280 = arith.constant dense<0xFF800000> : vector<2048xf32>
    %reduce_max3A_281 = vector.multi_reduction <maximumf>, %add3A_279, %reduce_max3A_280 [1] : vector<2048x8xf32> to vector<2048xf32>
    %broadcast_in_dim3A_282 = vector.shape_cast %reduce_max3A_281 : vector<2048xf32> to vector<2048x1xf32>
    %sub3A_283 = vector.broadcast %broadcast_in_dim3A_282 : vector<2048x1xf32> to vector<2048x8xf32>
    %sub3A_284 = arith.subf %add3A_279, %sub3A_283 : vector<2048x8xf32>
    %exp3A_285 = math.exp %sub3A_284 : vector<2048x8xf32>
    %reduce_sum3A_286 = arith.constant dense<0.000000e+00> : vector<2048xf32>
    %reduce_sum3A_287 = vector.multi_reduction <add>, %exp3A_285, %reduce_sum3A_286 [1] : vector<2048x8xf32> to vector<2048xf32>
    %broadcast_in_dim3A_288 = vector.shape_cast %reduce_sum3A_287 : vector<2048xf32> to vector<2048x1xf32>
    %div3A_289 = vector.broadcast %broadcast_in_dim3A_288 : vector<2048x1xf32> to vector<2048x8xf32>
    %div3A_290 = arith.divf %exp3A_285, %div3A_289 : vector<2048x8xf32>
    %swap3A_291 = arith.constant 16384 : index
    %swap3A_292 = arith.constant 0 : index
    %swap3A_293 = vector.load %arg3[%swap3A_291, %swap3A_292] : memref<32768x8xf32, #tpu.memory_space<vmem>>, vector<2048x8xf32>
    tpu.vector_store %arg3[%swap3A_291, %swap3A_292], %div3A_290 {strides = array<i32>} : memref<32768x8xf32, #tpu.memory_space<vmem>>, vector<2048x8xf32>,
    %dma_wait3A_294 = arith.constant 18432 : i32
    %dma_wait3A_295 = arith.constant 0 : i32
    %dma_wait3A_296 = tpu.memref_slice %arg0[%dma_wait3A_294, %dma_wait3A_295] : memref<32768x768xf32, #tpu.memory_space<hbm>> -> memref<2048x768xf32, #tpu.memory_space<hbm>>
    tpu.wait_dma2 semaphore(%arg9 : memref<!tpu.dma_semaphore, #tpu.memory_space<semaphore_mem>>) src(%dma_wait3A_296 : memref<2048x768xf32, #tpu.memory_space<hbm>>) dst(%arg5 : memref<2048x768xf32, #tpu.memory_space<vmem>>)
    %get3A_297 = arith.constant 0 : index
    %get3A_298 = arith.constant 0 : index
    %get3A_299 = vector.load %arg5[%get3A_297, %get3A_298] : memref<2048x768xf32, #tpu.memory_space<vmem>>, vector<2048x768xf32>
    %get3A_300 = arith.constant 0 : index
    %get3A_301 = arith.constant 0 : index
    %get3A_302 = vector.load %arg1[%get3A_300, %get3A_301] : memref<768x8xf32, #tpu.memory_space<vmem>>, vector<768x8xf32>
    %dot_general3A_303 = arith.constant dense<0.000000e+00> : vector<2048x8xf32>
    %dot_general3A_304 = tpu.matmul %get3A_299, %get3A_302, %dot_general3A_303 {dimension_numbers = #tpu.dot_dimension_numbers<[1], [0], [0], [1], [0, 0, 1, 1], [], []>, transpose_lhs_hint = false} : vector<2048x768xf32>, vector<768x8xf32>, vector<2048x8xf32> -> vector<2048x8xf32>
    %get3A_305 = arith.constant 0 : index
    %get3A_306 = arith.constant 0 : index
    %get3A_307 = vector.load %arg2[%get3A_305, %get3A_306] : memref<1x8xf32, #tpu.memory_space<vmem>>, vector<1x8xf32>
    %add3A_308 = vector.broadcast %get3A_307 : vector<1x8xf32> to vector<2048x8xf32>
    %add3A_309 = arith.addf %dot_general3A_304, %add3A_308 : vector<2048x8xf32>
    %reduce_max3A_310 = arith.constant dense<0xFF800000> : vector<2048xf32>
    %reduce_max3A_311 = vector.multi_reduction <maximumf>, %add3A_309, %reduce_max3A_310 [1] : vector<2048x8xf32> to vector<2048xf32>
    %broadcast_in_dim3A_312 = vector.shape_cast %reduce_max3A_311 : vector<2048xf32> to vector<2048x1xf32>
    %sub3A_313 = vector.broadcast %broadcast_in_dim3A_312 : vector<2048x1xf32> to vector<2048x8xf32>
    %sub3A_314 = arith.subf %add3A_309, %sub3A_313 : vector<2048x8xf32>
    %exp3A_315 = math.exp %sub3A_314 : vector<2048x8xf32>
    %reduce_sum3A_316 = arith.constant dense<0.000000e+00> : vector<2048xf32>
    %reduce_sum3A_317 = vector.multi_reduction <add>, %exp3A_315, %reduce_sum3A_316 [1] : vector<2048x8xf32> to vector<2048xf32>
    %broadcast_in_dim3A_318 = vector.shape_cast %reduce_sum3A_317 : vector<2048xf32> to vector<2048x1xf32>
    %div3A_319 = vector.broadcast %broadcast_in_dim3A_318 : vector<2048x1xf32> to vector<2048x8xf32>
    %div3A_320 = arith.divf %exp3A_315, %div3A_319 : vector<2048x8xf32>
    %swap3A_321 = arith.constant 18432 : index
    %swap3A_322 = arith.constant 0 : index
    %swap3A_323 = vector.load %arg3[%swap3A_321, %swap3A_322] : memref<32768x8xf32, #tpu.memory_space<vmem>>, vector<2048x8xf32>
    tpu.vector_store %arg3[%swap3A_321, %swap3A_322], %div3A_320 {strides = array<i32>} : memref<32768x8xf32, #tpu.memory_space<vmem>>, vector<2048x8xf32>,
    %dma_wait3A_324 = arith.constant 20480 : i32
    %dma_wait3A_325 = arith.constant 0 : i32
    %dma_wait3A_326 = tpu.memref_slice %arg0[%dma_wait3A_324, %dma_wait3A_325] : memref<32768x768xf32, #tpu.memory_space<hbm>> -> memref<2048x768xf32, #tpu.memory_space<hbm>>
    tpu.wait_dma2 semaphore(%arg10 : memref<!tpu.dma_semaphore, #tpu.memory_space<semaphore_mem>>) src(%dma_wait3A_326 : memref<2048x768xf32, #tpu.memory_space<hbm>>) dst(%arg6 : memref<2048x768xf32, #tpu.memory_space<vmem>>)
    %get3A_327 = arith.constant 0 : index
    %get3A_328 = arith.constant 0 : index
    %get3A_329 = vector.load %arg6[%get3A_327, %get3A_328] : memref<2048x768xf32, #tpu.memory_space<vmem>>, vector<2048x768xf32>
    %get3A_330 = arith.constant 0 : index
    %get3A_331 = arith.constant 0 : index
    %get3A_332 = vector.load %arg1[%get3A_330, %get3A_331] : memref<768x8xf32, #tpu.memory_space<vmem>>, vector<768x8xf32>
    %dot_general3A_333 = arith.constant dense<0.000000e+00> : vector<2048x8xf32>
    %dot_general3A_334 = tpu.matmul %get3A_329, %get3A_332, %dot_general3A_333 {dimension_numbers = #tpu.dot_dimension_numbers<[1], [0], [0], [1], [0, 0, 1, 1], [], []>, transpose_lhs_hint = false} : vector<2048x768xf32>, vector<768x8xf32>, vector<2048x8xf32> -> vector<2048x8xf32>
    %get3A_335 = arith.constant 0 : index
    %get3A_336 = arith.constant 0 : index
    %get3A_337 = vector.load %arg2[%get3A_335, %get3A_336] : memref<1x8xf32, #tpu.memory_space<vmem>>, vector<1x8xf32>
    %add3A_338 = vector.broadcast %get3A_337 : vector<1x8xf32> to vector<2048x8xf32>
    %add3A_339 = arith.addf %dot_general3A_334, %add3A_338 : vector<2048x8xf32>
    %reduce_max3A_340 = arith.constant dense<0xFF800000> : vector<2048xf32>
    %reduce_max3A_341 = vector.multi_reduction <maximumf>, %add3A_339, %reduce_max3A_340 [1] : vector<2048x8xf32> to vector<2048xf32>
    %broadcast_in_dim3A_342 = vector.shape_cast %reduce_max3A_341 : vector<2048xf32> to vector<2048x1xf32>
    %sub3A_343 = vector.broadcast %broadcast_in_dim3A_342 : vector<2048x1xf32> to vector<2048x8xf32>
    %sub3A_344 = arith.subf %add3A_339, %sub3A_343 : vector<2048x8xf32>
    %exp3A_345 = math.exp %sub3A_344 : vector<2048x8xf32>
    %reduce_sum3A_346 = arith.constant dense<0.000000e+00> : vector<2048xf32>
    %reduce_sum3A_347 = vector.multi_reduction <add>, %exp3A_345, %reduce_sum3A_346 [1] : vector<2048x8xf32> to vector<2048xf32>
    %broadcast_in_dim3A_348 = vector.shape_cast %reduce_sum3A_347 : vector<2048xf32> to vector<2048x1xf32>
    %div3A_349 = vector.broadcast %broadcast_in_dim3A_348 : vector<2048x1xf32> to vector<2048x8xf32>
    %div3A_350 = arith.divf %exp3A_345, %div3A_349 : vector<2048x8xf32>
    %swap3A_351 = arith.constant 20480 : index
    %swap3A_352 = arith.constant 0 : index
    %swap3A_353 = vector.load %arg3[%swap3A_351, %swap3A_352] : memref<32768x8xf32, #tpu.memory_space<vmem>>, vector<2048x8xf32>
    tpu.vector_store %arg3[%swap3A_351, %swap3A_352], %div3A_350 {strides = array<i32>} : memref<32768x8xf32, #tpu.memory_space<vmem>>, vector<2048x8xf32>,
    %dma_wait3A_354 = arith.constant 22528 : i32
    %dma_wait3A_355 = arith.constant 0 : i32
    %dma_wait3A_356 = tpu.memref_slice %arg0[%dma_wait3A_354, %dma_wait3A_355] : memref<32768x768xf32, #tpu.memory_space<hbm>> -> memref<2048x768xf32, #tpu.memory_space<hbm>>
    tpu.wait_dma2 semaphore(%arg11 : memref<!tpu.dma_semaphore, #tpu.memory_space<semaphore_mem>>) src(%dma_wait3A_356 : memref<2048x768xf32, #tpu.memory_space<hbm>>) dst(%arg7 : memref<2048x768xf32, #tpu.memory_space<vmem>>)
    %get3A_357 = arith.constant 0 : index
    %get3A_358 = arith.constant 0 : index
    %get3A_359 = vector.load %arg7[%get3A_357, %get3A_358] : memref<2048x768xf32, #tpu.memory_space<vmem>>, vector<2048x768xf32>
    %get3A_360 = arith.constant 0 : index
    %get3A_361 = arith.constant 0 : index
    %get3A_362 = vector.load %arg1[%get3A_360, %get3A_361] : memref<768x8xf32, #tpu.memory_space<vmem>>, vector<768x8xf32>
    %dot_general3A_363 = arith.constant dense<0.000000e+00> : vector<2048x8xf32>
    %dot_general3A_364 = tpu.matmul %get3A_359, %get3A_362, %dot_general3A_363 {dimension_numbers = #tpu.dot_dimension_numbers<[1], [0], [0], [1], [0, 0, 1, 1], [], []>, transpose_lhs_hint = false} : vector<2048x768xf32>, vector<768x8xf32>, vector<2048x8xf32> -> vector<2048x8xf32>
    %get3A_365 = arith.constant 0 : index
    %get3A_366 = arith.constant 0 : index
    %get3A_367 = vector.load %arg2[%get3A_365, %get3A_366] : memref<1x8xf32, #tpu.memory_space<vmem>>, vector<1x8xf32>
    %add3A_368 = vector.broadcast %get3A_367 : vector<1x8xf32> to vector<2048x8xf32>
    %add3A_369 = arith.addf %dot_general3A_364, %add3A_368 : vector<2048x8xf32>
    %reduce_max3A_370 = arith.constant dense<0xFF800000> : vector<2048xf32>
    %reduce_max3A_371 = vector.multi_reduction <maximumf>, %add3A_369, %reduce_max3A_370 [1] : vector<2048x8xf32> to vector<2048xf32>
    %broadcast_in_dim3A_372 = vector.shape_cast %reduce_max3A_371 : vector<2048xf32> to vector<2048x1xf32>
    %sub3A_373 = vector.broadcast %broadcast_in_dim3A_372 : vector<2048x1xf32> to vector<2048x8xf32>
    %sub3A_374 = arith.subf %add3A_369, %sub3A_373 : vector<2048x8xf32>
    %exp3A_375 = math.exp %sub3A_374 : vector<2048x8xf32>
    %reduce_sum3A_376 = arith.constant dense<0.000000e+00> : vector<2048xf32>
    %reduce_sum3A_377 = vector.multi_reduction <add>, %exp3A_375, %reduce_sum3A_376 [1] : vector<2048x8xf32> to vector<2048xf32>
    %broadcast_in_dim3A_378 = vector.shape_cast %reduce_sum3A_377 : vector<2048xf32> to vector<2048x1xf32>
    %div3A_379 = vector.broadcast %broadcast_in_dim3A_378 : vector<2048x1xf32> to vector<2048x8xf32>
    %div3A_380 = arith.divf %exp3A_375, %div3A_379 : vector<2048x8xf32>
    %swap3A_381 = arith.constant 22528 : index
    %swap3A_382 = arith.constant 0 : index
    %swap3A_383 = vector.load %arg3[%swap3A_381, %swap3A_382] : memref<32768x8xf32, #tpu.memory_space<vmem>>, vector<2048x8xf32>
    tpu.vector_store %arg3[%swap3A_381, %swap3A_382], %div3A_380 {strides = array<i32>} : memref<32768x8xf32, #tpu.memory_space<vmem>>, vector<2048x8xf32>,
    return
  }
}

</mosaic_0001>

<sc_bundles>
// kernel: kernel.4.cloned.1.call-start
scs
__scs_entry_jumppad:
0x0: {  	(pc) =	sbr.rel $0x88, $3  }
0x1: {  	(tag) =	ssettag $0x0;
	lr =	simm.s32 $0x1  }
0x2: {  	[smem:$0x3F9E] =	sst lr;
	_ =	strace $0xD0000000  }
0x3: {  	_ = 	snop  }
0x4: {  	_ = 	snop  }
0x5: {  	_ = 	snop  }
0x6: {  	_ = 	snop  }
0x7: {  	_ = 	snop  }
__scs_overlays_trampoline_lowered:
0x8: {  	[smem:$0x3FAD] =	sst s0  }
0x9: {  	[smem:$0x3FAE] =	sst s1  }
0xa: {  	[smem:$0x3FAF] =	sst s2  }
0xb: {  	[smem:$0x3FB0] =	sst s3  }
0xc: {  	[smem:$0x3FB1] =	sst s4  }
0xd: {  	[smem:$0x3FB2] =	sst s5  }
0xe: {  	[smem:$0x3FB3] =	sst s6  }
0xf: {  	[smem:$0x3FB4] =	sst s7  }
0x10: {  	[smem:$0x3FB5] =	sst s8  }
0x11: {  	[smem:$0x3FB6] =	sst s9;
	s0 =	simm.s32 @!p0 $0x0  }
0x12: {  	s1 =	sld [smem:$0x3F9C];
	s0 =	simm.s32 @p0 $0x1  }
0x13: {  	[smem:$0x3FB7] =	sst s0;
	s0 =	simm.s32 @!p1 $0x0  }
0x14: {  	s2 =	sld [smem:$0x3F9B];
	s0 =	simm.s32 @p1 $0x1  }
0x15: {  	[smem:$0x3FB8] =	sst s0;
	s0 =	simm.s32 @!p2 $0x0  }
0x16: {  	s3 =	sld [smem:$0x3FDB];
	s0 =	simm.s32 @p2 $0x1  }
0x17: {  	s4 =	simm.s32 $0x1BF5;
	[smem:$0x3FBA] =	sst s0  }
0x18: {  	s0 =	sld [smem:$0x3F9D];
	_ =	swait.ge [sflag:s4], $0x0  }
0x19: {  	s7 =	sld [smem:$0x3F9E]  }
0x1a: {  	s8 =	sadd.s32 $0xFFFFE003, lr  }
0x1b: {  	s9 =	sadd.s32 $0xFFFFFEF7, lr;
	s5 =	simm.s32 $0xFFFFFFFF;
	p2 =	slt.u32 s8, $0xFFFFF086  }
0x1c: {  	p1 =	slt.u32 s9, $0xF7A;
	s5 =	simm.s32 @!p2 $0x0  }
0x1d: {  	s5 =	simm.s32 @p1 $0x1;
	p0 =	seq.s32 s7, s2  }
0x1e: {  	s7 =	smul.u32 @!p0 $0xF7A, s2;
	p2 =	seq.s32 @!p0 s5, $0x0  }
0x1f: {  	s9 =	smul.u32 $0xF7A, s1;
	s8 =	simm.s32 @!p0 $0x1BF5;
	p2 =	por !p2, p0  }
0x20: {  	[sflag:s8] =	ssyncset.s32 @!p0 $0xFFFFF086;
	s6 =	sadd.s32 @!p0 s3, s7;
	s7 =	simm.s32 @!p0 $0x108  }
0x21: {  	s3 =	sadd.s32 s3, s9;
	s6 =	sadd.s32 @!p0 $0x88, s6;
	s7 =	simm.s32 @p2 $0x1082  }
0x22: {  	[simem:s7], [sflag:s8] =	dma.local @!p0 [hbm:s6], $0xF7A  }
0x23: {  	s9 =	sor.u32 $0xD0000000, s2;
	s6 =	simm.s32 $0x108;
	_ =	swait.ge @!p0 [sflag:s8], $0x0  }
0x24: {  	s3 =	sadd.s32 $0x88, s3;
	s6 =	simm.s32 @!p1 $0x1082;
	[sflag:s4] =	ssyncset.s32 $0xFFFFF086  }
0x25: {  	[simem:s6], [sflag:s4] =	dma.local [hbm:s3], $0xF7A  }
0x26: {  	[smem:$0x3F9E] =	sst s1;
	(tag) =	ssettag s2;
	_ =	strace s9  }
0x27: {  	s1 =	sld [smem:$0x3FAE]  }
0x28: {  	s2 =	sld [smem:$0x3FAF]  }
0x29: {  	s4 =	sld [smem:$0x3FB1]  }
0x2a: {  	p0 =	seq.s32 s5, $0x0;
	s5 =	sld [smem:$0x3FB2]  }
0x2b: {  	s6 =	sld [smem:$0x3FB3]  }
0x2c: {  	s7 =	sld [smem:$0x3FB4]  }
0x2d: {  	s3 =	simm.s32 $0x108;
	s8 =	sld [smem:$0x3FB5]  }
0x2e: {  	s3 =	simm.s32 @!p0 $0x1082;
	s9 =	sld [smem:$0x3FB6]  }
0x2f: {  	lr =	sadd.s32 s0, s3;
	s0 =	sld [smem:$0x3FAD]  }
0x30: {  	s3 =	sld [smem:$0x3FB0]  }
0x31: {  	[smem:$0x3FB9] =	sst s10  }
0x32: {  	s10 =	sld [smem:$0x3FB7];
	_ =	sdelay $0x3  }
0x33: {  	p0 =	seq.s32 s10, $0x1;
	s10 =	sld [smem:$0x3FB9];
	_ =	sdelay $0x3  }
0x34: {  	[smem:$0x3FB9] =	sst s10  }
0x35: {  	s10 =	sld [smem:$0x3FB8];
	_ =	sdelay $0x3  }
0x36: {  	p1 =	seq.s32 s10, $0x1;
	s10 =	sld [smem:$0x3FB9];
	_ =	sdelay $0x3  }
0x37: {  	[smem:$0x3FB9] =	sst s10  }
0x38: {  	s10 =	sld [smem:$0x3FBA]  }
0x39: {  	_ = 	snop;
	(pc) =	sbr.ind lr, $3  }
0x3a: {  	_ = 	snop  }
0x3b: {  	_ = 	snop  }
0x3c: {  	p2 =	seq.s32 s10, $0x1;
	s10 =	sld [smem:$0x3FB9]  }
0x3d: {  	_ =	shalt  }
0x3e: {  	_ =	shalt  }
0x3f: {  	_ =	shalt  }
0x40: {  	_ =	shalt  }
0x41: {  	_ =	shalt  }
0x42: {  	_ =	shalt  }
0x43: {  	_ =	shalt  }
0x44: {  	_ =	shalt  }
0x45: {  	_ =	shalt  }
0x46: {  	_ =	shalt  }
0x47: {  	_ =	shalt  }
0x48: {  	_ =	shalt  }
0x49: {  	_ =	shalt  }
0x4a: {  	_ =	shalt  }
0x4b: {  	_ =	shalt  }
0x4c: {  	_ =	shalt  }
0x4d: {  	_ =	shalt  }
0x4e: {  	_ =	shalt  }
0x4f: {  	_ =	shalt  }
0x50: {  	_ =	shalt  }
0x51: {  	_ =	shalt  }
0x52: {  	_ =	shalt  }
0x53: {  	_ =	shalt  }
0x54: {  	_ =	shalt  }
0x55: {  	_ =	shalt  }
0x56: {  	_ =	shalt  }
0x57: {  	_ =	shalt  }
0x58: {  	_ =	shalt  }
0x59: {  	_ =	shalt  }
0x5a: {  	_ =	shalt  }
0x5b: {  	_ =	shalt  }
0x5c: {  	_ =	shalt  }
0x5d: {  	_ =	shalt  }
0x5e: {  	_ =	shalt  }
0x5f: {  	_ =	shalt  }
0x60: {  	_ =	shalt  }
0x61: {  	_ =	shalt  }
0x62: {  	_ =	shalt  }
0x63: {  	_ =	shalt  }
0x64: {  	_ =	shalt  }
0x65: {  	_ =	shalt  }
0x66: {  	_ =	shalt  }
0x67: {  	_ =	shalt  }
0x68: {  	_ =	shalt  }
0x69: {  	_ =	shalt  }
0x6a: {  	_ =	shalt  }
0x6b: {  	_ =	shalt  }
0x6c: {  	_ =	shalt  }
0x6d: {  	_ =	shalt  }
0x6e: {  	_ =	shalt  }
0x6f: {  	_ =	shalt  }
0x70: {  	_ =	shalt  }
0x71: {  	_ =	shalt  }
0x72: {  	_ =	shalt  }
0x73: {  	_ =	shalt  }
0x74: {  	_ =	shalt  }
0x75: {  	_ =	shalt  }
0x76: {  	_ =	shalt  }
0x77: {  	_ =	shalt  }
0x78: {  	_ =	shalt  }
0x79: {  	_ =	shalt  }
0x7a: {  	_ =	shalt  }
0x7b: {  	_ =	shalt  }
0x7c: {  	_ =	shalt  }
0x7d: {  	_ =	shalt  }
0x7e: {  	_ =	shalt  }
0x7f: {  	_ =	shalt  }
0x80: {  	_ =	shalt  }
0x81: {  	_ =	shalt  }
0x82: {  	_ =	shalt  }
0x83: {  	_ =	shalt  }
0x84: {  	_ =	shalt  }
0x85: {  	_ =	shalt  }
0x86: {  	_ =	shalt  }
0x87: {  	_ =	shalt  }
.Lfunc_end0:
.L_simem_size_0:
called_computation_lowered:
.L_overlay_start_0:
0x88: {  	s2 =	sld [smem:$0x3FD9]  }
0x89: {  	s3 =	sld [smem:$0x3FFE];
	_ =	sdelay $0x1  }
0x8a: {  	s1 =	srdreg.scid  }
0x8b: {  	s0 =	sand.u32 $0x1, s1  }
0x8c: {  	s17 =	sshll.u32 s0, $0xA;
	s2 =	sadd.s32 s3, s2  }
0x8d: {  	s2 =	sadd.s32 s2, s17  }
0x8e: {  	[smem:$0x3FC5] =	sst s2  }
0x8f: {  	_ = 	snop  }
0x90: {  	s2 =	sld [smem:$0x3FC9]  }
0x91: {  	s18 =	sld [smem:$0x3FC8]  }
0x92: {  	s4 =	sld [smem:$0x3FD0];
	(tm) =	ssettm $0x1  }
0x93: {  	s5 =	sld [smem:$0x3FFB];
	_ =	sdelay $0x3  }
0x94: {  	_ =	strace s5  }
0x95: {  	s5 =	sld [smem:$0x3FFC];
	_ =	sdelay $0x3  }
0x96: {  	_ =	strace s5  }
0x97: {  	s5 =	sld [smem:$0x3FFD];
	_ =	sdelay $0x3  }
0x98: {  	_ =	strace s5  }
0x99: {  	_ =	strace $0x8FFFFFFF  }
0x9a: {  	s19 =	sld [smem:$0x3FDB];
	_ =	sdelay $0x1  }
0x9b: {  	s6 =	simm.s32 $_scs_section_size  }
0x9c: {  	s7 =	simm.s32 $_size__tile_overlayer_lowered;
	s8 =	simm.s32 $_tile_overlayer_lowered  }
0x9d: {  	s22 =	simm.s32 $0x1BFF;
	s21 =	sshll.u32 s8, $0x1;
	s5 =	sadd.s32 s6, s19  }
0x9e: {  	s9 =	simm.s32 $0x0;
	s20 =	sshll.u32 s7, $0x1;
	s7 =	sadd.s32 s21, s5  }
0x9f: {  	[timem:s9], [sflag:s22] =	dma.local [hbm:s7], s20  }
0xa0: {  	_ =	swait.ge [sflag:s22], s20  }
0xa1: {  	s6 =	ssub.s32 $0x0, s20;
	[sflag:s22] =	ssyncset.done $0x0  }
0xa2: {  	[sflag:s22] =	ssyncadd.s32 s6;
	_ =	sdelay $0x1  }
0xa3: {  	s23 =	simm.s32 $0x1B8B  }
0xa4: {  	_ =	swait.ge [sflag:s23], $0x1  }
0xa5: {  	[sflag:s23] =	ssyncset.done $0x0  }
0xa6: {  	s25 =	simm.s32 $0x1B8E;
	s24 =	sld [smem:$0x3FFE];
	[sflag:s23] =	ssyncadd.s32 $0xFFFFFFFF  }
0xa7: {  	s26 =	simm.s32 $execute0_lowered;
	[smem:$0x3FD2] =	sst s25  }
0xa8: {  	s7 =	sshll.u32 s26, $0x1;
	_ =	strace $0x80000046;
	[dreg:$0x1] =	wrdreg $0xFFFFFFFF  }
0xa9: {  	s28 =	simm.s32 $_size_execute0_lowered;
	s5 =	sadd.s32 s5, s7;
	[dreg:$0x0] =	wrdreg $0x0  }
0xaa: {  	s7 =	sshll.u32 s28, $0x1;
	[dreg:$0x2] =	wrdreg s5  }
0xab: {  	[dreg:$0x3] =	wrdreg s7  }
0xac: {  	[dreg:$0x4] =	wrdreg $0xC0  }
0xad: {  	_ =	task [dreg:s9], $0x5FFFF  }
0xae: {  	[dreg:$0x1] =	wrdreg $0xFFFFFFFF  }
0xaf: {  	[dreg:$0x0] =	wrdreg $0x60  }
0xb0: {  	[dreg:$0x2] =	wrdreg s2  }
0xb1: {  	[dreg:$0x3] =	wrdreg s24  }
0xb2: {  	[dreg:$0x4] =	wrdreg s18  }
0xb3: {  	[dreg:$0x5] =	wrdreg s4  }
0xb4: {  	[dreg:$0x6] =	wrdreg $0x9  }
0xb5: {  	_ =	task.clear_ibuf [dreg:s9], $0x7FFFF;
	_ =	strace $0x90000046  }
0xb6: {  	s29 =	simm.s32 $0x9;
	_ =	strace $0x80000048  }
0xb7: {  	_ =	swait.ge [sflag:s29], $0x1  }
0xb8: {  	[sflag:s29] =	ssyncadd.s32 $0xFFFFFFFF  }
0xb9: {  	_ =	strace $0x90000048  }
0xba: {  	_ =	sfence  }
0xbb: {  	s30 =	sld [smem:$0x0];
	_ =	sdelay $0x2  }
0xbc: {  	s31 =	sshll.u32 s1, $0xD;
	s1 =	sshrl.u32 s1, $0x2  }
0xbd: {  	s3 =	sand.u32 $0x4000, s31;
	s1 =	sadd.s32 s1, s30  }
0xbe: {  	s0 =	sor.u32 s3, s0;
	s1 =	sshll.u32 s1, $0x11  }
0xbf: {  	s0 =	sor.u32 s1, s0  }
0xc0: {  	s0 =	sadd.s32 $0x8F2B, s0  }
0xc1: {  	[sflag:s0] =	ssyncadd.remote.s32 $0x1  }
0xc2: {  	_ =	sfence.sel $0xFFFF  }
0xc3: {  	[dreg:$0x0] =	wrdreg $0xFFFFFFFF;
	(pc) =	sbr.abs _section_cstart, $3  }
0xc4: {  	[dreg:$0x1] =	wrdreg $0xFFFFFFFF  }
0xc5: {  	_ =	task.clear_ibuf [dreg:s9], $0x2FFFF;
	_ =	strace $0x9FFFFFFF  }
0xc6: {  	(tm) =	ssettm $0x7FFFFFFF  }
0xc7: {  	_ =	shalt  }
tec
execute0_lowered:
.L_overlay_start_1:
0x0: {  	(tag) =	ssettag $0x1  }
0x1: {  	v0 =	vimm.s32 $0xEFCDAB89  }
0x2: {  	vm0 =	vcmask $0xB08;
	vm1 =	vcmask $0x300;
	v1 =	vimm.s32 $0x67452301  }
0x3: {  	v2 =	vimm.s32 $0xDCFE98BA;
	v3 =	vimm.s32 $0x54761032;
	vm2 =	vcmask $0x700  }
0x4: {  	vm3 =	vcmask $0x3B38;
	v4 =	vimm.s32 $0xFEDCBA98;
	v5 =	vimm.s32 $0x76543210  }
0x5: {  	v0 =	vunpack.c.l.s4.s8 v0;
	vm0 =	vmor vm1, vm0;
	vm1 =	vcmask $0x1310  }
0x6: {  	v1 =	vunpack.c.l.s4.s8 v1;
	v2 =	vunpack.c.l.s4.s8 v2;
	v3 =	vunpack.c.l.s4.s8 v3  }
0x7: {  	v4 =	vunpack.c.l.s4.s8 v4;
	vm0 =	vmor vm0, vm1;
	vm1 =	vcmask $0x1B18  }
0x8: {  	s5 =	rddreg [dreg:$0x0];
	v0 =	vunpack.c.0.s8.s32 v0;
	vm0 =	vmor vm0, vm1;
	vm1 =	vcmask $0x2320  }
0x9: {  	s1 =	srdreg.scid;
	s4 =	rddreg [dreg:$0x1];
	v1 =	vunpack.c.0.s8.s32 v1;
	vm0 =	vmor vm0, vm1;
	vm1 =	vcmask $0x2B28  }
0xa: {  	s0 =	stileid.u32;
	s9 =	rddreg [dreg:$0x3];
	v4 =	vunpack.c.0.s8.s32 v4;
	vm0 =	vmor vm0, vm1;
	vm1 =	vcmask $0x3330  }
0xb: {  	s2 =	simm.s32 $0x0;
	s13 =	simm.s32 $0x1880;
	s14 =	simm.s32 $0xD880;
	v0 =	vcombine.low v1, v0;
	v1 =	vunpack.c.0.s8.s32 v2;
	v2 =	vunpack.c.0.s8.s32 v3  }
0xc: {  	s15 =	simm.s32 $0x1;
	s16 =	simm.s32 $0x2;
	s6 =	sand.u32 $0x1, s1;
	v3 =	vimm.s32 $0x32107654;
	vm0 =	vmor vm0, vm1;
	vm1 =	vcmask $0x1710  }
0xd: {  	s17 =	simm.s32 $0x19880;
	s3 =	sshll.u32 s0, $0x9;
	s7 =	sshll.u32 s6, $0x8;
	v3 =	vunpack.c.l.s4.s8 v3;
	v1 =	vcombine.low v2, v1;
	v2 =	vimm.s32 $0xBA98FEDC  }
0xe: {  	s18 =	simm.s32 $0x0;
	s1 =	rddreg [dreg:$0x2];
	s10 =	sor.u32 s7, s3;
	vm1 =	vmor vm2, vm1;
	vm2 =	vcmask $0x2720;
	v2 =	vunpack.c.l.s4.s8 v2  }
0xf: {  	[smem:$0x7FF] =	sst s2;
	v5 =	vunpack.c.l.s4.s8 v5;
	s6 =	ssub.s32 $0x2, s6;
	s7 =	sshrl.u32 s10, $0x3;
	v4 =	vand.u32 $0xF, v4;
	vm1 =	vmor vm1, vm2  }
0x10: {  	s4 =	sadd.s32 $0x800, s4;
	s8 =	sshrl.u32 s6, $0x1;
	s7 =	smul.u32 $0x300, s7;
	vm2 =	vcmask $0x3730;
	v3 =	vunpack.c.0.s8.s32 v3;
	v2 =	vunpack.c.0.s8.s32 v2  }
0x11: {  	s3 =	rddreg [dreg:$0x4];
	_ =	strace $0x80000047;
	s12 =	ssub.s32 s6, s8;
	vm0 =	vmor vm0, vm3;
	vm3 =	vcmask $0xF00;
	vm1 =	vmor vm1, vm2  }
0x12: {  	s9 =	sadd.s32 s9, s10;
	s10 =	smax.u32 s12, $0x1;
	s11 =	sadd.s32 s7, s5;
	vm2 =	vcmask $0x2F20;
	v2 =	vcombine.low v3, v2;
	v3 =	vunpack.c.0.s8.s32 v5  }
0x13: {  	s12 =	simm.s32 $0x1800;
	v0 =	vand.u32 $0xF, v0;
	s5 =	sadd.s32 $0x240000, s11;
	s6 =	sadd.s32 $0x241800, s11;
	v1 =	vand.u32 $0xF, v1;
	vm2 =	vmor vm3, vm2  }
0x14: {  	s7 =	sadd.s32 $0x243000, s11;
	s8 =	sadd.s32 $0x244800, s11;
	s11 =	simm.s32 $0x3;
	vm3 =	vmmov $0xff;
	v2 =	vand.u32 $0xF, v2;
	v3 =	vcombine.low v4, v3  }
.LBB2_1:
0x15: {  	[tilespmem:s2], [sflag:$0x3] =	stream.linear.gather [hbm4b:s1+s2], $0x1800, $0x38;
	[tilespmem:$0x1A080] =	vst v63  }
0x16: {  	_ =	swait.ge [sflag:s11], $0x1800  }
0x17: {  	[sflag:s11] =	ssyncset.done $0x0  }
0x18: {  	[sflag:s11] =	ssyncadd.s32 $0xFFFFE800  }
0x19: {  	[tilespmem:s12], [sflag:$0x3] =	stream.linear.gather [hbm4b:s4+s2], $0x80, $0x38;
	[tilespmem:$0x1A080] =	vst v63  }
0x1a: {  	_ =	swait.ge [sflag:s11], $0x80  }
0x1b: {  	[sflag:s11] =	ssyncset.done $0x0  }
0x1c: {  	[sflag:s11] =	ssyncadd.s32 $0xFFFFFF80  }
0x1d: {  	v4 =	vld [tilespmem:$0x1800];
	[tilespmem:s13], [sflag:$0x1] =	stream.linear.gather [hbm4b:s5+s2], $0xC000, $0x38  }
0x1e: {  	_ = 	snop  }
0x1f: {  	[tilespmem:s14], [sflag:$0x2] =	stream.linear.gather [hbm4b:s6+s2], $0xC000, $0x38;
	[tilespmem:$0x1A080] =	vst v63  }
0x20: {  	_ =	swait.ge [sflag:s15], $0xC000  }
0x21: {  	[sflag:s15] =	ssyncset.done $0x0  }
0x22: {  	s19 =	simm.s32 $0x0;
	[sflag:s15] =	ssyncadd.s32 $0xFFFF4000  }
.LBB2_2:
0x23: {  	s20 =	sshrl.u32 s19, $0x1  }
0x24: {  	s20 =	smul.u32 $0x6000, s20  }
0x25: {  	s21 =	sshll.u32 s19, $0x9  }
0x26: {  	s21 =	sand.u32 $0x200, s21;
	s20 =	sshra.s32 s20, $0x2  }
0x27: {  	s30 =	simm.s32 $0x0;
	s20 =	sor.u32 s21, s20  }
0x28: {  	s22 =	sand.u32 $0x70, s30;
	s23 =	sand.u32 $0x1C00, s30;
	s20 =	sadd.s32 $0x1880, s20  }
0x29: {  	s24 =	sor.u32 s22, s23;
	[dreg:$0x5] =	wrdreg s20  }
0x2a: {  	v12 =	vld [tilespmem:s24+$0x0];
	s31 =	rddreg [dreg:$0x5]  }
0x2b: {  	v8 =	vld [tilespmem:s24+$0x280];
	s21 =	sadd.s32 s23, s31  }
0x2c: {  	v35 =	vld [tilespmem:s24+$0x200];
	s21 =	sadd.s32 s22, s21  }
0x2d: {  	v37 =	vld [tilespmem:s21+$0x80]  }
0x2e: {  	v14 =	vimm.f32 $0.0e+00;
	v44 =	vimm.f32 $0.0e+00;
	v13 =	vld [tilespmem:s21+$0x100]  }
0x2f: {  	v24 =	vimm.f32 $0.0e+00;
	v47 =	vimm.f32 $0.0e+00;
	v26 =	vimm.f32 $0.0e+00;
	v7 =	vld [tilespmem:s24+$0x100]  }
0x30: {  	v48 =	vimm.f32 $0.0e+00;
	v45 =	vimm.f32 $0.0e+00;
	v43 =	vimm.f32 $0.0e+00;
	v16 =	vld [tilespmem:s24+$0x300]  }
0x31: {  	v28 =	vimm.f32 $0.0e+00;
	v42 =	vimm.f32 $0.0e+00;
	v27 =	vimm.f32 $0.0e+00;
	v55 =	vld [tilespmem:s24+$0x180]  }
0x32: {  	v25 =	vimm.f32 $0.0e+00;
	v49 =	vimm.f32 $0.0e+00;
	v40 =	vld [tilespmem:s21+$0x0];
	v5 =	vmul.f32 v8, v37  }
0x33: {  	v23 =	vimm.f32 $0.0e+00;
	v15 =	vld [tilespmem:s21+$0x180];
	v6 =	vmul.f32 v12, v13;
	v31 =	vmul.f32 v35, v13  }
0x34: {  	v51 =	vimm.f32 $0.0e+00;
	s20 =	sor.u32 s30, s30;
	v54 =	vmul.f32 v12, v37;
	v11 =	vmul.f32 v7, v37  }
0x35: {  	v46 =	vimm.f32 $0.0e+00;
	s20 =	sor.u32 $0x380, s20;
	v17 =	vmul.f32 v35, v37;
	v18 =	vmul.f32 v8, v13  }
0x36: {  	v21 =	vimm.f32 $0.0e+00;
	v10 =	vld [tilespmem:s20+$0x0];
	v19 =	vmul.f32 v16, v37;
	v38 =	vmul.f32 v7, v13  }
0x37: {  	v50 =	vimm.f32 $0.0e+00;
	v29 =	vld [tilespmem:s24+$0x80];
	v53 =	vmul.f32 v12, v40;
	v41 =	vmul.f32 v55, v13  }
0x38: {  	v20 =	vimm.f32 $0.0e+00;
	v22 =	vmul.f32 v35, v15;
	v56 =	vmul.f32 v55, v40  }
0x39: {  	v52 =	vimm.f32 $0.0e+00;
	v57 =	vmul.f32 v8, v40;
	v39 =	vmul.f32 v55, v15  }
0x3a: {  	v30 =	vadd.f32 v5, v14;
	v5 =	vmul.f32 v16, v13;
	v9 =	vadd.f32 v6, v14  }
0x3b: {  	v6 =	vmul.f32 v10, v13;
	v32 =	vadd.f32 v17, v14;
	v33 =	vadd.f32 v19, v14  }
0x3c: {  	v17 =	vmul.f32 v29, v37;
	v34 =	vadd.f32 v11, v14;
	v11 =	vadd.f32 v18, v14  }
0x3d: {  	v18 =	vimm.f32 $0.0e+00;
	v19 =	vimm.f32 $0.0e+00;
	v5 =	vadd.f32 v5, v14  }
0x3e: {  	s20 =	simm.s32 $0x10;
	s21 =	simm.s32 $0x80;
	v6 =	vadd.f32 v6, v14;
	v36 =	vadd.f32 v17, v14;
	v17 =	vimm.f32 $0.0e+00  }
.LBB2_3:
0x3f: {  	s23 =	sand.u32 $0x70, s20;
	s24 =	sand.u32 $0x1C00, s21;
	v58 =	vmul.f32 v16, v40  }
0x40: {  	v62 =	vmul.f32 v12, v15;
	v63 =	vmul.f32 v29, v40;
	s22 =	sor.u32 s23, s24  }
0x41: {  	v60 =	vmul.f32 v29, v15;
	v14 =	vadd.f32 v41, v14;
	v24 =	vadd.f32 v38, v24;
	v38 =	vld [tilespmem:s22+$0x100]  }
0x42: {  	v41 =	vmul.f32 v16, v15;
	v26 =	vadd.f32 v31, v26;
	v31 =	vmul.f32 v35, v40;
	v35 =	vld [tilespmem:s22+$0x200]  }
0x43: {  	s25 =	rddreg [dreg:$0x5];
	v44 =	vadd.f32 v57, v44;
	v16 =	vmul.f32 v55, v37;
	v45 =	vadd.f32 v54, v45;
	v12 =	vld [tilespmem:s22+$0x0]  }
0x44: {  	s24 =	sadd.s32 s24, s25;
	v43 =	vadd.f32 v56, v43;
	v25 =	vadd.f32 v62, v25;
	v62 =	vmul.f32 v8, v15;
	v8 =	vld [tilespmem:s22+$0x280]  }
0x45: {  	v29 =	vmul.f32 v29, v13;
	v28 =	vadd.f32 v39, v28;
	s23 =	sadd.s32 s23, s24;
	v48 =	vadd.f32 v16, v48;
	v16 =	vld [tilespmem:s22+$0x300]  }
0x46: {  	v55 =	vmul.f32 v10, v40;
	v51 =	vadd.f32 v53, v51;
	v20 =	vadd.f32 v22, v20;
	v13 =	vld [tilespmem:s23+$0x100]  }
0x47: {  	v47 =	vadd.f32 v58, v47;
	v49 =	vadd.f32 v63, v49;
	v61 =	vld [tilespmem:s23+$0x80]  }
0x48: {  	v59 =	vmul.f32 v7, v40;
	v23 =	vadd.f32 v60, v23;
	v46 =	vadd.f32 v55, v46;
	v55 =	vld [tilespmem:s22+$0x180]  }
0x49: {  	v63 =	vmul.f32 v10, v37;
	v42 =	vadd.f32 v31, v42;
	v31 =	vmul.f32 v7, v15;
	v40 =	vld [tilespmem:s23+$0x0]  }
0x4a: {  	s26 =	smov.u32 s20;
	v17 =	vadd.f32 v29, v17;
	v52 =	vadd.f32 v59, v52;
	v15 =	vmul.f32 v10, v15  }
0x4b: {  	s31 =	sor.u32 s21, s26;
	v21 =	vadd.f32 v31, v21;
	v22 =	vmul.f32 v12, v13;
	v31 =	vmul.f32 v35, v13  }
0x4c: {  	s24 =	sor.u32 $0x380, s31;
	v29 =	vld [tilespmem:s22+$0x80];
	v7 =	vmovc v38;
	v37 =	vmov v61;
	v53 =	vmul.f32 v16, v13;
	v61 =	vmul.f32 v8, v13  }
0x4d: {  	v27 =	vadd.f32 v41, v27;
	v10 =	vld [tilespmem:s24+$0x0];
	v38 =	vmul.f32 v7, v13;
	v41 =	vmul.f32 v55, v13  }
0x4e: {  	v18 =	vadd.f32 v62, v18;
	v56 =	vmul.f32 v55, v40;
	v57 =	vmul.f32 v8, v40  }
0x4f: {  	v50 =	vadd.f32 v63, v50;
	v39 =	vmul.f32 v8, v37;
	v54 =	vmul.f32 v12, v37  }
0x50: {  	p0 =	sne.s32 s20, $0x2F0;
	v19 =	vadd.f32 v15, v19;
	v15 =	vld [tilespmem:s23+$0x180];
	v60 =	vmul.f32 v35, v37;
	v62 =	vmul.f32 v16, v37  }
.Ltmp0:
0x51: {  	v63 =	vmul.f32 v29, v37;
	v9 =	vadd.f32 v22, v9;
	v5 =	vadd.f32 v53, v5;
	(pc) =	sbr.rel @p0 .LBB2_3-.Ltmp0, $4  }
0x52: {  	v22 =	vmul.f32 v10, v13;
	v11 =	vadd.f32 v61, v11;
	v30 =	vadd.f32 v39, v30  }
0x53: {  	v39 =	vmul.f32 v7, v37;
	v32 =	vadd.f32 v60, v32;
	v33 =	vadd.f32 v62, v33  }
0x54: {  	v53 =	vmul.f32 v12, v40;
	v36 =	vadd.f32 v63, v36;
	v6 =	vadd.f32 v22, v6  }
0x55: {  	s20 =	sadd.s32 $0x10, s20;
	s21 =	sadd.s32 $0x80, s21;
	v22 =	vmul.f32 v35, v15;
	v34 =	vadd.f32 v39, v34;
	v39 =	vmul.f32 v55, v15  }
0x56: {  	v58 =	vmul.f32 v16, v40  }
0x57: {  	v55 =	vmul.f32 v55, v37;
	v44 =	vadd.f32 v57, v44;
	v57 =	vmul.f32 v10, v40  }
0x58: {  	v60 =	vmul.f32 v29, v40;
	v45 =	vadd.f32 v54, v45;
	v61 =	vmul.f32 v7, v40  }
0x59: {  	v51 =	vadd.f32 v53, v51;
	v35 =	vmul.f32 v35, v40;
	v40 =	vadd.f32 v56, v43  }
0x5a: {  	v63 =	vmul.f32 v10, v37;
	v14 =	vadd.f32 v41, v14;
	v24 =	vadd.f32 v38, v24  }
0x5b: {  	v26 =	vadd.f32 v31, v26;
	v12 =	vmul.f32 v12, v15;
	v13 =	vmul.f32 v29, v13  }
0x5c: {  	v7 =	vmul.f32 v7, v15;
	v8 =	vmul.f32 v8, v15;
	v28 =	vadd.f32 v39, v28  }
0x5d: {  	v31 =	vperm.xlane v6, v0;
	v47 =	vadd.f32 v58, v47;
	v48 =	vadd.f32 v55, v48  }
0x5e: {  	v62 =	vadd.f32 v60, v49;
	v56 =	vadd.f32 v61, v52;
	v58 =	vperm.xlane v51, v0  }
0x5f: {  	v35 =	vadd.f32 v35, v42;
	v60 =	vperm.xlane v40, v0;
	v46 =	vadd.f32 v57, v46  }
0x60: {  	v37 =	vadd.f32 v63, v50;
	v63 =	vperm.xlane v44, v0;
	v55 =	vperm.xlane v36, v0  }
0x61: {  	v50 =	vperm.xlane v33, v0;
	v8 =	vadd.f32 v8, v18;
	v59 =	vperm.xlane v62, v0  }
0x62: {  	v61 =	vperm.xlane v56, v0;
	v43 =	vsel vm0, v58, v62;
	v62 =	vperm.xlane v35, v0  }
0x63: {  	v7 =	vadd.f32 v7, v21;
	v53 =	vperm.xlane v46, v0;
	v54 =	vperm.xlane v47, v0  }
0x64: {  	v49 =	vsel vm0, v56, v60;
	v56 =	vperm.xlane v45, v0;
	v57 =	vperm.xlane v48, v0  }
0x65: {  	v35 =	vsel vm0, v35, v63;
	v58 =	vperm.xlane v34, v0;
	v63 =	vperm.xlane v37, v0  }
0x66: {  	v37 =	vsel vm0, v50, v37;
	v38 =	vperm.xlane v7, v0;
	v41 =	vperm.xlane v8, v0  }
0x67: {  	v42 =	vsel vm0, v51, v59;
	v40 =	vsel vm0, v61, v40;
	v44 =	vsel vm0, v62, v44  }
0x68: {  	v46 =	vsel vm0, v54, v46;
	v59 =	vsel vm0, v56, v36;
	v60 =	vsel vm0, v34, v57  }
0x69: {  	v61 =	vperm.xlane v32, v0;
	v62 =	vperm.xlane v30, v0;
	v42 =	vadd.f32 v42, v43  }
0x6a: {  	v40 =	vadd.f32 v49, v40;
	v35 =	vadd.f32 v35, v44;
	v43 =	vsel vm0, v47, v53  }
0x6b: {  	v44 =	vsel vm0, v45, v55;
	v45 =	vsel vm0, v58, v48;
	v43 =	vadd.f32 v43, v46  }
0x6c: {  	v53 =	vsel vm0, v33, v63;
	v36 =	vadd.f32 v44, v59;
	v34 =	vadd.f32 v60, v45  }
0x6d: {  	v56 =	vadd.f32 v53, v37;
	v53 =	vmul.f32 v16, v15;
	v54 =	vperm.xlane v42, v1  }
0x6e: {  	v51 =	vsel vm0, v32, v62;
	v55 =	vperm.xlane v40, v1;
	v59 =	vperm.xlane v35, v1  }
0x6f: {  	v52 =	vsel vm0, v61, v30;
	v57 =	vperm.xlane v43, v1;
	v60 =	vperm.xlane v36, v1  }
0x70: {  	v30 =	vadd.f32 v51, v52;
	v61 =	vperm.xlane v34, v1;
	v63 =	vperm.xlane v56, v1  }
0x71: {  	v16 =	vadd.f32 v53, v27;
	v27 =	vperm.xlane v26, v0;
	v58 =	vsel vm1, v42, v55  }
0x72: {  	v40 =	vsel vm1, v54, v40;
	v42 =	vsel vm1, v59, v43;
	v62 =	vperm.xlane v30, v1  }
0x73: {  	v55 =	vmul.f32 v29, v15;
	v29 =	vperm.xlane v11, v0;
	v33 =	vsel vm1, v35, v57  }
0x74: {  	v37 =	vadd.f32 v58, v40;
	v36 =	vsel vm1, v36, v61;
	v34 =	vsel vm1, v60, v34  }
0x75: {  	v30 =	vsel vm1, v30, v63;
	v33 =	vadd.f32 v33, v42;
	v32 =	vsel vm1, v62, v56  }
0x76: {  	v57 =	vmul.f32 v10, v15;
	v34 =	vadd.f32 v36, v34;
	v30 =	vadd.f32 v30, v32  }
0x77: {  	v13 =	vadd.f32 v13, v17;
	v47 =	vperm.xlane v37, v2;
	v48 =	vperm.xlane v33, v2  }
0x78: {  	v20 =	vadd.f32 v22, v20;
	v36 =	vperm.xlane v34, v2;
	v49 =	vperm.xlane v30, v2  }
0x79: {  	v60 =	vperm.xlane v9, v0;
	v61 =	vperm.xlane v13, v0;
	v32 =	vsel vm2, v47, v33  }
0x7a: {  	v35 =	vsel vm2, v37, v48;
	v30 =	vsel vm2, v36, v30;
	v50 =	vsel vm2, v34, v49  }
0x7b: {  	v63 =	vperm.xlane v24, v0;
	v32 =	vadd.f32 v35, v32;
	v30 =	vadd.f32 v50, v30  }
0x7c: {  	v12 =	vadd.f32 v12, v25;
	v40 =	vperm.xlane v20, v0;
	v43 =	vperm.xlane v16, v0  }
0x7d: {  	v44 =	vsel vm0, v20, v41;
	v51 =	vperm.xlane v32, v3;
	v52 =	vperm.xlane v30, v3  }
0x7e: {  	v23 =	vadd.f32 v55, v23;
	v62 =	vperm.xlane v14, v0;
	v10 =	vadd.f32 v57, v19  }
0x7f: {  	v22 =	vsel vm0, v9, v61;
	v30 =	vsel vm3, v51, v30;
	v32 =	vsel vm3, v32, v52  }
0x80: {  	v13 =	vsel vm0, v60, v13;
	v14 =	vsel vm0, v63, v14;
	v30 =	vadd.f32 v30, v32  }
0x81: {  	v8 =	vsel vm0, v40, v8;
	v25 =	vsel vm0, v24, v62;
	v9 =	vadd.f32 v22, v13  }
0x82: {  	v8 =	vadd.f32 v44, v8;
	v42 =	vperm.xlane v10, v0;
	v30 =	vadd.f32 v30, v4  }
0x83: {  	v33 =	vsel vm0, v27, v11;
	v36 =	vperm.xlane v12, v0;
	v37 =	vperm.xlane v28, v0  }
0x84: {  	v10 =	vsel vm0, v43, v10;
	v45 =	vperm.xlane v9, v1;
	v54 =	vperm.xlane v30, v2  }
0x85: {  	v34 =	vperm.xlane v5, v0;
	v5 =	vsel vm0, v5, v31;
	v35 =	vperm.xlane v23, v0  }
0x86: {  	v16 =	vsel vm0, v16, v42;
	v39 =	vsel vm0, v36, v23;
	v32 =	vmax.f32 v30, v54  }
0x87: {  	v7 =	vsel vm0, v7, v37;
	v6 =	vsel vm0, v34, v6;
	v56 =	vperm.xlane v32, v1  }
0x88: {  	v10 =	vadd.f32 v16, v10;
	v5 =	vadd.f32 v5, v6;
	v6 =	vsel vm0, v12, v35  }
0x89: {  	v12 =	vsel vm0, v38, v28;
	v6 =	vadd.f32 v6, v39;
	v58 =	vmax.f32 v32, v56  }
0x8a: {  	v7 =	vadd.f32 v7, v12;
	v51 =	vperm.xlane v8, v1;
	v59 =	vperm.xlane v58, v0  }
0x8b: {  	v47 =	vperm.xlane v5, v1;
	v52 =	vperm.xlane v10, v1;
	v32 =	vsel vm0, v26, v29  }
0x8c: {  	v50 =	vperm.xlane v7, v1;
	v11 =	vadd.f32 v32, v33;
	v15 =	vmax.f32 v58, v59  }
0x8d: {  	v49 =	vperm.xlane v6, v1;
	v15 =	vsub.f32 v30, v15;
	v30 =	vadd.f32 v25, v14  }
0x8e: {  	v10 =	vsel vm1, v51, v10;
	v8 =	vsel vm1, v8, v52;
	v6 =	vsel vm1, v6, v50  }
0x8f: {  	v7 =	vsel vm1, v49, v7;
	v48 =	vperm.xlane v11, v1;
	v46 =	vperm.xlane v30, v1  }
0x90: {  	v6 =	vadd.f32 v6, v7;
	v7 =	vadd.f32 v8, v10;
	v11 =	vsel vm1, v11, v47  }
0x91: {  	v5 =	vsel vm1, v48, v5;
	v12 =	vsel vm1, v45, v30;
	v9 =	vsel vm1, v9, v46  }
0x92: {  	v57 =	vperm.xlane v7, v2;
	v5 =	vadd.f32 v11, v5;
	v9 =	vadd.f32 v9, v12  }
0x93: {  	v56 =	vperm.xlane v6, v2;
	v53 =	vmul.f32 $1.442695020e+00, v15  }
0x94: {  	v55 =	vperm.xlane v5, v2;
	v54 =	vperm.xlane v9, v2  }
0x95: {  	v6 =	vsel vm2, v6, v57;
	v7 =	vsel vm2, v56, v7  }
0x96: {  	(erf) = vpow2.f32 v53;
	v9 =	vsel vm2, v9, v55;
	v5 =	vsel vm2, v54, v5  }
0x97: {  	v6 =	vadd.f32 v6, v7;
	v5 =	vadd.f32 v9, v5;
	_ =	sdelay $0x1  }
0x98: {  	v58 =	vperm.xlane v6, v3;
	v7 =	vperm.xlane v5, v3;
	_ =	sdelay $0x1  }
0x99: {  	v5 =	vsel vm3, v5, v58;
	v6 =	vsel vm3, v7, v6  }
0x9a: {  	v5 =	vadd.f32 v6, v5;
	_ =	sdelay $0x1  }
0x9b: {  	v5 =	vadd.f32 v5, v4  }
0x9c: {  	v6 =	vpop (erf)  }
0x9d: {  	v7 =	vperm.xlane v6, v2;
	v59 =	vperm.xlane v5, v2;
	_ =	sdelay $0x1  }
0x9e: {  	v7 =	vadd.f32 v6, v7;
	v8 =	vmax.f32 v5, v59  }
0x9f: {  	v60 =	vperm.xlane v8, v1  }
0xa0: {  	v61 =	vperm.xlane v7, v1  }
0xa1: {  	v8 =	vmax.f32 v8, v60  }
0xa2: {  	v7 =	vadd.f32 v7, v61;
	v9 =	vperm.xlane v8, v0;
	_ =	sdelay $0x1  }
0xa3: {  	v10 =	vperm.xlane v7, v0;
	v8 =	vmax.f32 v8, v9  }
0xa4: {  	v5 =	vsub.f32 v5, v8  }
0xa5: {  	v7 =	vadd.f32 v7, v10  }
0xa6: {  	v5 =	vmul.f32 $1.442695020e+00, v5  }
0xa7: {  	(erf) = vrcp.f32 v7  }
0xa8: {  	(erf) = vpow2.f32 v5;
	_ =	sdelay $0x7  }
0xa9: {  	v5 =	vpop (erf)  }
0xaa: {  	v7 =	vpop (erf)  }
0xab: {  	v62 =	vperm.xlane v7, v2;
	_ =	sdelay $0x1  }
0xac: {  	v8 =	vadd.f32 v7, v62;
	_ =	sdelay $0x1  }
0xad: {  	v63 =	vperm.xlane v8, v1;
	_ =	sdelay $0x1  }
0xae: {  	v8 =	vadd.f32 v8, v63;
	_ =	sdelay $0x1  }
0xaf: {  	v9 =	vperm.xlane v8, v0;
	_ =	sdelay $0x1  }
0xb0: {  	v8 =	vadd.f32 v8, v9;
	_ =	sdelay $0x1  }
0xb1: {  	(erf) = vrcp.f32 v8;
	_ =	sdelay $0x5  }
0xb2: {  	s20 =	sshll.u32 s19, $0x5;
	s19 =	sadd.s32 $0x1, s19  }
0xb3: {  	p0 =	sne.s32 s19, $0x10  }
.Ltmp1:
0xb4: {  	_ = 	snop;
	(pc) =	sbr.rel @p0 .LBB2_2-.Ltmp1, $4  }
0xb5: {  	v5 =	vmul.f32 v5, v6;
	v6 =	vpop (erf)  }
0xb6: {  	s20 =	sand.u32 $0x3FFFFFE0, s20;
	v6 =	vmul.f32 v6, v7  }
0xb7: {  	[tilespmem:s20+$0x19880] =	vst v5  }
0xb8: {  	[tilespmem:s20+$0x19890] =	vst v6  }
0xb9: {  	s19 =	simm.s32 $0x0  }
0xba: {  	[tilespmem:s13], [sflag:$0x1] =	stream.linear.gather [hbm4b:s7+s19], $0xC000, $0x38;
	[tilespmem:$0x1A080] =	vst v63  }
0xbb: {  	_ =	swait.ge [sflag:s16], $0xC000  }
0xbc: {  	[sflag:s16] =	ssyncset.done $0x0  }
0xbd: {  	s20 =	simm.s32 $0x0;
	[sflag:s16] =	ssyncadd.s32 $0xFFFF4000  }
.LBB2_6:
0xbe: {  	s21 =	sshrl.u32 s20, $0x1  }
0xbf: {  	s21 =	smul.u32 $0x6000, s21  }
0xc0: {  	s22 =	sshll.u32 s20, $0x9  }
0xc1: {  	s22 =	sand.u32 $0x200, s22;
	s21 =	sshra.s32 s21, $0x2  }
0xc2: {  	s21 =	sor.u32 s22, s21  }
0xc3: {  	s30 =	sand.u32 $0x70, s19;
	s23 =	sand.u32 $0x1C00, s19;
	s21 =	sadd.s32 $0xD880, s21  }
0xc4: {  	s24 =	sor.u32 s30, s23;
	[dreg:$0x6] =	wrdreg s21  }
0xc5: {  	v12 =	vld [tilespmem:s24+$0x0];
	s21 =	rddreg [dreg:$0x6]  }
0xc6: {  	v8 =	vld [tilespmem:s24+$0x280];
	s21 =	sadd.s32 s23, s21  }
0xc7: {  	v35 =	vld [tilespmem:s24+$0x200];
	s21 =	sadd.s32 s30, s21  }
0xc8: {  	v37 =	vld [tilespmem:s21+$0x80]  }
0xc9: {  	v14 =	vimm.f32 $0.0e+00;
	v44 =	vimm.f32 $0.0e+00;
	v13 =	vld [tilespmem:s21+$0x100]  }
0xca: {  	v24 =	vimm.f32 $0.0e+00;
	v47 =	vimm.f32 $0.0e+00;
	v26 =	vimm.f32 $0.0e+00;
	v7 =	vld [tilespmem:s24+$0x100]  }
0xcb: {  	v48 =	vimm.f32 $0.0e+00;
	v45 =	vimm.f32 $0.0e+00;
	v43 =	vimm.f32 $0.0e+00;
	v16 =	vld [tilespmem:s24+$0x300]  }
0xcc: {  	v28 =	vimm.f32 $0.0e+00;
	v42 =	vimm.f32 $0.0e+00;
	v27 =	vimm.f32 $0.0e+00;
	v55 =	vld [tilespmem:s24+$0x180]  }
0xcd: {  	v25 =	vimm.f32 $0.0e+00;
	v49 =	vimm.f32 $0.0e+00;
	v40 =	vld [tilespmem:s21+$0x0];
	v5 =	vmul.f32 v8, v37  }
0xce: {  	v23 =	vimm.f32 $0.0e+00;
	v15 =	vld [tilespmem:s21+$0x180];
	v6 =	vmul.f32 v12, v13;
	v31 =	vmul.f32 v35, v13  }
0xcf: {  	s31 =	sor.u32 s19, s19;
	v51 =	vimm.f32 $0.0e+00;
	v54 =	vmul.f32 v12, v37;
	v11 =	vmul.f32 v7, v37  }
0xd0: {  	v46 =	vimm.f32 $0.0e+00;
	s22 =	sor.u32 $0x380, s31;
	v17 =	vmul.f32 v35, v37;
	v18 =	vmul.f32 v8, v13  }
0xd1: {  	v21 =	vimm.f32 $0.0e+00;
	v10 =	vld [tilespmem:s22+$0x0];
	v19 =	vmul.f32 v16, v37;
	v38 =	vmul.f32 v7, v13  }
0xd2: {  	v50 =	vimm.f32 $0.0e+00;
	v29 =	vld [tilespmem:s24+$0x80];
	v53 =	vmul.f32 v12, v40;
	v41 =	vmul.f32 v55, v13  }
0xd3: {  	v20 =	vimm.f32 $0.0e+00;
	v22 =	vmul.f32 v35, v15;
	v56 =	vmul.f32 v55, v40  }
0xd4: {  	v52 =	vimm.f32 $0.0e+00;
	v57 =	vmul.f32 v8, v40;
	v39 =	vmul.f32 v55, v15  }
0xd5: {  	v30 =	vadd.f32 v5, v14;
	v5 =	vmul.f32 v16, v13;
	v9 =	vadd.f32 v6, v14  }
0xd6: {  	v6 =	vmul.f32 v10, v13;
	v32 =	vadd.f32 v17, v14;
	v33 =	vadd.f32 v19, v14  }
0xd7: {  	v17 =	vmul.f32 v29, v37;
	v34 =	vadd.f32 v11, v14;
	v11 =	vadd.f32 v18, v14  }
0xd8: {  	v18 =	vimm.f32 $0.0e+00;
	v19 =	vimm.f32 $0.0e+00;
	v5 =	vadd.f32 v5, v14  }
0xd9: {  	s22 =	simm.s32 $0x80;
	s21 =	simm.s32 $0x10;
	v6 =	vadd.f32 v6, v14;
	v36 =	vadd.f32 v17, v14;
	v17 =	vimm.f32 $0.0e+00  }
.LBB2_7:
0xda: {  	s24 =	sand.u32 $0x70, s21;
	s25 =	sand.u32 $0x1C00, s22;
	v58 =	vmul.f32 v16, v40  }
0xdb: {  	v62 =	vmul.f32 v12, v15;
	v63 =	vmul.f32 v29, v40;
	s23 =	sor.u32 s24, s25  }
0xdc: {  	v60 =	vmul.f32 v29, v15;
	v14 =	vadd.f32 v41, v14;
	v24 =	vadd.f32 v38, v24;
	v38 =	vld [tilespmem:s23+$0x100]  }
0xdd: {  	v41 =	vmul.f32 v16, v15;
	v26 =	vadd.f32 v31, v26;
	v31 =	vmul.f32 v35, v40;
	v35 =	vld [tilespmem:s23+$0x200]  }
0xde: {  	s26 =	rddreg [dreg:$0x6];
	v44 =	vadd.f32 v57, v44;
	v16 =	vmul.f32 v55, v37;
	v45 =	vadd.f32 v54, v45;
	v12 =	vld [tilespmem:s23+$0x0]  }
0xdf: {  	s25 =	sadd.s32 s25, s26;
	v43 =	vadd.f32 v56, v43;
	v25 =	vadd.f32 v62, v25;
	v62 =	vmul.f32 v8, v15;
	v8 =	vld [tilespmem:s23+$0x280]  }
0xe0: {  	v29 =	vmul.f32 v29, v13;
	v28 =	vadd.f32 v39, v28;
	s24 =	sadd.s32 s24, s25;
	v48 =	vadd.f32 v16, v48;
	v16 =	vld [tilespmem:s23+$0x300]  }
0xe1: {  	v55 =	vmul.f32 v10, v40;
	v51 =	vadd.f32 v53, v51;
	v20 =	vadd.f32 v22, v20;
	v13 =	vld [tilespmem:s24+$0x100]  }
0xe2: {  	v47 =	vadd.f32 v58, v47;
	v49 =	vadd.f32 v63, v49;
	v61 =	vld [tilespmem:s24+$0x80]  }
0xe3: {  	v59 =	vmul.f32 v7, v40;
	v23 =	vadd.f32 v60, v23;
	v46 =	vadd.f32 v55, v46;
	v55 =	vld [tilespmem:s23+$0x180]  }
0xe4: {  	v63 =	vmul.f32 v10, v37;
	v42 =	vadd.f32 v31, v42;
	v31 =	vmul.f32 v7, v15;
	v40 =	vld [tilespmem:s24+$0x0]  }
0xe5: {  	s28 =	smov.u32 s21;
	v17 =	vadd.f32 v29, v17;
	v52 =	vadd.f32 v59, v52;
	v15 =	vmul.f32 v10, v15  }
0xe6: {  	s31 =	sor.u32 s22, s28;
	v21 =	vadd.f32 v31, v21;
	v22 =	vmul.f32 v12, v13;
	v31 =	vmul.f32 v35, v13  }
0xe7: {  	s25 =	sor.u32 $0x380, s31;
	v29 =	vld [tilespmem:s23+$0x80];
	v7 =	vmovc v38;
	v37 =	vmov v61;
	v53 =	vmul.f32 v16, v13;
	v61 =	vmul.f32 v8, v13  }
0xe8: {  	v27 =	vadd.f32 v41, v27;
	v10 =	vld [tilespmem:s25+$0x0];
	v38 =	vmul.f32 v7, v13;
	v41 =	vmul.f32 v55, v13  }
0xe9: {  	v18 =	vadd.f32 v62, v18;
	v56 =	vmul.f32 v55, v40;
	v57 =	vmul.f32 v8, v40  }
0xea: {  	v50 =	vadd.f32 v63, v50;
	v39 =	vmul.f32 v8, v37;
	v54 =	vmul.f32 v12, v37  }
0xeb: {  	p0 =	sne.s32 s21, $0x2F0;
	v19 =	vadd.f32 v15, v19;
	v15 =	vld [tilespmem:s24+$0x180];
	v60 =	vmul.f32 v35, v37;
	v62 =	vmul.f32 v16, v37  }
.Ltmp2:
0xec: {  	v63 =	vmul.f32 v29, v37;
	v9 =	vadd.f32 v22, v9;
	v5 =	vadd.f32 v53, v5;
	(pc) =	sbr.rel @p0 .LBB2_7-.Ltmp2, $4  }
0xed: {  	v22 =	vmul.f32 v10, v13;
	v11 =	vadd.f32 v61, v11;
	v30 =	vadd.f32 v39, v30  }
0xee: {  	v39 =	vmul.f32 v7, v37;
	v32 =	vadd.f32 v60, v32;
	v33 =	vadd.f32 v62, v33  }
0xef: {  	v53 =	vmul.f32 v12, v40;
	v36 =	vadd.f32 v63, v36;
	v6 =	vadd.f32 v22, v6  }
0xf0: {  	s21 =	sadd.s32 $0x10, s21;
	s22 =	sadd.s32 $0x80, s22;
	v22 =	vmul.f32 v35, v15;
	v34 =	vadd.f32 v39, v34;
	v39 =	vmul.f32 v55, v15  }
0xf1: {  	v58 =	vmul.f32 v16, v40  }
0xf2: {  	v55 =	vmul.f32 v55, v37;
	v44 =	vadd.f32 v57, v44;
	v57 =	vmul.f32 v10, v40  }
0xf3: {  	v60 =	vmul.f32 v29, v40;
	v45 =	vadd.f32 v54, v45;
	v61 =	vmul.f32 v7, v40  }
0xf4: {  	v51 =	vadd.f32 v53, v51;
	v35 =	vmul.f32 v35, v40;
	v40 =	vadd.f32 v56, v43  }
0xf5: {  	v63 =	vmul.f32 v10, v37;
	v14 =	vadd.f32 v41, v14;
	v24 =	vadd.f32 v38, v24  }
0xf6: {  	v26 =	vadd.f32 v31, v26;
	v12 =	vmul.f32 v12, v15;
	v13 =	vmul.f32 v29, v13  }
0xf7: {  	v7 =	vmul.f32 v7, v15;
	v8 =	vmul.f32 v8, v15;
	v28 =	vadd.f32 v39, v28  }
0xf8: {  	v31 =	vperm.xlane v6, v0;
	v47 =	vadd.f32 v58, v47;
	v48 =	vadd.f32 v55, v48  }
0xf9: {  	v62 =	vadd.f32 v60, v49;
	v56 =	vadd.f32 v61, v52;
	v58 =	vperm.xlane v51, v0  }
0xfa: {  	v35 =	vadd.f32 v35, v42;
	v60 =	vperm.xlane v40, v0;
	v46 =	vadd.f32 v57, v46  }
0xfb: {  	v37 =	vadd.f32 v63, v50;
	v63 =	vperm.xlane v44, v0;
	v55 =	vperm.xlane v36, v0  }
0xfc: {  	v50 =	vperm.xlane v33, v0;
	v8 =	vadd.f32 v8, v18;
	v59 =	vperm.xlane v62, v0  }
0xfd: {  	v61 =	vperm.xlane v56, v0;
	v43 =	vsel vm0, v58, v62;
	v62 =	vperm.xlane v35, v0  }
0xfe: {  	v7 =	vadd.f32 v7, v21;
	v53 =	vperm.xlane v46, v0;
	v54 =	vperm.xlane v47, v0  }
0xff: {  	v49 =	vsel vm0, v56, v60;
	v56 =	vperm.xlane v45, v0;
	v57 =	vperm.xlane v48, v0  }
0x100: {  	v35 =	vsel vm0, v35, v63;
	v58 =	vperm.xlane v34, v0;
	v63 =	vperm.xlane v37, v0  }
0x101: {  	v37 =	vsel vm0, v50, v37;
	v38 =	vperm.xlane v7, v0;
	v41 =	vperm.xlane v8, v0  }
0x102: {  	v42 =	vsel vm0, v51, v59;
	v40 =	vsel vm0, v61, v40;
	v44 =	vsel vm0, v62, v44  }
0x103: {  	v46 =	vsel vm0, v54, v46;
	v59 =	vsel vm0, v56, v36;
	v60 =	vsel vm0, v34, v57  }
0x104: {  	v61 =	vperm.xlane v32, v0;
	v62 =	vperm.xlane v30, v0;
	v42 =	vadd.f32 v42, v43  }
0x105: {  	v40 =	vadd.f32 v49, v40;
	v35 =	vadd.f32 v35, v44;
	v43 =	vsel vm0, v47, v53  }
0x106: {  	v44 =	vsel vm0, v45, v55;
	v45 =	vsel vm0, v58, v48;
	v43 =	vadd.f32 v43, v46  }
0x107: {  	v53 =	vsel vm0, v33, v63;
	v36 =	vadd.f32 v44, v59;
	v34 =	vadd.f32 v60, v45  }
0x108: {  	v56 =	vadd.f32 v53, v37;
	v53 =	vmul.f32 v16, v15;
	v54 =	vperm.xlane v42, v1  }
0x109: {  	v51 =	vsel vm0, v32, v62;
	v55 =	vperm.xlane v40, v1;
	v59 =	vperm.xlane v35, v1  }
0x10a: {  	v52 =	vsel vm0, v61, v30;
	v57 =	vperm.xlane v43, v1;
	v60 =	vperm.xlane v36, v1  }
0x10b: {  	v30 =	vadd.f32 v51, v52;
	v61 =	vperm.xlane v34, v1;
	v63 =	vperm.xlane v56, v1  }
0x10c: {  	v16 =	vadd.f32 v53, v27;
	v27 =	vperm.xlane v26, v0;
	v58 =	vsel vm1, v42, v55  }
0x10d: {  	v40 =	vsel vm1, v54, v40;
	v42 =	vsel vm1, v59, v43;
	v62 =	vperm.xlane v30, v1  }
0x10e: {  	v55 =	vmul.f32 v29, v15;
	v29 =	vperm.xlane v11, v0;
	v33 =	vsel vm1, v35, v57  }
0x10f: {  	v37 =	vadd.f32 v58, v40;
	v36 =	vsel vm1, v36, v61;
	v34 =	vsel vm1, v60, v34  }
0x110: {  	v30 =	vsel vm1, v30, v63;
	v33 =	vadd.f32 v33, v42;
	v32 =	vsel vm1, v62, v56  }
0x111: {  	v57 =	vmul.f32 v10, v15;
	v34 =	vadd.f32 v36, v34;
	v30 =	vadd.f32 v30, v32  }
0x112: {  	v13 =	vadd.f32 v13, v17;
	v47 =	vperm.xlane v37, v2;
	v48 =	vperm.xlane v33, v2  }
0x113: {  	v20 =	vadd.f32 v22, v20;
	v36 =	vperm.xlane v34, v2;
	v49 =	vperm.xlane v30, v2  }
0x114: {  	v60 =	vperm.xlane v9, v0;
	v61 =	vperm.xlane v13, v0;
	v32 =	vsel vm2, v47, v33  }
0x115: {  	v35 =	vsel vm2, v37, v48;
	v30 =	vsel vm2, v36, v30;
	v50 =	vsel vm2, v34, v49  }
0x116: {  	v63 =	vperm.xlane v24, v0;
	v32 =	vadd.f32 v35, v32;
	v30 =	vadd.f32 v50, v30  }
0x117: {  	v12 =	vadd.f32 v12, v25;
	v40 =	vperm.xlane v20, v0;
	v43 =	vperm.xlane v16, v0  }
0x118: {  	v44 =	vsel vm0, v20, v41;
	v51 =	vperm.xlane v32, v3;
	v52 =	vperm.xlane v30, v3  }
0x119: {  	v23 =	vadd.f32 v55, v23;
	v62 =	vperm.xlane v14, v0;
	v10 =	vadd.f32 v57, v19  }
0x11a: {  	v22 =	vsel vm0, v9, v61;
	v30 =	vsel vm3, v51, v30;
	v32 =	vsel vm3, v32, v52  }
0x11b: {  	v13 =	vsel vm0, v60, v13;
	v14 =	vsel vm0, v63, v14;
	v30 =	vadd.f32 v30, v32  }
0x11c: {  	v8 =	vsel vm0, v40, v8;
	v25 =	vsel vm0, v24, v62;
	v9 =	vadd.f32 v22, v13  }
0x11d: {  	v8 =	vadd.f32 v44, v8;
	v42 =	vperm.xlane v10, v0;
	v30 =	vadd.f32 v30, v4  }
0x11e: {  	v33 =	vsel vm0, v27, v11;
	v36 =	vperm.xlane v12, v0;
	v37 =	vperm.xlane v28, v0  }
0x11f: {  	v10 =	vsel vm0, v43, v10;
	v45 =	vperm.xlane v9, v1;
	v54 =	vperm.xlane v30, v2  }
0x120: {  	v34 =	vperm.xlane v5, v0;
	v5 =	vsel vm0, v5, v31;
	v35 =	vperm.xlane v23, v0  }
0x121: {  	v16 =	vsel vm0, v16, v42;
	v39 =	vsel vm0, v36, v23;
	v32 =	vmax.f32 v30, v54  }
0x122: {  	v7 =	vsel vm0, v7, v37;
	v6 =	vsel vm0, v34, v6;
	v56 =	vperm.xlane v32, v1  }
0x123: {  	v10 =	vadd.f32 v16, v10;
	v5 =	vadd.f32 v5, v6;
	v6 =	vsel vm0, v12, v35  }
0x124: {  	v12 =	vsel vm0, v38, v28;
	v6 =	vadd.f32 v6, v39;
	v58 =	vmax.f32 v32, v56  }
0x125: {  	v7 =	vadd.f32 v7, v12;
	v51 =	vperm.xlane v8, v1;
	v59 =	vperm.xlane v58, v0  }
0x126: {  	v47 =	vperm.xlane v5, v1;
	v52 =	vperm.xlane v10, v1;
	v32 =	vsel vm0, v26, v29  }
0x127: {  	v50 =	vperm.xlane v7, v1;
	v11 =	vadd.f32 v32, v33;
	v15 =	vmax.f32 v58, v59  }
0x128: {  	v49 =	vperm.xlane v6, v1;
	v15 =	vsub.f32 v30, v15;
	v30 =	vadd.f32 v25, v14  }
0x129: {  	v10 =	vsel vm1, v51, v10;
	v8 =	vsel vm1, v8, v52;
	v6 =	vsel vm1, v6, v50  }
0x12a: {  	v7 =	vsel vm1, v49, v7;
	v48 =	vperm.xlane v11, v1;
	v46 =	vperm.xlane v30, v1  }
0x12b: {  	v6 =	vadd.f32 v6, v7;
	v7 =	vadd.f32 v8, v10;
	v11 =	vsel vm1, v11, v47  }
0x12c: {  	v5 =	vsel vm1, v48, v5;
	v12 =	vsel vm1, v45, v30;
	v9 =	vsel vm1, v9, v46  }
0x12d: {  	v57 =	vperm.xlane v7, v2;
	v5 =	vadd.f32 v11, v5;
	v9 =	vadd.f32 v9, v12  }
0x12e: {  	v56 =	vperm.xlane v6, v2;
	v53 =	vmul.f32 $1.442695020e+00, v15  }
0x12f: {  	v55 =	vperm.xlane v5, v2;
	v54 =	vperm.xlane v9, v2  }
0x130: {  	v6 =	vsel vm2, v6, v57;
	v7 =	vsel vm2, v56, v7  }
0x131: {  	(erf) = vpow2.f32 v53;
	v9 =	vsel vm2, v9, v55;
	v5 =	vsel vm2, v54, v5  }
0x132: {  	v6 =	vadd.f32 v6, v7;
	v5 =	vadd.f32 v9, v5;
	_ =	sdelay $0x1  }
0x133: {  	v58 =	vperm.xlane v6, v3;
	v7 =	vperm.xlane v5, v3;
	_ =	sdelay $0x1  }
0x134: {  	v5 =	vsel vm3, v5, v58;
	v6 =	vsel vm3, v7, v6  }
0x135: {  	v5 =	vadd.f32 v6, v5;
	_ =	sdelay $0x1  }
0x136: {  	v5 =	vadd.f32 v5, v4  }
0x137: {  	v6 =	vpop (erf)  }
0x138: {  	v7 =	vperm.xlane v6, v2;
	v59 =	vperm.xlane v5, v2;
	_ =	sdelay $0x1  }
0x139: {  	v7 =	vadd.f32 v6, v7;
	v8 =	vmax.f32 v5, v59  }
0x13a: {  	v60 =	vperm.xlane v8, v1  }
0x13b: {  	v61 =	vperm.xlane v7, v1  }
0x13c: {  	v8 =	vmax.f32 v8, v60  }
0x13d: {  	v7 =	vadd.f32 v7, v61;
	v9 =	vperm.xlane v8, v0;
	_ =	sdelay $0x1  }
0x13e: {  	v10 =	vperm.xlane v7, v0;
	v8 =	vmax.f32 v8, v9  }
0x13f: {  	v5 =	vsub.f32 v5, v8  }
0x140: {  	v7 =	vadd.f32 v7, v10  }
0x141: {  	v5 =	vmul.f32 $1.442695020e+00, v5  }
0x142: {  	(erf) = vrcp.f32 v7  }
0x143: {  	(erf) = vpow2.f32 v5;
	_ =	sdelay $0x7  }
0x144: {  	v5 =	vpop (erf)  }
0x145: {  	v7 =	vpop (erf)  }
0x146: {  	v62 =	vperm.xlane v7, v2;
	_ =	sdelay $0x1  }
0x147: {  	v8 =	vadd.f32 v7, v62;
	_ =	sdelay $0x1  }
0x148: {  	v63 =	vperm.xlane v8, v1;
	_ =	sdelay $0x1  }
0x149: {  	v8 =	vadd.f32 v8, v63;
	_ =	sdelay $0x1  }
0x14a: {  	v9 =	vperm.xlane v8, v0;
	_ =	sdelay $0x1  }
0x14b: {  	v8 =	vadd.f32 v8, v9;
	_ =	sdelay $0x1  }
0x14c: {  	(erf) = vrcp.f32 v8;
	_ =	sdelay $0x5  }
0x14d: {  	s21 =	sshll.u32 s20, $0x5;
	s20 =	sadd.s32 $0x1, s20  }
0x14e: {  	p0 =	sne.s32 s20, $0x10  }
.Ltmp3:
0x14f: {  	_ = 	snop;
	(pc) =	sbr.rel @p0 .LBB2_6-.Ltmp3, $4  }
0x150: {  	v5 =	vmul.f32 v5, v6;
	v6 =	vpop (erf)  }
0x151: {  	s22 =	sand.u32 $0x1E0, s21;
	v6 =	vmul.f32 v6, v7  }
0x152: {  	s21 =	sand.u32 $0x3FFFFFE0, s21;
	[tilespmem:s22+$0x19A80] =	vst v5  }
0x153: {  	[tilespmem:s21+$0x19A90] =	vst v6  }
0x154: {  	s19 =	simm.s32 $0x0  }
0x155: {  	[tilespmem:s14], [sflag:$0x2] =	stream.linear.gather [hbm4b:s8+s19], $0xC000, $0x38;
	[tilespmem:$0x1A080] =	vst v63  }
0x156: {  	_ =	swait.ge [sflag:s15], $0xC000  }
0x157: {  	[sflag:s15] =	ssyncset.done $0x0  }
0x158: {  	s20 =	simm.s32 $0x0;
	[sflag:s15] =	ssyncadd.s32 $0xFFFF4000  }
.LBB2_10:
0x159: {  	s21 =	sshrl.u32 s20, $0x1  }
0x15a: {  	s21 =	smul.u32 $0x6000, s21  }
0x15b: {  	s22 =	sshll.u32 s20, $0x9  }
0x15c: {  	s22 =	sand.u32 $0x200, s22;
	s21 =	sshra.s32 s21, $0x2  }
0x15d: {  	s21 =	sor.u32 s22, s21  }
0x15e: {  	s30 =	sand.u32 $0x70, s19;
	s23 =	sand.u32 $0x1C00, s19;
	s21 =	sadd.s32 $0x1880, s21  }
0x15f: {  	s24 =	sor.u32 s30, s23;
	[dreg:$0x7] =	wrdreg s21  }
0x160: {  	v12 =	vld [tilespmem:s24+$0x0];
	s21 =	rddreg [dreg:$0x7]  }
0x161: {  	v8 =	vld [tilespmem:s24+$0x280];
	s21 =	sadd.s32 s23, s21  }
0x162: {  	v35 =	vld [tilespmem:s24+$0x200];
	s21 =	sadd.s32 s30, s21  }
0x163: {  	v37 =	vld [tilespmem:s21+$0x80]  }
0x164: {  	v14 =	vimm.f32 $0.0e+00;
	v44 =	vimm.f32 $0.0e+00;
	v13 =	vld [tilespmem:s21+$0x100]  }
0x165: {  	v24 =	vimm.f32 $0.0e+00;
	v47 =	vimm.f32 $0.0e+00;
	v26 =	vimm.f32 $0.0e+00;
	v7 =	vld [tilespmem:s24+$0x100]  }
0x166: {  	v48 =	vimm.f32 $0.0e+00;
	v45 =	vimm.f32 $0.0e+00;
	v43 =	vimm.f32 $0.0e+00;
	v16 =	vld [tilespmem:s24+$0x300]  }
0x167: {  	v28 =	vimm.f32 $0.0e+00;
	v42 =	vimm.f32 $0.0e+00;
	v27 =	vimm.f32 $0.0e+00;
	v55 =	vld [tilespmem:s24+$0x180]  }
0x168: {  	v25 =	vimm.f32 $0.0e+00;
	v49 =	vimm.f32 $0.0e+00;
	v40 =	vld [tilespmem:s21+$0x0];
	v5 =	vmul.f32 v8, v37  }
0x169: {  	v23 =	vimm.f32 $0.0e+00;
	v15 =	vld [tilespmem:s21+$0x180];
	v6 =	vmul.f32 v12, v13;
	v31 =	vmul.f32 v35, v13  }
0x16a: {  	s31 =	sor.u32 s19, s19;
	v51 =	vimm.f32 $0.0e+00;
	v54 =	vmul.f32 v12, v37;
	v11 =	vmul.f32 v7, v37  }
0x16b: {  	v46 =	vimm.f32 $0.0e+00;
	s22 =	sor.u32 $0x380, s31;
	v17 =	vmul.f32 v35, v37;
	v18 =	vmul.f32 v8, v13  }
0x16c: {  	v21 =	vimm.f32 $0.0e+00;
	v10 =	vld [tilespmem:s22+$0x0];
	v19 =	vmul.f32 v16, v37;
	v38 =	vmul.f32 v7, v13  }
0x16d: {  	v50 =	vimm.f32 $0.0e+00;
	v29 =	vld [tilespmem:s24+$0x80];
	v53 =	vmul.f32 v12, v40;
	v41 =	vmul.f32 v55, v13  }
0x16e: {  	v20 =	vimm.f32 $0.0e+00;
	v22 =	vmul.f32 v35, v15;
	v56 =	vmul.f32 v55, v40  }
0x16f: {  	v52 =	vimm.f32 $0.0e+00;
	v57 =	vmul.f32 v8, v40;
	v39 =	vmul.f32 v55, v15  }
0x170: {  	v30 =	vadd.f32 v5, v14;
	v5 =	vmul.f32 v16, v13;
	v9 =	vadd.f32 v6, v14  }
0x171: {  	v6 =	vmul.f32 v10, v13;
	v32 =	vadd.f32 v17, v14;
	v33 =	vadd.f32 v19, v14  }
0x172: {  	v17 =	vmul.f32 v29, v37;
	v34 =	vadd.f32 v11, v14;
	v11 =	vadd.f32 v18, v14  }
0x173: {  	v18 =	vimm.f32 $0.0e+00;
	v19 =	vimm.f32 $0.0e+00;
	v5 =	vadd.f32 v5, v14  }
0x174: {  	s22 =	simm.s32 $0x80;
	s21 =	simm.s32 $0x10;
	v6 =	vadd.f32 v6, v14;
	v36 =	vadd.f32 v17, v14;
	v17 =	vimm.f32 $0.0e+00  }
.LBB2_11:
0x175: {  	s24 =	sand.u32 $0x70, s21;
	s25 =	sand.u32 $0x1C00, s22;
	v58 =	vmul.f32 v16, v40  }
0x176: {  	v62 =	vmul.f32 v12, v15;
	v63 =	vmul.f32 v29, v40;
	s23 =	sor.u32 s24, s25  }
0x177: {  	v60 =	vmul.f32 v29, v15;
	v14 =	vadd.f32 v41, v14;
	v24 =	vadd.f32 v38, v24;
	v38 =	vld [tilespmem:s23+$0x100]  }
0x178: {  	v41 =	vmul.f32 v16, v15;
	v26 =	vadd.f32 v31, v26;
	v31 =	vmul.f32 v35, v40;
	v35 =	vld [tilespmem:s23+$0x200]  }
0x179: {  	s26 =	rddreg [dreg:$0x7];
	v44 =	vadd.f32 v57, v44;
	v16 =	vmul.f32 v55, v37;
	v45 =	vadd.f32 v54, v45;
	v12 =	vld [tilespmem:s23+$0x0]  }
0x17a: {  	s25 =	sadd.s32 s25, s26;
	v43 =	vadd.f32 v56, v43;
	v25 =	vadd.f32 v62, v25;
	v62 =	vmul.f32 v8, v15;
	v8 =	vld [tilespmem:s23+$0x280]  }
0x17b: {  	v29 =	vmul.f32 v29, v13;
	v28 =	vadd.f32 v39, v28;
	s24 =	sadd.s32 s24, s25;
	v48 =	vadd.f32 v16, v48;
	v16 =	vld [tilespmem:s23+$0x300]  }
0x17c: {  	v55 =	vmul.f32 v10, v40;
	v51 =	vadd.f32 v53, v51;
	v20 =	vadd.f32 v22, v20;
	v13 =	vld [tilespmem:s24+$0x100]  }
0x17d: {  	v47 =	vadd.f32 v58, v47;
	v49 =	vadd.f32 v63, v49;
	v61 =	vld [tilespmem:s24+$0x80]  }
0x17e: {  	v59 =	vmul.f32 v7, v40;
	v23 =	vadd.f32 v60, v23;
	v46 =	vadd.f32 v55, v46;
	v55 =	vld [tilespmem:s23+$0x180]  }
0x17f: {  	v63 =	vmul.f32 v10, v37;
	v42 =	vadd.f32 v31, v42;
	v31 =	vmul.f32 v7, v15;
	v40 =	vld [tilespmem:s24+$0x0]  }
0x180: {  	s28 =	smov.u32 s21;
	v17 =	vadd.f32 v29, v17;
	v52 =	vadd.f32 v59, v52;
	v15 =	vmul.f32 v10, v15  }
0x181: {  	s31 =	sor.u32 s22, s28;
	v21 =	vadd.f32 v31, v21;
	v22 =	vmul.f32 v12, v13;
	v31 =	vmul.f32 v35, v13  }
0x182: {  	s25 =	sor.u32 $0x380, s31;
	v29 =	vld [tilespmem:s23+$0x80];
	v7 =	vmovc v38;
	v37 =	vmov v61;
	v53 =	vmul.f32 v16, v13;
	v61 =	vmul.f32 v8, v13  }
0x183: {  	v27 =	vadd.f32 v41, v27;
	v10 =	vld [tilespmem:s25+$0x0];
	v38 =	vmul.f32 v7, v13;
	v41 =	vmul.f32 v55, v13  }
0x184: {  	v18 =	vadd.f32 v62, v18;
	v56 =	vmul.f32 v55, v40;
	v57 =	vmul.f32 v8, v40  }
0x185: {  	v50 =	vadd.f32 v63, v50;
	v39 =	vmul.f32 v8, v37;
	v54 =	vmul.f32 v12, v37  }
0x186: {  	p0 =	sne.s32 s21, $0x2F0;
	v19 =	vadd.f32 v15, v19;
	v15 =	vld [tilespmem:s24+$0x180];
	v60 =	vmul.f32 v35, v37;
	v62 =	vmul.f32 v16, v37  }
.Ltmp4:
0x187: {  	v63 =	vmul.f32 v29, v37;
	v9 =	vadd.f32 v22, v9;
	v5 =	vadd.f32 v53, v5;
	(pc) =	sbr.rel @p0 .LBB2_11-.Ltmp4, $4  }
0x188: {  	v22 =	vmul.f32 v10, v13;
	v11 =	vadd.f32 v61, v11;
	v30 =	vadd.f32 v39, v30  }
0x189: {  	v39 =	vmul.f32 v7, v37;
	v32 =	vadd.f32 v60, v32;
	v33 =	vadd.f32 v62, v33  }
0x18a: {  	v53 =	vmul.f32 v12, v40;
	v36 =	vadd.f32 v63, v36;
	v6 =	vadd.f32 v22, v6  }
0x18b: {  	s21 =	sadd.s32 $0x10, s21;
	s22 =	sadd.s32 $0x80, s22;
	v22 =	vmul.f32 v35, v15;
	v34 =	vadd.f32 v39, v34;
	v39 =	vmul.f32 v55, v15  }
0x18c: {  	v58 =	vmul.f32 v16, v40  }
0x18d: {  	v55 =	vmul.f32 v55, v37;
	v44 =	vadd.f32 v57, v44;
	v57 =	vmul.f32 v10, v40  }
0x18e: {  	v60 =	vmul.f32 v29, v40;
	v45 =	vadd.f32 v54, v45;
	v61 =	vmul.f32 v7, v40  }
0x18f: {  	v51 =	vadd.f32 v53, v51;
	v35 =	vmul.f32 v35, v40;
	v40 =	vadd.f32 v56, v43  }
0x190: {  	v63 =	vmul.f32 v10, v37;
	v14 =	vadd.f32 v41, v14;
	v24 =	vadd.f32 v38, v24  }
0x191: {  	v26 =	vadd.f32 v31, v26;
	v12 =	vmul.f32 v12, v15;
	v13 =	vmul.f32 v29, v13  }
0x192: {  	v7 =	vmul.f32 v7, v15;
	v8 =	vmul.f32 v8, v15;
	v28 =	vadd.f32 v39, v28  }
0x193: {  	v31 =	vperm.xlane v6, v0;
	v47 =	vadd.f32 v58, v47;
	v48 =	vadd.f32 v55, v48  }
0x194: {  	v62 =	vadd.f32 v60, v49;
	v56 =	vadd.f32 v61, v52;
	v58 =	vperm.xlane v51, v0  }
0x195: {  	v35 =	vadd.f32 v35, v42;
	v60 =	vperm.xlane v40, v0;
	v46 =	vadd.f32 v57, v46  }
0x196: {  	v37 =	vadd.f32 v63, v50;
	v63 =	vperm.xlane v44, v0;
	v55 =	vperm.xlane v36, v0  }
0x197: {  	v50 =	vperm.xlane v33, v0;
	v8 =	vadd.f32 v8, v18;
	v59 =	vperm.xlane v62, v0  }
0x198: {  	v61 =	vperm.xlane v56, v0;
	v43 =	vsel vm0, v58, v62;
	v62 =	vperm.xlane v35, v0  }
0x199: {  	v7 =	vadd.f32 v7, v21;
	v53 =	vperm.xlane v46, v0;
	v54 =	vperm.xlane v47, v0  }
0x19a: {  	v49 =	vsel vm0, v56, v60;
	v56 =	vperm.xlane v45, v0;
	v57 =	vperm.xlane v48, v0  }
0x19b: {  	v35 =	vsel vm0, v35, v63;
	v58 =	vperm.xlane v34, v0;
	v63 =	vperm.xlane v37, v0  }
0x19c: {  	v37 =	vsel vm0, v50, v37;
	v38 =	vperm.xlane v7, v0;
	v41 =	vperm.xlane v8, v0  }
0x19d: {  	v42 =	vsel vm0, v51, v59;
	v40 =	vsel vm0, v61, v40;
	v44 =	vsel vm0, v62, v44  }
0x19e: {  	v46 =	vsel vm0, v54, v46;
	v59 =	vsel vm0, v56, v36;
	v60 =	vsel vm0, v34, v57  }
0x19f: {  	v61 =	vperm.xlane v32, v0;
	v62 =	vperm.xlane v30, v0;
	v42 =	vadd.f32 v42, v43  }
0x1a0: {  	v40 =	vadd.f32 v49, v40;
	v35 =	vadd.f32 v35, v44;
	v43 =	vsel vm0, v47, v53  }
0x1a1: {  	v44 =	vsel vm0, v45, v55;
	v45 =	vsel vm0, v58, v48;
	v43 =	vadd.f32 v43, v46  }
0x1a2: {  	v53 =	vsel vm0, v33, v63;
	v36 =	vadd.f32 v44, v59;
	v34 =	vadd.f32 v60, v45  }
0x1a3: {  	v56 =	vadd.f32 v53, v37;
	v53 =	vmul.f32 v16, v15;
	v54 =	vperm.xlane v42, v1  }
0x1a4: {  	v51 =	vsel vm0, v32, v62;
	v55 =	vperm.xlane v40, v1;
	v59 =	vperm.xlane v35, v1  }
0x1a5: {  	v52 =	vsel vm0, v61, v30;
	v57 =	vperm.xlane v43, v1;
	v60 =	vperm.xlane v36, v1  }
0x1a6: {  	v30 =	vadd.f32 v51, v52;
	v61 =	vperm.xlane v34, v1;
	v63 =	vperm.xlane v56, v1  }
0x1a7: {  	v16 =	vadd.f32 v53, v27;
	v27 =	vperm.xlane v26, v0;
	v58 =	vsel vm1, v42, v55  }
0x1a8: {  	v40 =	vsel vm1, v54, v40;
	v42 =	vsel vm1, v59, v43;
	v62 =	vperm.xlane v30, v1  }
0x1a9: {  	v55 =	vmul.f32 v29, v15;
	v29 =	vperm.xlane v11, v0;
	v33 =	vsel vm1, v35, v57  }
0x1aa: {  	v37 =	vadd.f32 v58, v40;
	v36 =	vsel vm1, v36, v61;
	v34 =	vsel vm1, v60, v34  }
0x1ab: {  	v30 =	vsel vm1, v30, v63;
	v33 =	vadd.f32 v33, v42;
	v32 =	vsel vm1, v62, v56  }
0x1ac: {  	v57 =	vmul.f32 v10, v15;
	v34 =	vadd.f32 v36, v34;
	v30 =	vadd.f32 v30, v32  }
0x1ad: {  	v13 =	vadd.f32 v13, v17;
	v47 =	vperm.xlane v37, v2;
	v48 =	vperm.xlane v33, v2  }
0x1ae: {  	v20 =	vadd.f32 v22, v20;
	v36 =	vperm.xlane v34, v2;
	v49 =	vperm.xlane v30, v2  }
0x1af: {  	v60 =	vperm.xlane v9, v0;
	v61 =	vperm.xlane v13, v0;
	v32 =	vsel vm2, v47, v33  }
0x1b0: {  	v35 =	vsel vm2, v37, v48;
	v30 =	vsel vm2, v36, v30;
	v50 =	vsel vm2, v34, v49  }
0x1b1: {  	v63 =	vperm.xlane v24, v0;
	v32 =	vadd.f32 v35, v32;
	v30 =	vadd.f32 v50, v30  }
0x1b2: {  	v12 =	vadd.f32 v12, v25;
	v40 =	vperm.xlane v20, v0;
	v43 =	vperm.xlane v16, v0  }
0x1b3: {  	v44 =	vsel vm0, v20, v41;
	v51 =	vperm.xlane v32, v3;
	v52 =	vperm.xlane v30, v3  }
0x1b4: {  	v23 =	vadd.f32 v55, v23;
	v62 =	vperm.xlane v14, v0;
	v10 =	vadd.f32 v57, v19  }
0x1b5: {  	v22 =	vsel vm0, v9, v61;
	v30 =	vsel vm3, v51, v30;
	v32 =	vsel vm3, v32, v52  }
0x1b6: {  	v13 =	vsel vm0, v60, v13;
	v14 =	vsel vm0, v63, v14;
	v30 =	vadd.f32 v30, v32  }
0x1b7: {  	v8 =	vsel vm0, v40, v8;
	v25 =	vsel vm0, v24, v62;
	v9 =	vadd.f32 v22, v13  }
0x1b8: {  	v8 =	vadd.f32 v44, v8;
	v42 =	vperm.xlane v10, v0;
	v30 =	vadd.f32 v30, v4  }
0x1b9: {  	v33 =	vsel vm0, v27, v11;
	v36 =	vperm.xlane v12, v0;
	v37 =	vperm.xlane v28, v0  }
0x1ba: {  	v10 =	vsel vm0, v43, v10;
	v45 =	vperm.xlane v9, v1;
	v54 =	vperm.xlane v30, v2  }
0x1bb: {  	v34 =	vperm.xlane v5, v0;
	v5 =	vsel vm0, v5, v31;
	v35 =	vperm.xlane v23, v0  }
0x1bc: {  	v16 =	vsel vm0, v16, v42;
	v39 =	vsel vm0, v36, v23;
	v32 =	vmax.f32 v30, v54  }
0x1bd: {  	v7 =	vsel vm0, v7, v37;
	v6 =	vsel vm0, v34, v6;
	v56 =	vperm.xlane v32, v1  }
0x1be: {  	v10 =	vadd.f32 v16, v10;
	v5 =	vadd.f32 v5, v6;
	v6 =	vsel vm0, v12, v35  }
0x1bf: {  	v12 =	vsel vm0, v38, v28;
	v6 =	vadd.f32 v6, v39;
	v58 =	vmax.f32 v32, v56  }
0x1c0: {  	v7 =	vadd.f32 v7, v12;
	v51 =	vperm.xlane v8, v1;
	v59 =	vperm.xlane v58, v0  }
0x1c1: {  	v47 =	vperm.xlane v5, v1;
	v52 =	vperm.xlane v10, v1;
	v32 =	vsel vm0, v26, v29  }
0x1c2: {  	v50 =	vperm.xlane v7, v1;
	v11 =	vadd.f32 v32, v33;
	v15 =	vmax.f32 v58, v59  }
0x1c3: {  	v49 =	vperm.xlane v6, v1;
	v15 =	vsub.f32 v30, v15;
	v30 =	vadd.f32 v25, v14  }
0x1c4: {  	v10 =	vsel vm1, v51, v10;
	v8 =	vsel vm1, v8, v52;
	v6 =	vsel vm1, v6, v50  }
0x1c5: {  	v7 =	vsel vm1, v49, v7;
	v48 =	vperm.xlane v11, v1;
	v46 =	vperm.xlane v30, v1  }
0x1c6: {  	v6 =	vadd.f32 v6, v7;
	v7 =	vadd.f32 v8, v10;
	v11 =	vsel vm1, v11, v47  }
0x1c7: {  	v5 =	vsel vm1, v48, v5;
	v12 =	vsel vm1, v45, v30;
	v9 =	vsel vm1, v9, v46  }
0x1c8: {  	v57 =	vperm.xlane v7, v2;
	v5 =	vadd.f32 v11, v5;
	v9 =	vadd.f32 v9, v12  }
0x1c9: {  	v56 =	vperm.xlane v6, v2;
	v53 =	vmul.f32 $1.442695020e+00, v15  }
0x1ca: {  	v55 =	vperm.xlane v5, v2;
	v54 =	vperm.xlane v9, v2  }
0x1cb: {  	v6 =	vsel vm2, v6, v57;
	v7 =	vsel vm2, v56, v7  }
0x1cc: {  	(erf) = vpow2.f32 v53;
	v9 =	vsel vm2, v9, v55;
	v5 =	vsel vm2, v54, v5  }
0x1cd: {  	v6 =	vadd.f32 v6, v7;
	v5 =	vadd.f32 v9, v5;
	_ =	sdelay $0x1  }
0x1ce: {  	v58 =	vperm.xlane v6, v3;
	v7 =	vperm.xlane v5, v3;
	_ =	sdelay $0x1  }
0x1cf: {  	v5 =	vsel vm3, v5, v58;
	v6 =	vsel vm3, v7, v6  }
0x1d0: {  	v5 =	vadd.f32 v6, v5;
	_ =	sdelay $0x1  }
0x1d1: {  	v5 =	vadd.f32 v5, v4  }
0x1d2: {  	v6 =	vpop (erf)  }
0x1d3: {  	v7 =	vperm.xlane v6, v2;
	v59 =	vperm.xlane v5, v2;
	_ =	sdelay $0x1  }
0x1d4: {  	v7 =	vadd.f32 v6, v7;
	v8 =	vmax.f32 v5, v59  }
0x1d5: {  	v60 =	vperm.xlane v8, v1  }
0x1d6: {  	v61 =	vperm.xlane v7, v1  }
0x1d7: {  	v8 =	vmax.f32 v8, v60  }
0x1d8: {  	v7 =	vadd.f32 v7, v61;
	v9 =	vperm.xlane v8, v0;
	_ =	sdelay $0x1  }
0x1d9: {  	v10 =	vperm.xlane v7, v0;
	v8 =	vmax.f32 v8, v9  }
0x1da: {  	v5 =	vsub.f32 v5, v8  }
0x1db: {  	v7 =	vadd.f32 v7, v10  }
0x1dc: {  	v5 =	vmul.f32 $1.442695020e+00, v5  }
0x1dd: {  	(erf) = vrcp.f32 v7  }
0x1de: {  	(erf) = vpow2.f32 v5;
	_ =	sdelay $0x7  }
0x1df: {  	v5 =	vpop (erf)  }
0x1e0: {  	v7 =	vpop (erf)  }
0x1e1: {  	v62 =	vperm.xlane v7, v2;
	_ =	sdelay $0x1  }
0x1e2: {  	v8 =	vadd.f32 v7, v62;
	_ =	sdelay $0x1  }
0x1e3: {  	v63 =	vperm.xlane v8, v1;
	_ =	sdelay $0x1  }
0x1e4: {  	v8 =	vadd.f32 v8, v63;
	_ =	sdelay $0x1  }
0x1e5: {  	v9 =	vperm.xlane v8, v0;
	_ =	sdelay $0x1  }
0x1e6: {  	v8 =	vadd.f32 v8, v9;
	_ =	sdelay $0x1  }
0x1e7: {  	(erf) = vrcp.f32 v8;
	_ =	sdelay $0x5  }
0x1e8: {  	s21 =	sshll.u32 s20, $0x5;
	s20 =	sadd.s32 $0x1, s20  }
0x1e9: {  	p0 =	sne.s32 s20, $0x10  }
.Ltmp5:
0x1ea: {  	_ = 	snop;
	(pc) =	sbr.rel @p0 .LBB2_10-.Ltmp5, $4  }
0x1eb: {  	v5 =	vmul.f32 v5, v6;
	v6 =	vpop (erf)  }
0x1ec: {  	s22 =	sand.u32 $0x1E0, s21;
	v6 =	vmul.f32 v6, v7  }
0x1ed: {  	s21 =	sand.u32 $0x3FFFFFE0, s21;
	[tilespmem:s22+$0x19C80] =	vst v5  }
0x1ee: {  	[tilespmem:s21+$0x19C90] =	vst v6  }
0x1ef: {  	_ =	swait.ge [sflag:s16], $0xC000  }
0x1f0: {  	[sflag:s16] =	ssyncset.done $0x0  }
0x1f1: {  	s19 =	simm.s32 $0x0;
	s20 =	simm.s32 $0x0;
	[sflag:s16] =	ssyncadd.s32 $0xFFFF4000  }
.LBB2_14:
0x1f2: {  	s21 =	sshrl.u32 s20, $0x1  }
0x1f3: {  	s21 =	smul.u32 $0x6000, s21  }
0x1f4: {  	s22 =	sshll.u32 s20, $0x9  }
0x1f5: {  	s22 =	sand.u32 $0x200, s22;
	s21 =	sshra.s32 s21, $0x2  }
0x1f6: {  	s21 =	sor.u32 s22, s21  }
0x1f7: {  	s30 =	sand.u32 $0x70, s19;
	s23 =	sand.u32 $0x1C00, s19;
	s21 =	sadd.s32 $0xD880, s21  }
0x1f8: {  	s24 =	sor.u32 s30, s23;
	[dreg:$0x8] =	wrdreg s21  }
0x1f9: {  	v12 =	vld [tilespmem:s24+$0x0];
	s21 =	rddreg [dreg:$0x8]  }
0x1fa: {  	v8 =	vld [tilespmem:s24+$0x280];
	s21 =	sadd.s32 s23, s21  }
0x1fb: {  	v35 =	vld [tilespmem:s24+$0x200];
	s21 =	sadd.s32 s30, s21  }
0x1fc: {  	v37 =	vld [tilespmem:s21+$0x80]  }
0x1fd: {  	v14 =	vimm.f32 $0.0e+00;
	v44 =	vimm.f32 $0.0e+00;
	v13 =	vld [tilespmem:s21+$0x100]  }
0x1fe: {  	v24 =	vimm.f32 $0.0e+00;
	v47 =	vimm.f32 $0.0e+00;
	v26 =	vimm.f32 $0.0e+00;
	v7 =	vld [tilespmem:s24+$0x100]  }
0x1ff: {  	v48 =	vimm.f32 $0.0e+00;
	v45 =	vimm.f32 $0.0e+00;
	v43 =	vimm.f32 $0.0e+00;
	v16 =	vld [tilespmem:s24+$0x300]  }
0x200: {  	v28 =	vimm.f32 $0.0e+00;
	v42 =	vimm.f32 $0.0e+00;
	v27 =	vimm.f32 $0.0e+00;
	v55 =	vld [tilespmem:s24+$0x180]  }
0x201: {  	v25 =	vimm.f32 $0.0e+00;
	v49 =	vimm.f32 $0.0e+00;
	v40 =	vld [tilespmem:s21+$0x0];
	v5 =	vmul.f32 v8, v37  }
0x202: {  	v23 =	vimm.f32 $0.0e+00;
	v15 =	vld [tilespmem:s21+$0x180];
	v6 =	vmul.f32 v12, v13;
	v31 =	vmul.f32 v35, v13  }
0x203: {  	s31 =	sor.u32 s19, s19;
	v51 =	vimm.f32 $0.0e+00;
	v54 =	vmul.f32 v12, v37;
	v11 =	vmul.f32 v7, v37  }
0x204: {  	v46 =	vimm.f32 $0.0e+00;
	s22 =	sor.u32 $0x380, s31;
	v17 =	vmul.f32 v35, v37;
	v18 =	vmul.f32 v8, v13  }
0x205: {  	v21 =	vimm.f32 $0.0e+00;
	v10 =	vld [tilespmem:s22+$0x0];
	v19 =	vmul.f32 v16, v37;
	v38 =	vmul.f32 v7, v13  }
0x206: {  	v50 =	vimm.f32 $0.0e+00;
	v29 =	vld [tilespmem:s24+$0x80];
	v53 =	vmul.f32 v12, v40;
	v41 =	vmul.f32 v55, v13  }
0x207: {  	v20 =	vimm.f32 $0.0e+00;
	v22 =	vmul.f32 v35, v15;
	v56 =	vmul.f32 v55, v40  }
0x208: {  	v52 =	vimm.f32 $0.0e+00;
	v57 =	vmul.f32 v8, v40;
	v39 =	vmul.f32 v55, v15  }
0x209: {  	v30 =	vadd.f32 v5, v14;
	v5 =	vmul.f32 v16, v13;
	v9 =	vadd.f32 v6, v14  }
0x20a: {  	v6 =	vmul.f32 v10, v13;
	v32 =	vadd.f32 v17, v14;
	v33 =	vadd.f32 v19, v14  }
0x20b: {  	v17 =	vmul.f32 v29, v37;
	v34 =	vadd.f32 v11, v14;
	v11 =	vadd.f32 v18, v14  }
0x20c: {  	v18 =	vimm.f32 $0.0e+00;
	v19 =	vimm.f32 $0.0e+00;
	v5 =	vadd.f32 v5, v14  }
0x20d: {  	s22 =	simm.s32 $0x80;
	s21 =	simm.s32 $0x10;
	v6 =	vadd.f32 v6, v14;
	v36 =	vadd.f32 v17, v14;
	v17 =	vimm.f32 $0.0e+00  }
.LBB2_15:
0x20e: {  	s24 =	sand.u32 $0x70, s21;
	s25 =	sand.u32 $0x1C00, s22;
	v58 =	vmul.f32 v16, v40  }
0x20f: {  	v62 =	vmul.f32 v12, v15;
	v63 =	vmul.f32 v29, v40;
	s23 =	sor.u32 s24, s25  }
0x210: {  	v60 =	vmul.f32 v29, v15;
	v14 =	vadd.f32 v41, v14;
	v24 =	vadd.f32 v38, v24;
	v38 =	vld [tilespmem:s23+$0x100]  }
0x211: {  	v41 =	vmul.f32 v16, v15;
	v26 =	vadd.f32 v31, v26;
	v31 =	vmul.f32 v35, v40;
	v35 =	vld [tilespmem:s23+$0x200]  }
0x212: {  	s26 =	rddreg [dreg:$0x8];
	v44 =	vadd.f32 v57, v44;
	v16 =	vmul.f32 v55, v37;
	v45 =	vadd.f32 v54, v45;
	v12 =	vld [tilespmem:s23+$0x0]  }
0x213: {  	s25 =	sadd.s32 s25, s26;
	v43 =	vadd.f32 v56, v43;
	v25 =	vadd.f32 v62, v25;
	v62 =	vmul.f32 v8, v15;
	v8 =	vld [tilespmem:s23+$0x280]  }
0x214: {  	v29 =	vmul.f32 v29, v13;
	v28 =	vadd.f32 v39, v28;
	s24 =	sadd.s32 s24, s25;
	v48 =	vadd.f32 v16, v48;
	v16 =	vld [tilespmem:s23+$0x300]  }
0x215: {  	v55 =	vmul.f32 v10, v40;
	v51 =	vadd.f32 v53, v51;
	v20 =	vadd.f32 v22, v20;
	v13 =	vld [tilespmem:s24+$0x100]  }
0x216: {  	v47 =	vadd.f32 v58, v47;
	v49 =	vadd.f32 v63, v49;
	v61 =	vld [tilespmem:s24+$0x80]  }
0x217: {  	v59 =	vmul.f32 v7, v40;
	v23 =	vadd.f32 v60, v23;
	v46 =	vadd.f32 v55, v46;
	v55 =	vld [tilespmem:s23+$0x180]  }
0x218: {  	v63 =	vmul.f32 v10, v37;
	v42 =	vadd.f32 v31, v42;
	v31 =	vmul.f32 v7, v15;
	v40 =	vld [tilespmem:s24+$0x0]  }
0x219: {  	s28 =	smov.u32 s21;
	v17 =	vadd.f32 v29, v17;
	v52 =	vadd.f32 v59, v52;
	v15 =	vmul.f32 v10, v15  }
0x21a: {  	s31 =	sor.u32 s22, s28;
	v21 =	vadd.f32 v31, v21;
	v22 =	vmul.f32 v12, v13;
	v31 =	vmul.f32 v35, v13  }
0x21b: {  	s25 =	sor.u32 $0x380, s31;
	v29 =	vld [tilespmem:s23+$0x80];
	v7 =	vmovc v38;
	v37 =	vmov v61;
	v53 =	vmul.f32 v16, v13;
	v61 =	vmul.f32 v8, v13  }
0x21c: {  	v27 =	vadd.f32 v41, v27;
	v10 =	vld [tilespmem:s25+$0x0];
	v38 =	vmul.f32 v7, v13;
	v41 =	vmul.f32 v55, v13  }
0x21d: {  	v18 =	vadd.f32 v62, v18;
	v56 =	vmul.f32 v55, v40;
	v57 =	vmul.f32 v8, v40  }
0x21e: {  	v50 =	vadd.f32 v63, v50;
	v39 =	vmul.f32 v8, v37;
	v54 =	vmul.f32 v12, v37  }
0x21f: {  	p0 =	sne.s32 s21, $0x2F0;
	v19 =	vadd.f32 v15, v19;
	v15 =	vld [tilespmem:s24+$0x180];
	v60 =	vmul.f32 v35, v37;
	v62 =	vmul.f32 v16, v37  }
.Ltmp6:
0x220: {  	v63 =	vmul.f32 v29, v37;
	v9 =	vadd.f32 v22, v9;
	v5 =	vadd.f32 v53, v5;
	(pc) =	sbr.rel @p0 .LBB2_15-.Ltmp6, $4  }
0x221: {  	v22 =	vmul.f32 v10, v13;
	v11 =	vadd.f32 v61, v11;
	v30 =	vadd.f32 v39, v30  }
0x222: {  	v39 =	vmul.f32 v7, v37;
	v32 =	vadd.f32 v60, v32;
	v33 =	vadd.f32 v62, v33  }
0x223: {  	v53 =	vmul.f32 v12, v40;
	v36 =	vadd.f32 v63, v36;
	v6 =	vadd.f32 v22, v6  }
0x224: {  	s21 =	sadd.s32 $0x10, s21;
	s22 =	sadd.s32 $0x80, s22;
	v22 =	vmul.f32 v35, v15;
	v34 =	vadd.f32 v39, v34;
	v39 =	vmul.f32 v55, v15  }
0x225: {  	v58 =	vmul.f32 v16, v40  }
0x226: {  	v55 =	vmul.f32 v55, v37;
	v44 =	vadd.f32 v57, v44;
	v57 =	vmul.f32 v10, v40  }
0x227: {  	v60 =	vmul.f32 v29, v40;
	v45 =	vadd.f32 v54, v45;
	v61 =	vmul.f32 v7, v40  }
0x228: {  	v51 =	vadd.f32 v53, v51;
	v35 =	vmul.f32 v35, v40;
	v40 =	vadd.f32 v56, v43  }
0x229: {  	v63 =	vmul.f32 v10, v37;
	v14 =	vadd.f32 v41, v14;
	v24 =	vadd.f32 v38, v24  }
0x22a: {  	v26 =	vadd.f32 v31, v26;
	v12 =	vmul.f32 v12, v15;
	v13 =	vmul.f32 v29, v13  }
0x22b: {  	v7 =	vmul.f32 v7, v15;
	v8 =	vmul.f32 v8, v15;
	v28 =	vadd.f32 v39, v28  }
0x22c: {  	v31 =	vperm.xlane v6, v0;
	v47 =	vadd.f32 v58, v47;
	v48 =	vadd.f32 v55, v48  }
0x22d: {  	v62 =	vadd.f32 v60, v49;
	v56 =	vadd.f32 v61, v52;
	v58 =	vperm.xlane v51, v0  }
0x22e: {  	v35 =	vadd.f32 v35, v42;
	v60 =	vperm.xlane v40, v0;
	v46 =	vadd.f32 v57, v46  }
0x22f: {  	v37 =	vadd.f32 v63, v50;
	v63 =	vperm.xlane v44, v0;
	v55 =	vperm.xlane v36, v0  }
0x230: {  	v50 =	vperm.xlane v33, v0;
	v8 =	vadd.f32 v8, v18;
	v59 =	vperm.xlane v62, v0  }
0x231: {  	v61 =	vperm.xlane v56, v0;
	v43 =	vsel vm0, v58, v62;
	v62 =	vperm.xlane v35, v0  }
0x232: {  	v7 =	vadd.f32 v7, v21;
	v53 =	vperm.xlane v46, v0;
	v54 =	vperm.xlane v47, v0  }
0x233: {  	v49 =	vsel vm0, v56, v60;
	v56 =	vperm.xlane v45, v0;
	v57 =	vperm.xlane v48, v0  }
0x234: {  	v35 =	vsel vm0, v35, v63;
	v58 =	vperm.xlane v34, v0;
	v63 =	vperm.xlane v37, v0  }
0x235: {  	v37 =	vsel vm0, v50, v37;
	v38 =	vperm.xlane v7, v0;
	v41 =	vperm.xlane v8, v0  }
0x236: {  	v42 =	vsel vm0, v51, v59;
	v40 =	vsel vm0, v61, v40;
	v44 =	vsel vm0, v62, v44  }
0x237: {  	v46 =	vsel vm0, v54, v46;
	v59 =	vsel vm0, v56, v36;
	v60 =	vsel vm0, v34, v57  }
0x238: {  	v61 =	vperm.xlane v32, v0;
	v62 =	vperm.xlane v30, v0;
	v42 =	vadd.f32 v42, v43  }
0x239: {  	v40 =	vadd.f32 v49, v40;
	v35 =	vadd.f32 v35, v44;
	v43 =	vsel vm0, v47, v53  }
0x23a: {  	v44 =	vsel vm0, v45, v55;
	v45 =	vsel vm0, v58, v48;
	v43 =	vadd.f32 v43, v46  }
0x23b: {  	v53 =	vsel vm0, v33, v63;
	v36 =	vadd.f32 v44, v59;
	v34 =	vadd.f32 v60, v45  }
0x23c: {  	v56 =	vadd.f32 v53, v37;
	v53 =	vmul.f32 v16, v15;
	v54 =	vperm.xlane v42, v1  }
0x23d: {  	v51 =	vsel vm0, v32, v62;
	v55 =	vperm.xlane v40, v1;
	v59 =	vperm.xlane v35, v1  }
0x23e: {  	v52 =	vsel vm0, v61, v30;
	v57 =	vperm.xlane v43, v1;
	v60 =	vperm.xlane v36, v1  }
0x23f: {  	v30 =	vadd.f32 v51, v52;
	v61 =	vperm.xlane v34, v1;
	v63 =	vperm.xlane v56, v1  }
0x240: {  	v16 =	vadd.f32 v53, v27;
	v27 =	vperm.xlane v26, v0;
	v58 =	vsel vm1, v42, v55  }
0x241: {  	v40 =	vsel vm1, v54, v40;
	v42 =	vsel vm1, v59, v43;
	v62 =	vperm.xlane v30, v1  }
0x242: {  	v55 =	vmul.f32 v29, v15;
	v29 =	vperm.xlane v11, v0;
	v33 =	vsel vm1, v35, v57  }
0x243: {  	v37 =	vadd.f32 v58, v40;
	v36 =	vsel vm1, v36, v61;
	v34 =	vsel vm1, v60, v34  }
0x244: {  	v30 =	vsel vm1, v30, v63;
	v33 =	vadd.f32 v33, v42;
	v32 =	vsel vm1, v62, v56  }
0x245: {  	v57 =	vmul.f32 v10, v15;
	v34 =	vadd.f32 v36, v34;
	v30 =	vadd.f32 v30, v32  }
0x246: {  	v13 =	vadd.f32 v13, v17;
	v47 =	vperm.xlane v37, v2;
	v48 =	vperm.xlane v33, v2  }
0x247: {  	v20 =	vadd.f32 v22, v20;
	v36 =	vperm.xlane v34, v2;
	v49 =	vperm.xlane v30, v2  }
0x248: {  	v60 =	vperm.xlane v9, v0;
	v61 =	vperm.xlane v13, v0;
	v32 =	vsel vm2, v47, v33  }
0x249: {  	v35 =	vsel vm2, v37, v48;
	v30 =	vsel vm2, v36, v30;
	v50 =	vsel vm2, v34, v49  }
0x24a: {  	v63 =	vperm.xlane v24, v0;
	v32 =	vadd.f32 v35, v32;
	v30 =	vadd.f32 v50, v30  }
0x24b: {  	v12 =	vadd.f32 v12, v25;
	v40 =	vperm.xlane v20, v0;
	v43 =	vperm.xlane v16, v0  }
0x24c: {  	v44 =	vsel vm0, v20, v41;
	v51 =	vperm.xlane v32, v3;
	v52 =	vperm.xlane v30, v3  }
0x24d: {  	v23 =	vadd.f32 v55, v23;
	v62 =	vperm.xlane v14, v0;
	v10 =	vadd.f32 v57, v19  }
0x24e: {  	v22 =	vsel vm0, v9, v61;
	v30 =	vsel vm3, v51, v30;
	v32 =	vsel vm3, v32, v52  }
0x24f: {  	v13 =	vsel vm0, v60, v13;
	v14 =	vsel vm0, v63, v14;
	v30 =	vadd.f32 v30, v32  }
0x250: {  	v8 =	vsel vm0, v40, v8;
	v25 =	vsel vm0, v24, v62;
	v9 =	vadd.f32 v22, v13  }
0x251: {  	v8 =	vadd.f32 v44, v8;
	v42 =	vperm.xlane v10, v0;
	v30 =	vadd.f32 v30, v4  }
0x252: {  	v33 =	vsel vm0, v27, v11;
	v36 =	vperm.xlane v12, v0;
	v37 =	vperm.xlane v28, v0  }
0x253: {  	v10 =	vsel vm0, v43, v10;
	v45 =	vperm.xlane v9, v1;
	v54 =	vperm.xlane v30, v2  }
0x254: {  	v34 =	vperm.xlane v5, v0;
	v5 =	vsel vm0, v5, v31;
	v35 =	vperm.xlane v23, v0  }
0x255: {  	v16 =	vsel vm0, v16, v42;
	v39 =	vsel vm0, v36, v23;
	v32 =	vmax.f32 v30, v54  }
0x256: {  	v7 =	vsel vm0, v7, v37;
	v6 =	vsel vm0, v34, v6;
	v56 =	vperm.xlane v32, v1  }
0x257: {  	v10 =	vadd.f32 v16, v10;
	v5 =	vadd.f32 v5, v6;
	v6 =	vsel vm0, v12, v35  }
0x258: {  	v12 =	vsel vm0, v38, v28;
	v6 =	vadd.f32 v6, v39;
	v58 =	vmax.f32 v32, v56  }
0x259: {  	v7 =	vadd.f32 v7, v12;
	v51 =	vperm.xlane v8, v1;
	v59 =	vperm.xlane v58, v0  }
0x25a: {  	v47 =	vperm.xlane v5, v1;
	v52 =	vperm.xlane v10, v1;
	v32 =	vsel vm0, v26, v29  }
0x25b: {  	v50 =	vperm.xlane v7, v1;
	v11 =	vadd.f32 v32, v33;
	v15 =	vmax.f32 v58, v59  }
0x25c: {  	v49 =	vperm.xlane v6, v1;
	v15 =	vsub.f32 v30, v15;
	v30 =	vadd.f32 v25, v14  }
0x25d: {  	v10 =	vsel vm1, v51, v10;
	v8 =	vsel vm1, v8, v52;
	v6 =	vsel vm1, v6, v50  }
0x25e: {  	v7 =	vsel vm1, v49, v7;
	v48 =	vperm.xlane v11, v1;
	v46 =	vperm.xlane v30, v1  }
0x25f: {  	v6 =	vadd.f32 v6, v7;
	v7 =	vadd.f32 v8, v10;
	v11 =	vsel vm1, v11, v47  }
0x260: {  	v5 =	vsel vm1, v48, v5;
	v12 =	vsel vm1, v45, v30;
	v9 =	vsel vm1, v9, v46  }
0x261: {  	v57 =	vperm.xlane v7, v2;
	v5 =	vadd.f32 v11, v5;
	v9 =	vadd.f32 v9, v12  }
0x262: {  	v56 =	vperm.xlane v6, v2;
	v53 =	vmul.f32 $1.442695020e+00, v15  }
0x263: {  	v55 =	vperm.xlane v5, v2;
	v54 =	vperm.xlane v9, v2  }
0x264: {  	v6 =	vsel vm2, v6, v57;
	v7 =	vsel vm2, v56, v7  }
0x265: {  	(erf) = vpow2.f32 v53;
	v9 =	vsel vm2, v9, v55;
	v5 =	vsel vm2, v54, v5  }
0x266: {  	v6 =	vadd.f32 v6, v7;
	v5 =	vadd.f32 v9, v5;
	_ =	sdelay $0x1  }
0x267: {  	v58 =	vperm.xlane v6, v3;
	v7 =	vperm.xlane v5, v3;
	_ =	sdelay $0x1  }
0x268: {  	v5 =	vsel vm3, v5, v58;
	v6 =	vsel vm3, v7, v6  }
0x269: {  	v5 =	vadd.f32 v6, v5;
	_ =	sdelay $0x1  }
0x26a: {  	v5 =	vadd.f32 v5, v4  }
0x26b: {  	v6 =	vpop (erf)  }
0x26c: {  	v7 =	vperm.xlane v6, v2;
	v59 =	vperm.xlane v5, v2;
	_ =	sdelay $0x1  }
0x26d: {  	v7 =	vadd.f32 v6, v7;
	v8 =	vmax.f32 v5, v59  }
0x26e: {  	v60 =	vperm.xlane v8, v1  }
0x26f: {  	v61 =	vperm.xlane v7, v1  }
0x270: {  	v8 =	vmax.f32 v8, v60  }
0x271: {  	v7 =	vadd.f32 v7, v61;
	v9 =	vperm.xlane v8, v0;
	_ =	sdelay $0x1  }
0x272: {  	v10 =	vperm.xlane v7, v0;
	v8 =	vmax.f32 v8, v9  }
0x273: {  	v5 =	vsub.f32 v5, v8  }
0x274: {  	v7 =	vadd.f32 v7, v10  }
0x275: {  	v5 =	vmul.f32 $1.442695020e+00, v5  }
0x276: {  	(erf) = vrcp.f32 v7  }
0x277: {  	(erf) = vpow2.f32 v5;
	_ =	sdelay $0x7  }
0x278: {  	v5 =	vpop (erf)  }
0x279: {  	v7 =	vpop (erf)  }
0x27a: {  	v62 =	vperm.xlane v7, v2;
	_ =	sdelay $0x1  }
0x27b: {  	v8 =	vadd.f32 v7, v62;
	_ =	sdelay $0x1  }
0x27c: {  	v63 =	vperm.xlane v8, v1;
	_ =	sdelay $0x1  }
0x27d: {  	v8 =	vadd.f32 v8, v63;
	_ =	sdelay $0x1  }
0x27e: {  	v9 =	vperm.xlane v8, v0;
	_ =	sdelay $0x1  }
0x27f: {  	v8 =	vadd.f32 v8, v9;
	_ =	sdelay $0x1  }
0x280: {  	(erf) = vrcp.f32 v8;
	_ =	sdelay $0x5  }
0x281: {  	s21 =	sshll.u32 s20, $0x5;
	s20 =	sadd.s32 $0x1, s20  }
0x282: {  	p0 =	sne.s32 s20, $0x10  }
.Ltmp7:
0x283: {  	_ = 	snop;
	(pc) =	sbr.rel @p0 .LBB2_14-.Ltmp7, $4  }
0x284: {  	v5 =	vmul.f32 v5, v6;
	v6 =	vpop (erf)  }
0x285: {  	s22 =	sand.u32 $0x1E0, s21;
	v6 =	vmul.f32 v6, v7  }
0x286: {  	s21 =	sand.u32 $0x3FFFFFE0, s21;
	[tilespmem:s22+$0x19E80] =	vst v5  }
0x287: {  	[tilespmem:s21+$0x19E90] =	vst v6  }
0x288: {  	s18 =	sadd.s32 $0x1, s18  }
0x289: {  	p0 =	sne.s32 s18, s10  }
.Ltmp8:
0x28a: {  	_ = 	snop;
	(pc) =	sbr.rel @p0 .LBB2_1-.Ltmp8, $4  }
0x28b: {  	[hbm4b:s9+s2] =	stream.linear.scatter [tilespmem:s17], [sflag:$0x3], $0x800, $0x38;
	[tilespmem:$0x1A080] =	vst v63  }
0x28c: {  	_ =	swait.ge [sflag:s11], $0x800  }
0x28d: {  	[sflag:s11] =	ssyncset.done $0x0  }
0x28e: {  	[sflag:s11] =	ssyncadd.s32 $0xFFFFF800  }
0x28f: {  	_ =	sfence.sel $0x180000  }
0x290: {  	[bflag:$0x0] =	sbarrier.arrive $0xFFFF  }
0x291: {  	p0 =	sne.s32 s0, $0x0;
	_ =	strace $0x90000047  }
0x292: {  	s0 =	sadd.s32 @!p0 $0x100000, s3;
	[bflag:$0x2] =	sbarrier.arrive $0xFFFF  }
0x293: {  	[sflag:s0] =	ssyncadd.tile.s32 @!p0 $0x1;
	_ =	shalt  }
.Lfunc_end2:
_tile_overlayer_lowered:
.L_overlay_start_2:
0x294: {  	(tag) =	ssettag $0x2  }
0x295: {  	s0 =	rddreg [dreg:$0x0];
	s2 =	stileid.u32  }
0x296: {  	s1 =	rddreg [dreg:$0x1];
	p0 =	sne.s32 s2, $0x0  }
0x297: {  	s3 =	rddreg [dreg:$0x2];
	[bflag:$0x3] =	sbarrier.arrive $0xFFFF;
	s2 =	simm.s32 @!p0 $0x1C03  }
0x298: {  	[timem:s3], [sflag:s2] =	dma.local @!p0 [hbm:s0], s1  }
0x299: {  	s0 =	simm.s32 @!p0 $0x3  }
0x29a: {  	_ =	swait.ge @!p0 [sflag:s0], s1  }
0x29b: {  	s1 =	ssub.s32 @!p0 $0x0, s1;
	[sflag:s0] =	ssyncset.done @!p0 $0x0  }
0x29c: {  	[sflag:s0] =	ssyncadd.s32 @!p0 s1  }
0x29d: {  	[bflag:$0x3] =	sbarrier.arrive $0xFFFF  }
0x29e: {  	_ =	shalt  }

</sc_bundles>
